<compile_context>
chip_gen: v7x
topology: tpu7x:2x2x1
jax: 0.10.2.dev20260603
libtpu: 0.0.44.dev20260713+nightly
codegen_flags: <defaults>
</compile_context>

<pallas_src>
import functools

import jax
import jax.numpy as jnp
from jax import lax
from jax.experimental import pallas as pl
from jax.experimental.pallas import tpu as pltpu
from jax.experimental.pallas import tpu_sc as plsc

_N = 10000
_E = 320000
_D = 128
_ALPHA = 0.1

_NC = 2
_NS = 16
_NP = 10240
_ROWS_T = _NP // _NS

_CH = 125
_CPT = _E // (_NC * _NS * _CH)

_RB = 5000

_mesh = plsc.VectorSubcoreMesh(core_axis_name="c", subcore_axis_name="s")



@functools.partial(
    pl.kernel,
    out_type=jax.ShapeDtypeStruct((_NC, _NP), jnp.float32),
    mesh=_mesh,
    scratch_types=[
        pltpu.VMEM((_CPT, _CH), jnp.int32),
        pltpu.VMEM((128,), jnp.float32),
        pltpu.VMEM((_ROWS_T,), jnp.float32),
        pltpu.VMEM_SHARED((_NP,), jnp.float32),
        pltpu.SemaphoreType.DMA,
        pltpu.SemaphoreType.DMA,
    ],
)
def _deg_kernel(dst_hbm, deg_hbm, idx_v, ones_v, z_v, deg_sp, dsem_a, dsem_b):
    c = lax.axis_index("c")
    s = lax.axis_index("s")

    def _zero(i, _):
        z_v[pl.ds(i * 16, 16)] = jnp.zeros((16,), jnp.float32)
        return 0

    lax.fori_loop(0, _ROWS_T // 16, _zero, 0)

    def _one(i, _):
        ones_v[pl.ds(i * 16, 16)] = jnp.ones((16,), jnp.float32)
        return 0

    lax.fori_loop(0, 8, _one, 0)

    pltpu.sync_copy(z_v, deg_sp.at[pl.ds(s * _ROWS_T, _ROWS_T)])
    base = (c * _NS + s) * _CPT
    pltpu.sync_copy(dst_hbm.at[pl.ds(base, _CPT)], idx_v)
    plsc.subcore_barrier()

    def _scat(i, _):
        j0 = 2 * i
        pltpu.async_copy(ones_v.at[pl.ds(0, _CH)],
                         deg_sp.at[idx_v.at[j0]], dsem_a, add=True)
        pltpu.async_copy(ones_v.at[pl.ds(0, _CH)],
                         deg_sp.at[idx_v.at[j0 + 1]], dsem_b, add=True)
        pltpu.make_async_copy(ones_v.at[pl.ds(0, _CH)],
                              deg_sp.at[idx_v.at[j0]], dsem_a).wait()
        pltpu.make_async_copy(ones_v.at[pl.ds(0, _CH)],
                              deg_sp.at[idx_v.at[j0]], dsem_b).wait()
        return 0

    lax.fori_loop(0, _CPT // 2, _scat, 0)
    plsc.subcore_barrier()
    pltpu.sync_copy(deg_sp.at[pl.ds(s * _ROWS_T, _ROWS_T)],
                    deg_hbm.at[c, pl.ds(s * _ROWS_T, _ROWS_T)])


@functools.partial(
    pl.kernel,
    out_type=jax.ShapeDtypeStruct((_NC, _NP, _D), jnp.float32),
    mesh=_mesh,
    scratch_types=[
        pltpu.VMEM((_CPT // 2, _CH), jnp.int32),
        pltpu.VMEM((_CPT // 2, _CH), jnp.int32),
        pltpu.VMEM((_CH, _D), jnp.float32),
        pltpu.VMEM((_CH, _D), jnp.float32),
        pltpu.VMEM_SHARED((_NP, _D), jnp.float32),
        pltpu.SemaphoreType.DMA,
        pltpu.SemaphoreType.DMA,
    ],
)
def _prop_kernel(hs_hbm, src_hbm, dst_hbm, zero_hbm, out_hbm,
                 src_v, dst_v, rows_a, rows_b, agg_sp, sem_a, sem_b):
    c = lax.axis_index("c")
    s = lax.axis_index("s")
    half = _CPT // 2

    pltpu.sync_copy(zero_hbm.at[pl.ds(s * _ROWS_T, _ROWS_T)],
                    agg_sp.at[pl.ds(s * _ROWS_T, _ROWS_T)])
    base = (c * _NS + s) * _CPT
    pltpu.sync_copy(src_hbm.at[pl.ds(base, half)], src_v)
    pltpu.sync_copy(dst_hbm.at[pl.ds(base, half)], dst_v)
    plsc.subcore_barrier()

    def _run_half(_):
        pltpu.async_copy(hs_hbm.at[src_v.at[0]], rows_a, sem_a)

        def _body(i, _):
            j0 = 2 * i
            pltpu.async_copy(hs_hbm.at[src_v.at[j0 + 1]], rows_b, sem_b)
            pltpu.make_async_copy(hs_hbm.at[src_v.at[j0]], rows_a, sem_a).wait()
            pltpu.sync_copy(rows_a, agg_sp.at[dst_v.at[j0]], add=True)
            jn = jnp.minimum(j0 + 2, half - 1)
            pltpu.async_copy(hs_hbm.at[src_v.at[jn]], rows_a, sem_a)
            pltpu.make_async_copy(hs_hbm.at[src_v.at[j0 + 1]], rows_b, sem_b).wait()
            pltpu.sync_copy(rows_b, agg_sp.at[dst_v.at[j0 + 1]], add=True)
            return 0

        lax.fori_loop(0, half // 2, _body, 0)
        pltpu.make_async_copy(hs_hbm.at[src_v.at[half - 1]], rows_a, sem_a).wait()

    _run_half(None)
    pltpu.sync_copy(src_hbm.at[pl.ds(base + half, half)], src_v)
    pltpu.sync_copy(dst_hbm.at[pl.ds(base + half, half)], dst_v)
    _run_half(None)
    plsc.subcore_barrier()
    pltpu.sync_copy(agg_sp.at[pl.ds(s * _ROWS_T, _ROWS_T)],
                    out_hbm.at[c, pl.ds(s * _ROWS_T, _ROWS_T)])



def _prep_body(d0_ref, d1_ref, x0_ref, hs_ref):
    rinv = lax.rsqrt(jnp.maximum(d0_ref[0] + d1_ref[0], 1.0))
    hs_ref[...] = x0_ref[...] * rinv


_prep_call = pl.pallas_call(
    _prep_body,
    grid=(_N // _RB,),
    in_specs=[
        pl.BlockSpec((1, _RB, 1), lambda i: (0, i, 0)),
        pl.BlockSpec((1, _RB, 1), lambda i: (1, i, 0)),
        pl.BlockSpec((_RB, _D), lambda i: (i, 0)),
    ],
    out_specs=pl.BlockSpec((_RB, _D), lambda i: (i, 0)),
    out_shape=jax.ShapeDtypeStruct((_N, _D), jnp.float32),
)


def _dense_mid_body(p0_ref, p1_ref, d0_ref, d1_ref, x0_ref, w_ref, b_ref,
                    hs_ref):
    rinv = lax.rsqrt(jnp.maximum(d0_ref[0] + d1_ref[0], 1.0))
    agg = (p0_ref[0] + p1_ref[0]) * rinv
    support = (1.0 - _ALPHA) * agg + _ALPHA * x0_ref[...]
    o = jnp.dot(support, w_ref[...], preferred_element_type=jnp.float32)
    o = jnp.maximum(o + b_ref[...], 0.0)
    hs_ref[...] = o * rinv


def _dense_fin_body(p0_ref, p1_ref, d0_ref, d1_ref, x0_ref, w_ref, b_ref,
                    out_ref):
    rinv = lax.rsqrt(jnp.maximum(d0_ref[0] + d1_ref[0], 1.0))
    agg = (p0_ref[0] + p1_ref[0]) * rinv
    support = (1.0 - _ALPHA) * agg + _ALPHA * x0_ref[...]
    o = jnp.dot(support, w_ref[...], preferred_element_type=jnp.float32)
    out_ref[...] = jnp.maximum(o + b_ref[...], 0.0)


_dense_in_specs = [
    pl.BlockSpec((1, _RB, _D), lambda i: (0, i, 0)),
    pl.BlockSpec((1, _RB, _D), lambda i: (1, i, 0)),
    pl.BlockSpec((1, _RB, 1), lambda i: (0, i, 0)),
    pl.BlockSpec((1, _RB, 1), lambda i: (1, i, 0)),
    pl.BlockSpec((_RB, _D), lambda i: (i, 0)),
    pl.BlockSpec((_D, _D), lambda i: (0, 0)),
    pl.BlockSpec((1, _D), lambda i: (0, 0)),
]

_dense_mid_call = pl.pallas_call(
    _dense_mid_body,
    grid=(_N // _RB,),
    in_specs=_dense_in_specs,
    out_specs=pl.BlockSpec((_RB, _D), lambda i: (i, 0)),
    out_shape=jax.ShapeDtypeStruct((_N, _D), jnp.float32),
)

_dense_fin_call = pl.pallas_call(
    _dense_fin_body,
    grid=(_N // _RB,),
    in_specs=_dense_in_specs,
    out_specs=pl.BlockSpec((_RB, _D), lambda i: (i, 0)),
    out_shape=jax.ShapeDtypeStruct((_N, _D), jnp.float32),
)



def kernel(drug_cell_pair_feature, edge_idx, W, b):
    x0 = drug_cell_pair_feature
    src = edge_idx[0].astype(jnp.int32)
    dst = edge_idx[1].astype(jnp.int32)
    src2d = src.reshape(_NC * _NS * _CPT, _CH)
    dst2d = dst.reshape(_NC * _NS * _CPT, _CH)
    b2 = b.reshape(1, _D)
    zeros = jnp.zeros((_NP, _D), jnp.float32)

    deg = _deg_kernel(dst2d)
    deg3 = deg.reshape(_NC, _NP, 1)
    hs = _prep_call(deg3, deg3, x0)
    for _ in range(4):
        p = _prop_kernel(hs, src2d, dst2d, zeros)
        hs = _dense_mid_call(p, p, deg3, deg3, x0, W, b2)
    p = _prop_kernel(hs, src2d, dst2d, zeros)
    return _dense_fin_call(p, p, deg3, deg3, x0, W, b2)

# --- scband reference (transcript-rebuilt; emitter-appended) ---
"""Pipeline reference for scband-drug-cell-encoder-10050223473328 (READ-ONLY COPY).

The authoritative reference and input builder live on the scoring server;
editing this copy changes nothing except your own understanding.
"""

import jax, jax.numpy as jnp
import numpy as np

N = 10000
E = 320000
D = 128
ALPHA = 0.1


def setup_inputs(seed: int = 0) -> dict:
    key = jax.random.key(seed)
    k1, k2, k3 = jax.random.split(key, 3)
    x = jax.random.normal(k1, (N, D), dtype=jnp.float32)
    edge_idx = jax.random.randint(k2, (2, E), 0, N)
    W = jax.random.normal(k3, (D, D), dtype=jnp.float32) * (1.0 / np.sqrt(D))
    b = jnp.zeros((D,), dtype=jnp.float32)
    return {"drug_cell_pair_feature": x, "edge_idx": edge_idx, "W": W, "b": b}


def _gcn_layer(x0, h, src, dst, W, b, alpha):
    # symmetric-normalized graph convolution with initial-residual (GCNII-style),
    # matching GraphConvolution(x0, h, edge_idx, alpha)
    deg = jnp.zeros((N,), dtype=h.dtype).at[dst].add(1.0)
    deg = jnp.maximum(deg, 1.0)
    norm = jax.lax.rsqrt(deg[src] * deg[dst])
    msg = h[src] * norm[:, None]              # gather (SparseCore)
    agg = jnp.zeros_like(h).at[dst].add(msg)  # scatter-add (SparseCore)
    support = (1.0 - alpha) * agg + alpha * x0
    return support @ W + b


def reference(drug_cell_pair_feature, edge_idx, W, b):
    x0 = drug_cell_pair_feature
    src, dst = edge_idx[0], edge_idx[1]
    out = jax.nn.relu(_gcn_layer(x0, x0, src, dst, W, b, ALPHA))
    for _ in range(4):
        out = jax.nn.relu(_gcn_layer(x0, out, src, dst, W, b, ALPHA))
    return out

if __name__ == "__main__":
    import jax
    _d = setup_inputs()
    print(jax.jit(kernel)(*tuple(_d.values())))

</pallas_src>

<mosaic_0001>
#map = affine_map<(d0, d1) -> (0, 0)>
module attributes {stable_mosaic.version = 14 : i64} {
  func.func @_deg_kernel(%arg0: i32, %arg1: i32, %arg2: memref<2560x125xi32, #tpu.memory_space<hbm>>, %arg3: memref<2x10240xf32, #tpu.memory_space<hbm>>, %arg4: memref<80x125xi32, #tpu.memory_space<vmem>>, %arg5: memref<128xf32, #tpu.memory_space<vmem>>, %arg6: memref<640xf32, #tpu.memory_space<vmem>>, %arg7: memref<10240xf32, #tpu.memory_space<vmem_shared>>, %arg8: memref<!tpu.dma_semaphore, #tpu.memory_space<semaphore_mem>>, %arg9: memref<!tpu.dma_semaphore, #tpu.memory_space<semaphore_mem>>) attributes {dimension_semantics = [#tpu.dimension_semantics<core_parallel>, #tpu.dimension_semantics<subcore_parallel>], iteration_bounds = array<i64: 2, 16>, scalar_prefetch = 0 : i64, scratch_operands = 6 : i64, tpu.core_type = #tpu.core_type<sc_vector_subcore>, window_params = [{transform_indices = #map}, {transform_indices = #map}]} {
    %scan3A = arith.constant 0 : i32
    %scan3A_0 = arith.constant 0 : i32
    %scan3A_1 = arith.constant 40 : i32
    %scan3A_2 = arith.addi %scan3A_0, %scan3A_1 : i32
    %scan3A_3 = arith.constant 1 : i32
    %scan3A_4 = scf.for %scan3A_30 = %scan3A_0 to %scan3A_2 step %scan3A_3 iter_args(%scan3A_31 = %scan3A) -> (i32)  : i32 {
      %broadcast_in_dim3A = arith.constant 0.000000e+00 : f32
      %broadcast_in_dim3A_32 = vector.broadcast %broadcast_in_dim3A : f32 to vector<16xf32>
      %mul3A_33 = arith.constant 16 : i32
      %mul3A_34 = arith.muli %scan3A_30, %mul3A_33 : i32
      %swap3A = arith.index_cast %mul3A_34 : i32 to index
      %swap3A_35 = tpu.vector_load %arg6[%swap3A] {strides = array<i32>} : memref<640xf32, #tpu.memory_space<vmem>>, vector<16xf32>,
      %swap3A_36 = vector.shape_cast %swap3A_35 : vector<16xf32> to vector<16xf32>
      %swap3A_37 = vector.shape_cast %broadcast_in_dim3A_32 : vector<16xf32> to vector<16xf32>
      tpu.vector_store %arg6[%swap3A], %swap3A_37 {strides = array<i32>} : memref<640xf32, #tpu.memory_space<vmem>>, vector<16xf32>,
      %scan3A_38 = arith.constant 0 : i32
      scf.yield %scan3A_38 : i32
    }
    %scan3A_5 = arith.constant 40 : i32
    %scan3A_6 = arith.constant 0 : i32
    %scan3A_7 = arith.constant 0 : i32
    %scan3A_8 = arith.constant 8 : i32
    %scan3A_9 = arith.addi %scan3A_7, %scan3A_8 : i32
    %scan3A_10 = arith.constant 1 : i32
    %scan3A_11 = scf.for %scan3A_30 = %scan3A_7 to %scan3A_9 step %scan3A_10 iter_args(%scan3A_31 = %scan3A_6) -> (i32)  : i32 {
      %broadcast_in_dim3A = arith.constant 1.000000e+00 : f32
      %broadcast_in_dim3A_32 = vector.broadcast %broadcast_in_dim3A : f32 to vector<16xf32>
      %mul3A_33 = arith.constant 16 : i32
      %mul3A_34 = arith.muli %scan3A_30, %mul3A_33 : i32
      %swap3A = arith.index_cast %mul3A_34 : i32 to index
      %swap3A_35 = tpu.vector_load %arg5[%swap3A] {strides = array<i32>} : memref<128xf32, #tpu.memory_space<vmem>>, vector<16xf32>,
      %swap3A_36 = vector.shape_cast %swap3A_35 : vector<16xf32> to vector<16xf32>
      %swap3A_37 = vector.shape_cast %broadcast_in_dim3A_32 : vector<16xf32> to vector<16xf32>
      tpu.vector_store %arg5[%swap3A], %swap3A_37 {strides = array<i32>} : memref<128xf32, #tpu.memory_space<vmem>>, vector<16xf32>,
      %scan3A_38 = arith.constant 0 : i32
      scf.yield %scan3A_38 : i32
    }
    %scan3A_12 = arith.constant 8 : i32
    %mul3A = arith.constant 640 : i32
    %mul3A_13 = arith.muli %arg1, %mul3A : i32
    "tpu.region"() ({
      %run_scoped3A = tpu.sem_alloc : memref<!tpu.dma_semaphore, #tpu.memory_space<semaphore_mem>>
      %dma_start3A = tpu.memref_slice %arg7[%mul3A_13] : memref<10240xf32, #tpu.memory_space<vmem_shared>> -> memref<640xf32, #tpu.memory_space<vmem_shared>>
      %dma_start3A_30 = tpu.memref_slice %arg7[%mul3A_13] : memref<10240xf32, #tpu.memory_space<vmem_shared>> -> memref<640xf32, #tpu.memory_space<vmem_shared>>
      tpu.enqueue_dma source(%arg6 : memref<640xf32, #tpu.memory_space<vmem>>) target(%dma_start3A_30 : memref<640xf32, #tpu.memory_space<vmem_shared>>) target_semaphore(%run_scoped3A : memref<!tpu.dma_semaphore, #tpu.memory_space<semaphore_mem>>)
      %dma_wait3A = tpu.memref_slice %arg7[%mul3A_13] : memref<10240xf32, #tpu.memory_space<vmem_shared>> -> memref<640xf32, #tpu.memory_space<vmem_shared>>
      %dma_wait3A_31 = tpu.memref_slice %arg7[%mul3A_13] : memref<10240xf32, #tpu.memory_space<vmem_shared>> -> memref<640xf32, #tpu.memory_space<vmem_shared>>
      tpu.wait_dma2 semaphore(%run_scoped3A : memref<!tpu.dma_semaphore, #tpu.memory_space<semaphore_mem>>) src(%arg6 : memref<640xf32, #tpu.memory_space<vmem>>) dst(%dma_wait3A_31 : memref<640xf32, #tpu.memory_space<vmem_shared>>)
      tpu.yield
    }) : () -> ()
    %mul3A_14 = arith.constant 16 : i32
    %mul3A_15 = arith.muli %arg0, %mul3A_14 : i32
    %add3A = arith.addi %mul3A_15, %arg1 : i32
    %mul3A_16 = arith.constant 80 : i32
    %mul3A_17 = arith.muli %add3A, %mul3A_16 : i32
    "tpu.region"() ({
      %run_scoped3A = tpu.sem_alloc : memref<!tpu.dma_semaphore, #tpu.memory_space<semaphore_mem>>
      %dma_start3A = arith.constant 0 : i32
      %dma_start3A_30 = tpu.memref_slice %arg2[%mul3A_17, %dma_start3A] : memref<2560x125xi32, #tpu.memory_space<hbm>> -> memref<80x125xi32, #tpu.memory_space<hbm>>
      %dma_start3A_31 = arith.constant 0 : i32
      %dma_start3A_32 = tpu.memref_slice %arg2[%mul3A_17, %dma_start3A_31] : memref<2560x125xi32, #tpu.memory_space<hbm>> -> memref<80x125xi32, #tpu.memory_space<hbm>>
      tpu.enqueue_dma source(%dma_start3A_32 : memref<80x125xi32, #tpu.memory_space<hbm>>) target(%arg4 : memref<80x125xi32, #tpu.memory_space<vmem>>) target_semaphore(%run_scoped3A : memref<!tpu.dma_semaphore, #tpu.memory_space<semaphore_mem>>)
      %dma_wait3A = arith.constant 0 : i32
      %dma_wait3A_33 = tpu.memref_slice %arg2[%mul3A_17, %dma_wait3A] : memref<2560x125xi32, #tpu.memory_space<hbm>> -> memref<80x125xi32, #tpu.memory_space<hbm>>
      %dma_wait3A_34 = arith.constant 0 : i32
      %dma_wait3A_35 = tpu.memref_slice %arg2[%mul3A_17, %dma_wait3A_34] : memref<2560x125xi32, #tpu.memory_space<hbm>> -> memref<80x125xi32, #tpu.memory_space<hbm>>
      tpu.wait_dma2 semaphore(%run_scoped3A : memref<!tpu.dma_semaphore, #tpu.memory_space<semaphore_mem>>) src(%dma_wait3A_35 : memref<80x125xi32, #tpu.memory_space<hbm>>) dst(%arg4 : memref<80x125xi32, #tpu.memory_space<vmem>>)
      tpu.yield
    }) : () -> ()
    %barrier3A = arith.constant 0 : index
    tpu.barrier barrier_id(%barrier3A)
    %scan3A_18 = arith.constant 0 : i32
    %scan3A_19 = arith.constant 0 : i32
    %scan3A_20 = arith.constant 40 : i32
    %scan3A_21 = arith.addi %scan3A_19, %scan3A_20 : i32
    %scan3A_22 = arith.constant 1 : i32
    %scan3A_23 = scf.for %scan3A_30 = %scan3A_19 to %scan3A_21 step %scan3A_22 iter_args(%scan3A_31 = %scan3A_18) -> (i32)  : i32 {
      %mul3A_32 = arith.constant 2 : i32
      %mul3A_33 = arith.muli %mul3A_32, %scan3A_30 : i32
      %dma_start3A = arith.constant 0 : i32
      %dma_start3A_34 = tpu.memref_slice %arg5[%dma_start3A] : memref<128xf32, #tpu.memory_space<vmem>> -> memref<125xf32, #tpu.memory_space<vmem>>
      %dma_start3A_35 = arith.constant 0 : i32
      %dma_start3A_36 = tpu.memref_slice %arg4[%mul3A_33, %dma_start3A_35] : memref<80x125xi32, #tpu.memory_space<vmem>> -> memref<1x125xi32, #tpu.memory_space<vmem>>
      %dma_start3A_37 = tpu.memref_squeeze %dma_start3A_36 : memref<1x125xi32, #tpu.memory_space<vmem>> -> memref<125xi32, #tpu.memory_space<vmem>>
      %dma_start3A_38 = arith.constant 0 : i32
      %dma_start3A_39 = tpu.memref_slice %arg7[%dma_start3A_38] : memref<10240xf32, #tpu.memory_space<vmem_shared>> -> memref<10240xf32, #tpu.memory_space<vmem_shared>>
      tpu.enqueue_indirect_dma source(%dma_start3A_34 : memref<125xf32, #tpu.memory_space<vmem>>) target(%dma_start3A_39 : memref<10240xf32, #tpu.memory_space<vmem_shared>>) offsets(%dma_start3A_37 : memref<125xi32, #tpu.memory_space<vmem>>) semaphore(%arg8 : memref<!tpu.dma_semaphore, #tpu.memory_space<semaphore_mem>>) {add = true}
      %add3A_40 = arith.constant 1 : i32
      %add3A_41 = arith.addi %mul3A_33, %add3A_40 : i32
      %dma_start3A_42 = arith.constant 0 : i32
      %dma_start3A_43 = tpu.memref_slice %arg5[%dma_start3A_42] : memref<128xf32, #tpu.memory_space<vmem>> -> memref<125xf32, #tpu.memory_space<vmem>>
      %dma_start3A_44 = arith.constant 0 : i32
      %dma_start3A_45 = tpu.memref_slice %arg4[%add3A_41, %dma_start3A_44] : memref<80x125xi32, #tpu.memory_space<vmem>> -> memref<1x125xi32, #tpu.memory_space<vmem>>
      %dma_start3A_46 = tpu.memref_squeeze %dma_start3A_45 : memref<1x125xi32, #tpu.memory_space<vmem>> -> memref<125xi32, #tpu.memory_space<vmem>>
      %dma_start3A_47 = arith.constant 0 : i32
      %dma_start3A_48 = tpu.memref_slice %arg7[%dma_start3A_47] : memref<10240xf32, #tpu.memory_space<vmem_shared>> -> memref<10240xf32, #tpu.memory_space<vmem_shared>>
      tpu.enqueue_indirect_dma source(%dma_start3A_43 : memref<125xf32, #tpu.memory_space<vmem>>) target(%dma_start3A_48 : memref<10240xf32, #tpu.memory_space<vmem_shared>>) offsets(%dma_start3A_46 : memref<125xi32, #tpu.memory_space<vmem>>) semaphore(%arg9 : memref<!tpu.dma_semaphore, #tpu.memory_space<semaphore_mem>>) {add = true}
      %dma_wait3A = arith.constant 0 : i32
      %dma_wait3A_49 = tpu.memref_slice %arg5[%dma_wait3A] : memref<128xf32, #tpu.memory_space<vmem>> -> memref<125xf32, #tpu.memory_space<vmem>>
      %dma_wait3A_50 = arith.constant 0 : i32
      %dma_wait3A_51 = tpu.memref_slice %arg4[%mul3A_33, %dma_wait3A_50] : memref<80x125xi32, #tpu.memory_space<vmem>> -> memref<1x125xi32, #tpu.memory_space<vmem>>
      %dma_wait3A_52 = tpu.memref_squeeze %dma_wait3A_51 : memref<1x125xi32, #tpu.memory_space<vmem>> -> memref<125xi32, #tpu.memory_space<vmem>>
      %dma_wait3A_53 = arith.constant 0 : i32
      %dma_wait3A_54 = tpu.memref_slice %arg7[%dma_wait3A_53] : memref<10240xf32, #tpu.memory_space<vmem_shared>> -> memref<10240xf32, #tpu.memory_space<vmem_shared>>
      tpu.wait_indirect_dma semaphore(%arg8 : memref<!tpu.dma_semaphore, #tpu.memory_space<semaphore_mem>>) src(%dma_wait3A_49 : memref<125xf32, #tpu.memory_space<vmem>>) dst(%dma_wait3A_54 : memref<10240xf32, #tpu.memory_space<vmem_shared>>)
      %dma_wait3A_55 = arith.constant 0 : i32
      %dma_wait3A_56 = tpu.memref_slice %arg5[%dma_wait3A_55] : memref<128xf32, #tpu.memory_space<vmem>> -> memref<125xf32, #tpu.memory_space<vmem>>
      %dma_wait3A_57 = arith.constant 0 : i32
      %dma_wait3A_58 = tpu.memref_slice %arg4[%mul3A_33, %dma_wait3A_57] : memref<80x125xi32, #tpu.memory_space<vmem>> -> memref<1x125xi32, #tpu.memory_space<vmem>>
      %dma_wait3A_59 = tpu.memref_squeeze %dma_wait3A_58 : memref<1x125xi32, #tpu.memory_space<vmem>> -> memref<125xi32, #tpu.memory_space<vmem>>
      %dma_wait3A_60 = arith.constant 0 : i32
      %dma_wait3A_61 = tpu.memref_slice %arg7[%dma_wait3A_60] : memref<10240xf32, #tpu.memory_space<vmem_shared>> -> memref<10240xf32, #tpu.memory_space<vmem_shared>>
      tpu.wait_indirect_dma semaphore(%arg9 : memref<!tpu.dma_semaphore, #tpu.memory_space<semaphore_mem>>) src(%dma_wait3A_56 : memref<125xf32, #tpu.memory_space<vmem>>) dst(%dma_wait3A_61 : memref<10240xf32, #tpu.memory_space<vmem_shared>>)
      %scan3A_62 = arith.constant 0 : i32
      scf.yield %scan3A_62 : i32
    }
    %scan3A_24 = arith.constant 40 : i32
    %barrier3A_25 = arith.constant 0 : index
    tpu.barrier barrier_id(%barrier3A_25)
    %mul3A_26 = arith.constant 640 : i32
    %mul3A_27 = arith.muli %arg1, %mul3A_26 : i32
    %mul3A_28 = arith.constant 640 : i32
    %mul3A_29 = arith.muli %arg1, %mul3A_28 : i32
    "tpu.region"() ({
      %run_scoped3A = tpu.sem_alloc : memref<!tpu.dma_semaphore, #tpu.memory_space<semaphore_mem>>
      %dma_start3A = tpu.memref_slice %arg3[%arg0, %mul3A_29] : memref<2x10240xf32, #tpu.memory_space<hbm>> -> memref<1x640xf32, #tpu.memory_space<hbm>>
      %dma_start3A_30 = tpu.memref_squeeze %dma_start3A : memref<1x640xf32, #tpu.memory_space<hbm>> -> memref<640xf32, #tpu.memory_space<hbm>>
      %dma_start3A_31 = tpu.memref_slice %arg7[%mul3A_27] : memref<10240xf32, #tpu.memory_space<vmem_shared>> -> memref<640xf32, #tpu.memory_space<vmem_shared>>
      tpu.enqueue_dma source(%dma_start3A_31 : memref<640xf32, #tpu.memory_space<vmem_shared>>) target(%dma_start3A_30 : memref<640xf32, #tpu.memory_space<hbm>>) target_semaphore(%run_scoped3A : memref<!tpu.dma_semaphore, #tpu.memory_space<semaphore_mem>>)
      %dma_wait3A = tpu.memref_slice %arg3[%arg0, %mul3A_29] : memref<2x10240xf32, #tpu.memory_space<hbm>> -> memref<1x640xf32, #tpu.memory_space<hbm>>
      %dma_wait3A_32 = tpu.memref_squeeze %dma_wait3A : memref<1x640xf32, #tpu.memory_space<hbm>> -> memref<640xf32, #tpu.memory_space<hbm>>
      %dma_wait3A_33 = tpu.memref_slice %arg7[%mul3A_27] : memref<10240xf32, #tpu.memory_space<vmem_shared>> -> memref<640xf32, #tpu.memory_space<vmem_shared>>
      tpu.wait_dma2 semaphore(%run_scoped3A : memref<!tpu.dma_semaphore, #tpu.memory_space<semaphore_mem>>) src(%dma_wait3A_33 : memref<640xf32, #tpu.memory_space<vmem_shared>>) dst(%dma_wait3A_32 : memref<640xf32, #tpu.memory_space<hbm>>)
      tpu.yield
    }) : () -> ()
    return
  }
}

#map = affine_map<(d0, d1) -> (0, 0)>
#map1 = affine_map<(d0, d1) -> (0, 0, 0)>
module attributes {stable_mosaic.version = 14 : i64} {
  func.func @_prop_kernel(%arg0: i32, %arg1: i32, %arg2: memref<10000x128xf32, #tpu.memory_space<hbm>>, %arg3: memref<2560x125xi32, #tpu.memory_space<hbm>>, %arg4: memref<2560x125xi32, #tpu.memory_space<hbm>>, %arg5: memref<10240x128xf32, #tpu.memory_space<hbm>>, %arg6: memref<2x10240x128xf32, #tpu.memory_space<hbm>>, %arg7: memref<40x125xi32, #tpu.memory_space<vmem>>, %arg8: memref<40x125xi32, #tpu.memory_space<vmem>>, %arg9: memref<125x128xf32, #tpu.memory_space<vmem>>, %arg10: memref<125x128xf32, #tpu.memory_space<vmem>>, %arg11: memref<10240x128xf32, #tpu.memory_space<vmem_shared>>, %arg12: memref<!tpu.dma_semaphore, #tpu.memory_space<semaphore_mem>>, %arg13: memref<!tpu.dma_semaphore, #tpu.memory_space<semaphore_mem>>) attributes {dimension_semantics = [#tpu.dimension_semantics<core_parallel>, #tpu.dimension_semantics<subcore_parallel>], iteration_bounds = array<i64: 2, 16>, scalar_prefetch = 0 : i64, scratch_operands = 7 : i64, tpu.core_type = #tpu.core_type<sc_vector_subcore>, window_params = [{transform_indices = #map}, {transform_indices = #map}, {transform_indices = #map}, {transform_indices = #map}, {transform_indices = #map1}]} {
    %mul3A = arith.constant 640 : i32
    %mul3A_0 = arith.muli %arg1, %mul3A : i32
    %mul3A_1 = arith.constant 640 : i32
    %mul3A_2 = arith.muli %arg1, %mul3A_1 : i32
    "tpu.region"() ({
      %run_scoped3A = tpu.sem_alloc : memref<!tpu.dma_semaphore, #tpu.memory_space<semaphore_mem>>
      %dma_start3A_55 = arith.constant 0 : i32
      %dma_start3A_56 = tpu.memref_slice %arg11[%mul3A_2, %dma_start3A_55] : memref<10240x128xf32, #tpu.memory_space<vmem_shared>> -> memref<640x128xf32, #tpu.memory_space<vmem_shared>>
      %dma_start3A_57 = arith.constant 0 : i32
      %dma_start3A_58 = tpu.memref_slice %arg5[%mul3A_0, %dma_start3A_57] : memref<10240x128xf32, #tpu.memory_space<hbm>> -> memref<640x128xf32, #tpu.memory_space<hbm>>
      tpu.enqueue_dma source(%dma_start3A_58 : memref<640x128xf32, #tpu.memory_space<hbm>>) target(%dma_start3A_56 : memref<640x128xf32, #tpu.memory_space<vmem_shared>>) target_semaphore(%run_scoped3A : memref<!tpu.dma_semaphore, #tpu.memory_space<semaphore_mem>>)
      %dma_wait3A_59 = arith.constant 0 : i32
      %dma_wait3A_60 = tpu.memref_slice %arg11[%mul3A_2, %dma_wait3A_59] : memref<10240x128xf32, #tpu.memory_space<vmem_shared>> -> memref<640x128xf32, #tpu.memory_space<vmem_shared>>
      %dma_wait3A_61 = arith.constant 0 : i32
      %dma_wait3A_62 = tpu.memref_slice %arg5[%mul3A_0, %dma_wait3A_61] : memref<10240x128xf32, #tpu.memory_space<hbm>> -> memref<640x128xf32, #tpu.memory_space<hbm>>
      tpu.wait_dma2 semaphore(%run_scoped3A : memref<!tpu.dma_semaphore, #tpu.memory_space<semaphore_mem>>) src(%dma_wait3A_62 : memref<640x128xf32, #tpu.memory_space<hbm>>) dst(%dma_wait3A_60 : memref<640x128xf32, #tpu.memory_space<vmem_shared>>)
      tpu.yield
    }) : () -> ()
    %mul3A_3 = arith.constant 16 : i32
    %mul3A_4 = arith.muli %arg0, %mul3A_3 : i32
    %add3A = arith.addi %mul3A_4, %arg1 : i32
    %mul3A_5 = arith.constant 80 : i32
    %mul3A_6 = arith.muli %add3A, %mul3A_5 : i32
    "tpu.region"() ({
      %run_scoped3A = tpu.sem_alloc : memref<!tpu.dma_semaphore, #tpu.memory_space<semaphore_mem>>
      %dma_start3A_55 = arith.constant 0 : i32
      %dma_start3A_56 = tpu.memref_slice %arg3[%mul3A_6, %dma_start3A_55] : memref<2560x125xi32, #tpu.memory_space<hbm>> -> memref<40x125xi32, #tpu.memory_space<hbm>>
      %dma_start3A_57 = arith.constant 0 : i32
      %dma_start3A_58 = tpu.memref_slice %arg3[%mul3A_6, %dma_start3A_57] : memref<2560x125xi32, #tpu.memory_space<hbm>> -> memref<40x125xi32, #tpu.memory_space<hbm>>
      tpu.enqueue_dma source(%dma_start3A_58 : memref<40x125xi32, #tpu.memory_space<hbm>>) target(%arg7 : memref<40x125xi32, #tpu.memory_space<vmem>>) target_semaphore(%run_scoped3A : memref<!tpu.dma_semaphore, #tpu.memory_space<semaphore_mem>>)
      %dma_wait3A_59 = arith.constant 0 : i32
      %dma_wait3A_60 = tpu.memref_slice %arg3[%mul3A_6, %dma_wait3A_59] : memref<2560x125xi32, #tpu.memory_space<hbm>> -> memref<40x125xi32, #tpu.memory_space<hbm>>
      %dma_wait3A_61 = arith.constant 0 : i32
      %dma_wait3A_62 = tpu.memref_slice %arg3[%mul3A_6, %dma_wait3A_61] : memref<2560x125xi32, #tpu.memory_space<hbm>> -> memref<40x125xi32, #tpu.memory_space<hbm>>
      tpu.wait_dma2 semaphore(%run_scoped3A : memref<!tpu.dma_semaphore, #tpu.memory_space<semaphore_mem>>) src(%dma_wait3A_62 : memref<40x125xi32, #tpu.memory_space<hbm>>) dst(%arg7 : memref<40x125xi32, #tpu.memory_space<vmem>>)
      tpu.yield
    }) : () -> ()
    "tpu.region"() ({
      %run_scoped3A = tpu.sem_alloc : memref<!tpu.dma_semaphore, #tpu.memory_space<semaphore_mem>>
      %dma_start3A_55 = arith.constant 0 : i32
      %dma_start3A_56 = tpu.memref_slice %arg4[%mul3A_6, %dma_start3A_55] : memref<2560x125xi32, #tpu.memory_space<hbm>> -> memref<40x125xi32, #tpu.memory_space<hbm>>
      %dma_start3A_57 = arith.constant 0 : i32
      %dma_start3A_58 = tpu.memref_slice %arg4[%mul3A_6, %dma_start3A_57] : memref<2560x125xi32, #tpu.memory_space<hbm>> -> memref<40x125xi32, #tpu.memory_space<hbm>>
      tpu.enqueue_dma source(%dma_start3A_58 : memref<40x125xi32, #tpu.memory_space<hbm>>) target(%arg8 : memref<40x125xi32, #tpu.memory_space<vmem>>) target_semaphore(%run_scoped3A : memref<!tpu.dma_semaphore, #tpu.memory_space<semaphore_mem>>)
      %dma_wait3A_59 = arith.constant 0 : i32
      %dma_wait3A_60 = tpu.memref_slice %arg4[%mul3A_6, %dma_wait3A_59] : memref<2560x125xi32, #tpu.memory_space<hbm>> -> memref<40x125xi32, #tpu.memory_space<hbm>>
      %dma_wait3A_61 = arith.constant 0 : i32
      %dma_wait3A_62 = tpu.memref_slice %arg4[%mul3A_6, %dma_wait3A_61] : memref<2560x125xi32, #tpu.memory_space<hbm>> -> memref<40x125xi32, #tpu.memory_space<hbm>>
      tpu.wait_dma2 semaphore(%run_scoped3A : memref<!tpu.dma_semaphore, #tpu.memory_space<semaphore_mem>>) src(%dma_wait3A_62 : memref<40x125xi32, #tpu.memory_space<hbm>>) dst(%arg8 : memref<40x125xi32, #tpu.memory_space<vmem>>)
      tpu.yield
    }) : () -> ()
    %barrier3A = arith.constant 0 : index
    tpu.barrier barrier_id(%barrier3A)
    %dma_start3A = arith.constant 0 : i32
    %dma_start3A_7 = arith.constant 0 : i32
    %dma_start3A_8 = tpu.memref_slice %arg7[%dma_start3A, %dma_start3A_7] : memref<40x125xi32, #tpu.memory_space<vmem>> -> memref<1x125xi32, #tpu.memory_space<vmem>>
    %dma_start3A_9 = tpu.memref_squeeze %dma_start3A_8 : memref<1x125xi32, #tpu.memory_space<vmem>> -> memref<125xi32, #tpu.memory_space<vmem>>
    %dma_start3A_10 = arith.constant 0 : i32
    %dma_start3A_11 = arith.constant 0 : i32
    %dma_start3A_12 = tpu.memref_slice %arg2[%dma_start3A_10, %dma_start3A_11] : memref<10000x128xf32, #tpu.memory_space<hbm>> -> memref<10000x128xf32, #tpu.memory_space<hbm>>
    tpu.enqueue_indirect_dma source(%dma_start3A_12 : memref<10000x128xf32, #tpu.memory_space<hbm>>) target(%arg9 : memref<125x128xf32, #tpu.memory_space<vmem>>) offsets(%dma_start3A_9 : memref<125xi32, #tpu.memory_space<vmem>>) semaphore(%arg12 : memref<!tpu.dma_semaphore, #tpu.memory_space<semaphore_mem>>)
    %scan3A = arith.constant 0 : i32
    %scan3A_13 = arith.constant 0 : i32
    %scan3A_14 = arith.constant 20 : i32
    %scan3A_15 = arith.addi %scan3A_13, %scan3A_14 : i32
    %scan3A_16 = arith.constant 1 : i32
    %scan3A_17 = scf.for %scan3A_55 = %scan3A_13 to %scan3A_15 step %scan3A_16 iter_args(%scan3A_56 = %scan3A) -> (i32)  : i32 {
      %mul3A_57 = arith.constant 2 : i32
      %mul3A_58 = arith.muli %mul3A_57, %scan3A_55 : i32
      %add3A_59 = arith.constant 1 : i32
      %add3A_60 = arith.addi %mul3A_58, %add3A_59 : i32
      %dma_start3A_61 = arith.constant 0 : i32
      %dma_start3A_62 = tpu.memref_slice %arg7[%add3A_60, %dma_start3A_61] : memref<40x125xi32, #tpu.memory_space<vmem>> -> memref<1x125xi32, #tpu.memory_space<vmem>>
      %dma_start3A_63 = tpu.memref_squeeze %dma_start3A_62 : memref<1x125xi32, #tpu.memory_space<vmem>> -> memref<125xi32, #tpu.memory_space<vmem>>
      %dma_start3A_64 = arith.constant 0 : i32
      %dma_start3A_65 = arith.constant 0 : i32
      %dma_start3A_66 = tpu.memref_slice %arg2[%dma_start3A_64, %dma_start3A_65] : memref<10000x128xf32, #tpu.memory_space<hbm>> -> memref<10000x128xf32, #tpu.memory_space<hbm>>
      tpu.enqueue_indirect_dma source(%dma_start3A_66 : memref<10000x128xf32, #tpu.memory_space<hbm>>) target(%arg10 : memref<125x128xf32, #tpu.memory_space<vmem>>) offsets(%dma_start3A_63 : memref<125xi32, #tpu.memory_space<vmem>>) semaphore(%arg13 : memref<!tpu.dma_semaphore, #tpu.memory_space<semaphore_mem>>)
      %dma_wait3A_67 = arith.constant 0 : i32
      %dma_wait3A_68 = tpu.memref_slice %arg7[%mul3A_58, %dma_wait3A_67] : memref<40x125xi32, #tpu.memory_space<vmem>> -> memref<1x125xi32, #tpu.memory_space<vmem>>
      %dma_wait3A_69 = tpu.memref_squeeze %dma_wait3A_68 : memref<1x125xi32, #tpu.memory_space<vmem>> -> memref<125xi32, #tpu.memory_space<vmem>>
      %dma_wait3A_70 = arith.constant 0 : i32
      %dma_wait3A_71 = arith.constant 0 : i32
      %dma_wait3A_72 = tpu.memref_slice %arg2[%dma_wait3A_70, %dma_wait3A_71] : memref<10000x128xf32, #tpu.memory_space<hbm>> -> memref<10000x128xf32, #tpu.memory_space<hbm>>
      tpu.wait_indirect_dma semaphore(%arg12 : memref<!tpu.dma_semaphore, #tpu.memory_space<semaphore_mem>>) src(%dma_wait3A_72 : memref<10000x128xf32, #tpu.memory_space<hbm>>) dst(%arg9 : memref<125x128xf32, #tpu.memory_space<vmem>>)
      "tpu.region"() ({
        %run_scoped3A = tpu.sem_alloc : memref<!tpu.dma_semaphore, #tpu.memory_space<semaphore_mem>>
        %dma_start3A_93 = arith.constant 0 : i32
        %dma_start3A_94 = tpu.memref_slice %arg8[%mul3A_58, %dma_start3A_93] : memref<40x125xi32, #tpu.memory_space<vmem>> -> memref<1x125xi32, #tpu.memory_space<vmem>>
        %dma_start3A_95 = tpu.memref_squeeze %dma_start3A_94 : memref<1x125xi32, #tpu.memory_space<vmem>> -> memref<125xi32, #tpu.memory_space<vmem>>
        %dma_start3A_96 = arith.constant 0 : i32
        %dma_start3A_97 = arith.constant 0 : i32
        %dma_start3A_98 = tpu.memref_slice %arg11[%dma_start3A_96, %dma_start3A_97] : memref<10240x128xf32, #tpu.memory_space<vmem_shared>> -> memref<10240x128xf32, #tpu.memory_space<vmem_shared>>
        tpu.enqueue_indirect_dma source(%arg9 : memref<125x128xf32, #tpu.memory_space<vmem>>) target(%dma_start3A_98 : memref<10240x128xf32, #tpu.memory_space<vmem_shared>>) offsets(%dma_start3A_95 : memref<125xi32, #tpu.memory_space<vmem>>) semaphore(%run_scoped3A : memref<!tpu.dma_semaphore, #tpu.memory_space<semaphore_mem>>) {add = true}
        %dma_wait3A_99 = arith.constant 0 : i32
        %dma_wait3A_100 = tpu.memref_slice %arg8[%mul3A_58, %dma_wait3A_99] : memref<40x125xi32, #tpu.memory_space<vmem>> -> memref<1x125xi32, #tpu.memory_space<vmem>>
        %dma_wait3A_101 = tpu.memref_squeeze %dma_wait3A_100 : memref<1x125xi32, #tpu.memory_space<vmem>> -> memref<125xi32, #tpu.memory_space<vmem>>
        %dma_wait3A_102 = arith.constant 0 : i32
        %dma_wait3A_103 = arith.constant 0 : i32
        %dma_wait3A_104 = tpu.memref_slice %arg11[%dma_wait3A_102, %dma_wait3A_103] : memref<10240x128xf32, #tpu.memory_space<vmem_shared>> -> memref<10240x128xf32, #tpu.memory_space<vmem_shared>>
        tpu.wait_indirect_dma semaphore(%run_scoped3A : memref<!tpu.dma_semaphore, #tpu.memory_space<semaphore_mem>>) src(%arg9 : memref<125x128xf32, #tpu.memory_space<vmem>>) dst(%dma_wait3A_104 : memref<10240x128xf32, #tpu.memory_space<vmem_shared>>)
        tpu.yield
      }) : () -> ()
      %add3A_73 = arith.constant 2 : i32
      %add3A_74 = arith.addi %mul3A_58, %add3A_73 : i32
      %min3A = arith.constant 39 : i32
      %min3A_75 = arith.minsi %add3A_74, %min3A : i32
      %dma_start3A_76 = arith.constant 0 : i32
      %dma_start3A_77 = tpu.memref_slice %arg7[%min3A_75, %dma_start3A_76] : memref<40x125xi32, #tpu.memory_space<vmem>> -> memref<1x125xi32, #tpu.memory_space<vmem>>
      %dma_start3A_78 = tpu.memref_squeeze %dma_start3A_77 : memref<1x125xi32, #tpu.memory_space<vmem>> -> memref<125xi32, #tpu.memory_space<vmem>>
      %dma_start3A_79 = arith.constant 0 : i32
      %dma_start3A_80 = arith.constant 0 : i32
      %dma_start3A_81 = tpu.memref_slice %arg2[%dma_start3A_79, %dma_start3A_80] : memref<10000x128xf32, #tpu.memory_space<hbm>> -> memref<10000x128xf32, #tpu.memory_space<hbm>>
      tpu.enqueue_indirect_dma source(%dma_start3A_81 : memref<10000x128xf32, #tpu.memory_space<hbm>>) target(%arg9 : memref<125x128xf32, #tpu.memory_space<vmem>>) offsets(%dma_start3A_78 : memref<125xi32, #tpu.memory_space<vmem>>) semaphore(%arg12 : memref<!tpu.dma_semaphore, #tpu.memory_space<semaphore_mem>>)
      %add3A_82 = arith.constant 1 : i32
      %add3A_83 = arith.addi %mul3A_58, %add3A_82 : i32
      %dma_wait3A_84 = arith.constant 0 : i32
      %dma_wait3A_85 = tpu.memref_slice %arg7[%add3A_83, %dma_wait3A_84] : memref<40x125xi32, #tpu.memory_space<vmem>> -> memref<1x125xi32, #tpu.memory_space<vmem>>
      %dma_wait3A_86 = tpu.memref_squeeze %dma_wait3A_85 : memref<1x125xi32, #tpu.memory_space<vmem>> -> memref<125xi32, #tpu.memory_space<vmem>>
      %dma_wait3A_87 = arith.constant 0 : i32
      %dma_wait3A_88 = arith.constant 0 : i32
      %dma_wait3A_89 = tpu.memref_slice %arg2[%dma_wait3A_87, %dma_wait3A_88] : memref<10000x128xf32, #tpu.memory_space<hbm>> -> memref<10000x128xf32, #tpu.memory_space<hbm>>
      tpu.wait_indirect_dma semaphore(%arg13 : memref<!tpu.dma_semaphore, #tpu.memory_space<semaphore_mem>>) src(%dma_wait3A_89 : memref<10000x128xf32, #tpu.memory_space<hbm>>) dst(%arg10 : memref<125x128xf32, #tpu.memory_space<vmem>>)
      %add3A_90 = arith.constant 1 : i32
      %add3A_91 = arith.addi %mul3A_58, %add3A_90 : i32
      "tpu.region"() ({
        %run_scoped3A = tpu.sem_alloc : memref<!tpu.dma_semaphore, #tpu.memory_space<semaphore_mem>>
        %dma_start3A_93 = arith.constant 0 : i32
        %dma_start3A_94 = tpu.memref_slice %arg8[%add3A_91, %dma_start3A_93] : memref<40x125xi32, #tpu.memory_space<vmem>> -> memref<1x125xi32, #tpu.memory_space<vmem>>
        %dma_start3A_95 = tpu.memref_squeeze %dma_start3A_94 : memref<1x125xi32, #tpu.memory_space<vmem>> -> memref<125xi32, #tpu.memory_space<vmem>>
        %dma_start3A_96 = arith.constant 0 : i32
        %dma_start3A_97 = arith.constant 0 : i32
        %dma_start3A_98 = tpu.memref_slice %arg11[%dma_start3A_96, %dma_start3A_97] : memref<10240x128xf32, #tpu.memory_space<vmem_shared>> -> memref<10240x128xf32, #tpu.memory_space<vmem_shared>>
        tpu.enqueue_indirect_dma source(%arg10 : memref<125x128xf32, #tpu.memory_space<vmem>>) target(%dma_start3A_98 : memref<10240x128xf32, #tpu.memory_space<vmem_shared>>) offsets(%dma_start3A_95 : memref<125xi32, #tpu.memory_space<vmem>>) semaphore(%run_scoped3A : memref<!tpu.dma_semaphore, #tpu.memory_space<semaphore_mem>>) {add = true}
        %dma_wait3A_99 = arith.constant 0 : i32
        %dma_wait3A_100 = tpu.memref_slice %arg8[%add3A_91, %dma_wait3A_99] : memref<40x125xi32, #tpu.memory_space<vmem>> -> memref<1x125xi32, #tpu.memory_space<vmem>>
        %dma_wait3A_101 = tpu.memref_squeeze %dma_wait3A_100 : memref<1x125xi32, #tpu.memory_space<vmem>> -> memref<125xi32, #tpu.memory_space<vmem>>
        %dma_wait3A_102 = arith.constant 0 : i32
        %dma_wait3A_103 = arith.constant 0 : i32
        %dma_wait3A_104 = tpu.memref_slice %arg11[%dma_wait3A_102, %dma_wait3A_103] : memref<10240x128xf32, #tpu.memory_space<vmem_shared>> -> memref<10240x128xf32, #tpu.memory_space<vmem_shared>>
        tpu.wait_indirect_dma semaphore(%run_scoped3A : memref<!tpu.dma_semaphore, #tpu.memory_space<semaphore_mem>>) src(%arg10 : memref<125x128xf32, #tpu.memory_space<vmem>>) dst(%dma_wait3A_104 : memref<10240x128xf32, #tpu.memory_space<vmem_shared>>)
        tpu.yield
      }) : () -> ()
      %scan3A_92 = arith.constant 0 : i32
      scf.yield %scan3A_92 : i32
    }
    %scan3A_18 = arith.constant 20 : i32
    %dma_wait3A = arith.constant 39 : i32
    %dma_wait3A_19 = arith.constant 0 : i32
    %dma_wait3A_20 = tpu.memref_slice %arg7[%dma_wait3A, %dma_wait3A_19] : memref<40x125xi32, #tpu.memory_space<vmem>> -> memref<1x125xi32, #tpu.memory_space<vmem>>
    %dma_wait3A_21 = tpu.memref_squeeze %dma_wait3A_20 : memref<1x125xi32, #tpu.memory_space<vmem>> -> memref<125xi32, #tpu.memory_space<vmem>>
    %dma_wait3A_22 = arith.constant 0 : i32
    %dma_wait3A_23 = arith.constant 0 : i32
    %dma_wait3A_24 = tpu.memref_slice %arg2[%dma_wait3A_22, %dma_wait3A_23] : memref<10000x128xf32, #tpu.memory_space<hbm>> -> memref<10000x128xf32, #tpu.memory_space<hbm>>
    tpu.wait_indirect_dma semaphore(%arg12 : memref<!tpu.dma_semaphore, #tpu.memory_space<semaphore_mem>>) src(%dma_wait3A_24 : memref<10000x128xf32, #tpu.memory_space<hbm>>) dst(%arg9 : memref<125x128xf32, #tpu.memory_space<vmem>>)
    %add3A_25 = arith.constant 40 : i32
    %add3A_26 = arith.addi %mul3A_6, %add3A_25 : i32
    "tpu.region"() ({
      %run_scoped3A = tpu.sem_alloc : memref<!tpu.dma_semaphore, #tpu.memory_space<semaphore_mem>>
      %dma_start3A_55 = arith.constant 0 : i32
      %dma_start3A_56 = tpu.memref_slice %arg3[%add3A_26, %dma_start3A_55] : memref<2560x125xi32, #tpu.memory_space<hbm>> -> memref<40x125xi32, #tpu.memory_space<hbm>>
      %dma_start3A_57 = arith.constant 0 : i32
      %dma_start3A_58 = tpu.memref_slice %arg3[%add3A_26, %dma_start3A_57] : memref<2560x125xi32, #tpu.memory_space<hbm>> -> memref<40x125xi32, #tpu.memory_space<hbm>>
      tpu.enqueue_dma source(%dma_start3A_58 : memref<40x125xi32, #tpu.memory_space<hbm>>) target(%arg7 : memref<40x125xi32, #tpu.memory_space<vmem>>) target_semaphore(%run_scoped3A : memref<!tpu.dma_semaphore, #tpu.memory_space<semaphore_mem>>)
      %dma_wait3A_59 = arith.constant 0 : i32
      %dma_wait3A_60 = tpu.memref_slice %arg3[%add3A_26, %dma_wait3A_59] : memref<2560x125xi32, #tpu.memory_space<hbm>> -> memref<40x125xi32, #tpu.memory_space<hbm>>
      %dma_wait3A_61 = arith.constant 0 : i32
      %dma_wait3A_62 = tpu.memref_slice %arg3[%add3A_26, %dma_wait3A_61] : memref<2560x125xi32, #tpu.memory_space<hbm>> -> memref<40x125xi32, #tpu.memory_space<hbm>>
      tpu.wait_dma2 semaphore(%run_scoped3A : memref<!tpu.dma_semaphore, #tpu.memory_space<semaphore_mem>>) src(%dma_wait3A_62 : memref<40x125xi32, #tpu.memory_space<hbm>>) dst(%arg7 : memref<40x125xi32, #tpu.memory_space<vmem>>)
      tpu.yield
    }) : () -> ()
    %add3A_27 = arith.constant 40 : i32
    %add3A_28 = arith.addi %mul3A_6, %add3A_27 : i32
    "tpu.region"() ({
      %run_scoped3A = tpu.sem_alloc : memref<!tpu.dma_semaphore, #tpu.memory_space<semaphore_mem>>
      %dma_start3A_55 = arith.constant 0 : i32
      %dma_start3A_56 = tpu.memref_slice %arg4[%add3A_28, %dma_start3A_55] : memref<2560x125xi32, #tpu.memory_space<hbm>> -> memref<40x125xi32, #tpu.memory_space<hbm>>
      %dma_start3A_57 = arith.constant 0 : i32
      %dma_start3A_58 = tpu.memref_slice %arg4[%add3A_28, %dma_start3A_57] : memref<2560x125xi32, #tpu.memory_space<hbm>> -> memref<40x125xi32, #tpu.memory_space<hbm>>
      tpu.enqueue_dma source(%dma_start3A_58 : memref<40x125xi32, #tpu.memory_space<hbm>>) target(%arg8 : memref<40x125xi32, #tpu.memory_space<vmem>>) target_semaphore(%run_scoped3A : memref<!tpu.dma_semaphore, #tpu.memory_space<semaphore_mem>>)
      %dma_wait3A_59 = arith.constant 0 : i32
      %dma_wait3A_60 = tpu.memref_slice %arg4[%add3A_28, %dma_wait3A_59] : memref<2560x125xi32, #tpu.memory_space<hbm>> -> memref<40x125xi32, #tpu.memory_space<hbm>>
      %dma_wait3A_61 = arith.constant 0 : i32
      %dma_wait3A_62 = tpu.memref_slice %arg4[%add3A_28, %dma_wait3A_61] : memref<2560x125xi32, #tpu.memory_space<hbm>> -> memref<40x125xi32, #tpu.memory_space<hbm>>
      tpu.wait_dma2 semaphore(%run_scoped3A : memref<!tpu.dma_semaphore, #tpu.memory_space<semaphore_mem>>) src(%dma_wait3A_62 : memref<40x125xi32, #tpu.memory_space<hbm>>) dst(%arg8 : memref<40x125xi32, #tpu.memory_space<vmem>>)
      tpu.yield
    }) : () -> ()
    %dma_start3A_29 = arith.constant 0 : i32
    %dma_start3A_30 = arith.constant 0 : i32
    %dma_start3A_31 = tpu.memref_slice %arg7[%dma_start3A_29, %dma_start3A_30] : memref<40x125xi32, #tpu.memory_space<vmem>> -> memref<1x125xi32, #tpu.memory_space<vmem>>
    %dma_start3A_32 = tpu.memref_squeeze %dma_start3A_31 : memref<1x125xi32, #tpu.memory_space<vmem>> -> memref<125xi32, #tpu.memory_space<vmem>>
    %dma_start3A_33 = arith.constant 0 : i32
    %dma_start3A_34 = arith.constant 0 : i32
    %dma_start3A_35 = tpu.memref_slice %arg2[%dma_start3A_33, %dma_start3A_34] : memref<10000x128xf32, #tpu.memory_space<hbm>> -> memref<10000x128xf32, #tpu.memory_space<hbm>>
    tpu.enqueue_indirect_dma source(%dma_start3A_35 : memref<10000x128xf32, #tpu.memory_space<hbm>>) target(%arg9 : memref<125x128xf32, #tpu.memory_space<vmem>>) offsets(%dma_start3A_32 : memref<125xi32, #tpu.memory_space<vmem>>) semaphore(%arg12 : memref<!tpu.dma_semaphore, #tpu.memory_space<semaphore_mem>>)
    %scan3A_36 = arith.constant 0 : i32
    %scan3A_37 = arith.constant 0 : i32
    %scan3A_38 = arith.constant 20 : i32
    %scan3A_39 = arith.addi %scan3A_37, %scan3A_38 : i32
    %scan3A_40 = arith.constant 1 : i32
    %scan3A_41 = scf.for %scan3A_55 = %scan3A_37 to %scan3A_39 step %scan3A_40 iter_args(%scan3A_56 = %scan3A_36) -> (i32)  : i32 {
      %mul3A_57 = arith.constant 2 : i32
      %mul3A_58 = arith.muli %mul3A_57, %scan3A_55 : i32
      %add3A_59 = arith.constant 1 : i32
      %add3A_60 = arith.addi %mul3A_58, %add3A_59 : i32
      %dma_start3A_61 = arith.constant 0 : i32
      %dma_start3A_62 = tpu.memref_slice %arg7[%add3A_60, %dma_start3A_61] : memref<40x125xi32, #tpu.memory_space<vmem>> -> memref<1x125xi32, #tpu.memory_space<vmem>>
      %dma_start3A_63 = tpu.memref_squeeze %dma_start3A_62 : memref<1x125xi32, #tpu.memory_space<vmem>> -> memref<125xi32, #tpu.memory_space<vmem>>
      %dma_start3A_64 = arith.constant 0 : i32
      %dma_start3A_65 = arith.constant 0 : i32
      %dma_start3A_66 = tpu.memref_slice %arg2[%dma_start3A_64, %dma_start3A_65] : memref<10000x128xf32, #tpu.memory_space<hbm>> -> memref<10000x128xf32, #tpu.memory_space<hbm>>
      tpu.enqueue_indirect_dma source(%dma_start3A_66 : memref<10000x128xf32, #tpu.memory_space<hbm>>) target(%arg10 : memref<125x128xf32, #tpu.memory_space<vmem>>) offsets(%dma_start3A_63 : memref<125xi32, #tpu.memory_space<vmem>>) semaphore(%arg13 : memref<!tpu.dma_semaphore, #tpu.memory_space<semaphore_mem>>)
      %dma_wait3A_67 = arith.constant 0 : i32
      %dma_wait3A_68 = tpu.memref_slice %arg7[%mul3A_58, %dma_wait3A_67] : memref<40x125xi32, #tpu.memory_space<vmem>> -> memref<1x125xi32, #tpu.memory_space<vmem>>
      %dma_wait3A_69 = tpu.memref_squeeze %dma_wait3A_68 : memref<1x125xi32, #tpu.memory_space<vmem>> -> memref<125xi32, #tpu.memory_space<vmem>>
      %dma_wait3A_70 = arith.constant 0 : i32
      %dma_wait3A_71 = arith.constant 0 : i32
      %dma_wait3A_72 = tpu.memref_slice %arg2[%dma_wait3A_70, %dma_wait3A_71] : memref<10000x128xf32, #tpu.memory_space<hbm>> -> memref<10000x128xf32, #tpu.memory_space<hbm>>
      tpu.wait_indirect_dma semaphore(%arg12 : memref<!tpu.dma_semaphore, #tpu.memory_space<semaphore_mem>>) src(%dma_wait3A_72 : memref<10000x128xf32, #tpu.memory_space<hbm>>) dst(%arg9 : memref<125x128xf32, #tpu.memory_space<vmem>>)
      "tpu.region"() ({
        %run_scoped3A = tpu.sem_alloc : memref<!tpu.dma_semaphore, #tpu.memory_space<semaphore_mem>>
        %dma_start3A_93 = arith.constant 0 : i32
        %dma_start3A_94 = tpu.memref_slice %arg8[%mul3A_58, %dma_start3A_93] : memref<40x125xi32, #tpu.memory_space<vmem>> -> memref<1x125xi32, #tpu.memory_space<vmem>>
        %dma_start3A_95 = tpu.memref_squeeze %dma_start3A_94 : memref<1x125xi32, #tpu.memory_space<vmem>> -> memref<125xi32, #tpu.memory_space<vmem>>
        %dma_start3A_96 = arith.constant 0 : i32
        %dma_start3A_97 = arith.constant 0 : i32
        %dma_start3A_98 = tpu.memref_slice %arg11[%dma_start3A_96, %dma_start3A_97] : memref<10240x128xf32, #tpu.memory_space<vmem_shared>> -> memref<10240x128xf32, #tpu.memory_space<vmem_shared>>
        tpu.enqueue_indirect_dma source(%arg9 : memref<125x128xf32, #tpu.memory_space<vmem>>) target(%dma_start3A_98 : memref<10240x128xf32, #tpu.memory_space<vmem_shared>>) offsets(%dma_start3A_95 : memref<125xi32, #tpu.memory_space<vmem>>) semaphore(%run_scoped3A : memref<!tpu.dma_semaphore, #tpu.memory_space<semaphore_mem>>) {add = true}
        %dma_wait3A_99 = arith.constant 0 : i32
        %dma_wait3A_100 = tpu.memref_slice %arg8[%mul3A_58, %dma_wait3A_99] : memref<40x125xi32, #tpu.memory_space<vmem>> -> memref<1x125xi32, #tpu.memory_space<vmem>>
        %dma_wait3A_101 = tpu.memref_squeeze %dma_wait3A_100 : memref<1x125xi32, #tpu.memory_space<vmem>> -> memref<125xi32, #tpu.memory_space<vmem>>
        %dma_wait3A_102 = arith.constant 0 : i32
        %dma_wait3A_103 = arith.constant 0 : i32
        %dma_wait3A_104 = tpu.memref_slice %arg11[%dma_wait3A_102, %dma_wait3A_103] : memref<10240x128xf32, #tpu.memory_space<vmem_shared>> -> memref<10240x128xf32, #tpu.memory_space<vmem_shared>>
        tpu.wait_indirect_dma semaphore(%run_scoped3A : memref<!tpu.dma_semaphore, #tpu.memory_space<semaphore_mem>>) src(%arg9 : memref<125x128xf32, #tpu.memory_space<vmem>>) dst(%dma_wait3A_104 : memref<10240x128xf32, #tpu.memory_space<vmem_shared>>)
        tpu.yield
      }) : () -> ()
      %add3A_73 = arith.constant 2 : i32
      %add3A_74 = arith.addi %mul3A_58, %add3A_73 : i32
      %min3A = arith.constant 39 : i32
      %min3A_75 = arith.minsi %add3A_74, %min3A : i32
      %dma_start3A_76 = arith.constant 0 : i32
      %dma_start3A_77 = tpu.memref_slice %arg7[%min3A_75, %dma_start3A_76] : memref<40x125xi32, #tpu.memory_space<vmem>> -> memref<1x125xi32, #tpu.memory_space<vmem>>
      %dma_start3A_78 = tpu.memref_squeeze %dma_start3A_77 : memref<1x125xi32, #tpu.memory_space<vmem>> -> memref<125xi32, #tpu.memory_space<vmem>>
      %dma_start3A_79 = arith.constant 0 : i32
      %dma_start3A_80 = arith.constant 0 : i32
      %dma_start3A_81 = tpu.memref_slice %arg2[%dma_start3A_79, %dma_start3A_80] : memref<10000x128xf32, #tpu.memory_space<hbm>> -> memref<10000x128xf32, #tpu.memory_space<hbm>>
      tpu.enqueue_indirect_dma source(%dma_start3A_81 : memref<10000x128xf32, #tpu.memory_space<hbm>>) target(%arg9 : memref<125x128xf32, #tpu.memory_space<vmem>>) offsets(%dma_start3A_78 : memref<125xi32, #tpu.memory_space<vmem>>) semaphore(%arg12 : memref<!tpu.dma_semaphore, #tpu.memory_space<semaphore_mem>>)
      %add3A_82 = arith.constant 1 : i32
      %add3A_83 = arith.addi %mul3A_58, %add3A_82 : i32
      %dma_wait3A_84 = arith.constant 0 : i32
      %dma_wait3A_85 = tpu.memref_slice %arg7[%add3A_83, %dma_wait3A_84] : memref<40x125xi32, #tpu.memory_space<vmem>> -> memref<1x125xi32, #tpu.memory_space<vmem>>
      %dma_wait3A_86 = tpu.memref_squeeze %dma_wait3A_85 : memref<1x125xi32, #tpu.memory_space<vmem>> -> memref<125xi32, #tpu.memory_space<vmem>>
      %dma_wait3A_87 = arith.constant 0 : i32
      %dma_wait3A_88 = arith.constant 0 : i32
      %dma_wait3A_89 = tpu.memref_slice %arg2[%dma_wait3A_87, %dma_wait3A_88] : memref<10000x128xf32, #tpu.memory_space<hbm>> -> memref<10000x128xf32, #tpu.memory_space<hbm>>
      tpu.wait_indirect_dma semaphore(%arg13 : memref<!tpu.dma_semaphore, #tpu.memory_space<semaphore_mem>>) src(%dma_wait3A_89 : memref<10000x128xf32, #tpu.memory_space<hbm>>) dst(%arg10 : memref<125x128xf32, #tpu.memory_space<vmem>>)
      %add3A_90 = arith.constant 1 : i32
      %add3A_91 = arith.addi %mul3A_58, %add3A_90 : i32
      "tpu.region"() ({
        %run_scoped3A = tpu.sem_alloc : memref<!tpu.dma_semaphore, #tpu.memory_space<semaphore_mem>>
        %dma_start3A_93 = arith.constant 0 : i32
        %dma_start3A_94 = tpu.memref_slice %arg8[%add3A_91, %dma_start3A_93] : memref<40x125xi32, #tpu.memory_space<vmem>> -> memref<1x125xi32, #tpu.memory_space<vmem>>
        %dma_start3A_95 = tpu.memref_squeeze %dma_start3A_94 : memref<1x125xi32, #tpu.memory_space<vmem>> -> memref<125xi32, #tpu.memory_space<vmem>>
        %dma_start3A_96 = arith.constant 0 : i32
        %dma_start3A_97 = arith.constant 0 : i32
        %dma_start3A_98 = tpu.memref_slice %arg11[%dma_start3A_96, %dma_start3A_97] : memref<10240x128xf32, #tpu.memory_space<vmem_shared>> -> memref<10240x128xf32, #tpu.memory_space<vmem_shared>>
        tpu.enqueue_indirect_dma source(%arg10 : memref<125x128xf32, #tpu.memory_space<vmem>>) target(%dma_start3A_98 : memref<10240x128xf32, #tpu.memory_space<vmem_shared>>) offsets(%dma_start3A_95 : memref<125xi32, #tpu.memory_space<vmem>>) semaphore(%run_scoped3A : memref<!tpu.dma_semaphore, #tpu.memory_space<semaphore_mem>>) {add = true}
        %dma_wait3A_99 = arith.constant 0 : i32
        %dma_wait3A_100 = tpu.memref_slice %arg8[%add3A_91, %dma_wait3A_99] : memref<40x125xi32, #tpu.memory_space<vmem>> -> memref<1x125xi32, #tpu.memory_space<vmem>>
        %dma_wait3A_101 = tpu.memref_squeeze %dma_wait3A_100 : memref<1x125xi32, #tpu.memory_space<vmem>> -> memref<125xi32, #tpu.memory_space<vmem>>
        %dma_wait3A_102 = arith.constant 0 : i32
        %dma_wait3A_103 = arith.constant 0 : i32
        %dma_wait3A_104 = tpu.memref_slice %arg11[%dma_wait3A_102, %dma_wait3A_103] : memref<10240x128xf32, #tpu.memory_space<vmem_shared>> -> memref<10240x128xf32, #tpu.memory_space<vmem_shared>>
        tpu.wait_indirect_dma semaphore(%run_scoped3A : memref<!tpu.dma_semaphore, #tpu.memory_space<semaphore_mem>>) src(%arg10 : memref<125x128xf32, #tpu.memory_space<vmem>>) dst(%dma_wait3A_104 : memref<10240x128xf32, #tpu.memory_space<vmem_shared>>)
        tpu.yield
      }) : () -> ()
      %scan3A_92 = arith.constant 0 : i32
      scf.yield %scan3A_92 : i32
    }
    %scan3A_42 = arith.constant 20 : i32
    %dma_wait3A_43 = arith.constant 39 : i32
    %dma_wait3A_44 = arith.constant 0 : i32
    %dma_wait3A_45 = tpu.memref_slice %arg7[%dma_wait3A_43, %dma_wait3A_44] : memref<40x125xi32, #tpu.memory_space<vmem>> -> memref<1x125xi32, #tpu.memory_space<vmem>>
    %dma_wait3A_46 = tpu.memref_squeeze %dma_wait3A_45 : memref<1x125xi32, #tpu.memory_space<vmem>> -> memref<125xi32, #tpu.memory_space<vmem>>
    %dma_wait3A_47 = arith.constant 0 : i32
    %dma_wait3A_48 = arith.constant 0 : i32
    %dma_wait3A_49 = tpu.memref_slice %arg2[%dma_wait3A_47, %dma_wait3A_48] : memref<10000x128xf32, #tpu.memory_space<hbm>> -> memref<10000x128xf32, #tpu.memory_space<hbm>>
    tpu.wait_indirect_dma semaphore(%arg12 : memref<!tpu.dma_semaphore, #tpu.memory_space<semaphore_mem>>) src(%dma_wait3A_49 : memref<10000x128xf32, #tpu.memory_space<hbm>>) dst(%arg9 : memref<125x128xf32, #tpu.memory_space<vmem>>)
    %barrier3A_50 = arith.constant 0 : index
    tpu.barrier barrier_id(%barrier3A_50)
    %mul3A_51 = arith.constant 640 : i32
    %mul3A_52 = arith.muli %arg1, %mul3A_51 : i32
    %mul3A_53 = arith.constant 640 : i32
    %mul3A_54 = arith.muli %arg1, %mul3A_53 : i32
    "tpu.region"() ({
      %run_scoped3A = tpu.sem_alloc : memref<!tpu.dma_semaphore, #tpu.memory_space<semaphore_mem>>
      %dma_start3A_55 = arith.constant 0 : i32
      %dma_start3A_56 = tpu.memref_slice %arg6[%arg0, %mul3A_54, %dma_start3A_55] : memref<2x10240x128xf32, #tpu.memory_space<hbm>> -> memref<1x640x128xf32, #tpu.memory_space<hbm>>
      %dma_start3A_57 = tpu.memref_squeeze %dma_start3A_56 : memref<1x640x128xf32, #tpu.memory_space<hbm>> -> memref<640x128xf32, #tpu.memory_space<hbm>>
      %dma_start3A_58 = arith.constant 0 : i32
      %dma_start3A_59 = tpu.memref_slice %arg11[%mul3A_52, %dma_start3A_58] : memref<10240x128xf32, #tpu.memory_space<vmem_shared>> -> memref<640x128xf32, #tpu.memory_space<vmem_shared>>
      tpu.enqueue_dma source(%dma_start3A_59 : memref<640x128xf32, #tpu.memory_space<vmem_shared>>) target(%dma_start3A_57 : memref<640x128xf32, #tpu.memory_space<hbm>>) target_semaphore(%run_scoped3A : memref<!tpu.dma_semaphore, #tpu.memory_space<semaphore_mem>>)
      %dma_wait3A_60 = arith.constant 0 : i32
      %dma_wait3A_61 = tpu.memref_slice %arg6[%arg0, %mul3A_54, %dma_wait3A_60] : memref<2x10240x128xf32, #tpu.memory_space<hbm>> -> memref<1x640x128xf32, #tpu.memory_space<hbm>>
      %dma_wait3A_62 = tpu.memref_squeeze %dma_wait3A_61 : memref<1x640x128xf32, #tpu.memory_space<hbm>> -> memref<640x128xf32, #tpu.memory_space<hbm>>
      %dma_wait3A_63 = arith.constant 0 : i32
      %dma_wait3A_64 = tpu.memref_slice %arg11[%mul3A_52, %dma_wait3A_63] : memref<10240x128xf32, #tpu.memory_space<vmem_shared>> -> memref<640x128xf32, #tpu.memory_space<vmem_shared>>
      tpu.wait_dma2 semaphore(%run_scoped3A : memref<!tpu.dma_semaphore, #tpu.memory_space<semaphore_mem>>) src(%dma_wait3A_64 : memref<640x128xf32, #tpu.memory_space<vmem_shared>>) dst(%dma_wait3A_62 : memref<640x128xf32, #tpu.memory_space<hbm>>)
      tpu.yield
    }) : () -> ()
    return
  }
}

#map = affine_map<(d0, d1) -> (0, 0)>
#map1 = affine_map<(d0, d1) -> (0, 0, 0)>
module attributes {stable_mosaic.version = 14 : i64} {
  func.func @_prop_kernel(%arg0: i32, %arg1: i32, %arg2: memref<10000x128xf32, #tpu.memory_space<hbm>>, %arg3: memref<2560x125xi32, #tpu.memory_space<hbm>>, %arg4: memref<2560x125xi32, #tpu.memory_space<hbm>>, %arg5: memref<10240x128xf32, #tpu.memory_space<hbm>>, %arg6: memref<2x10240x128xf32, #tpu.memory_space<hbm>>, %arg7: memref<40x125xi32, #tpu.memory_space<vmem>>, %arg8: memref<40x125xi32, #tpu.memory_space<vmem>>, %arg9: memref<125x128xf32, #tpu.memory_space<vmem>>, %arg10: memref<125x128xf32, #tpu.memory_space<vmem>>, %arg11: memref<10240x128xf32, #tpu.memory_space<vmem_shared>>, %arg12: memref<!tpu.dma_semaphore, #tpu.memory_space<semaphore_mem>>, %arg13: memref<!tpu.dma_semaphore, #tpu.memory_space<semaphore_mem>>) attributes {dimension_semantics = [#tpu.dimension_semantics<core_parallel>, #tpu.dimension_semantics<subcore_parallel>], iteration_bounds = array<i64: 2, 16>, scalar_prefetch = 0 : i64, scratch_operands = 7 : i64, tpu.core_type = #tpu.core_type<sc_vector_subcore>, window_params = [{transform_indices = #map}, {transform_indices = #map}, {transform_indices = #map}, {transform_indices = #map}, {transform_indices = #map1}]} {
    %mul3A = arith.constant 640 : i32
    %mul3A_0 = arith.muli %arg1, %mul3A : i32
    %mul3A_1 = arith.constant 640 : i32
    %mul3A_2 = arith.muli %arg1, %mul3A_1 : i32
    "tpu.region"() ({
      %run_scoped3A = tpu.sem_alloc : memref<!tpu.dma_semaphore, #tpu.memory_space<semaphore_mem>>
      %dma_start3A_55 = arith.constant 0 : i32
      %dma_start3A_56 = tpu.memref_slice %arg11[%mul3A_2, %dma_start3A_55] : memref<10240x128xf32, #tpu.memory_space<vmem_shared>> -> memref<640x128xf32, #tpu.memory_space<vmem_shared>>
      %dma_start3A_57 = arith.constant 0 : i32
      %dma_start3A_58 = tpu.memref_slice %arg5[%mul3A_0, %dma_start3A_57] : memref<10240x128xf32, #tpu.memory_space<hbm>> -> memref<640x128xf32, #tpu.memory_space<hbm>>
      tpu.enqueue_dma source(%dma_start3A_58 : memref<640x128xf32, #tpu.memory_space<hbm>>) target(%dma_start3A_56 : memref<640x128xf32, #tpu.memory_space<vmem_shared>>) target_semaphore(%run_scoped3A : memref<!tpu.dma_semaphore, #tpu.memory_space<semaphore_mem>>)
      %dma_wait3A_59 = arith.constant 0 : i32
      %dma_wait3A_60 = tpu.memref_slice %arg11[%mul3A_2, %dma_wait3A_59] : memref<10240x128xf32, #tpu.memory_space<vmem_shared>> -> memref<640x128xf32, #tpu.memory_space<vmem_shared>>
      %dma_wait3A_61 = arith.constant 0 : i32
      %dma_wait3A_62 = tpu.memref_slice %arg5[%mul3A_0, %dma_wait3A_61] : memref<10240x128xf32, #tpu.memory_space<hbm>> -> memref<640x128xf32, #tpu.memory_space<hbm>>
      tpu.wait_dma2 semaphore(%run_scoped3A : memref<!tpu.dma_semaphore, #tpu.memory_space<semaphore_mem>>) src(%dma_wait3A_62 : memref<640x128xf32, #tpu.memory_space<hbm>>) dst(%dma_wait3A_60 : memref<640x128xf32, #tpu.memory_space<vmem_shared>>)
      tpu.yield
    }) : () -> ()
    %mul3A_3 = arith.constant 16 : i32
    %mul3A_4 = arith.muli %arg0, %mul3A_3 : i32
    %add3A = arith.addi %mul3A_4, %arg1 : i32
    %mul3A_5 = arith.constant 80 : i32
    %mul3A_6 = arith.muli %add3A, %mul3A_5 : i32
    "tpu.region"() ({
      %run_scoped3A = tpu.sem_alloc : memref<!tpu.dma_semaphore, #tpu.memory_space<semaphore_mem>>
      %dma_start3A_55 = arith.constant 0 : i32
      %dma_start3A_56 = tpu.memref_slice %arg3[%mul3A_6, %dma_start3A_55] : memref<2560x125xi32, #tpu.memory_space<hbm>> -> memref<40x125xi32, #tpu.memory_space<hbm>>
      %dma_start3A_57 = arith.constant 0 : i32
      %dma_start3A_58 = tpu.memref_slice %arg3[%mul3A_6, %dma_start3A_57] : memref<2560x125xi32, #tpu.memory_space<hbm>> -> memref<40x125xi32, #tpu.memory_space<hbm>>
      tpu.enqueue_dma source(%dma_start3A_58 : memref<40x125xi32, #tpu.memory_space<hbm>>) target(%arg7 : memref<40x125xi32, #tpu.memory_space<vmem>>) target_semaphore(%run_scoped3A : memref<!tpu.dma_semaphore, #tpu.memory_space<semaphore_mem>>)
      %dma_wait3A_59 = arith.constant 0 : i32
      %dma_wait3A_60 = tpu.memref_slice %arg3[%mul3A_6, %dma_wait3A_59] : memref<2560x125xi32, #tpu.memory_space<hbm>> -> memref<40x125xi32, #tpu.memory_space<hbm>>
      %dma_wait3A_61 = arith.constant 0 : i32
      %dma_wait3A_62 = tpu.memref_slice %arg3[%mul3A_6, %dma_wait3A_61] : memref<2560x125xi32, #tpu.memory_space<hbm>> -> memref<40x125xi32, #tpu.memory_space<hbm>>
      tpu.wait_dma2 semaphore(%run_scoped3A : memref<!tpu.dma_semaphore, #tpu.memory_space<semaphore_mem>>) src(%dma_wait3A_62 : memref<40x125xi32, #tpu.memory_space<hbm>>) dst(%arg7 : memref<40x125xi32, #tpu.memory_space<vmem>>)
      tpu.yield
    }) : () -> ()
    "tpu.region"() ({
      %run_scoped3A = tpu.sem_alloc : memref<!tpu.dma_semaphore, #tpu.memory_space<semaphore_mem>>
      %dma_start3A_55 = arith.constant 0 : i32
      %dma_start3A_56 = tpu.memref_slice %arg4[%mul3A_6, %dma_start3A_55] : memref<2560x125xi32, #tpu.memory_space<hbm>> -> memref<40x125xi32, #tpu.memory_space<hbm>>
      %dma_start3A_57 = arith.constant 0 : i32
      %dma_start3A_58 = tpu.memref_slice %arg4[%mul3A_6, %dma_start3A_57] : memref<2560x125xi32, #tpu.memory_space<hbm>> -> memref<40x125xi32, #tpu.memory_space<hbm>>
      tpu.enqueue_dma source(%dma_start3A_58 : memref<40x125xi32, #tpu.memory_space<hbm>>) target(%arg8 : memref<40x125xi32, #tpu.memory_space<vmem>>) target_semaphore(%run_scoped3A : memref<!tpu.dma_semaphore, #tpu.memory_space<semaphore_mem>>)
      %dma_wait3A_59 = arith.constant 0 : i32
      %dma_wait3A_60 = tpu.memref_slice %arg4[%mul3A_6, %dma_wait3A_59] : memref<2560x125xi32, #tpu.memory_space<hbm>> -> memref<40x125xi32, #tpu.memory_space<hbm>>
      %dma_wait3A_61 = arith.constant 0 : i32
      %dma_wait3A_62 = tpu.memref_slice %arg4[%mul3A_6, %dma_wait3A_61] : memref<2560x125xi32, #tpu.memory_space<hbm>> -> memref<40x125xi32, #tpu.memory_space<hbm>>
      tpu.wait_dma2 semaphore(%run_scoped3A : memref<!tpu.dma_semaphore, #tpu.memory_space<semaphore_mem>>) src(%dma_wait3A_62 : memref<40x125xi32, #tpu.memory_space<hbm>>) dst(%arg8 : memref<40x125xi32, #tpu.memory_space<vmem>>)
      tpu.yield
    }) : () -> ()
    %barrier3A = arith.constant 0 : index
    tpu.barrier barrier_id(%barrier3A)
    %dma_start3A = arith.constant 0 : i32
    %dma_start3A_7 = arith.constant 0 : i32
    %dma_start3A_8 = tpu.memref_slice %arg7[%dma_start3A, %dma_start3A_7] : memref<40x125xi32, #tpu.memory_space<vmem>> -> memref<1x125xi32, #tpu.memory_space<vmem>>
    %dma_start3A_9 = tpu.memref_squeeze %dma_start3A_8 : memref<1x125xi32, #tpu.memory_space<vmem>> -> memref<125xi32, #tpu.memory_space<vmem>>
    %dma_start3A_10 = arith.constant 0 : i32
    %dma_start3A_11 = arith.constant 0 : i32
    %dma_start3A_12 = tpu.memref_slice %arg2[%dma_start3A_10, %dma_start3A_11] : memref<10000x128xf32, #tpu.memory_space<hbm>> -> memref<10000x128xf32, #tpu.memory_space<hbm>>
    tpu.enqueue_indirect_dma source(%dma_start3A_12 : memref<10000x128xf32, #tpu.memory_space<hbm>>) target(%arg9 : memref<125x128xf32, #tpu.memory_space<vmem>>) offsets(%dma_start3A_9 : memref<125xi32, #tpu.memory_space<vmem>>) semaphore(%arg12 : memref<!tpu.dma_semaphore, #tpu.memory_space<semaphore_mem>>)
    %scan3A = arith.constant 0 : i32
    %scan3A_13 = arith.constant 0 : i32
    %scan3A_14 = arith.constant 20 : i32
    %scan3A_15 = arith.addi %scan3A_13, %scan3A_14 : i32
    %scan3A_16 = arith.constant 1 : i32
    %scan3A_17 = scf.for %scan3A_55 = %scan3A_13 to %scan3A_15 step %scan3A_16 iter_args(%scan3A_56 = %scan3A) -> (i32)  : i32 {
      %mul3A_57 = arith.constant 2 : i32
      %mul3A_58 = arith.muli %mul3A_57, %scan3A_55 : i32
      %add3A_59 = arith.constant 1 : i32
      %add3A_60 = arith.addi %mul3A_58, %add3A_59 : i32
      %dma_start3A_61 = arith.constant 0 : i32
      %dma_start3A_62 = tpu.memref_slice %arg7[%add3A_60, %dma_start3A_61] : memref<40x125xi32, #tpu.memory_space<vmem>> -> memref<1x125xi32, #tpu.memory_space<vmem>>
      %dma_start3A_63 = tpu.memref_squeeze %dma_start3A_62 : memref<1x125xi32, #tpu.memory_space<vmem>> -> memref<125xi32, #tpu.memory_space<vmem>>
      %dma_start3A_64 = arith.constant 0 : i32
      %dma_start3A_65 = arith.constant 0 : i32
      %dma_start3A_66 = tpu.memref_slice %arg2[%dma_start3A_64, %dma_start3A_65] : memref<10000x128xf32, #tpu.memory_space<hbm>> -> memref<10000x128xf32, #tpu.memory_space<hbm>>
      tpu.enqueue_indirect_dma source(%dma_start3A_66 : memref<10000x128xf32, #tpu.memory_space<hbm>>) target(%arg10 : memref<125x128xf32, #tpu.memory_space<vmem>>) offsets(%dma_start3A_63 : memref<125xi32, #tpu.memory_space<vmem>>) semaphore(%arg13 : memref<!tpu.dma_semaphore, #tpu.memory_space<semaphore_mem>>)
      %dma_wait3A_67 = arith.constant 0 : i32
      %dma_wait3A_68 = tpu.memref_slice %arg7[%mul3A_58, %dma_wait3A_67] : memref<40x125xi32, #tpu.memory_space<vmem>> -> memref<1x125xi32, #tpu.memory_space<vmem>>
      %dma_wait3A_69 = tpu.memref_squeeze %dma_wait3A_68 : memref<1x125xi32, #tpu.memory_space<vmem>> -> memref<125xi32, #tpu.memory_space<vmem>>
      %dma_wait3A_70 = arith.constant 0 : i32
      %dma_wait3A_71 = arith.constant 0 : i32
      %dma_wait3A_72 = tpu.memref_slice %arg2[%dma_wait3A_70, %dma_wait3A_71] : memref<10000x128xf32, #tpu.memory_space<hbm>> -> memref<10000x128xf32, #tpu.memory_space<hbm>>
      tpu.wait_indirect_dma semaphore(%arg12 : memref<!tpu.dma_semaphore, #tpu.memory_space<semaphore_mem>>) src(%dma_wait3A_72 : memref<10000x128xf32, #tpu.memory_space<hbm>>) dst(%arg9 : memref<125x128xf32, #tpu.memory_space<vmem>>)
      "tpu.region"() ({
        %run_scoped3A = tpu.sem_alloc : memref<!tpu.dma_semaphore, #tpu.memory_space<semaphore_mem>>
        %dma_start3A_93 = arith.constant 0 : i32
        %dma_start3A_94 = tpu.memref_slice %arg8[%mul3A_58, %dma_start3A_93] : memref<40x125xi32, #tpu.memory_space<vmem>> -> memref<1x125xi32, #tpu.memory_space<vmem>>
        %dma_start3A_95 = tpu.memref_squeeze %dma_start3A_94 : memref<1x125xi32, #tpu.memory_space<vmem>> -> memref<125xi32, #tpu.memory_space<vmem>>
        %dma_start3A_96 = arith.constant 0 : i32
        %dma_start3A_97 = arith.constant 0 : i32
        %dma_start3A_98 = tpu.memref_slice %arg11[%dma_start3A_96, %dma_start3A_97] : memref<10240x128xf32, #tpu.memory_space<vmem_shared>> -> memref<10240x128xf32, #tpu.memory_space<vmem_shared>>
        tpu.enqueue_indirect_dma source(%arg9 : memref<125x128xf32, #tpu.memory_space<vmem>>) target(%dma_start3A_98 : memref<10240x128xf32, #tpu.memory_space<vmem_shared>>) offsets(%dma_start3A_95 : memref<125xi32, #tpu.memory_space<vmem>>) semaphore(%run_scoped3A : memref<!tpu.dma_semaphore, #tpu.memory_space<semaphore_mem>>) {add = true}
        %dma_wait3A_99 = arith.constant 0 : i32
        %dma_wait3A_100 = tpu.memref_slice %arg8[%mul3A_58, %dma_wait3A_99] : memref<40x125xi32, #tpu.memory_space<vmem>> -> memref<1x125xi32, #tpu.memory_space<vmem>>
        %dma_wait3A_101 = tpu.memref_squeeze %dma_wait3A_100 : memref<1x125xi32, #tpu.memory_space<vmem>> -> memref<125xi32, #tpu.memory_space<vmem>>
        %dma_wait3A_102 = arith.constant 0 : i32
        %dma_wait3A_103 = arith.constant 0 : i32
        %dma_wait3A_104 = tpu.memref_slice %arg11[%dma_wait3A_102, %dma_wait3A_103] : memref<10240x128xf32, #tpu.memory_space<vmem_shared>> -> memref<10240x128xf32, #tpu.memory_space<vmem_shared>>
        tpu.wait_indirect_dma semaphore(%run_scoped3A : memref<!tpu.dma_semaphore, #tpu.memory_space<semaphore_mem>>) src(%arg9 : memref<125x128xf32, #tpu.memory_space<vmem>>) dst(%dma_wait3A_104 : memref<10240x128xf32, #tpu.memory_space<vmem_shared>>)
        tpu.yield
      }) : () -> ()
      %add3A_73 = arith.constant 2 : i32
      %add3A_74 = arith.addi %mul3A_58, %add3A_73 : i32
      %min3A = arith.constant 39 : i32
      %min3A_75 = arith.minsi %add3A_74, %min3A : i32
      %dma_start3A_76 = arith.constant 0 : i32
      %dma_start3A_77 = tpu.memref_slice %arg7[%min3A_75, %dma_start3A_76] : memref<40x125xi32, #tpu.memory_space<vmem>> -> memref<1x125xi32, #tpu.memory_space<vmem>>
      %dma_start3A_78 = tpu.memref_squeeze %dma_start3A_77 : memref<1x125xi32, #tpu.memory_space<vmem>> -> memref<125xi32, #tpu.memory_space<vmem>>
      %dma_start3A_79 = arith.constant 0 : i32
      %dma_start3A_80 = arith.constant 0 : i32
      %dma_start3A_81 = tpu.memref_slice %arg2[%dma_start3A_79, %dma_start3A_80] : memref<10000x128xf32, #tpu.memory_space<hbm>> -> memref<10000x128xf32, #tpu.memory_space<hbm>>
      tpu.enqueue_indirect_dma source(%dma_start3A_81 : memref<10000x128xf32, #tpu.memory_space<hbm>>) target(%arg9 : memref<125x128xf32, #tpu.memory_space<vmem>>) offsets(%dma_start3A_78 : memref<125xi32, #tpu.memory_space<vmem>>) semaphore(%arg12 : memref<!tpu.dma_semaphore, #tpu.memory_space<semaphore_mem>>)
      %add3A_82 = arith.constant 1 : i32
      %add3A_83 = arith.addi %mul3A_58, %add3A_82 : i32
      %dma_wait3A_84 = arith.constant 0 : i32
      %dma_wait3A_85 = tpu.memref_slice %arg7[%add3A_83, %dma_wait3A_84] : memref<40x125xi32, #tpu.memory_space<vmem>> -> memref<1x125xi32, #tpu.memory_space<vmem>>
      %dma_wait3A_86 = tpu.memref_squeeze %dma_wait3A_85 : memref<1x125xi32, #tpu.memory_space<vmem>> -> memref<125xi32, #tpu.memory_space<vmem>>
      %dma_wait3A_87 = arith.constant 0 : i32
      %dma_wait3A_88 = arith.constant 0 : i32
      %dma_wait3A_89 = tpu.memref_slice %arg2[%dma_wait3A_87, %dma_wait3A_88] : memref<10000x128xf32, #tpu.memory_space<hbm>> -> memref<10000x128xf32, #tpu.memory_space<hbm>>
      tpu.wait_indirect_dma semaphore(%arg13 : memref<!tpu.dma_semaphore, #tpu.memory_space<semaphore_mem>>) src(%dma_wait3A_89 : memref<10000x128xf32, #tpu.memory_space<hbm>>) dst(%arg10 : memref<125x128xf32, #tpu.memory_space<vmem>>)
      %add3A_90 = arith.constant 1 : i32
      %add3A_91 = arith.addi %mul3A_58, %add3A_90 : i32
      "tpu.region"() ({
        %run_scoped3A = tpu.sem_alloc : memref<!tpu.dma_semaphore, #tpu.memory_space<semaphore_mem>>
        %dma_start3A_93 = arith.constant 0 : i32
        %dma_start3A_94 = tpu.memref_slice %arg8[%add3A_91, %dma_start3A_93] : memref<40x125xi32, #tpu.memory_space<vmem>> -> memref<1x125xi32, #tpu.memory_space<vmem>>
        %dma_start3A_95 = tpu.memref_squeeze %dma_start3A_94 : memref<1x125xi32, #tpu.memory_space<vmem>> -> memref<125xi32, #tpu.memory_space<vmem>>
        %dma_start3A_96 = arith.constant 0 : i32
        %dma_start3A_97 = arith.constant 0 : i32
        %dma_start3A_98 = tpu.memref_slice %arg11[%dma_start3A_96, %dma_start3A_97] : memref<10240x128xf32, #tpu.memory_space<vmem_shared>> -> memref<10240x128xf32, #tpu.memory_space<vmem_shared>>
        tpu.enqueue_indirect_dma source(%arg10 : memref<125x128xf32, #tpu.memory_space<vmem>>) target(%dma_start3A_98 : memref<10240x128xf32, #tpu.memory_space<vmem_shared>>) offsets(%dma_start3A_95 : memref<125xi32, #tpu.memory_space<vmem>>) semaphore(%run_scoped3A : memref<!tpu.dma_semaphore, #tpu.memory_space<semaphore_mem>>) {add = true}
        %dma_wait3A_99 = arith.constant 0 : i32
        %dma_wait3A_100 = tpu.memref_slice %arg8[%add3A_91, %dma_wait3A_99] : memref<40x125xi32, #tpu.memory_space<vmem>> -> memref<1x125xi32, #tpu.memory_space<vmem>>
        %dma_wait3A_101 = tpu.memref_squeeze %dma_wait3A_100 : memref<1x125xi32, #tpu.memory_space<vmem>> -> memref<125xi32, #tpu.memory_space<vmem>>
        %dma_wait3A_102 = arith.constant 0 : i32
        %dma_wait3A_103 = arith.constant 0 : i32
        %dma_wait3A_104 = tpu.memref_slice %arg11[%dma_wait3A_102, %dma_wait3A_103] : memref<10240x128xf32, #tpu.memory_space<vmem_shared>> -> memref<10240x128xf32, #tpu.memory_space<vmem_shared>>
        tpu.wait_indirect_dma semaphore(%run_scoped3A : memref<!tpu.dma_semaphore, #tpu.memory_space<semaphore_mem>>) src(%arg10 : memref<125x128xf32, #tpu.memory_space<vmem>>) dst(%dma_wait3A_104 : memref<10240x128xf32, #tpu.memory_space<vmem_shared>>)
        tpu.yield
      }) : () -> ()
      %scan3A_92 = arith.constant 0 : i32
      scf.yield %scan3A_92 : i32
    }
    %scan3A_18 = arith.constant 20 : i32
    %dma_wait3A = arith.constant 39 : i32
    %dma_wait3A_19 = arith.constant 0 : i32
    %dma_wait3A_20 = tpu.memref_slice %arg7[%dma_wait3A, %dma_wait3A_19] : memref<40x125xi32, #tpu.memory_space<vmem>> -> memref<1x125xi32, #tpu.memory_space<vmem>>
    %dma_wait3A_21 = tpu.memref_squeeze %dma_wait3A_20 : memref<1x125xi32, #tpu.memory_space<vmem>> -> memref<125xi32, #tpu.memory_space<vmem>>
    %dma_wait3A_22 = arith.constant 0 : i32
    %dma_wait3A_23 = arith.constant 0 : i32
    %dma_wait3A_24 = tpu.memref_slice %arg2[%dma_wait3A_22, %dma_wait3A_23] : memref<10000x128xf32, #tpu.memory_space<hbm>> -> memref<10000x128xf32, #tpu.memory_space<hbm>>
    tpu.wait_indirect_dma semaphore(%arg12 : memref<!tpu.dma_semaphore, #tpu.memory_space<semaphore_mem>>) src(%dma_wait3A_24 : memref<10000x128xf32, #tpu.memory_space<hbm>>) dst(%arg9 : memref<125x128xf32, #tpu.memory_space<vmem>>)
    %add3A_25 = arith.constant 40 : i32
    %add3A_26 = arith.addi %mul3A_6, %add3A_25 : i32
    "tpu.region"() ({
      %run_scoped3A = tpu.sem_alloc : memref<!tpu.dma_semaphore, #tpu.memory_space<semaphore_mem>>
      %dma_start3A_55 = arith.constant 0 : i32
      %dma_start3A_56 = tpu.memref_slice %arg3[%add3A_26, %dma_start3A_55] : memref<2560x125xi32, #tpu.memory_space<hbm>> -> memref<40x125xi32, #tpu.memory_space<hbm>>
      %dma_start3A_57 = arith.constant 0 : i32
      %dma_start3A_58 = tpu.memref_slice %arg3[%add3A_26, %dma_start3A_57] : memref<2560x125xi32, #tpu.memory_space<hbm>> -> memref<40x125xi32, #tpu.memory_space<hbm>>
      tpu.enqueue_dma source(%dma_start3A_58 : memref<40x125xi32, #tpu.memory_space<hbm>>) target(%arg7 : memref<40x125xi32, #tpu.memory_space<vmem>>) target_semaphore(%run_scoped3A : memref<!tpu.dma_semaphore, #tpu.memory_space<semaphore_mem>>)
      %dma_wait3A_59 = arith.constant 0 : i32
      %dma_wait3A_60 = tpu.memref_slice %arg3[%add3A_26, %dma_wait3A_59] : memref<2560x125xi32, #tpu.memory_space<hbm>> -> memref<40x125xi32, #tpu.memory_space<hbm>>
      %dma_wait3A_61 = arith.constant 0 : i32
      %dma_wait3A_62 = tpu.memref_slice %arg3[%add3A_26, %dma_wait3A_61] : memref<2560x125xi32, #tpu.memory_space<hbm>> -> memref<40x125xi32, #tpu.memory_space<hbm>>
      tpu.wait_dma2 semaphore(%run_scoped3A : memref<!tpu.dma_semaphore, #tpu.memory_space<semaphore_mem>>) src(%dma_wait3A_62 : memref<40x125xi32, #tpu.memory_space<hbm>>) dst(%arg7 : memref<40x125xi32, #tpu.memory_space<vmem>>)
      tpu.yield
    }) : () -> ()
    %add3A_27 = arith.constant 40 : i32
    %add3A_28 = arith.addi %mul3A_6, %add3A_27 : i32
    "tpu.region"() ({
      %run_scoped3A = tpu.sem_alloc : memref<!tpu.dma_semaphore, #tpu.memory_space<semaphore_mem>>
      %dma_start3A_55 = arith.constant 0 : i32
      %dma_start3A_56 = tpu.memref_slice %arg4[%add3A_28, %dma_start3A_55] : memref<2560x125xi32, #tpu.memory_space<hbm>> -> memref<40x125xi32, #tpu.memory_space<hbm>>
      %dma_start3A_57 = arith.constant 0 : i32
      %dma_start3A_58 = tpu.memref_slice %arg4[%add3A_28, %dma_start3A_57] : memref<2560x125xi32, #tpu.memory_space<hbm>> -> memref<40x125xi32, #tpu.memory_space<hbm>>
      tpu.enqueue_dma source(%dma_start3A_58 : memref<40x125xi32, #tpu.memory_space<hbm>>) target(%arg8 : memref<40x125xi32, #tpu.memory_space<vmem>>) target_semaphore(%run_scoped3A : memref<!tpu.dma_semaphore, #tpu.memory_space<semaphore_mem>>)
      %dma_wait3A_59 = arith.constant 0 : i32
      %dma_wait3A_60 = tpu.memref_slice %arg4[%add3A_28, %dma_wait3A_59] : memref<2560x125xi32, #tpu.memory_space<hbm>> -> memref<40x125xi32, #tpu.memory_space<hbm>>
      %dma_wait3A_61 = arith.constant 0 : i32
      %dma_wait3A_62 = tpu.memref_slice %arg4[%add3A_28, %dma_wait3A_61] : memref<2560x125xi32, #tpu.memory_space<hbm>> -> memref<40x125xi32, #tpu.memory_space<hbm>>
      tpu.wait_dma2 semaphore(%run_scoped3A : memref<!tpu.dma_semaphore, #tpu.memory_space<semaphore_mem>>) src(%dma_wait3A_62 : memref<40x125xi32, #tpu.memory_space<hbm>>) dst(%arg8 : memref<40x125xi32, #tpu.memory_space<vmem>>)
      tpu.yield
    }) : () -> ()
    %dma_start3A_29 = arith.constant 0 : i32
    %dma_start3A_30 = arith.constant 0 : i32
    %dma_start3A_31 = tpu.memref_slice %arg7[%dma_start3A_29, %dma_start3A_30] : memref<40x125xi32, #tpu.memory_space<vmem>> -> memref<1x125xi32, #tpu.memory_space<vmem>>
    %dma_start3A_32 = tpu.memref_squeeze %dma_start3A_31 : memref<1x125xi32, #tpu.memory_space<vmem>> -> memref<125xi32, #tpu.memory_space<vmem>>
    %dma_start3A_33 = arith.constant 0 : i32
    %dma_start3A_34 = arith.constant 0 : i32
    %dma_start3A_35 = tpu.memref_slice %arg2[%dma_start3A_33, %dma_start3A_34] : memref<10000x128xf32, #tpu.memory_space<hbm>> -> memref<10000x128xf32, #tpu.memory_space<hbm>>
    tpu.enqueue_indirect_dma source(%dma_start3A_35 : memref<10000x128xf32, #tpu.memory_space<hbm>>) target(%arg9 : memref<125x128xf32, #tpu.memory_space<vmem>>) offsets(%dma_start3A_32 : memref<125xi32, #tpu.memory_space<vmem>>) semaphore(%arg12 : memref<!tpu.dma_semaphore, #tpu.memory_space<semaphore_mem>>)
    %scan3A_36 = arith.constant 0 : i32
    %scan3A_37 = arith.constant 0 : i32
    %scan3A_38 = arith.constant 20 : i32
    %scan3A_39 = arith.addi %scan3A_37, %scan3A_38 : i32
    %scan3A_40 = arith.constant 1 : i32
    %scan3A_41 = scf.for %scan3A_55 = %scan3A_37 to %scan3A_39 step %scan3A_40 iter_args(%scan3A_56 = %scan3A_36) -> (i32)  : i32 {
      %mul3A_57 = arith.constant 2 : i32
      %mul3A_58 = arith.muli %mul3A_57, %scan3A_55 : i32
      %add3A_59 = arith.constant 1 : i32
      %add3A_60 = arith.addi %mul3A_58, %add3A_59 : i32
      %dma_start3A_61 = arith.constant 0 : i32
      %dma_start3A_62 = tpu.memref_slice %arg7[%add3A_60, %dma_start3A_61] : memref<40x125xi32, #tpu.memory_space<vmem>> -> memref<1x125xi32, #tpu.memory_space<vmem>>
      %dma_start3A_63 = tpu.memref_squeeze %dma_start3A_62 : memref<1x125xi32, #tpu.memory_space<vmem>> -> memref<125xi32, #tpu.memory_space<vmem>>
      %dma_start3A_64 = arith.constant 0 : i32
      %dma_start3A_65 = arith.constant 0 : i32
      %dma_start3A_66 = tpu.memref_slice %arg2[%dma_start3A_64, %dma_start3A_65] : memref<10000x128xf32, #tpu.memory_space<hbm>> -> memref<10000x128xf32, #tpu.memory_space<hbm>>
      tpu.enqueue_indirect_dma source(%dma_start3A_66 : memref<10000x128xf32, #tpu.memory_space<hbm>>) target(%arg10 : memref<125x128xf32, #tpu.memory_space<vmem>>) offsets(%dma_start3A_63 : memref<125xi32, #tpu.memory_space<vmem>>) semaphore(%arg13 : memref<!tpu.dma_semaphore, #tpu.memory_space<semaphore_mem>>)
      %dma_wait3A_67 = arith.constant 0 : i32
      %dma_wait3A_68 = tpu.memref_slice %arg7[%mul3A_58, %dma_wait3A_67] : memref<40x125xi32, #tpu.memory_space<vmem>> -> memref<1x125xi32, #tpu.memory_space<vmem>>
      %dma_wait3A_69 = tpu.memref_squeeze %dma_wait3A_68 : memref<1x125xi32, #tpu.memory_space<vmem>> -> memref<125xi32, #tpu.memory_space<vmem>>
      %dma_wait3A_70 = arith.constant 0 : i32
      %dma_wait3A_71 = arith.constant 0 : i32
      %dma_wait3A_72 = tpu.memref_slice %arg2[%dma_wait3A_70, %dma_wait3A_71] : memref<10000x128xf32, #tpu.memory_space<hbm>> -> memref<10000x128xf32, #tpu.memory_space<hbm>>
      tpu.wait_indirect_dma semaphore(%arg12 : memref<!tpu.dma_semaphore, #tpu.memory_space<semaphore_mem>>) src(%dma_wait3A_72 : memref<10000x128xf32, #tpu.memory_space<hbm>>) dst(%arg9 : memref<125x128xf32, #tpu.memory_space<vmem>>)
      "tpu.region"() ({
        %run_scoped3A = tpu.sem_alloc : memref<!tpu.dma_semaphore, #tpu.memory_space<semaphore_mem>>
        %dma_start3A_93 = arith.constant 0 : i32
        %dma_start3A_94 = tpu.memref_slice %arg8[%mul3A_58, %dma_start3A_93] : memref<40x125xi32, #tpu.memory_space<vmem>> -> memref<1x125xi32, #tpu.memory_space<vmem>>
        %dma_start3A_95 = tpu.memref_squeeze %dma_start3A_94 : memref<1x125xi32, #tpu.memory_space<vmem>> -> memref<125xi32, #tpu.memory_space<vmem>>
        %dma_start3A_96 = arith.constant 0 : i32
        %dma_start3A_97 = arith.constant 0 : i32
        %dma_start3A_98 = tpu.memref_slice %arg11[%dma_start3A_96, %dma_start3A_97] : memref<10240x128xf32, #tpu.memory_space<vmem_shared>> -> memref<10240x128xf32, #tpu.memory_space<vmem_shared>>
        tpu.enqueue_indirect_dma source(%arg9 : memref<125x128xf32, #tpu.memory_space<vmem>>) target(%dma_start3A_98 : memref<10240x128xf32, #tpu.memory_space<vmem_shared>>) offsets(%dma_start3A_95 : memref<125xi32, #tpu.memory_space<vmem>>) semaphore(%run_scoped3A : memref<!tpu.dma_semaphore, #tpu.memory_space<semaphore_mem>>) {add = true}
        %dma_wait3A_99 = arith.constant 0 : i32
        %dma_wait3A_100 = tpu.memref_slice %arg8[%mul3A_58, %dma_wait3A_99] : memref<40x125xi32, #tpu.memory_space<vmem>> -> memref<1x125xi32, #tpu.memory_space<vmem>>
        %dma_wait3A_101 = tpu.memref_squeeze %dma_wait3A_100 : memref<1x125xi32, #tpu.memory_space<vmem>> -> memref<125xi32, #tpu.memory_space<vmem>>
        %dma_wait3A_102 = arith.constant 0 : i32
        %dma_wait3A_103 = arith.constant 0 : i32
        %dma_wait3A_104 = tpu.memref_slice %arg11[%dma_wait3A_102, %dma_wait3A_103] : memref<10240x128xf32, #tpu.memory_space<vmem_shared>> -> memref<10240x128xf32, #tpu.memory_space<vmem_shared>>
        tpu.wait_indirect_dma semaphore(%run_scoped3A : memref<!tpu.dma_semaphore, #tpu.memory_space<semaphore_mem>>) src(%arg9 : memref<125x128xf32, #tpu.memory_space<vmem>>) dst(%dma_wait3A_104 : memref<10240x128xf32, #tpu.memory_space<vmem_shared>>)
        tpu.yield
      }) : () -> ()
      %add3A_73 = arith.constant 2 : i32
      %add3A_74 = arith.addi %mul3A_58, %add3A_73 : i32
      %min3A = arith.constant 39 : i32
      %min3A_75 = arith.minsi %add3A_74, %min3A : i32
      %dma_start3A_76 = arith.constant 0 : i32
      %dma_start3A_77 = tpu.memref_slice %arg7[%min3A_75, %dma_start3A_76] : memref<40x125xi32, #tpu.memory_space<vmem>> -> memref<1x125xi32, #tpu.memory_space<vmem>>
      %dma_start3A_78 = tpu.memref_squeeze %dma_start3A_77 : memref<1x125xi32, #tpu.memory_space<vmem>> -> memref<125xi32, #tpu.memory_space<vmem>>
      %dma_start3A_79 = arith.constant 0 : i32
      %dma_start3A_80 = arith.constant 0 : i32
      %dma_start3A_81 = tpu.memref_slice %arg2[%dma_start3A_79, %dma_start3A_80] : memref<10000x128xf32, #tpu.memory_space<hbm>> -> memref<10000x128xf32, #tpu.memory_space<hbm>>
      tpu.enqueue_indirect_dma source(%dma_start3A_81 : memref<10000x128xf32, #tpu.memory_space<hbm>>) target(%arg9 : memref<125x128xf32, #tpu.memory_space<vmem>>) offsets(%dma_start3A_78 : memref<125xi32, #tpu.memory_space<vmem>>) semaphore(%arg12 : memref<!tpu.dma_semaphore, #tpu.memory_space<semaphore_mem>>)
      %add3A_82 = arith.constant 1 : i32
      %add3A_83 = arith.addi %mul3A_58, %add3A_82 : i32
      %dma_wait3A_84 = arith.constant 0 : i32
      %dma_wait3A_85 = tpu.memref_slice %arg7[%add3A_83, %dma_wait3A_84] : memref<40x125xi32, #tpu.memory_space<vmem>> -> memref<1x125xi32, #tpu.memory_space<vmem>>
      %dma_wait3A_86 = tpu.memref_squeeze %dma_wait3A_85 : memref<1x125xi32, #tpu.memory_space<vmem>> -> memref<125xi32, #tpu.memory_space<vmem>>
      %dma_wait3A_87 = arith.constant 0 : i32
      %dma_wait3A_88 = arith.constant 0 : i32
      %dma_wait3A_89 = tpu.memref_slice %arg2[%dma_wait3A_87, %dma_wait3A_88] : memref<10000x128xf32, #tpu.memory_space<hbm>> -> memref<10000x128xf32, #tpu.memory_space<hbm>>
      tpu.wait_indirect_dma semaphore(%arg13 : memref<!tpu.dma_semaphore, #tpu.memory_space<semaphore_mem>>) src(%dma_wait3A_89 : memref<10000x128xf32, #tpu.memory_space<hbm>>) dst(%arg10 : memref<125x128xf32, #tpu.memory_space<vmem>>)
      %add3A_90 = arith.constant 1 : i32
      %add3A_91 = arith.addi %mul3A_58, %add3A_90 : i32
      "tpu.region"() ({
        %run_scoped3A = tpu.sem_alloc : memref<!tpu.dma_semaphore, #tpu.memory_space<semaphore_mem>>
        %dma_start3A_93 = arith.constant 0 : i32
        %dma_start3A_94 = tpu.memref_slice %arg8[%add3A_91, %dma_start3A_93] : memref<40x125xi32, #tpu.memory_space<vmem>> -> memref<1x125xi32, #tpu.memory_space<vmem>>
        %dma_start3A_95 = tpu.memref_squeeze %dma_start3A_94 : memref<1x125xi32, #tpu.memory_space<vmem>> -> memref<125xi32, #tpu.memory_space<vmem>>
        %dma_start3A_96 = arith.constant 0 : i32
        %dma_start3A_97 = arith.constant 0 : i32
        %dma_start3A_98 = tpu.memref_slice %arg11[%dma_start3A_96, %dma_start3A_97] : memref<10240x128xf32, #tpu.memory_space<vmem_shared>> -> memref<10240x128xf32, #tpu.memory_space<vmem_shared>>
        tpu.enqueue_indirect_dma source(%arg10 : memref<125x128xf32, #tpu.memory_space<vmem>>) target(%dma_start3A_98 : memref<10240x128xf32, #tpu.memory_space<vmem_shared>>) offsets(%dma_start3A_95 : memref<125xi32, #tpu.memory_space<vmem>>) semaphore(%run_scoped3A : memref<!tpu.dma_semaphore, #tpu.memory_space<semaphore_mem>>) {add = true}
        %dma_wait3A_99 = arith.constant 0 : i32
        %dma_wait3A_100 = tpu.memref_slice %arg8[%add3A_91, %dma_wait3A_99] : memref<40x125xi32, #tpu.memory_space<vmem>> -> memref<1x125xi32, #tpu.memory_space<vmem>>
        %dma_wait3A_101 = tpu.memref_squeeze %dma_wait3A_100 : memref<1x125xi32, #tpu.memory_space<vmem>> -> memref<125xi32, #tpu.memory_space<vmem>>
        %dma_wait3A_102 = arith.constant 0 : i32
        %dma_wait3A_103 = arith.constant 0 : i32
        %dma_wait3A_104 = tpu.memref_slice %arg11[%dma_wait3A_102, %dma_wait3A_103] : memref<10240x128xf32, #tpu.memory_space<vmem_shared>> -> memref<10240x128xf32, #tpu.memory_space<vmem_shared>>
        tpu.wait_indirect_dma semaphore(%run_scoped3A : memref<!tpu.dma_semaphore, #tpu.memory_space<semaphore_mem>>) src(%arg10 : memref<125x128xf32, #tpu.memory_space<vmem>>) dst(%dma_wait3A_104 : memref<10240x128xf32, #tpu.memory_space<vmem_shared>>)
        tpu.yield
      }) : () -> ()
      %scan3A_92 = arith.constant 0 : i32
      scf.yield %scan3A_92 : i32
    }
    %scan3A_42 = arith.constant 20 : i32
    %dma_wait3A_43 = arith.constant 39 : i32
    %dma_wait3A_44 = arith.constant 0 : i32
    %dma_wait3A_45 = tpu.memref_slice %arg7[%dma_wait3A_43, %dma_wait3A_44] : memref<40x125xi32, #tpu.memory_space<vmem>> -> memref<1x125xi32, #tpu.memory_space<vmem>>
    %dma_wait3A_46 = tpu.memref_squeeze %dma_wait3A_45 : memref<1x125xi32, #tpu.memory_space<vmem>> -> memref<125xi32, #tpu.memory_space<vmem>>
    %dma_wait3A_47 = arith.constant 0 : i32
    %dma_wait3A_48 = arith.constant 0 : i32
    %dma_wait3A_49 = tpu.memref_slice %arg2[%dma_wait3A_47, %dma_wait3A_48] : memref<10000x128xf32, #tpu.memory_space<hbm>> -> memref<10000x128xf32, #tpu.memory_space<hbm>>
    tpu.wait_indirect_dma semaphore(%arg12 : memref<!tpu.dma_semaphore, #tpu.memory_space<semaphore_mem>>) src(%dma_wait3A_49 : memref<10000x128xf32, #tpu.memory_space<hbm>>) dst(%arg9 : memref<125x128xf32, #tpu.memory_space<vmem>>)
    %barrier3A_50 = arith.constant 0 : index
    tpu.barrier barrier_id(%barrier3A_50)
    %mul3A_51 = arith.constant 640 : i32
    %mul3A_52 = arith.muli %arg1, %mul3A_51 : i32
    %mul3A_53 = arith.constant 640 : i32
    %mul3A_54 = arith.muli %arg1, %mul3A_53 : i32
    "tpu.region"() ({
      %run_scoped3A = tpu.sem_alloc : memref<!tpu.dma_semaphore, #tpu.memory_space<semaphore_mem>>
      %dma_start3A_55 = arith.constant 0 : i32
      %dma_start3A_56 = tpu.memref_slice %arg6[%arg0, %mul3A_54, %dma_start3A_55] : memref<2x10240x128xf32, #tpu.memory_space<hbm>> -> memref<1x640x128xf32, #tpu.memory_space<hbm>>
      %dma_start3A_57 = tpu.memref_squeeze %dma_start3A_56 : memref<1x640x128xf32, #tpu.memory_space<hbm>> -> memref<640x128xf32, #tpu.memory_space<hbm>>
      %dma_start3A_58 = arith.constant 0 : i32
      %dma_start3A_59 = tpu.memref_slice %arg11[%mul3A_52, %dma_start3A_58] : memref<10240x128xf32, #tpu.memory_space<vmem_shared>> -> memref<640x128xf32, #tpu.memory_space<vmem_shared>>
      tpu.enqueue_dma source(%dma_start3A_59 : memref<640x128xf32, #tpu.memory_space<vmem_shared>>) target(%dma_start3A_57 : memref<640x128xf32, #tpu.memory_space<hbm>>) target_semaphore(%run_scoped3A : memref<!tpu.dma_semaphore, #tpu.memory_space<semaphore_mem>>)
      %dma_wait3A_60 = arith.constant 0 : i32
      %dma_wait3A_61 = tpu.memref_slice %arg6[%arg0, %mul3A_54, %dma_wait3A_60] : memref<2x10240x128xf32, #tpu.memory_space<hbm>> -> memref<1x640x128xf32, #tpu.memory_space<hbm>>
      %dma_wait3A_62 = tpu.memref_squeeze %dma_wait3A_61 : memref<1x640x128xf32, #tpu.memory_space<hbm>> -> memref<640x128xf32, #tpu.memory_space<hbm>>
      %dma_wait3A_63 = arith.constant 0 : i32
      %dma_wait3A_64 = tpu.memref_slice %arg11[%mul3A_52, %dma_wait3A_63] : memref<10240x128xf32, #tpu.memory_space<vmem_shared>> -> memref<640x128xf32, #tpu.memory_space<vmem_shared>>
      tpu.wait_dma2 semaphore(%run_scoped3A : memref<!tpu.dma_semaphore, #tpu.memory_space<semaphore_mem>>) src(%dma_wait3A_64 : memref<640x128xf32, #tpu.memory_space<vmem_shared>>) dst(%dma_wait3A_62 : memref<640x128xf32, #tpu.memory_space<hbm>>)
      tpu.yield
    }) : () -> ()
    return
  }
}

#map = affine_map<(d0, d1) -> (0, 0)>
#map1 = affine_map<(d0, d1) -> (0, 0, 0)>
module attributes {stable_mosaic.version = 14 : i64} {
  func.func @_prop_kernel(%arg0: i32, %arg1: i32, %arg2: memref<10000x128xf32, #tpu.memory_space<hbm>>, %arg3: memref<2560x125xi32, #tpu.memory_space<hbm>>, %arg4: memref<2560x125xi32, #tpu.memory_space<hbm>>, %arg5: memref<10240x128xf32, #tpu.memory_space<hbm>>, %arg6: memref<2x10240x128xf32, #tpu.memory_space<hbm>>, %arg7: memref<40x125xi32, #tpu.memory_space<vmem>>, %arg8: memref<40x125xi32, #tpu.memory_space<vmem>>, %arg9: memref<125x128xf32, #tpu.memory_space<vmem>>, %arg10: memref<125x128xf32, #tpu.memory_space<vmem>>, %arg11: memref<10240x128xf32, #tpu.memory_space<vmem_shared>>, %arg12: memref<!tpu.dma_semaphore, #tpu.memory_space<semaphore_mem>>, %arg13: memref<!tpu.dma_semaphore, #tpu.memory_space<semaphore_mem>>) attributes {dimension_semantics = [#tpu.dimension_semantics<core_parallel>, #tpu.dimension_semantics<subcore_parallel>], iteration_bounds = array<i64: 2, 16>, scalar_prefetch = 0 : i64, scratch_operands = 7 : i64, tpu.core_type = #tpu.core_type<sc_vector_subcore>, window_params = [{transform_indices = #map}, {transform_indices = #map}, {transform_indices = #map}, {transform_indices = #map}, {transform_indices = #map1}]} {
    %mul3A = arith.constant 640 : i32
    %mul3A_0 = arith.muli %arg1, %mul3A : i32
    %mul3A_1 = arith.constant 640 : i32
    %mul3A_2 = arith.muli %arg1, %mul3A_1 : i32
    "tpu.region"() ({
      %run_scoped3A = tpu.sem_alloc : memref<!tpu.dma_semaphore, #tpu.memory_space<semaphore_mem>>
      %dma_start3A_55 = arith.constant 0 : i32
      %dma_start3A_56 = tpu.memref_slice %arg11[%mul3A_2, %dma_start3A_55] : memref<10240x128xf32, #tpu.memory_space<vmem_shared>> -> memref<640x128xf32, #tpu.memory_space<vmem_shared>>
      %dma_start3A_57 = arith.constant 0 : i32
      %dma_start3A_58 = tpu.memref_slice %arg5[%mul3A_0, %dma_start3A_57] : memref<10240x128xf32, #tpu.memory_space<hbm>> -> memref<640x128xf32, #tpu.memory_space<hbm>>
      tpu.enqueue_dma source(%dma_start3A_58 : memref<640x128xf32, #tpu.memory_space<hbm>>) target(%dma_start3A_56 : memref<640x128xf32, #tpu.memory_space<vmem_shared>>) target_semaphore(%run_scoped3A : memref<!tpu.dma_semaphore, #tpu.memory_space<semaphore_mem>>)
      %dma_wait3A_59 = arith.constant 0 : i32
      %dma_wait3A_60 = tpu.memref_slice %arg11[%mul3A_2, %dma_wait3A_59] : memref<10240x128xf32, #tpu.memory_space<vmem_shared>> -> memref<640x128xf32, #tpu.memory_space<vmem_shared>>
      %dma_wait3A_61 = arith.constant 0 : i32
      %dma_wait3A_62 = tpu.memref_slice %arg5[%mul3A_0, %dma_wait3A_61] : memref<10240x128xf32, #tpu.memory_space<hbm>> -> memref<640x128xf32, #tpu.memory_space<hbm>>
      tpu.wait_dma2 semaphore(%run_scoped3A : memref<!tpu.dma_semaphore, #tpu.memory_space<semaphore_mem>>) src(%dma_wait3A_62 : memref<640x128xf32, #tpu.memory_space<hbm>>) dst(%dma_wait3A_60 : memref<640x128xf32, #tpu.memory_space<vmem_shared>>)
      tpu.yield
    }) : () -> ()
    %mul3A_3 = arith.constant 16 : i32
    %mul3A_4 = arith.muli %arg0, %mul3A_3 : i32
    %add3A = arith.addi %mul3A_4, %arg1 : i32
    %mul3A_5 = arith.constant 80 : i32
    %mul3A_6 = arith.muli %add3A, %mul3A_5 : i32
    "tpu.region"() ({
      %run_scoped3A = tpu.sem_alloc : memref<!tpu.dma_semaphore, #tpu.memory_space<semaphore_mem>>
      %dma_start3A_55 = arith.constant 0 : i32
      %dma_start3A_56 = tpu.memref_slice %arg3[%mul3A_6, %dma_start3A_55] : memref<2560x125xi32, #tpu.memory_space<hbm>> -> memref<40x125xi32, #tpu.memory_space<hbm>>
      %dma_start3A_57 = arith.constant 0 : i32
      %dma_start3A_58 = tpu.memref_slice %arg3[%mul3A_6, %dma_start3A_57] : memref<2560x125xi32, #tpu.memory_space<hbm>> -> memref<40x125xi32, #tpu.memory_space<hbm>>
      tpu.enqueue_dma source(%dma_start3A_58 : memref<40x125xi32, #tpu.memory_space<hbm>>) target(%arg7 : memref<40x125xi32, #tpu.memory_space<vmem>>) target_semaphore(%run_scoped3A : memref<!tpu.dma_semaphore, #tpu.memory_space<semaphore_mem>>)
      %dma_wait3A_59 = arith.constant 0 : i32
      %dma_wait3A_60 = tpu.memref_slice %arg3[%mul3A_6, %dma_wait3A_59] : memref<2560x125xi32, #tpu.memory_space<hbm>> -> memref<40x125xi32, #tpu.memory_space<hbm>>
      %dma_wait3A_61 = arith.constant 0 : i32
      %dma_wait3A_62 = tpu.memref_slice %arg3[%mul3A_6, %dma_wait3A_61] : memref<2560x125xi32, #tpu.memory_space<hbm>> -> memref<40x125xi32, #tpu.memory_space<hbm>>
      tpu.wait_dma2 semaphore(%run_scoped3A : memref<!tpu.dma_semaphore, #tpu.memory_space<semaphore_mem>>) src(%dma_wait3A_62 : memref<40x125xi32, #tpu.memory_space<hbm>>) dst(%arg7 : memref<40x125xi32, #tpu.memory_space<vmem>>)
      tpu.yield
    }) : () -> ()
    "tpu.region"() ({
      %run_scoped3A = tpu.sem_alloc : memref<!tpu.dma_semaphore, #tpu.memory_space<semaphore_mem>>
      %dma_start3A_55 = arith.constant 0 : i32
      %dma_start3A_56 = tpu.memref_slice %arg4[%mul3A_6, %dma_start3A_55] : memref<2560x125xi32, #tpu.memory_space<hbm>> -> memref<40x125xi32, #tpu.memory_space<hbm>>
      %dma_start3A_57 = arith.constant 0 : i32
      %dma_start3A_58 = tpu.memref_slice %arg4[%mul3A_6, %dma_start3A_57] : memref<2560x125xi32, #tpu.memory_space<hbm>> -> memref<40x125xi32, #tpu.memory_space<hbm>>
      tpu.enqueue_dma source(%dma_start3A_58 : memref<40x125xi32, #tpu.memory_space<hbm>>) target(%arg8 : memref<40x125xi32, #tpu.memory_space<vmem>>) target_semaphore(%run_scoped3A : memref<!tpu.dma_semaphore, #tpu.memory_space<semaphore_mem>>)
      %dma_wait3A_59 = arith.constant 0 : i32
      %dma_wait3A_60 = tpu.memref_slice %arg4[%mul3A_6, %dma_wait3A_59] : memref<2560x125xi32, #tpu.memory_space<hbm>> -> memref<40x125xi32, #tpu.memory_space<hbm>>
      %dma_wait3A_61 = arith.constant 0 : i32
      %dma_wait3A_62 = tpu.memref_slice %arg4[%mul3A_6, %dma_wait3A_61] : memref<2560x125xi32, #tpu.memory_space<hbm>> -> memref<40x125xi32, #tpu.memory_space<hbm>>
      tpu.wait_dma2 semaphore(%run_scoped3A : memref<!tpu.dma_semaphore, #tpu.memory_space<semaphore_mem>>) src(%dma_wait3A_62 : memref<40x125xi32, #tpu.memory_space<hbm>>) dst(%arg8 : memref<40x125xi32, #tpu.memory_space<vmem>>)
      tpu.yield
    }) : () -> ()
    %barrier3A = arith.constant 0 : index
    tpu.barrier barrier_id(%barrier3A)
    %dma_start3A = arith.constant 0 : i32
    %dma_start3A_7 = arith.constant 0 : i32
    %dma_start3A_8 = tpu.memref_slice %arg7[%dma_start3A, %dma_start3A_7] : memref<40x125xi32, #tpu.memory_space<vmem>> -> memref<1x125xi32, #tpu.memory_space<vmem>>
    %dma_start3A_9 = tpu.memref_squeeze %dma_start3A_8 : memref<1x125xi32, #tpu.memory_space<vmem>> -> memref<125xi32, #tpu.memory_space<vmem>>
    %dma_start3A_10 = arith.constant 0 : i32
    %dma_start3A_11 = arith.constant 0 : i32
    %dma_start3A_12 = tpu.memref_slice %arg2[%dma_start3A_10, %dma_start3A_11] : memref<10000x128xf32, #tpu.memory_space<hbm>> -> memref<10000x128xf32, #tpu.memory_space<hbm>>
    tpu.enqueue_indirect_dma source(%dma_start3A_12 : memref<10000x128xf32, #tpu.memory_space<hbm>>) target(%arg9 : memref<125x128xf32, #tpu.memory_space<vmem>>) offsets(%dma_start3A_9 : memref<125xi32, #tpu.memory_space<vmem>>) semaphore(%arg12 : memref<!tpu.dma_semaphore, #tpu.memory_space<semaphore_mem>>)
    %scan3A = arith.constant 0 : i32
    %scan3A_13 = arith.constant 0 : i32
    %scan3A_14 = arith.constant 20 : i32
    %scan3A_15 = arith.addi %scan3A_13, %scan3A_14 : i32
    %scan3A_16 = arith.constant 1 : i32
    %scan3A_17 = scf.for %scan3A_55 = %scan3A_13 to %scan3A_15 step %scan3A_16 iter_args(%scan3A_56 = %scan3A) -> (i32)  : i32 {
      %mul3A_57 = arith.constant 2 : i32
      %mul3A_58 = arith.muli %mul3A_57, %scan3A_55 : i32
      %add3A_59 = arith.constant 1 : i32
      %add3A_60 = arith.addi %mul3A_58, %add3A_59 : i32
      %dma_start3A_61 = arith.constant 0 : i32
      %dma_start3A_62 = tpu.memref_slice %arg7[%add3A_60, %dma_start3A_61] : memref<40x125xi32, #tpu.memory_space<vmem>> -> memref<1x125xi32, #tpu.memory_space<vmem>>
      %dma_start3A_63 = tpu.memref_squeeze %dma_start3A_62 : memref<1x125xi32, #tpu.memory_space<vmem>> -> memref<125xi32, #tpu.memory_space<vmem>>
      %dma_start3A_64 = arith.constant 0 : i32
      %dma_start3A_65 = arith.constant 0 : i32
      %dma_start3A_66 = tpu.memref_slice %arg2[%dma_start3A_64, %dma_start3A_65] : memref<10000x128xf32, #tpu.memory_space<hbm>> -> memref<10000x128xf32, #tpu.memory_space<hbm>>
      tpu.enqueue_indirect_dma source(%dma_start3A_66 : memref<10000x128xf32, #tpu.memory_space<hbm>>) target(%arg10 : memref<125x128xf32, #tpu.memory_space<vmem>>) offsets(%dma_start3A_63 : memref<125xi32, #tpu.memory_space<vmem>>) semaphore(%arg13 : memref<!tpu.dma_semaphore, #tpu.memory_space<semaphore_mem>>)
      %dma_wait3A_67 = arith.constant 0 : i32
      %dma_wait3A_68 = tpu.memref_slice %arg7[%mul3A_58, %dma_wait3A_67] : memref<40x125xi32, #tpu.memory_space<vmem>> -> memref<1x125xi32, #tpu.memory_space<vmem>>
      %dma_wait3A_69 = tpu.memref_squeeze %dma_wait3A_68 : memref<1x125xi32, #tpu.memory_space<vmem>> -> memref<125xi32, #tpu.memory_space<vmem>>
      %dma_wait3A_70 = arith.constant 0 : i32
      %dma_wait3A_71 = arith.constant 0 : i32
      %dma_wait3A_72 = tpu.memref_slice %arg2[%dma_wait3A_70, %dma_wait3A_71] : memref<10000x128xf32, #tpu.memory_space<hbm>> -> memref<10000x128xf32, #tpu.memory_space<hbm>>
      tpu.wait_indirect_dma semaphore(%arg12 : memref<!tpu.dma_semaphore, #tpu.memory_space<semaphore_mem>>) src(%dma_wait3A_72 : memref<10000x128xf32, #tpu.memory_space<hbm>>) dst(%arg9 : memref<125x128xf32, #tpu.memory_space<vmem>>)
      "tpu.region"() ({
        %run_scoped3A = tpu.sem_alloc : memref<!tpu.dma_semaphore, #tpu.memory_space<semaphore_mem>>
        %dma_start3A_93 = arith.constant 0 : i32
        %dma_start3A_94 = tpu.memref_slice %arg8[%mul3A_58, %dma_start3A_93] : memref<40x125xi32, #tpu.memory_space<vmem>> -> memref<1x125xi32, #tpu.memory_space<vmem>>
        %dma_start3A_95 = tpu.memref_squeeze %dma_start3A_94 : memref<1x125xi32, #tpu.memory_space<vmem>> -> memref<125xi32, #tpu.memory_space<vmem>>
        %dma_start3A_96 = arith.constant 0 : i32
        %dma_start3A_97 = arith.constant 0 : i32
        %dma_start3A_98 = tpu.memref_slice %arg11[%dma_start3A_96, %dma_start3A_97] : memref<10240x128xf32, #tpu.memory_space<vmem_shared>> -> memref<10240x128xf32, #tpu.memory_space<vmem_shared>>
        tpu.enqueue_indirect_dma source(%arg9 : memref<125x128xf32, #tpu.memory_space<vmem>>) target(%dma_start3A_98 : memref<10240x128xf32, #tpu.memory_space<vmem_shared>>) offsets(%dma_start3A_95 : memref<125xi32, #tpu.memory_space<vmem>>) semaphore(%run_scoped3A : memref<!tpu.dma_semaphore, #tpu.memory_space<semaphore_mem>>) {add = true}
        %dma_wait3A_99 = arith.constant 0 : i32
        %dma_wait3A_100 = tpu.memref_slice %arg8[%mul3A_58, %dma_wait3A_99] : memref<40x125xi32, #tpu.memory_space<vmem>> -> memref<1x125xi32, #tpu.memory_space<vmem>>
        %dma_wait3A_101 = tpu.memref_squeeze %dma_wait3A_100 : memref<1x125xi32, #tpu.memory_space<vmem>> -> memref<125xi32, #tpu.memory_space<vmem>>
        %dma_wait3A_102 = arith.constant 0 : i32
        %dma_wait3A_103 = arith.constant 0 : i32
        %dma_wait3A_104 = tpu.memref_slice %arg11[%dma_wait3A_102, %dma_wait3A_103] : memref<10240x128xf32, #tpu.memory_space<vmem_shared>> -> memref<10240x128xf32, #tpu.memory_space<vmem_shared>>
        tpu.wait_indirect_dma semaphore(%run_scoped3A : memref<!tpu.dma_semaphore, #tpu.memory_space<semaphore_mem>>) src(%arg9 : memref<125x128xf32, #tpu.memory_space<vmem>>) dst(%dma_wait3A_104 : memref<10240x128xf32, #tpu.memory_space<vmem_shared>>)
        tpu.yield
      }) : () -> ()
      %add3A_73 = arith.constant 2 : i32
      %add3A_74 = arith.addi %mul3A_58, %add3A_73 : i32
      %min3A = arith.constant 39 : i32
      %min3A_75 = arith.minsi %add3A_74, %min3A : i32
      %dma_start3A_76 = arith.constant 0 : i32
      %dma_start3A_77 = tpu.memref_slice %arg7[%min3A_75, %dma_start3A_76] : memref<40x125xi32, #tpu.memory_space<vmem>> -> memref<1x125xi32, #tpu.memory_space<vmem>>
      %dma_start3A_78 = tpu.memref_squeeze %dma_start3A_77 : memref<1x125xi32, #tpu.memory_space<vmem>> -> memref<125xi32, #tpu.memory_space<vmem>>
      %dma_start3A_79 = arith.constant 0 : i32
      %dma_start3A_80 = arith.constant 0 : i32
      %dma_start3A_81 = tpu.memref_slice %arg2[%dma_start3A_79, %dma_start3A_80] : memref<10000x128xf32, #tpu.memory_space<hbm>> -> memref<10000x128xf32, #tpu.memory_space<hbm>>
      tpu.enqueue_indirect_dma source(%dma_start3A_81 : memref<10000x128xf32, #tpu.memory_space<hbm>>) target(%arg9 : memref<125x128xf32, #tpu.memory_space<vmem>>) offsets(%dma_start3A_78 : memref<125xi32, #tpu.memory_space<vmem>>) semaphore(%arg12 : memref<!tpu.dma_semaphore, #tpu.memory_space<semaphore_mem>>)
      %add3A_82 = arith.constant 1 : i32
      %add3A_83 = arith.addi %mul3A_58, %add3A_82 : i32
      %dma_wait3A_84 = arith.constant 0 : i32
      %dma_wait3A_85 = tpu.memref_slice %arg7[%add3A_83, %dma_wait3A_84] : memref<40x125xi32, #tpu.memory_space<vmem>> -> memref<1x125xi32, #tpu.memory_space<vmem>>
      %dma_wait3A_86 = tpu.memref_squeeze %dma_wait3A_85 : memref<1x125xi32, #tpu.memory_space<vmem>> -> memref<125xi32, #tpu.memory_space<vmem>>
      %dma_wait3A_87 = arith.constant 0 : i32
      %dma_wait3A_88 = arith.constant 0 : i32
      %dma_wait3A_89 = tpu.memref_slice %arg2[%dma_wait3A_87, %dma_wait3A_88] : memref<10000x128xf32, #tpu.memory_space<hbm>> -> memref<10000x128xf32, #tpu.memory_space<hbm>>
      tpu.wait_indirect_dma semaphore(%arg13 : memref<!tpu.dma_semaphore, #tpu.memory_space<semaphore_mem>>) src(%dma_wait3A_89 : memref<10000x128xf32, #tpu.memory_space<hbm>>) dst(%arg10 : memref<125x128xf32, #tpu.memory_space<vmem>>)
      %add3A_90 = arith.constant 1 : i32
      %add3A_91 = arith.addi %mul3A_58, %add3A_90 : i32
      "tpu.region"() ({
        %run_scoped3A = tpu.sem_alloc : memref<!tpu.dma_semaphore, #tpu.memory_space<semaphore_mem>>
        %dma_start3A_93 = arith.constant 0 : i32
        %dma_start3A_94 = tpu.memref_slice %arg8[%add3A_91, %dma_start3A_93] : memref<40x125xi32, #tpu.memory_space<vmem>> -> memref<1x125xi32, #tpu.memory_space<vmem>>
        %dma_start3A_95 = tpu.memref_squeeze %dma_start3A_94 : memref<1x125xi32, #tpu.memory_space<vmem>> -> memref<125xi32, #tpu.memory_space<vmem>>
        %dma_start3A_96 = arith.constant 0 : i32
        %dma_start3A_97 = arith.constant 0 : i32
        %dma_start3A_98 = tpu.memref_slice %arg11[%dma_start3A_96, %dma_start3A_97] : memref<10240x128xf32, #tpu.memory_space<vmem_shared>> -> memref<10240x128xf32, #tpu.memory_space<vmem_shared>>
        tpu.enqueue_indirect_dma source(%arg10 : memref<125x128xf32, #tpu.memory_space<vmem>>) target(%dma_start3A_98 : memref<10240x128xf32, #tpu.memory_space<vmem_shared>>) offsets(%dma_start3A_95 : memref<125xi32, #tpu.memory_space<vmem>>) semaphore(%run_scoped3A : memref<!tpu.dma_semaphore, #tpu.memory_space<semaphore_mem>>) {add = true}
        %dma_wait3A_99 = arith.constant 0 : i32
        %dma_wait3A_100 = tpu.memref_slice %arg8[%add3A_91, %dma_wait3A_99] : memref<40x125xi32, #tpu.memory_space<vmem>> -> memref<1x125xi32, #tpu.memory_space<vmem>>
        %dma_wait3A_101 = tpu.memref_squeeze %dma_wait3A_100 : memref<1x125xi32, #tpu.memory_space<vmem>> -> memref<125xi32, #tpu.memory_space<vmem>>
        %dma_wait3A_102 = arith.constant 0 : i32
        %dma_wait3A_103 = arith.constant 0 : i32
        %dma_wait3A_104 = tpu.memref_slice %arg11[%dma_wait3A_102, %dma_wait3A_103] : memref<10240x128xf32, #tpu.memory_space<vmem_shared>> -> memref<10240x128xf32, #tpu.memory_space<vmem_shared>>
        tpu.wait_indirect_dma semaphore(%run_scoped3A : memref<!tpu.dma_semaphore, #tpu.memory_space<semaphore_mem>>) src(%arg10 : memref<125x128xf32, #tpu.memory_space<vmem>>) dst(%dma_wait3A_104 : memref<10240x128xf32, #tpu.memory_space<vmem_shared>>)
        tpu.yield
      }) : () -> ()
      %scan3A_92 = arith.constant 0 : i32
      scf.yield %scan3A_92 : i32
    }
    %scan3A_18 = arith.constant 20 : i32
    %dma_wait3A = arith.constant 39 : i32
    %dma_wait3A_19 = arith.constant 0 : i32
    %dma_wait3A_20 = tpu.memref_slice %arg7[%dma_wait3A, %dma_wait3A_19] : memref<40x125xi32, #tpu.memory_space<vmem>> -> memref<1x125xi32, #tpu.memory_space<vmem>>
    %dma_wait3A_21 = tpu.memref_squeeze %dma_wait3A_20 : memref<1x125xi32, #tpu.memory_space<vmem>> -> memref<125xi32, #tpu.memory_space<vmem>>
    %dma_wait3A_22 = arith.constant 0 : i32
    %dma_wait3A_23 = arith.constant 0 : i32
    %dma_wait3A_24 = tpu.memref_slice %arg2[%dma_wait3A_22, %dma_wait3A_23] : memref<10000x128xf32, #tpu.memory_space<hbm>> -> memref<10000x128xf32, #tpu.memory_space<hbm>>
    tpu.wait_indirect_dma semaphore(%arg12 : memref<!tpu.dma_semaphore, #tpu.memory_space<semaphore_mem>>) src(%dma_wait3A_24 : memref<10000x128xf32, #tpu.memory_space<hbm>>) dst(%arg9 : memref<125x128xf32, #tpu.memory_space<vmem>>)
    %add3A_25 = arith.constant 40 : i32
    %add3A_26 = arith.addi %mul3A_6, %add3A_25 : i32
    "tpu.region"() ({
      %run_scoped3A = tpu.sem_alloc : memref<!tpu.dma_semaphore, #tpu.memory_space<semaphore_mem>>
      %dma_start3A_55 = arith.constant 0 : i32
      %dma_start3A_56 = tpu.memref_slice %arg3[%add3A_26, %dma_start3A_55] : memref<2560x125xi32, #tpu.memory_space<hbm>> -> memref<40x125xi32, #tpu.memory_space<hbm>>
      %dma_start3A_57 = arith.constant 0 : i32
      %dma_start3A_58 = tpu.memref_slice %arg3[%add3A_26, %dma_start3A_57] : memref<2560x125xi32, #tpu.memory_space<hbm>> -> memref<40x125xi32, #tpu.memory_space<hbm>>
      tpu.enqueue_dma source(%dma_start3A_58 : memref<40x125xi32, #tpu.memory_space<hbm>>) target(%arg7 : memref<40x125xi32, #tpu.memory_space<vmem>>) target_semaphore(%run_scoped3A : memref<!tpu.dma_semaphore, #tpu.memory_space<semaphore_mem>>)
      %dma_wait3A_59 = arith.constant 0 : i32
      %dma_wait3A_60 = tpu.memref_slice %arg3[%add3A_26, %dma_wait3A_59] : memref<2560x125xi32, #tpu.memory_space<hbm>> -> memref<40x125xi32, #tpu.memory_space<hbm>>
      %dma_wait3A_61 = arith.constant 0 : i32
      %dma_wait3A_62 = tpu.memref_slice %arg3[%add3A_26, %dma_wait3A_61] : memref<2560x125xi32, #tpu.memory_space<hbm>> -> memref<40x125xi32, #tpu.memory_space<hbm>>
      tpu.wait_dma2 semaphore(%run_scoped3A : memref<!tpu.dma_semaphore, #tpu.memory_space<semaphore_mem>>) src(%dma_wait3A_62 : memref<40x125xi32, #tpu.memory_space<hbm>>) dst(%arg7 : memref<40x125xi32, #tpu.memory_space<vmem>>)
      tpu.yield
    }) : () -> ()
    %add3A_27 = arith.constant 40 : i32
    %add3A_28 = arith.addi %mul3A_6, %add3A_27 : i32
    "tpu.region"() ({
      %run_scoped3A = tpu.sem_alloc : memref<!tpu.dma_semaphore, #tpu.memory_space<semaphore_mem>>
      %dma_start3A_55 = arith.constant 0 : i32
      %dma_start3A_56 = tpu.memref_slice %arg4[%add3A_28, %dma_start3A_55] : memref<2560x125xi32, #tpu.memory_space<hbm>> -> memref<40x125xi32, #tpu.memory_space<hbm>>
      %dma_start3A_57 = arith.constant 0 : i32
      %dma_start3A_58 = tpu.memref_slice %arg4[%add3A_28, %dma_start3A_57] : memref<2560x125xi32, #tpu.memory_space<hbm>> -> memref<40x125xi32, #tpu.memory_space<hbm>>
      tpu.enqueue_dma source(%dma_start3A_58 : memref<40x125xi32, #tpu.memory_space<hbm>>) target(%arg8 : memref<40x125xi32, #tpu.memory_space<vmem>>) target_semaphore(%run_scoped3A : memref<!tpu.dma_semaphore, #tpu.memory_space<semaphore_mem>>)
      %dma_wait3A_59 = arith.constant 0 : i32
      %dma_wait3A_60 = tpu.memref_slice %arg4[%add3A_28, %dma_wait3A_59] : memref<2560x125xi32, #tpu.memory_space<hbm>> -> memref<40x125xi32, #tpu.memory_space<hbm>>
      %dma_wait3A_61 = arith.constant 0 : i32
      %dma_wait3A_62 = tpu.memref_slice %arg4[%add3A_28, %dma_wait3A_61] : memref<2560x125xi32, #tpu.memory_space<hbm>> -> memref<40x125xi32, #tpu.memory_space<hbm>>
      tpu.wait_dma2 semaphore(%run_scoped3A : memref<!tpu.dma_semaphore, #tpu.memory_space<semaphore_mem>>) src(%dma_wait3A_62 : memref<40x125xi32, #tpu.memory_space<hbm>>) dst(%arg8 : memref<40x125xi32, #tpu.memory_space<vmem>>)
      tpu.yield
    }) : () -> ()
    %dma_start3A_29 = arith.constant 0 : i32
    %dma_start3A_30 = arith.constant 0 : i32
    %dma_start3A_31 = tpu.memref_slice %arg7[%dma_start3A_29, %dma_start3A_30] : memref<40x125xi32, #tpu.memory_space<vmem>> -> memref<1x125xi32, #tpu.memory_space<vmem>>
    %dma_start3A_32 = tpu.memref_squeeze %dma_start3A_31 : memref<1x125xi32, #tpu.memory_space<vmem>> -> memref<125xi32, #tpu.memory_space<vmem>>
    %dma_start3A_33 = arith.constant 0 : i32
    %dma_start3A_34 = arith.constant 0 : i32
    %dma_start3A_35 = tpu.memref_slice %arg2[%dma_start3A_33, %dma_start3A_34] : memref<10000x128xf32, #tpu.memory_space<hbm>> -> memref<10000x128xf32, #tpu.memory_space<hbm>>
    tpu.enqueue_indirect_dma source(%dma_start3A_35 : memref<10000x128xf32, #tpu.memory_space<hbm>>) target(%arg9 : memref<125x128xf32, #tpu.memory_space<vmem>>) offsets(%dma_start3A_32 : memref<125xi32, #tpu.memory_space<vmem>>) semaphore(%arg12 : memref<!tpu.dma_semaphore, #tpu.memory_space<semaphore_mem>>)
    %scan3A_36 = arith.constant 0 : i32
    %scan3A_37 = arith.constant 0 : i32
    %scan3A_38 = arith.constant 20 : i32
    %scan3A_39 = arith.addi %scan3A_37, %scan3A_38 : i32
    %scan3A_40 = arith.constant 1 : i32
    %scan3A_41 = scf.for %scan3A_55 = %scan3A_37 to %scan3A_39 step %scan3A_40 iter_args(%scan3A_56 = %scan3A_36) -> (i32)  : i32 {
      %mul3A_57 = arith.constant 2 : i32
      %mul3A_58 = arith.muli %mul3A_57, %scan3A_55 : i32
      %add3A_59 = arith.constant 1 : i32
      %add3A_60 = arith.addi %mul3A_58, %add3A_59 : i32
      %dma_start3A_61 = arith.constant 0 : i32
      %dma_start3A_62 = tpu.memref_slice %arg7[%add3A_60, %dma_start3A_61] : memref<40x125xi32, #tpu.memory_space<vmem>> -> memref<1x125xi32, #tpu.memory_space<vmem>>
      %dma_start3A_63 = tpu.memref_squeeze %dma_start3A_62 : memref<1x125xi32, #tpu.memory_space<vmem>> -> memref<125xi32, #tpu.memory_space<vmem>>
      %dma_start3A_64 = arith.constant 0 : i32
      %dma_start3A_65 = arith.constant 0 : i32
      %dma_start3A_66 = tpu.memref_slice %arg2[%dma_start3A_64, %dma_start3A_65] : memref<10000x128xf32, #tpu.memory_space<hbm>> -> memref<10000x128xf32, #tpu.memory_space<hbm>>
      tpu.enqueue_indirect_dma source(%dma_start3A_66 : memref<10000x128xf32, #tpu.memory_space<hbm>>) target(%arg10 : memref<125x128xf32, #tpu.memory_space<vmem>>) offsets(%dma_start3A_63 : memref<125xi32, #tpu.memory_space<vmem>>) semaphore(%arg13 : memref<!tpu.dma_semaphore, #tpu.memory_space<semaphore_mem>>)
      %dma_wait3A_67 = arith.constant 0 : i32
      %dma_wait3A_68 = tpu.memref_slice %arg7[%mul3A_58, %dma_wait3A_67] : memref<40x125xi32, #tpu.memory_space<vmem>> -> memref<1x125xi32, #tpu.memory_space<vmem>>
      %dma_wait3A_69 = tpu.memref_squeeze %dma_wait3A_68 : memref<1x125xi32, #tpu.memory_space<vmem>> -> memref<125xi32, #tpu.memory_space<vmem>>
      %dma_wait3A_70 = arith.constant 0 : i32
      %dma_wait3A_71 = arith.constant 0 : i32
      %dma_wait3A_72 = tpu.memref_slice %arg2[%dma_wait3A_70, %dma_wait3A_71] : memref<10000x128xf32, #tpu.memory_space<hbm>> -> memref<10000x128xf32, #tpu.memory_space<hbm>>
      tpu.wait_indirect_dma semaphore(%arg12 : memref<!tpu.dma_semaphore, #tpu.memory_space<semaphore_mem>>) src(%dma_wait3A_72 : memref<10000x128xf32, #tpu.memory_space<hbm>>) dst(%arg9 : memref<125x128xf32, #tpu.memory_space<vmem>>)
      "tpu.region"() ({
        %run_scoped3A = tpu.sem_alloc : memref<!tpu.dma_semaphore, #tpu.memory_space<semaphore_mem>>
        %dma_start3A_93 = arith.constant 0 : i32
        %dma_start3A_94 = tpu.memref_slice %arg8[%mul3A_58, %dma_start3A_93] : memref<40x125xi32, #tpu.memory_space<vmem>> -> memref<1x125xi32, #tpu.memory_space<vmem>>
        %dma_start3A_95 = tpu.memref_squeeze %dma_start3A_94 : memref<1x125xi32, #tpu.memory_space<vmem>> -> memref<125xi32, #tpu.memory_space<vmem>>
        %dma_start3A_96 = arith.constant 0 : i32
        %dma_start3A_97 = arith.constant 0 : i32
        %dma_start3A_98 = tpu.memref_slice %arg11[%dma_start3A_96, %dma_start3A_97] : memref<10240x128xf32, #tpu.memory_space<vmem_shared>> -> memref<10240x128xf32, #tpu.memory_space<vmem_shared>>
        tpu.enqueue_indirect_dma source(%arg9 : memref<125x128xf32, #tpu.memory_space<vmem>>) target(%dma_start3A_98 : memref<10240x128xf32, #tpu.memory_space<vmem_shared>>) offsets(%dma_start3A_95 : memref<125xi32, #tpu.memory_space<vmem>>) semaphore(%run_scoped3A : memref<!tpu.dma_semaphore, #tpu.memory_space<semaphore_mem>>) {add = true}
        %dma_wait3A_99 = arith.constant 0 : i32
        %dma_wait3A_100 = tpu.memref_slice %arg8[%mul3A_58, %dma_wait3A_99] : memref<40x125xi32, #tpu.memory_space<vmem>> -> memref<1x125xi32, #tpu.memory_space<vmem>>
        %dma_wait3A_101 = tpu.memref_squeeze %dma_wait3A_100 : memref<1x125xi32, #tpu.memory_space<vmem>> -> memref<125xi32, #tpu.memory_space<vmem>>
        %dma_wait3A_102 = arith.constant 0 : i32
        %dma_wait3A_103 = arith.constant 0 : i32
        %dma_wait3A_104 = tpu.memref_slice %arg11[%dma_wait3A_102, %dma_wait3A_103] : memref<10240x128xf32, #tpu.memory_space<vmem_shared>> -> memref<10240x128xf32, #tpu.memory_space<vmem_shared>>
        tpu.wait_indirect_dma semaphore(%run_scoped3A : memref<!tpu.dma_semaphore, #tpu.memory_space<semaphore_mem>>) src(%arg9 : memref<125x128xf32, #tpu.memory_space<vmem>>) dst(%dma_wait3A_104 : memref<10240x128xf32, #tpu.memory_space<vmem_shared>>)
        tpu.yield
      }) : () -> ()
      %add3A_73 = arith.constant 2 : i32
      %add3A_74 = arith.addi %mul3A_58, %add3A_73 : i32
      %min3A = arith.constant 39 : i32
      %min3A_75 = arith.minsi %add3A_74, %min3A : i32
      %dma_start3A_76 = arith.constant 0 : i32
      %dma_start3A_77 = tpu.memref_slice %arg7[%min3A_75, %dma_start3A_76] : memref<40x125xi32, #tpu.memory_space<vmem>> -> memref<1x125xi32, #tpu.memory_space<vmem>>
      %dma_start3A_78 = tpu.memref_squeeze %dma_start3A_77 : memref<1x125xi32, #tpu.memory_space<vmem>> -> memref<125xi32, #tpu.memory_space<vmem>>
      %dma_start3A_79 = arith.constant 0 : i32
      %dma_start3A_80 = arith.constant 0 : i32
      %dma_start3A_81 = tpu.memref_slice %arg2[%dma_start3A_79, %dma_start3A_80] : memref<10000x128xf32, #tpu.memory_space<hbm>> -> memref<10000x128xf32, #tpu.memory_space<hbm>>
      tpu.enqueue_indirect_dma source(%dma_start3A_81 : memref<10000x128xf32, #tpu.memory_space<hbm>>) target(%arg9 : memref<125x128xf32, #tpu.memory_space<vmem>>) offsets(%dma_start3A_78 : memref<125xi32, #tpu.memory_space<vmem>>) semaphore(%arg12 : memref<!tpu.dma_semaphore, #tpu.memory_space<semaphore_mem>>)
      %add3A_82 = arith.constant 1 : i32
      %add3A_83 = arith.addi %mul3A_58, %add3A_82 : i32
      %dma_wait3A_84 = arith.constant 0 : i32
      %dma_wait3A_85 = tpu.memref_slice %arg7[%add3A_83, %dma_wait3A_84] : memref<40x125xi32, #tpu.memory_space<vmem>> -> memref<1x125xi32, #tpu.memory_space<vmem>>
      %dma_wait3A_86 = tpu.memref_squeeze %dma_wait3A_85 : memref<1x125xi32, #tpu.memory_space<vmem>> -> memref<125xi32, #tpu.memory_space<vmem>>
      %dma_wait3A_87 = arith.constant 0 : i32
      %dma_wait3A_88 = arith.constant 0 : i32
      %dma_wait3A_89 = tpu.memref_slice %arg2[%dma_wait3A_87, %dma_wait3A_88] : memref<10000x128xf32, #tpu.memory_space<hbm>> -> memref<10000x128xf32, #tpu.memory_space<hbm>>
      tpu.wait_indirect_dma semaphore(%arg13 : memref<!tpu.dma_semaphore, #tpu.memory_space<semaphore_mem>>) src(%dma_wait3A_89 : memref<10000x128xf32, #tpu.memory_space<hbm>>) dst(%arg10 : memref<125x128xf32, #tpu.memory_space<vmem>>)
      %add3A_90 = arith.constant 1 : i32
      %add3A_91 = arith.addi %mul3A_58, %add3A_90 : i32
      "tpu.region"() ({
        %run_scoped3A = tpu.sem_alloc : memref<!tpu.dma_semaphore, #tpu.memory_space<semaphore_mem>>
        %dma_start3A_93 = arith.constant 0 : i32
        %dma_start3A_94 = tpu.memref_slice %arg8[%add3A_91, %dma_start3A_93] : memref<40x125xi32, #tpu.memory_space<vmem>> -> memref<1x125xi32, #tpu.memory_space<vmem>>
        %dma_start3A_95 = tpu.memref_squeeze %dma_start3A_94 : memref<1x125xi32, #tpu.memory_space<vmem>> -> memref<125xi32, #tpu.memory_space<vmem>>
        %dma_start3A_96 = arith.constant 0 : i32
        %dma_start3A_97 = arith.constant 0 : i32
        %dma_start3A_98 = tpu.memref_slice %arg11[%dma_start3A_96, %dma_start3A_97] : memref<10240x128xf32, #tpu.memory_space<vmem_shared>> -> memref<10240x128xf32, #tpu.memory_space<vmem_shared>>
        tpu.enqueue_indirect_dma source(%arg10 : memref<125x128xf32, #tpu.memory_space<vmem>>) target(%dma_start3A_98 : memref<10240x128xf32, #tpu.memory_space<vmem_shared>>) offsets(%dma_start3A_95 : memref<125xi32, #tpu.memory_space<vmem>>) semaphore(%run_scoped3A : memref<!tpu.dma_semaphore, #tpu.memory_space<semaphore_mem>>) {add = true}
        %dma_wait3A_99 = arith.constant 0 : i32
        %dma_wait3A_100 = tpu.memref_slice %arg8[%add3A_91, %dma_wait3A_99] : memref<40x125xi32, #tpu.memory_space<vmem>> -> memref<1x125xi32, #tpu.memory_space<vmem>>
        %dma_wait3A_101 = tpu.memref_squeeze %dma_wait3A_100 : memref<1x125xi32, #tpu.memory_space<vmem>> -> memref<125xi32, #tpu.memory_space<vmem>>
        %dma_wait3A_102 = arith.constant 0 : i32
        %dma_wait3A_103 = arith.constant 0 : i32
        %dma_wait3A_104 = tpu.memref_slice %arg11[%dma_wait3A_102, %dma_wait3A_103] : memref<10240x128xf32, #tpu.memory_space<vmem_shared>> -> memref<10240x128xf32, #tpu.memory_space<vmem_shared>>
        tpu.wait_indirect_dma semaphore(%run_scoped3A : memref<!tpu.dma_semaphore, #tpu.memory_space<semaphore_mem>>) src(%arg10 : memref<125x128xf32, #tpu.memory_space<vmem>>) dst(%dma_wait3A_104 : memref<10240x128xf32, #tpu.memory_space<vmem_shared>>)
        tpu.yield
      }) : () -> ()
      %scan3A_92 = arith.constant 0 : i32
      scf.yield %scan3A_92 : i32
    }
    %scan3A_42 = arith.constant 20 : i32
    %dma_wait3A_43 = arith.constant 39 : i32
    %dma_wait3A_44 = arith.constant 0 : i32
    %dma_wait3A_45 = tpu.memref_slice %arg7[%dma_wait3A_43, %dma_wait3A_44] : memref<40x125xi32, #tpu.memory_space<vmem>> -> memref<1x125xi32, #tpu.memory_space<vmem>>
    %dma_wait3A_46 = tpu.memref_squeeze %dma_wait3A_45 : memref<1x125xi32, #tpu.memory_space<vmem>> -> memref<125xi32, #tpu.memory_space<vmem>>
    %dma_wait3A_47 = arith.constant 0 : i32
    %dma_wait3A_48 = arith.constant 0 : i32
    %dma_wait3A_49 = tpu.memref_slice %arg2[%dma_wait3A_47, %dma_wait3A_48] : memref<10000x128xf32, #tpu.memory_space<hbm>> -> memref<10000x128xf32, #tpu.memory_space<hbm>>
    tpu.wait_indirect_dma semaphore(%arg12 : memref<!tpu.dma_semaphore, #tpu.memory_space<semaphore_mem>>) src(%dma_wait3A_49 : memref<10000x128xf32, #tpu.memory_space<hbm>>) dst(%arg9 : memref<125x128xf32, #tpu.memory_space<vmem>>)
    %barrier3A_50 = arith.constant 0 : index
    tpu.barrier barrier_id(%barrier3A_50)
    %mul3A_51 = arith.constant 640 : i32
    %mul3A_52 = arith.muli %arg1, %mul3A_51 : i32
    %mul3A_53 = arith.constant 640 : i32
    %mul3A_54 = arith.muli %arg1, %mul3A_53 : i32
    "tpu.region"() ({
      %run_scoped3A = tpu.sem_alloc : memref<!tpu.dma_semaphore, #tpu.memory_space<semaphore_mem>>
      %dma_start3A_55 = arith.constant 0 : i32
      %dma_start3A_56 = tpu.memref_slice %arg6[%arg0, %mul3A_54, %dma_start3A_55] : memref<2x10240x128xf32, #tpu.memory_space<hbm>> -> memref<1x640x128xf32, #tpu.memory_space<hbm>>
      %dma_start3A_57 = tpu.memref_squeeze %dma_start3A_56 : memref<1x640x128xf32, #tpu.memory_space<hbm>> -> memref<640x128xf32, #tpu.memory_space<hbm>>
      %dma_start3A_58 = arith.constant 0 : i32
      %dma_start3A_59 = tpu.memref_slice %arg11[%mul3A_52, %dma_start3A_58] : memref<10240x128xf32, #tpu.memory_space<vmem_shared>> -> memref<640x128xf32, #tpu.memory_space<vmem_shared>>
      tpu.enqueue_dma source(%dma_start3A_59 : memref<640x128xf32, #tpu.memory_space<vmem_shared>>) target(%dma_start3A_57 : memref<640x128xf32, #tpu.memory_space<hbm>>) target_semaphore(%run_scoped3A : memref<!tpu.dma_semaphore, #tpu.memory_space<semaphore_mem>>)
      %dma_wait3A_60 = arith.constant 0 : i32
      %dma_wait3A_61 = tpu.memref_slice %arg6[%arg0, %mul3A_54, %dma_wait3A_60] : memref<2x10240x128xf32, #tpu.memory_space<hbm>> -> memref<1x640x128xf32, #tpu.memory_space<hbm>>
      %dma_wait3A_62 = tpu.memref_squeeze %dma_wait3A_61 : memref<1x640x128xf32, #tpu.memory_space<hbm>> -> memref<640x128xf32, #tpu.memory_space<hbm>>
      %dma_wait3A_63 = arith.constant 0 : i32
      %dma_wait3A_64 = tpu.memref_slice %arg11[%mul3A_52, %dma_wait3A_63] : memref<10240x128xf32, #tpu.memory_space<vmem_shared>> -> memref<640x128xf32, #tpu.memory_space<vmem_shared>>
      tpu.wait_dma2 semaphore(%run_scoped3A : memref<!tpu.dma_semaphore, #tpu.memory_space<semaphore_mem>>) src(%dma_wait3A_64 : memref<640x128xf32, #tpu.memory_space<vmem_shared>>) dst(%dma_wait3A_62 : memref<640x128xf32, #tpu.memory_space<hbm>>)
      tpu.yield
    }) : () -> ()
    return
  }
}

#map = affine_map<(d0, d1) -> (0, 0)>
#map1 = affine_map<(d0, d1) -> (0, 0, 0)>
module attributes {stable_mosaic.version = 14 : i64} {
  func.func @_prop_kernel(%arg0: i32, %arg1: i32, %arg2: memref<10000x128xf32, #tpu.memory_space<hbm>>, %arg3: memref<2560x125xi32, #tpu.memory_space<hbm>>, %arg4: memref<2560x125xi32, #tpu.memory_space<hbm>>, %arg5: memref<10240x128xf32, #tpu.memory_space<hbm>>, %arg6: memref<2x10240x128xf32, #tpu.memory_space<hbm>>, %arg7: memref<40x125xi32, #tpu.memory_space<vmem>>, %arg8: memref<40x125xi32, #tpu.memory_space<vmem>>, %arg9: memref<125x128xf32, #tpu.memory_space<vmem>>, %arg10: memref<125x128xf32, #tpu.memory_space<vmem>>, %arg11: memref<10240x128xf32, #tpu.memory_space<vmem_shared>>, %arg12: memref<!tpu.dma_semaphore, #tpu.memory_space<semaphore_mem>>, %arg13: memref<!tpu.dma_semaphore, #tpu.memory_space<semaphore_mem>>) attributes {dimension_semantics = [#tpu.dimension_semantics<core_parallel>, #tpu.dimension_semantics<subcore_parallel>], iteration_bounds = array<i64: 2, 16>, scalar_prefetch = 0 : i64, scratch_operands = 7 : i64, tpu.core_type = #tpu.core_type<sc_vector_subcore>, window_params = [{transform_indices = #map}, {transform_indices = #map}, {transform_indices = #map}, {transform_indices = #map}, {transform_indices = #map1}]} {
    %mul3A = arith.constant 640 : i32
    %mul3A_0 = arith.muli %arg1, %mul3A : i32
    %mul3A_1 = arith.constant 640 : i32
    %mul3A_2 = arith.muli %arg1, %mul3A_1 : i32
    "tpu.region"() ({
      %run_scoped3A = tpu.sem_alloc : memref<!tpu.dma_semaphore, #tpu.memory_space<semaphore_mem>>
      %dma_start3A_55 = arith.constant 0 : i32
      %dma_start3A_56 = tpu.memref_slice %arg11[%mul3A_2, %dma_start3A_55] : memref<10240x128xf32, #tpu.memory_space<vmem_shared>> -> memref<640x128xf32, #tpu.memory_space<vmem_shared>>
      %dma_start3A_57 = arith.constant 0 : i32
      %dma_start3A_58 = tpu.memref_slice %arg5[%mul3A_0, %dma_start3A_57] : memref<10240x128xf32, #tpu.memory_space<hbm>> -> memref<640x128xf32, #tpu.memory_space<hbm>>
      tpu.enqueue_dma source(%dma_start3A_58 : memref<640x128xf32, #tpu.memory_space<hbm>>) target(%dma_start3A_56 : memref<640x128xf32, #tpu.memory_space<vmem_shared>>) target_semaphore(%run_scoped3A : memref<!tpu.dma_semaphore, #tpu.memory_space<semaphore_mem>>)
      %dma_wait3A_59 = arith.constant 0 : i32
      %dma_wait3A_60 = tpu.memref_slice %arg11[%mul3A_2, %dma_wait3A_59] : memref<10240x128xf32, #tpu.memory_space<vmem_shared>> -> memref<640x128xf32, #tpu.memory_space<vmem_shared>>
      %dma_wait3A_61 = arith.constant 0 : i32
      %dma_wait3A_62 = tpu.memref_slice %arg5[%mul3A_0, %dma_wait3A_61] : memref<10240x128xf32, #tpu.memory_space<hbm>> -> memref<640x128xf32, #tpu.memory_space<hbm>>
      tpu.wait_dma2 semaphore(%run_scoped3A : memref<!tpu.dma_semaphore, #tpu.memory_space<semaphore_mem>>) src(%dma_wait3A_62 : memref<640x128xf32, #tpu.memory_space<hbm>>) dst(%dma_wait3A_60 : memref<640x128xf32, #tpu.memory_space<vmem_shared>>)
      tpu.yield
    }) : () -> ()
    %mul3A_3 = arith.constant 16 : i32
    %mul3A_4 = arith.muli %arg0, %mul3A_3 : i32
    %add3A = arith.addi %mul3A_4, %arg1 : i32
    %mul3A_5 = arith.constant 80 : i32
    %mul3A_6 = arith.muli %add3A, %mul3A_5 : i32
    "tpu.region"() ({
      %run_scoped3A = tpu.sem_alloc : memref<!tpu.dma_semaphore, #tpu.memory_space<semaphore_mem>>
      %dma_start3A_55 = arith.constant 0 : i32
      %dma_start3A_56 = tpu.memref_slice %arg3[%mul3A_6, %dma_start3A_55] : memref<2560x125xi32, #tpu.memory_space<hbm>> -> memref<40x125xi32, #tpu.memory_space<hbm>>
      %dma_start3A_57 = arith.constant 0 : i32
      %dma_start3A_58 = tpu.memref_slice %arg3[%mul3A_6, %dma_start3A_57] : memref<2560x125xi32, #tpu.memory_space<hbm>> -> memref<40x125xi32, #tpu.memory_space<hbm>>
      tpu.enqueue_dma source(%dma_start3A_58 : memref<40x125xi32, #tpu.memory_space<hbm>>) target(%arg7 : memref<40x125xi32, #tpu.memory_space<vmem>>) target_semaphore(%run_scoped3A : memref<!tpu.dma_semaphore, #tpu.memory_space<semaphore_mem>>)
      %dma_wait3A_59 = arith.constant 0 : i32
      %dma_wait3A_60 = tpu.memref_slice %arg3[%mul3A_6, %dma_wait3A_59] : memref<2560x125xi32, #tpu.memory_space<hbm>> -> memref<40x125xi32, #tpu.memory_space<hbm>>
      %dma_wait3A_61 = arith.constant 0 : i32
      %dma_wait3A_62 = tpu.memref_slice %arg3[%mul3A_6, %dma_wait3A_61] : memref<2560x125xi32, #tpu.memory_space<hbm>> -> memref<40x125xi32, #tpu.memory_space<hbm>>
      tpu.wait_dma2 semaphore(%run_scoped3A : memref<!tpu.dma_semaphore, #tpu.memory_space<semaphore_mem>>) src(%dma_wait3A_62 : memref<40x125xi32, #tpu.memory_space<hbm>>) dst(%arg7 : memref<40x125xi32, #tpu.memory_space<vmem>>)
      tpu.yield
    }) : () -> ()
    "tpu.region"() ({
      %run_scoped3A = tpu.sem_alloc : memref<!tpu.dma_semaphore, #tpu.memory_space<semaphore_mem>>
      %dma_start3A_55 = arith.constant 0 : i32
      %dma_start3A_56 = tpu.memref_slice %arg4[%mul3A_6, %dma_start3A_55] : memref<2560x125xi32, #tpu.memory_space<hbm>> -> memref<40x125xi32, #tpu.memory_space<hbm>>
      %dma_start3A_57 = arith.constant 0 : i32
      %dma_start3A_58 = tpu.memref_slice %arg4[%mul3A_6, %dma_start3A_57] : memref<2560x125xi32, #tpu.memory_space<hbm>> -> memref<40x125xi32, #tpu.memory_space<hbm>>
      tpu.enqueue_dma source(%dma_start3A_58 : memref<40x125xi32, #tpu.memory_space<hbm>>) target(%arg8 : memref<40x125xi32, #tpu.memory_space<vmem>>) target_semaphore(%run_scoped3A : memref<!tpu.dma_semaphore, #tpu.memory_space<semaphore_mem>>)
      %dma_wait3A_59 = arith.constant 0 : i32
      %dma_wait3A_60 = tpu.memref_slice %arg4[%mul3A_6, %dma_wait3A_59] : memref<2560x125xi32, #tpu.memory_space<hbm>> -> memref<40x125xi32, #tpu.memory_space<hbm>>
      %dma_wait3A_61 = arith.constant 0 : i32
      %dma_wait3A_62 = tpu.memref_slice %arg4[%mul3A_6, %dma_wait3A_61] : memref<2560x125xi32, #tpu.memory_space<hbm>> -> memref<40x125xi32, #tpu.memory_space<hbm>>
      tpu.wait_dma2 semaphore(%run_scoped3A : memref<!tpu.dma_semaphore, #tpu.memory_space<semaphore_mem>>) src(%dma_wait3A_62 : memref<40x125xi32, #tpu.memory_space<hbm>>) dst(%arg8 : memref<40x125xi32, #tpu.memory_space<vmem>>)
      tpu.yield
    }) : () -> ()
    %barrier3A = arith.constant 0 : index
    tpu.barrier barrier_id(%barrier3A)
    %dma_start3A = arith.constant 0 : i32
    %dma_start3A_7 = arith.constant 0 : i32
    %dma_start3A_8 = tpu.memref_slice %arg7[%dma_start3A, %dma_start3A_7] : memref<40x125xi32, #tpu.memory_space<vmem>> -> memref<1x125xi32, #tpu.memory_space<vmem>>
    %dma_start3A_9 = tpu.memref_squeeze %dma_start3A_8 : memref<1x125xi32, #tpu.memory_space<vmem>> -> memref<125xi32, #tpu.memory_space<vmem>>
    %dma_start3A_10 = arith.constant 0 : i32
    %dma_start3A_11 = arith.constant 0 : i32
    %dma_start3A_12 = tpu.memref_slice %arg2[%dma_start3A_10, %dma_start3A_11] : memref<10000x128xf32, #tpu.memory_space<hbm>> -> memref<10000x128xf32, #tpu.memory_space<hbm>>
    tpu.enqueue_indirect_dma source(%dma_start3A_12 : memref<10000x128xf32, #tpu.memory_space<hbm>>) target(%arg9 : memref<125x128xf32, #tpu.memory_space<vmem>>) offsets(%dma_start3A_9 : memref<125xi32, #tpu.memory_space<vmem>>) semaphore(%arg12 : memref<!tpu.dma_semaphore, #tpu.memory_space<semaphore_mem>>)
    %scan3A = arith.constant 0 : i32
    %scan3A_13 = arith.constant 0 : i32
    %scan3A_14 = arith.constant 20 : i32
    %scan3A_15 = arith.addi %scan3A_13, %scan3A_14 : i32
    %scan3A_16 = arith.constant 1 : i32
    %scan3A_17 = scf.for %scan3A_55 = %scan3A_13 to %scan3A_15 step %scan3A_16 iter_args(%scan3A_56 = %scan3A) -> (i32)  : i32 {
      %mul3A_57 = arith.constant 2 : i32
      %mul3A_58 = arith.muli %mul3A_57, %scan3A_55 : i32
      %add3A_59 = arith.constant 1 : i32
      %add3A_60 = arith.addi %mul3A_58, %add3A_59 : i32
      %dma_start3A_61 = arith.constant 0 : i32
      %dma_start3A_62 = tpu.memref_slice %arg7[%add3A_60, %dma_start3A_61] : memref<40x125xi32, #tpu.memory_space<vmem>> -> memref<1x125xi32, #tpu.memory_space<vmem>>
      %dma_start3A_63 = tpu.memref_squeeze %dma_start3A_62 : memref<1x125xi32, #tpu.memory_space<vmem>> -> memref<125xi32, #tpu.memory_space<vmem>>
      %dma_start3A_64 = arith.constant 0 : i32
      %dma_start3A_65 = arith.constant 0 : i32
      %dma_start3A_66 = tpu.memref_slice %arg2[%dma_start3A_64, %dma_start3A_65] : memref<10000x128xf32, #tpu.memory_space<hbm>> -> memref<10000x128xf32, #tpu.memory_space<hbm>>
      tpu.enqueue_indirect_dma source(%dma_start3A_66 : memref<10000x128xf32, #tpu.memory_space<hbm>>) target(%arg10 : memref<125x128xf32, #tpu.memory_space<vmem>>) offsets(%dma_start3A_63 : memref<125xi32, #tpu.memory_space<vmem>>) semaphore(%arg13 : memref<!tpu.dma_semaphore, #tpu.memory_space<semaphore_mem>>)
      %dma_wait3A_67 = arith.constant 0 : i32
      %dma_wait3A_68 = tpu.memref_slice %arg7[%mul3A_58, %dma_wait3A_67] : memref<40x125xi32, #tpu.memory_space<vmem>> -> memref<1x125xi32, #tpu.memory_space<vmem>>
      %dma_wait3A_69 = tpu.memref_squeeze %dma_wait3A_68 : memref<1x125xi32, #tpu.memory_space<vmem>> -> memref<125xi32, #tpu.memory_space<vmem>>
      %dma_wait3A_70 = arith.constant 0 : i32
      %dma_wait3A_71 = arith.constant 0 : i32
      %dma_wait3A_72 = tpu.memref_slice %arg2[%dma_wait3A_70, %dma_wait3A_71] : memref<10000x128xf32, #tpu.memory_space<hbm>> -> memref<10000x128xf32, #tpu.memory_space<hbm>>
      tpu.wait_indirect_dma semaphore(%arg12 : memref<!tpu.dma_semaphore, #tpu.memory_space<semaphore_mem>>) src(%dma_wait3A_72 : memref<10000x128xf32, #tpu.memory_space<hbm>>) dst(%arg9 : memref<125x128xf32, #tpu.memory_space<vmem>>)
      "tpu.region"() ({
        %run_scoped3A = tpu.sem_alloc : memref<!tpu.dma_semaphore, #tpu.memory_space<semaphore_mem>>
        %dma_start3A_93 = arith.constant 0 : i32
        %dma_start3A_94 = tpu.memref_slice %arg8[%mul3A_58, %dma_start3A_93] : memref<40x125xi32, #tpu.memory_space<vmem>> -> memref<1x125xi32, #tpu.memory_space<vmem>>
        %dma_start3A_95 = tpu.memref_squeeze %dma_start3A_94 : memref<1x125xi32, #tpu.memory_space<vmem>> -> memref<125xi32, #tpu.memory_space<vmem>>
        %dma_start3A_96 = arith.constant 0 : i32
        %dma_start3A_97 = arith.constant 0 : i32
        %dma_start3A_98 = tpu.memref_slice %arg11[%dma_start3A_96, %dma_start3A_97] : memref<10240x128xf32, #tpu.memory_space<vmem_shared>> -> memref<10240x128xf32, #tpu.memory_space<vmem_shared>>
        tpu.enqueue_indirect_dma source(%arg9 : memref<125x128xf32, #tpu.memory_space<vmem>>) target(%dma_start3A_98 : memref<10240x128xf32, #tpu.memory_space<vmem_shared>>) offsets(%dma_start3A_95 : memref<125xi32, #tpu.memory_space<vmem>>) semaphore(%run_scoped3A : memref<!tpu.dma_semaphore, #tpu.memory_space<semaphore_mem>>) {add = true}
        %dma_wait3A_99 = arith.constant 0 : i32
        %dma_wait3A_100 = tpu.memref_slice %arg8[%mul3A_58, %dma_wait3A_99] : memref<40x125xi32, #tpu.memory_space<vmem>> -> memref<1x125xi32, #tpu.memory_space<vmem>>
        %dma_wait3A_101 = tpu.memref_squeeze %dma_wait3A_100 : memref<1x125xi32, #tpu.memory_space<vmem>> -> memref<125xi32, #tpu.memory_space<vmem>>
        %dma_wait3A_102 = arith.constant 0 : i32
        %dma_wait3A_103 = arith.constant 0 : i32
        %dma_wait3A_104 = tpu.memref_slice %arg11[%dma_wait3A_102, %dma_wait3A_103] : memref<10240x128xf32, #tpu.memory_space<vmem_shared>> -> memref<10240x128xf32, #tpu.memory_space<vmem_shared>>
        tpu.wait_indirect_dma semaphore(%run_scoped3A : memref<!tpu.dma_semaphore, #tpu.memory_space<semaphore_mem>>) src(%arg9 : memref<125x128xf32, #tpu.memory_space<vmem>>) dst(%dma_wait3A_104 : memref<10240x128xf32, #tpu.memory_space<vmem_shared>>)
        tpu.yield
      }) : () -> ()
      %add3A_73 = arith.constant 2 : i32
      %add3A_74 = arith.addi %mul3A_58, %add3A_73 : i32
      %min3A = arith.constant 39 : i32
      %min3A_75 = arith.minsi %add3A_74, %min3A : i32
      %dma_start3A_76 = arith.constant 0 : i32
      %dma_start3A_77 = tpu.memref_slice %arg7[%min3A_75, %dma_start3A_76] : memref<40x125xi32, #tpu.memory_space<vmem>> -> memref<1x125xi32, #tpu.memory_space<vmem>>
      %dma_start3A_78 = tpu.memref_squeeze %dma_start3A_77 : memref<1x125xi32, #tpu.memory_space<vmem>> -> memref<125xi32, #tpu.memory_space<vmem>>
      %dma_start3A_79 = arith.constant 0 : i32
      %dma_start3A_80 = arith.constant 0 : i32
      %dma_start3A_81 = tpu.memref_slice %arg2[%dma_start3A_79, %dma_start3A_80] : memref<10000x128xf32, #tpu.memory_space<hbm>> -> memref<10000x128xf32, #tpu.memory_space<hbm>>
      tpu.enqueue_indirect_dma source(%dma_start3A_81 : memref<10000x128xf32, #tpu.memory_space<hbm>>) target(%arg9 : memref<125x128xf32, #tpu.memory_space<vmem>>) offsets(%dma_start3A_78 : memref<125xi32, #tpu.memory_space<vmem>>) semaphore(%arg12 : memref<!tpu.dma_semaphore, #tpu.memory_space<semaphore_mem>>)
      %add3A_82 = arith.constant 1 : i32
      %add3A_83 = arith.addi %mul3A_58, %add3A_82 : i32
      %dma_wait3A_84 = arith.constant 0 : i32
      %dma_wait3A_85 = tpu.memref_slice %arg7[%add3A_83, %dma_wait3A_84] : memref<40x125xi32, #tpu.memory_space<vmem>> -> memref<1x125xi32, #tpu.memory_space<vmem>>
      %dma_wait3A_86 = tpu.memref_squeeze %dma_wait3A_85 : memref<1x125xi32, #tpu.memory_space<vmem>> -> memref<125xi32, #tpu.memory_space<vmem>>
      %dma_wait3A_87 = arith.constant 0 : i32
      %dma_wait3A_88 = arith.constant 0 : i32
      %dma_wait3A_89 = tpu.memref_slice %arg2[%dma_wait3A_87, %dma_wait3A_88] : memref<10000x128xf32, #tpu.memory_space<hbm>> -> memref<10000x128xf32, #tpu.memory_space<hbm>>
      tpu.wait_indirect_dma semaphore(%arg13 : memref<!tpu.dma_semaphore, #tpu.memory_space<semaphore_mem>>) src(%dma_wait3A_89 : memref<10000x128xf32, #tpu.memory_space<hbm>>) dst(%arg10 : memref<125x128xf32, #tpu.memory_space<vmem>>)
      %add3A_90 = arith.constant 1 : i32
      %add3A_91 = arith.addi %mul3A_58, %add3A_90 : i32
      "tpu.region"() ({
        %run_scoped3A = tpu.sem_alloc : memref<!tpu.dma_semaphore, #tpu.memory_space<semaphore_mem>>
        %dma_start3A_93 = arith.constant 0 : i32
        %dma_start3A_94 = tpu.memref_slice %arg8[%add3A_91, %dma_start3A_93] : memref<40x125xi32, #tpu.memory_space<vmem>> -> memref<1x125xi32, #tpu.memory_space<vmem>>
        %dma_start3A_95 = tpu.memref_squeeze %dma_start3A_94 : memref<1x125xi32, #tpu.memory_space<vmem>> -> memref<125xi32, #tpu.memory_space<vmem>>
        %dma_start3A_96 = arith.constant 0 : i32
        %dma_start3A_97 = arith.constant 0 : i32
        %dma_start3A_98 = tpu.memref_slice %arg11[%dma_start3A_96, %dma_start3A_97] : memref<10240x128xf32, #tpu.memory_space<vmem_shared>> -> memref<10240x128xf32, #tpu.memory_space<vmem_shared>>
        tpu.enqueue_indirect_dma source(%arg10 : memref<125x128xf32, #tpu.memory_space<vmem>>) target(%dma_start3A_98 : memref<10240x128xf32, #tpu.memory_space<vmem_shared>>) offsets(%dma_start3A_95 : memref<125xi32, #tpu.memory_space<vmem>>) semaphore(%run_scoped3A : memref<!tpu.dma_semaphore, #tpu.memory_space<semaphore_mem>>) {add = true}
        %dma_wait3A_99 = arith.constant 0 : i32
        %dma_wait3A_100 = tpu.memref_slice %arg8[%add3A_91, %dma_wait3A_99] : memref<40x125xi32, #tpu.memory_space<vmem>> -> memref<1x125xi32, #tpu.memory_space<vmem>>
        %dma_wait3A_101 = tpu.memref_squeeze %dma_wait3A_100 : memref<1x125xi32, #tpu.memory_space<vmem>> -> memref<125xi32, #tpu.memory_space<vmem>>
        %dma_wait3A_102 = arith.constant 0 : i32
        %dma_wait3A_103 = arith.constant 0 : i32
        %dma_wait3A_104 = tpu.memref_slice %arg11[%dma_wait3A_102, %dma_wait3A_103] : memref<10240x128xf32, #tpu.memory_space<vmem_shared>> -> memref<10240x128xf32, #tpu.memory_space<vmem_shared>>
        tpu.wait_indirect_dma semaphore(%run_scoped3A : memref<!tpu.dma_semaphore, #tpu.memory_space<semaphore_mem>>) src(%arg10 : memref<125x128xf32, #tpu.memory_space<vmem>>) dst(%dma_wait3A_104 : memref<10240x128xf32, #tpu.memory_space<vmem_shared>>)
        tpu.yield
      }) : () -> ()
      %scan3A_92 = arith.constant 0 : i32
      scf.yield %scan3A_92 : i32
    }
    %scan3A_18 = arith.constant 20 : i32
    %dma_wait3A = arith.constant 39 : i32
    %dma_wait3A_19 = arith.constant 0 : i32
    %dma_wait3A_20 = tpu.memref_slice %arg7[%dma_wait3A, %dma_wait3A_19] : memref<40x125xi32, #tpu.memory_space<vmem>> -> memref<1x125xi32, #tpu.memory_space<vmem>>
    %dma_wait3A_21 = tpu.memref_squeeze %dma_wait3A_20 : memref<1x125xi32, #tpu.memory_space<vmem>> -> memref<125xi32, #tpu.memory_space<vmem>>
    %dma_wait3A_22 = arith.constant 0 : i32
    %dma_wait3A_23 = arith.constant 0 : i32
    %dma_wait3A_24 = tpu.memref_slice %arg2[%dma_wait3A_22, %dma_wait3A_23] : memref<10000x128xf32, #tpu.memory_space<hbm>> -> memref<10000x128xf32, #tpu.memory_space<hbm>>
    tpu.wait_indirect_dma semaphore(%arg12 : memref<!tpu.dma_semaphore, #tpu.memory_space<semaphore_mem>>) src(%dma_wait3A_24 : memref<10000x128xf32, #tpu.memory_space<hbm>>) dst(%arg9 : memref<125x128xf32, #tpu.memory_space<vmem>>)
    %add3A_25 = arith.constant 40 : i32
    %add3A_26 = arith.addi %mul3A_6, %add3A_25 : i32
    "tpu.region"() ({
      %run_scoped3A = tpu.sem_alloc : memref<!tpu.dma_semaphore, #tpu.memory_space<semaphore_mem>>
      %dma_start3A_55 = arith.constant 0 : i32
      %dma_start3A_56 = tpu.memref_slice %arg3[%add3A_26, %dma_start3A_55] : memref<2560x125xi32, #tpu.memory_space<hbm>> -> memref<40x125xi32, #tpu.memory_space<hbm>>
      %dma_start3A_57 = arith.constant 0 : i32
      %dma_start3A_58 = tpu.memref_slice %arg3[%add3A_26, %dma_start3A_57] : memref<2560x125xi32, #tpu.memory_space<hbm>> -> memref<40x125xi32, #tpu.memory_space<hbm>>
      tpu.enqueue_dma source(%dma_start3A_58 : memref<40x125xi32, #tpu.memory_space<hbm>>) target(%arg7 : memref<40x125xi32, #tpu.memory_space<vmem>>) target_semaphore(%run_scoped3A : memref<!tpu.dma_semaphore, #tpu.memory_space<semaphore_mem>>)
      %dma_wait3A_59 = arith.constant 0 : i32
      %dma_wait3A_60 = tpu.memref_slice %arg3[%add3A_26, %dma_wait3A_59] : memref<2560x125xi32, #tpu.memory_space<hbm>> -> memref<40x125xi32, #tpu.memory_space<hbm>>
      %dma_wait3A_61 = arith.constant 0 : i32
      %dma_wait3A_62 = tpu.memref_slice %arg3[%add3A_26, %dma_wait3A_61] : memref<2560x125xi32, #tpu.memory_space<hbm>> -> memref<40x125xi32, #tpu.memory_space<hbm>>
      tpu.wait_dma2 semaphore(%run_scoped3A : memref<!tpu.dma_semaphore, #tpu.memory_space<semaphore_mem>>) src(%dma_wait3A_62 : memref<40x125xi32, #tpu.memory_space<hbm>>) dst(%arg7 : memref<40x125xi32, #tpu.memory_space<vmem>>)
      tpu.yield
    }) : () -> ()
    %add3A_27 = arith.constant 40 : i32
    %add3A_28 = arith.addi %mul3A_6, %add3A_27 : i32
    "tpu.region"() ({
      %run_scoped3A = tpu.sem_alloc : memref<!tpu.dma_semaphore, #tpu.memory_space<semaphore_mem>>
      %dma_start3A_55 = arith.constant 0 : i32
      %dma_start3A_56 = tpu.memref_slice %arg4[%add3A_28, %dma_start3A_55] : memref<2560x125xi32, #tpu.memory_space<hbm>> -> memref<40x125xi32, #tpu.memory_space<hbm>>
      %dma_start3A_57 = arith.constant 0 : i32
      %dma_start3A_58 = tpu.memref_slice %arg4[%add3A_28, %dma_start3A_57] : memref<2560x125xi32, #tpu.memory_space<hbm>> -> memref<40x125xi32, #tpu.memory_space<hbm>>
      tpu.enqueue_dma source(%dma_start3A_58 : memref<40x125xi32, #tpu.memory_space<hbm>>) target(%arg8 : memref<40x125xi32, #tpu.memory_space<vmem>>) target_semaphore(%run_scoped3A : memref<!tpu.dma_semaphore, #tpu.memory_space<semaphore_mem>>)
      %dma_wait3A_59 = arith.constant 0 : i32
      %dma_wait3A_60 = tpu.memref_slice %arg4[%add3A_28, %dma_wait3A_59] : memref<2560x125xi32, #tpu.memory_space<hbm>> -> memref<40x125xi32, #tpu.memory_space<hbm>>
      %dma_wait3A_61 = arith.constant 0 : i32
      %dma_wait3A_62 = tpu.memref_slice %arg4[%add3A_28, %dma_wait3A_61] : memref<2560x125xi32, #tpu.memory_space<hbm>> -> memref<40x125xi32, #tpu.memory_space<hbm>>
      tpu.wait_dma2 semaphore(%run_scoped3A : memref<!tpu.dma_semaphore, #tpu.memory_space<semaphore_mem>>) src(%dma_wait3A_62 : memref<40x125xi32, #tpu.memory_space<hbm>>) dst(%arg8 : memref<40x125xi32, #tpu.memory_space<vmem>>)
      tpu.yield
    }) : () -> ()
    %dma_start3A_29 = arith.constant 0 : i32
    %dma_start3A_30 = arith.constant 0 : i32
    %dma_start3A_31 = tpu.memref_slice %arg7[%dma_start3A_29, %dma_start3A_30] : memref<40x125xi32, #tpu.memory_space<vmem>> -> memref<1x125xi32, #tpu.memory_space<vmem>>
    %dma_start3A_32 = tpu.memref_squeeze %dma_start3A_31 : memref<1x125xi32, #tpu.memory_space<vmem>> -> memref<125xi32, #tpu.memory_space<vmem>>
    %dma_start3A_33 = arith.constant 0 : i32
    %dma_start3A_34 = arith.constant 0 : i32
    %dma_start3A_35 = tpu.memref_slice %arg2[%dma_start3A_33, %dma_start3A_34] : memref<10000x128xf32, #tpu.memory_space<hbm>> -> memref<10000x128xf32, #tpu.memory_space<hbm>>
    tpu.enqueue_indirect_dma source(%dma_start3A_35 : memref<10000x128xf32, #tpu.memory_space<hbm>>) target(%arg9 : memref<125x128xf32, #tpu.memory_space<vmem>>) offsets(%dma_start3A_32 : memref<125xi32, #tpu.memory_space<vmem>>) semaphore(%arg12 : memref<!tpu.dma_semaphore, #tpu.memory_space<semaphore_mem>>)
    %scan3A_36 = arith.constant 0 : i32
    %scan3A_37 = arith.constant 0 : i32
    %scan3A_38 = arith.constant 20 : i32
    %scan3A_39 = arith.addi %scan3A_37, %scan3A_38 : i32
    %scan3A_40 = arith.constant 1 : i32
    %scan3A_41 = scf.for %scan3A_55 = %scan3A_37 to %scan3A_39 step %scan3A_40 iter_args(%scan3A_56 = %scan3A_36) -> (i32)  : i32 {
      %mul3A_57 = arith.constant 2 : i32
      %mul3A_58 = arith.muli %mul3A_57, %scan3A_55 : i32
      %add3A_59 = arith.constant 1 : i32
      %add3A_60 = arith.addi %mul3A_58, %add3A_59 : i32
      %dma_start3A_61 = arith.constant 0 : i32
      %dma_start3A_62 = tpu.memref_slice %arg7[%add3A_60, %dma_start3A_61] : memref<40x125xi32, #tpu.memory_space<vmem>> -> memref<1x125xi32, #tpu.memory_space<vmem>>
      %dma_start3A_63 = tpu.memref_squeeze %dma_start3A_62 : memref<1x125xi32, #tpu.memory_space<vmem>> -> memref<125xi32, #tpu.memory_space<vmem>>
      %dma_start3A_64 = arith.constant 0 : i32
      %dma_start3A_65 = arith.constant 0 : i32
      %dma_start3A_66 = tpu.memref_slice %arg2[%dma_start3A_64, %dma_start3A_65] : memref<10000x128xf32, #tpu.memory_space<hbm>> -> memref<10000x128xf32, #tpu.memory_space<hbm>>
      tpu.enqueue_indirect_dma source(%dma_start3A_66 : memref<10000x128xf32, #tpu.memory_space<hbm>>) target(%arg10 : memref<125x128xf32, #tpu.memory_space<vmem>>) offsets(%dma_start3A_63 : memref<125xi32, #tpu.memory_space<vmem>>) semaphore(%arg13 : memref<!tpu.dma_semaphore, #tpu.memory_space<semaphore_mem>>)
      %dma_wait3A_67 = arith.constant 0 : i32
      %dma_wait3A_68 = tpu.memref_slice %arg7[%mul3A_58, %dma_wait3A_67] : memref<40x125xi32, #tpu.memory_space<vmem>> -> memref<1x125xi32, #tpu.memory_space<vmem>>
      %dma_wait3A_69 = tpu.memref_squeeze %dma_wait3A_68 : memref<1x125xi32, #tpu.memory_space<vmem>> -> memref<125xi32, #tpu.memory_space<vmem>>
      %dma_wait3A_70 = arith.constant 0 : i32
      %dma_wait3A_71 = arith.constant 0 : i32
      %dma_wait3A_72 = tpu.memref_slice %arg2[%dma_wait3A_70, %dma_wait3A_71] : memref<10000x128xf32, #tpu.memory_space<hbm>> -> memref<10000x128xf32, #tpu.memory_space<hbm>>
      tpu.wait_indirect_dma semaphore(%arg12 : memref<!tpu.dma_semaphore, #tpu.memory_space<semaphore_mem>>) src(%dma_wait3A_72 : memref<10000x128xf32, #tpu.memory_space<hbm>>) dst(%arg9 : memref<125x128xf32, #tpu.memory_space<vmem>>)
      "tpu.region"() ({
        %run_scoped3A = tpu.sem_alloc : memref<!tpu.dma_semaphore, #tpu.memory_space<semaphore_mem>>
        %dma_start3A_93 = arith.constant 0 : i32
        %dma_start3A_94 = tpu.memref_slice %arg8[%mul3A_58, %dma_start3A_93] : memref<40x125xi32, #tpu.memory_space<vmem>> -> memref<1x125xi32, #tpu.memory_space<vmem>>
        %dma_start3A_95 = tpu.memref_squeeze %dma_start3A_94 : memref<1x125xi32, #tpu.memory_space<vmem>> -> memref<125xi32, #tpu.memory_space<vmem>>
        %dma_start3A_96 = arith.constant 0 : i32
        %dma_start3A_97 = arith.constant 0 : i32
        %dma_start3A_98 = tpu.memref_slice %arg11[%dma_start3A_96, %dma_start3A_97] : memref<10240x128xf32, #tpu.memory_space<vmem_shared>> -> memref<10240x128xf32, #tpu.memory_space<vmem_shared>>
        tpu.enqueue_indirect_dma source(%arg9 : memref<125x128xf32, #tpu.memory_space<vmem>>) target(%dma_start3A_98 : memref<10240x128xf32, #tpu.memory_space<vmem_shared>>) offsets(%dma_start3A_95 : memref<125xi32, #tpu.memory_space<vmem>>) semaphore(%run_scoped3A : memref<!tpu.dma_semaphore, #tpu.memory_space<semaphore_mem>>) {add = true}
        %dma_wait3A_99 = arith.constant 0 : i32
        %dma_wait3A_100 = tpu.memref_slice %arg8[%mul3A_58, %dma_wait3A_99] : memref<40x125xi32, #tpu.memory_space<vmem>> -> memref<1x125xi32, #tpu.memory_space<vmem>>
        %dma_wait3A_101 = tpu.memref_squeeze %dma_wait3A_100 : memref<1x125xi32, #tpu.memory_space<vmem>> -> memref<125xi32, #tpu.memory_space<vmem>>
        %dma_wait3A_102 = arith.constant 0 : i32
        %dma_wait3A_103 = arith.constant 0 : i32
        %dma_wait3A_104 = tpu.memref_slice %arg11[%dma_wait3A_102, %dma_wait3A_103] : memref<10240x128xf32, #tpu.memory_space<vmem_shared>> -> memref<10240x128xf32, #tpu.memory_space<vmem_shared>>
        tpu.wait_indirect_dma semaphore(%run_scoped3A : memref<!tpu.dma_semaphore, #tpu.memory_space<semaphore_mem>>) src(%arg9 : memref<125x128xf32, #tpu.memory_space<vmem>>) dst(%dma_wait3A_104 : memref<10240x128xf32, #tpu.memory_space<vmem_shared>>)
        tpu.yield
      }) : () -> ()
      %add3A_73 = arith.constant 2 : i32
      %add3A_74 = arith.addi %mul3A_58, %add3A_73 : i32
      %min3A = arith.constant 39 : i32
      %min3A_75 = arith.minsi %add3A_74, %min3A : i32
      %dma_start3A_76 = arith.constant 0 : i32
      %dma_start3A_77 = tpu.memref_slice %arg7[%min3A_75, %dma_start3A_76] : memref<40x125xi32, #tpu.memory_space<vmem>> -> memref<1x125xi32, #tpu.memory_space<vmem>>
      %dma_start3A_78 = tpu.memref_squeeze %dma_start3A_77 : memref<1x125xi32, #tpu.memory_space<vmem>> -> memref<125xi32, #tpu.memory_space<vmem>>
      %dma_start3A_79 = arith.constant 0 : i32
      %dma_start3A_80 = arith.constant 0 : i32
      %dma_start3A_81 = tpu.memref_slice %arg2[%dma_start3A_79, %dma_start3A_80] : memref<10000x128xf32, #tpu.memory_space<hbm>> -> memref<10000x128xf32, #tpu.memory_space<hbm>>
      tpu.enqueue_indirect_dma source(%dma_start3A_81 : memref<10000x128xf32, #tpu.memory_space<hbm>>) target(%arg9 : memref<125x128xf32, #tpu.memory_space<vmem>>) offsets(%dma_start3A_78 : memref<125xi32, #tpu.memory_space<vmem>>) semaphore(%arg12 : memref<!tpu.dma_semaphore, #tpu.memory_space<semaphore_mem>>)
      %add3A_82 = arith.constant 1 : i32
      %add3A_83 = arith.addi %mul3A_58, %add3A_82 : i32
      %dma_wait3A_84 = arith.constant 0 : i32
      %dma_wait3A_85 = tpu.memref_slice %arg7[%add3A_83, %dma_wait3A_84] : memref<40x125xi32, #tpu.memory_space<vmem>> -> memref<1x125xi32, #tpu.memory_space<vmem>>
      %dma_wait3A_86 = tpu.memref_squeeze %dma_wait3A_85 : memref<1x125xi32, #tpu.memory_space<vmem>> -> memref<125xi32, #tpu.memory_space<vmem>>
      %dma_wait3A_87 = arith.constant 0 : i32
      %dma_wait3A_88 = arith.constant 0 : i32
      %dma_wait3A_89 = tpu.memref_slice %arg2[%dma_wait3A_87, %dma_wait3A_88] : memref<10000x128xf32, #tpu.memory_space<hbm>> -> memref<10000x128xf32, #tpu.memory_space<hbm>>
      tpu.wait_indirect_dma semaphore(%arg13 : memref<!tpu.dma_semaphore, #tpu.memory_space<semaphore_mem>>) src(%dma_wait3A_89 : memref<10000x128xf32, #tpu.memory_space<hbm>>) dst(%arg10 : memref<125x128xf32, #tpu.memory_space<vmem>>)
      %add3A_90 = arith.constant 1 : i32
      %add3A_91 = arith.addi %mul3A_58, %add3A_90 : i32
      "tpu.region"() ({
        %run_scoped3A = tpu.sem_alloc : memref<!tpu.dma_semaphore, #tpu.memory_space<semaphore_mem>>
        %dma_start3A_93 = arith.constant 0 : i32
        %dma_start3A_94 = tpu.memref_slice %arg8[%add3A_91, %dma_start3A_93] : memref<40x125xi32, #tpu.memory_space<vmem>> -> memref<1x125xi32, #tpu.memory_space<vmem>>
        %dma_start3A_95 = tpu.memref_squeeze %dma_start3A_94 : memref<1x125xi32, #tpu.memory_space<vmem>> -> memref<125xi32, #tpu.memory_space<vmem>>
        %dma_start3A_96 = arith.constant 0 : i32
        %dma_start3A_97 = arith.constant 0 : i32
        %dma_start3A_98 = tpu.memref_slice %arg11[%dma_start3A_96, %dma_start3A_97] : memref<10240x128xf32, #tpu.memory_space<vmem_shared>> -> memref<10240x128xf32, #tpu.memory_space<vmem_shared>>
        tpu.enqueue_indirect_dma source(%arg10 : memref<125x128xf32, #tpu.memory_space<vmem>>) target(%dma_start3A_98 : memref<10240x128xf32, #tpu.memory_space<vmem_shared>>) offsets(%dma_start3A_95 : memref<125xi32, #tpu.memory_space<vmem>>) semaphore(%run_scoped3A : memref<!tpu.dma_semaphore, #tpu.memory_space<semaphore_mem>>) {add = true}
        %dma_wait3A_99 = arith.constant 0 : i32
        %dma_wait3A_100 = tpu.memref_slice %arg8[%add3A_91, %dma_wait3A_99] : memref<40x125xi32, #tpu.memory_space<vmem>> -> memref<1x125xi32, #tpu.memory_space<vmem>>
        %dma_wait3A_101 = tpu.memref_squeeze %dma_wait3A_100 : memref<1x125xi32, #tpu.memory_space<vmem>> -> memref<125xi32, #tpu.memory_space<vmem>>
        %dma_wait3A_102 = arith.constant 0 : i32
        %dma_wait3A_103 = arith.constant 0 : i32
        %dma_wait3A_104 = tpu.memref_slice %arg11[%dma_wait3A_102, %dma_wait3A_103] : memref<10240x128xf32, #tpu.memory_space<vmem_shared>> -> memref<10240x128xf32, #tpu.memory_space<vmem_shared>>
        tpu.wait_indirect_dma semaphore(%run_scoped3A : memref<!tpu.dma_semaphore, #tpu.memory_space<semaphore_mem>>) src(%arg10 : memref<125x128xf32, #tpu.memory_space<vmem>>) dst(%dma_wait3A_104 : memref<10240x128xf32, #tpu.memory_space<vmem_shared>>)
        tpu.yield
      }) : () -> ()
      %scan3A_92 = arith.constant 0 : i32
      scf.yield %scan3A_92 : i32
    }
    %scan3A_42 = arith.constant 20 : i32
    %dma_wait3A_43 = arith.constant 39 : i32
    %dma_wait3A_44 = arith.constant 0 : i32
    %dma_wait3A_45 = tpu.memref_slice %arg7[%dma_wait3A_43, %dma_wait3A_44] : memref<40x125xi32, #tpu.memory_space<vmem>> -> memref<1x125xi32, #tpu.memory_space<vmem>>
    %dma_wait3A_46 = tpu.memref_squeeze %dma_wait3A_45 : memref<1x125xi32, #tpu.memory_space<vmem>> -> memref<125xi32, #tpu.memory_space<vmem>>
    %dma_wait3A_47 = arith.constant 0 : i32
    %dma_wait3A_48 = arith.constant 0 : i32
    %dma_wait3A_49 = tpu.memref_slice %arg2[%dma_wait3A_47, %dma_wait3A_48] : memref<10000x128xf32, #tpu.memory_space<hbm>> -> memref<10000x128xf32, #tpu.memory_space<hbm>>
    tpu.wait_indirect_dma semaphore(%arg12 : memref<!tpu.dma_semaphore, #tpu.memory_space<semaphore_mem>>) src(%dma_wait3A_49 : memref<10000x128xf32, #tpu.memory_space<hbm>>) dst(%arg9 : memref<125x128xf32, #tpu.memory_space<vmem>>)
    %barrier3A_50 = arith.constant 0 : index
    tpu.barrier barrier_id(%barrier3A_50)
    %mul3A_51 = arith.constant 640 : i32
    %mul3A_52 = arith.muli %arg1, %mul3A_51 : i32
    %mul3A_53 = arith.constant 640 : i32
    %mul3A_54 = arith.muli %arg1, %mul3A_53 : i32
    "tpu.region"() ({
      %run_scoped3A = tpu.sem_alloc : memref<!tpu.dma_semaphore, #tpu.memory_space<semaphore_mem>>
      %dma_start3A_55 = arith.constant 0 : i32
      %dma_start3A_56 = tpu.memref_slice %arg6[%arg0, %mul3A_54, %dma_start3A_55] : memref<2x10240x128xf32, #tpu.memory_space<hbm>> -> memref<1x640x128xf32, #tpu.memory_space<hbm>>
      %dma_start3A_57 = tpu.memref_squeeze %dma_start3A_56 : memref<1x640x128xf32, #tpu.memory_space<hbm>> -> memref<640x128xf32, #tpu.memory_space<hbm>>
      %dma_start3A_58 = arith.constant 0 : i32
      %dma_start3A_59 = tpu.memref_slice %arg11[%mul3A_52, %dma_start3A_58] : memref<10240x128xf32, #tpu.memory_space<vmem_shared>> -> memref<640x128xf32, #tpu.memory_space<vmem_shared>>
      tpu.enqueue_dma source(%dma_start3A_59 : memref<640x128xf32, #tpu.memory_space<vmem_shared>>) target(%dma_start3A_57 : memref<640x128xf32, #tpu.memory_space<hbm>>) target_semaphore(%run_scoped3A : memref<!tpu.dma_semaphore, #tpu.memory_space<semaphore_mem>>)
      %dma_wait3A_60 = arith.constant 0 : i32
      %dma_wait3A_61 = tpu.memref_slice %arg6[%arg0, %mul3A_54, %dma_wait3A_60] : memref<2x10240x128xf32, #tpu.memory_space<hbm>> -> memref<1x640x128xf32, #tpu.memory_space<hbm>>
      %dma_wait3A_62 = tpu.memref_squeeze %dma_wait3A_61 : memref<1x640x128xf32, #tpu.memory_space<hbm>> -> memref<640x128xf32, #tpu.memory_space<hbm>>
      %dma_wait3A_63 = arith.constant 0 : i32
      %dma_wait3A_64 = tpu.memref_slice %arg11[%mul3A_52, %dma_wait3A_63] : memref<10240x128xf32, #tpu.memory_space<vmem_shared>> -> memref<640x128xf32, #tpu.memory_space<vmem_shared>>
      tpu.wait_dma2 semaphore(%run_scoped3A : memref<!tpu.dma_semaphore, #tpu.memory_space<semaphore_mem>>) src(%dma_wait3A_64 : memref<640x128xf32, #tpu.memory_space<vmem_shared>>) dst(%dma_wait3A_62 : memref<640x128xf32, #tpu.memory_space<hbm>>)
      tpu.yield
    }) : () -> ()
    return
  }
}

#map = affine_map<(d0, d1) -> (0, 0)>
#map1 = affine_map<(d0, d1) -> (0, 0, 0)>
module attributes {stable_mosaic.version = 14 : i64} {
  func.func @_prop_kernel(%arg0: i32, %arg1: i32, %arg2: memref<10000x128xf32, #tpu.memory_space<hbm>>, %arg3: memref<2560x125xi32, #tpu.memory_space<hbm>>, %arg4: memref<2560x125xi32, #tpu.memory_space<hbm>>, %arg5: memref<10240x128xf32, #tpu.memory_space<hbm>>, %arg6: memref<2x10240x128xf32, #tpu.memory_space<hbm>>, %arg7: memref<40x125xi32, #tpu.memory_space<vmem>>, %arg8: memref<40x125xi32, #tpu.memory_space<vmem>>, %arg9: memref<125x128xf32, #tpu.memory_space<vmem>>, %arg10: memref<125x128xf32, #tpu.memory_space<vmem>>, %arg11: memref<10240x128xf32, #tpu.memory_space<vmem_shared>>, %arg12: memref<!tpu.dma_semaphore, #tpu.memory_space<semaphore_mem>>, %arg13: memref<!tpu.dma_semaphore, #tpu.memory_space<semaphore_mem>>) attributes {dimension_semantics = [#tpu.dimension_semantics<core_parallel>, #tpu.dimension_semantics<subcore_parallel>], iteration_bounds = array<i64: 2, 16>, scalar_prefetch = 0 : i64, scratch_operands = 7 : i64, tpu.core_type = #tpu.core_type<sc_vector_subcore>, window_params = [{transform_indices = #map}, {transform_indices = #map}, {transform_indices = #map}, {transform_indices = #map}, {transform_indices = #map1}]} {
    %mul3A = arith.constant 640 : i32
    %mul3A_0 = arith.muli %arg1, %mul3A : i32
    %mul3A_1 = arith.constant 640 : i32
    %mul3A_2 = arith.muli %arg1, %mul3A_1 : i32
    "tpu.region"() ({
      %run_scoped3A = tpu.sem_alloc : memref<!tpu.dma_semaphore, #tpu.memory_space<semaphore_mem>>
      %dma_start3A_55 = arith.constant 0 : i32
      %dma_start3A_56 = tpu.memref_slice %arg11[%mul3A_2, %dma_start3A_55] : memref<10240x128xf32, #tpu.memory_space<vmem_shared>> -> memref<640x128xf32, #tpu.memory_space<vmem_shared>>
      %dma_start3A_57 = arith.constant 0 : i32
      %dma_start3A_58 = tpu.memref_slice %arg5[%mul3A_0, %dma_start3A_57] : memref<10240x128xf32, #tpu.memory_space<hbm>> -> memref<640x128xf32, #tpu.memory_space<hbm>>
      tpu.enqueue_dma source(%dma_start3A_58 : memref<640x128xf32, #tpu.memory_space<hbm>>) target(%dma_start3A_56 : memref<640x128xf32, #tpu.memory_space<vmem_shared>>) target_semaphore(%run_scoped3A : memref<!tpu.dma_semaphore, #tpu.memory_space<semaphore_mem>>)
      %dma_wait3A_59 = arith.constant 0 : i32
      %dma_wait3A_60 = tpu.memref_slice %arg11[%mul3A_2, %dma_wait3A_59] : memref<10240x128xf32, #tpu.memory_space<vmem_shared>> -> memref<640x128xf32, #tpu.memory_space<vmem_shared>>
      %dma_wait3A_61 = arith.constant 0 : i32
      %dma_wait3A_62 = tpu.memref_slice %arg5[%mul3A_0, %dma_wait3A_61] : memref<10240x128xf32, #tpu.memory_space<hbm>> -> memref<640x128xf32, #tpu.memory_space<hbm>>
      tpu.wait_dma2 semaphore(%run_scoped3A : memref<!tpu.dma_semaphore, #tpu.memory_space<semaphore_mem>>) src(%dma_wait3A_62 : memref<640x128xf32, #tpu.memory_space<hbm>>) dst(%dma_wait3A_60 : memref<640x128xf32, #tpu.memory_space<vmem_shared>>)
      tpu.yield
    }) : () -> ()
    %mul3A_3 = arith.constant 16 : i32
    %mul3A_4 = arith.muli %arg0, %mul3A_3 : i32
    %add3A = arith.addi %mul3A_4, %arg1 : i32
    %mul3A_5 = arith.constant 80 : i32
    %mul3A_6 = arith.muli %add3A, %mul3A_5 : i32
    "tpu.region"() ({
      %run_scoped3A = tpu.sem_alloc : memref<!tpu.dma_semaphore, #tpu.memory_space<semaphore_mem>>
      %dma_start3A_55 = arith.constant 0 : i32
      %dma_start3A_56 = tpu.memref_slice %arg3[%mul3A_6, %dma_start3A_55] : memref<2560x125xi32, #tpu.memory_space<hbm>> -> memref<40x125xi32, #tpu.memory_space<hbm>>
      %dma_start3A_57 = arith.constant 0 : i32
      %dma_start3A_58 = tpu.memref_slice %arg3[%mul3A_6, %dma_start3A_57] : memref<2560x125xi32, #tpu.memory_space<hbm>> -> memref<40x125xi32, #tpu.memory_space<hbm>>
      tpu.enqueue_dma source(%dma_start3A_58 : memref<40x125xi32, #tpu.memory_space<hbm>>) target(%arg7 : memref<40x125xi32, #tpu.memory_space<vmem>>) target_semaphore(%run_scoped3A : memref<!tpu.dma_semaphore, #tpu.memory_space<semaphore_mem>>)
      %dma_wait3A_59 = arith.constant 0 : i32
      %dma_wait3A_60 = tpu.memref_slice %arg3[%mul3A_6, %dma_wait3A_59] : memref<2560x125xi32, #tpu.memory_space<hbm>> -> memref<40x125xi32, #tpu.memory_space<hbm>>
      %dma_wait3A_61 = arith.constant 0 : i32
      %dma_wait3A_62 = tpu.memref_slice %arg3[%mul3A_6, %dma_wait3A_61] : memref<2560x125xi32, #tpu.memory_space<hbm>> -> memref<40x125xi32, #tpu.memory_space<hbm>>
      tpu.wait_dma2 semaphore(%run_scoped3A : memref<!tpu.dma_semaphore, #tpu.memory_space<semaphore_mem>>) src(%dma_wait3A_62 : memref<40x125xi32, #tpu.memory_space<hbm>>) dst(%arg7 : memref<40x125xi32, #tpu.memory_space<vmem>>)
      tpu.yield
    }) : () -> ()
    "tpu.region"() ({
      %run_scoped3A = tpu.sem_alloc : memref<!tpu.dma_semaphore, #tpu.memory_space<semaphore_mem>>
      %dma_start3A_55 = arith.constant 0 : i32
      %dma_start3A_56 = tpu.memref_slice %arg4[%mul3A_6, %dma_start3A_55] : memref<2560x125xi32, #tpu.memory_space<hbm>> -> memref<40x125xi32, #tpu.memory_space<hbm>>
      %dma_start3A_57 = arith.constant 0 : i32
      %dma_start3A_58 = tpu.memref_slice %arg4[%mul3A_6, %dma_start3A_57] : memref<2560x125xi32, #tpu.memory_space<hbm>> -> memref<40x125xi32, #tpu.memory_space<hbm>>
      tpu.enqueue_dma source(%dma_start3A_58 : memref<40x125xi32, #tpu.memory_space<hbm>>) target(%arg8 : memref<40x125xi32, #tpu.memory_space<vmem>>) target_semaphore(%run_scoped3A : memref<!tpu.dma_semaphore, #tpu.memory_space<semaphore_mem>>)
      %dma_wait3A_59 = arith.constant 0 : i32
      %dma_wait3A_60 = tpu.memref_slice %arg4[%mul3A_6, %dma_wait3A_59] : memref<2560x125xi32, #tpu.memory_space<hbm>> -> memref<40x125xi32, #tpu.memory_space<hbm>>
      %dma_wait3A_61 = arith.constant 0 : i32
      %dma_wait3A_62 = tpu.memref_slice %arg4[%mul3A_6, %dma_wait3A_61] : memref<2560x125xi32, #tpu.memory_space<hbm>> -> memref<40x125xi32, #tpu.memory_space<hbm>>
      tpu.wait_dma2 semaphore(%run_scoped3A : memref<!tpu.dma_semaphore, #tpu.memory_space<semaphore_mem>>) src(%dma_wait3A_62 : memref<40x125xi32, #tpu.memory_space<hbm>>) dst(%arg8 : memref<40x125xi32, #tpu.memory_space<vmem>>)
      tpu.yield
    }) : () -> ()
    %barrier3A = arith.constant 0 : index
    tpu.barrier barrier_id(%barrier3A)
    %dma_start3A = arith.constant 0 : i32
    %dma_start3A_7 = arith.constant 0 : i32
    %dma_start3A_8 = tpu.memref_slice %arg7[%dma_start3A, %dma_start3A_7] : memref<40x125xi32, #tpu.memory_space<vmem>> -> memref<1x125xi32, #tpu.memory_space<vmem>>
    %dma_start3A_9 = tpu.memref_squeeze %dma_start3A_8 : memref<1x125xi32, #tpu.memory_space<vmem>> -> memref<125xi32, #tpu.memory_space<vmem>>
    %dma_start3A_10 = arith.constant 0 : i32
    %dma_start3A_11 = arith.constant 0 : i32
    %dma_start3A_12 = tpu.memref_slice %arg2[%dma_start3A_10, %dma_start3A_11] : memref<10000x128xf32, #tpu.memory_space<hbm>> -> memref<10000x128xf32, #tpu.memory_space<hbm>>
    tpu.enqueue_indirect_dma source(%dma_start3A_12 : memref<10000x128xf32, #tpu.memory_space<hbm>>) target(%arg9 : memref<125x128xf32, #tpu.memory_space<vmem>>) offsets(%dma_start3A_9 : memref<125xi32, #tpu.memory_space<vmem>>) semaphore(%arg12 : memref<!tpu.dma_semaphore, #tpu.memory_space<semaphore_mem>>)
    %scan3A = arith.constant 0 : i32
    %scan3A_13 = arith.constant 0 : i32
    %scan3A_14 = arith.constant 20 : i32
    %scan3A_15 = arith.addi %scan3A_13, %scan3A_14 : i32
    %scan3A_16 = arith.constant 1 : i32
    %scan3A_17 = scf.for %scan3A_55 = %scan3A_13 to %scan3A_15 step %scan3A_16 iter_args(%scan3A_56 = %scan3A) -> (i32)  : i32 {
      %mul3A_57 = arith.constant 2 : i32
      %mul3A_58 = arith.muli %mul3A_57, %scan3A_55 : i32
      %add3A_59 = arith.constant 1 : i32
      %add3A_60 = arith.addi %mul3A_58, %add3A_59 : i32
      %dma_start3A_61 = arith.constant 0 : i32
      %dma_start3A_62 = tpu.memref_slice %arg7[%add3A_60, %dma_start3A_61] : memref<40x125xi32, #tpu.memory_space<vmem>> -> memref<1x125xi32, #tpu.memory_space<vmem>>
      %dma_start3A_63 = tpu.memref_squeeze %dma_start3A_62 : memref<1x125xi32, #tpu.memory_space<vmem>> -> memref<125xi32, #tpu.memory_space<vmem>>
      %dma_start3A_64 = arith.constant 0 : i32
      %dma_start3A_65 = arith.constant 0 : i32
      %dma_start3A_66 = tpu.memref_slice %arg2[%dma_start3A_64, %dma_start3A_65] : memref<10000x128xf32, #tpu.memory_space<hbm>> -> memref<10000x128xf32, #tpu.memory_space<hbm>>
      tpu.enqueue_indirect_dma source(%dma_start3A_66 : memref<10000x128xf32, #tpu.memory_space<hbm>>) target(%arg10 : memref<125x128xf32, #tpu.memory_space<vmem>>) offsets(%dma_start3A_63 : memref<125xi32, #tpu.memory_space<vmem>>) semaphore(%arg13 : memref<!tpu.dma_semaphore, #tpu.memory_space<semaphore_mem>>)
      %dma_wait3A_67 = arith.constant 0 : i32
      %dma_wait3A_68 = tpu.memref_slice %arg7[%mul3A_58, %dma_wait3A_67] : memref<40x125xi32, #tpu.memory_space<vmem>> -> memref<1x125xi32, #tpu.memory_space<vmem>>
      %dma_wait3A_69 = tpu.memref_squeeze %dma_wait3A_68 : memref<1x125xi32, #tpu.memory_space<vmem>> -> memref<125xi32, #tpu.memory_space<vmem>>
      %dma_wait3A_70 = arith.constant 0 : i32
      %dma_wait3A_71 = arith.constant 0 : i32
      %dma_wait3A_72 = tpu.memref_slice %arg2[%dma_wait3A_70, %dma_wait3A_71] : memref<10000x128xf32, #tpu.memory_space<hbm>> -> memref<10000x128xf32, #tpu.memory_space<hbm>>
      tpu.wait_indirect_dma semaphore(%arg12 : memref<!tpu.dma_semaphore, #tpu.memory_space<semaphore_mem>>) src(%dma_wait3A_72 : memref<10000x128xf32, #tpu.memory_space<hbm>>) dst(%arg9 : memref<125x128xf32, #tpu.memory_space<vmem>>)
      "tpu.region"() ({
        %run_scoped3A = tpu.sem_alloc : memref<!tpu.dma_semaphore, #tpu.memory_space<semaphore_mem>>
        %dma_start3A_93 = arith.constant 0 : i32
        %dma_start3A_94 = tpu.memref_slice %arg8[%mul3A_58, %dma_start3A_93] : memref<40x125xi32, #tpu.memory_space<vmem>> -> memref<1x125xi32, #tpu.memory_space<vmem>>
        %dma_start3A_95 = tpu.memref_squeeze %dma_start3A_94 : memref<1x125xi32, #tpu.memory_space<vmem>> -> memref<125xi32, #tpu.memory_space<vmem>>
        %dma_start3A_96 = arith.constant 0 : i32
        %dma_start3A_97 = arith.constant 0 : i32
        %dma_start3A_98 = tpu.memref_slice %arg11[%dma_start3A_96, %dma_start3A_97] : memref<10240x128xf32, #tpu.memory_space<vmem_shared>> -> memref<10240x128xf32, #tpu.memory_space<vmem_shared>>
        tpu.enqueue_indirect_dma source(%arg9 : memref<125x128xf32, #tpu.memory_space<vmem>>) target(%dma_start3A_98 : memref<10240x128xf32, #tpu.memory_space<vmem_shared>>) offsets(%dma_start3A_95 : memref<125xi32, #tpu.memory_space<vmem>>) semaphore(%run_scoped3A : memref<!tpu.dma_semaphore, #tpu.memory_space<semaphore_mem>>) {add = true}
        %dma_wait3A_99 = arith.constant 0 : i32
        %dma_wait3A_100 = tpu.memref_slice %arg8[%mul3A_58, %dma_wait3A_99] : memref<40x125xi32, #tpu.memory_space<vmem>> -> memref<1x125xi32, #tpu.memory_space<vmem>>
        %dma_wait3A_101 = tpu.memref_squeeze %dma_wait3A_100 : memref<1x125xi32, #tpu.memory_space<vmem>> -> memref<125xi32, #tpu.memory_space<vmem>>
        %dma_wait3A_102 = arith.constant 0 : i32
        %dma_wait3A_103 = arith.constant 0 : i32
        %dma_wait3A_104 = tpu.memref_slice %arg11[%dma_wait3A_102, %dma_wait3A_103] : memref<10240x128xf32, #tpu.memory_space<vmem_shared>> -> memref<10240x128xf32, #tpu.memory_space<vmem_shared>>
        tpu.wait_indirect_dma semaphore(%run_scoped3A : memref<!tpu.dma_semaphore, #tpu.memory_space<semaphore_mem>>) src(%arg9 : memref<125x128xf32, #tpu.memory_space<vmem>>) dst(%dma_wait3A_104 : memref<10240x128xf32, #tpu.memory_space<vmem_shared>>)
        tpu.yield
      }) : () -> ()
      %add3A_73 = arith.constant 2 : i32
      %add3A_74 = arith.addi %mul3A_58, %add3A_73 : i32
      %min3A = arith.constant 39 : i32
      %min3A_75 = arith.minsi %add3A_74, %min3A : i32
      %dma_start3A_76 = arith.constant 0 : i32
      %dma_start3A_77 = tpu.memref_slice %arg7[%min3A_75, %dma_start3A_76] : memref<40x125xi32, #tpu.memory_space<vmem>> -> memref<1x125xi32, #tpu.memory_space<vmem>>
      %dma_start3A_78 = tpu.memref_squeeze %dma_start3A_77 : memref<1x125xi32, #tpu.memory_space<vmem>> -> memref<125xi32, #tpu.memory_space<vmem>>
      %dma_start3A_79 = arith.constant 0 : i32
      %dma_start3A_80 = arith.constant 0 : i32
      %dma_start3A_81 = tpu.memref_slice %arg2[%dma_start3A_79, %dma_start3A_80] : memref<10000x128xf32, #tpu.memory_space<hbm>> -> memref<10000x128xf32, #tpu.memory_space<hbm>>
      tpu.enqueue_indirect_dma source(%dma_start3A_81 : memref<10000x128xf32, #tpu.memory_space<hbm>>) target(%arg9 : memref<125x128xf32, #tpu.memory_space<vmem>>) offsets(%dma_start3A_78 : memref<125xi32, #tpu.memory_space<vmem>>) semaphore(%arg12 : memref<!tpu.dma_semaphore, #tpu.memory_space<semaphore_mem>>)
      %add3A_82 = arith.constant 1 : i32
      %add3A_83 = arith.addi %mul3A_58, %add3A_82 : i32
      %dma_wait3A_84 = arith.constant 0 : i32
      %dma_wait3A_85 = tpu.memref_slice %arg7[%add3A_83, %dma_wait3A_84] : memref<40x125xi32, #tpu.memory_space<vmem>> -> memref<1x125xi32, #tpu.memory_space<vmem>>
      %dma_wait3A_86 = tpu.memref_squeeze %dma_wait3A_85 : memref<1x125xi32, #tpu.memory_space<vmem>> -> memref<125xi32, #tpu.memory_space<vmem>>
      %dma_wait3A_87 = arith.constant 0 : i32
      %dma_wait3A_88 = arith.constant 0 : i32
      %dma_wait3A_89 = tpu.memref_slice %arg2[%dma_wait3A_87, %dma_wait3A_88] : memref<10000x128xf32, #tpu.memory_space<hbm>> -> memref<10000x128xf32, #tpu.memory_space<hbm>>
      tpu.wait_indirect_dma semaphore(%arg13 : memref<!tpu.dma_semaphore, #tpu.memory_space<semaphore_mem>>) src(%dma_wait3A_89 : memref<10000x128xf32, #tpu.memory_space<hbm>>) dst(%arg10 : memref<125x128xf32, #tpu.memory_space<vmem>>)
      %add3A_90 = arith.constant 1 : i32
      %add3A_91 = arith.addi %mul3A_58, %add3A_90 : i32
      "tpu.region"() ({
        %run_scoped3A = tpu.sem_alloc : memref<!tpu.dma_semaphore, #tpu.memory_space<semaphore_mem>>
        %dma_start3A_93 = arith.constant 0 : i32
        %dma_start3A_94 = tpu.memref_slice %arg8[%add3A_91, %dma_start3A_93] : memref<40x125xi32, #tpu.memory_space<vmem>> -> memref<1x125xi32, #tpu.memory_space<vmem>>
        %dma_start3A_95 = tpu.memref_squeeze %dma_start3A_94 : memref<1x125xi32, #tpu.memory_space<vmem>> -> memref<125xi32, #tpu.memory_space<vmem>>
        %dma_start3A_96 = arith.constant 0 : i32
        %dma_start3A_97 = arith.constant 0 : i32
        %dma_start3A_98 = tpu.memref_slice %arg11[%dma_start3A_96, %dma_start3A_97] : memref<10240x128xf32, #tpu.memory_space<vmem_shared>> -> memref<10240x128xf32, #tpu.memory_space<vmem_shared>>
        tpu.enqueue_indirect_dma source(%arg10 : memref<125x128xf32, #tpu.memory_space<vmem>>) target(%dma_start3A_98 : memref<10240x128xf32, #tpu.memory_space<vmem_shared>>) offsets(%dma_start3A_95 : memref<125xi32, #tpu.memory_space<vmem>>) semaphore(%run_scoped3A : memref<!tpu.dma_semaphore, #tpu.memory_space<semaphore_mem>>) {add = true}
        %dma_wait3A_99 = arith.constant 0 : i32
        %dma_wait3A_100 = tpu.memref_slice %arg8[%add3A_91, %dma_wait3A_99] : memref<40x125xi32, #tpu.memory_space<vmem>> -> memref<1x125xi32, #tpu.memory_space<vmem>>
        %dma_wait3A_101 = tpu.memref_squeeze %dma_wait3A_100 : memref<1x125xi32, #tpu.memory_space<vmem>> -> memref<125xi32, #tpu.memory_space<vmem>>
        %dma_wait3A_102 = arith.constant 0 : i32
        %dma_wait3A_103 = arith.constant 0 : i32
        %dma_wait3A_104 = tpu.memref_slice %arg11[%dma_wait3A_102, %dma_wait3A_103] : memref<10240x128xf32, #tpu.memory_space<vmem_shared>> -> memref<10240x128xf32, #tpu.memory_space<vmem_shared>>
        tpu.wait_indirect_dma semaphore(%run_scoped3A : memref<!tpu.dma_semaphore, #tpu.memory_space<semaphore_mem>>) src(%arg10 : memref<125x128xf32, #tpu.memory_space<vmem>>) dst(%dma_wait3A_104 : memref<10240x128xf32, #tpu.memory_space<vmem_shared>>)
        tpu.yield
      }) : () -> ()
      %scan3A_92 = arith.constant 0 : i32
      scf.yield %scan3A_92 : i32
    }
    %scan3A_18 = arith.constant 20 : i32
    %dma_wait3A = arith.constant 39 : i32
    %dma_wait3A_19 = arith.constant 0 : i32
    %dma_wait3A_20 = tpu.memref_slice %arg7[%dma_wait3A, %dma_wait3A_19] : memref<40x125xi32, #tpu.memory_space<vmem>> -> memref<1x125xi32, #tpu.memory_space<vmem>>
    %dma_wait3A_21 = tpu.memref_squeeze %dma_wait3A_20 : memref<1x125xi32, #tpu.memory_space<vmem>> -> memref<125xi32, #tpu.memory_space<vmem>>
    %dma_wait3A_22 = arith.constant 0 : i32
    %dma_wait3A_23 = arith.constant 0 : i32
    %dma_wait3A_24 = tpu.memref_slice %arg2[%dma_wait3A_22, %dma_wait3A_23] : memref<10000x128xf32, #tpu.memory_space<hbm>> -> memref<10000x128xf32, #tpu.memory_space<hbm>>
    tpu.wait_indirect_dma semaphore(%arg12 : memref<!tpu.dma_semaphore, #tpu.memory_space<semaphore_mem>>) src(%dma_wait3A_24 : memref<10000x128xf32, #tpu.memory_space<hbm>>) dst(%arg9 : memref<125x128xf32, #tpu.memory_space<vmem>>)
    %add3A_25 = arith.constant 40 : i32
    %add3A_26 = arith.addi %mul3A_6, %add3A_25 : i32
    "tpu.region"() ({
      %run_scoped3A = tpu.sem_alloc : memref<!tpu.dma_semaphore, #tpu.memory_space<semaphore_mem>>
      %dma_start3A_55 = arith.constant 0 : i32
      %dma_start3A_56 = tpu.memref_slice %arg3[%add3A_26, %dma_start3A_55] : memref<2560x125xi32, #tpu.memory_space<hbm>> -> memref<40x125xi32, #tpu.memory_space<hbm>>
      %dma_start3A_57 = arith.constant 0 : i32
      %dma_start3A_58 = tpu.memref_slice %arg3[%add3A_26, %dma_start3A_57] : memref<2560x125xi32, #tpu.memory_space<hbm>> -> memref<40x125xi32, #tpu.memory_space<hbm>>
      tpu.enqueue_dma source(%dma_start3A_58 : memref<40x125xi32, #tpu.memory_space<hbm>>) target(%arg7 : memref<40x125xi32, #tpu.memory_space<vmem>>) target_semaphore(%run_scoped3A : memref<!tpu.dma_semaphore, #tpu.memory_space<semaphore_mem>>)
      %dma_wait3A_59 = arith.constant 0 : i32
      %dma_wait3A_60 = tpu.memref_slice %arg3[%add3A_26, %dma_wait3A_59] : memref<2560x125xi32, #tpu.memory_space<hbm>> -> memref<40x125xi32, #tpu.memory_space<hbm>>
      %dma_wait3A_61 = arith.constant 0 : i32
      %dma_wait3A_62 = tpu.memref_slice %arg3[%add3A_26, %dma_wait3A_61] : memref<2560x125xi32, #tpu.memory_space<hbm>> -> memref<40x125xi32, #tpu.memory_space<hbm>>
      tpu.wait_dma2 semaphore(%run_scoped3A : memref<!tpu.dma_semaphore, #tpu.memory_space<semaphore_mem>>) src(%dma_wait3A_62 : memref<40x125xi32, #tpu.memory_space<hbm>>) dst(%arg7 : memref<40x125xi32, #tpu.memory_space<vmem>>)
      tpu.yield
    }) : () -> ()
    %add3A_27 = arith.constant 40 : i32
    %add3A_28 = arith.addi %mul3A_6, %add3A_27 : i32
    "tpu.region"() ({
      %run_scoped3A = tpu.sem_alloc : memref<!tpu.dma_semaphore, #tpu.memory_space<semaphore_mem>>
      %dma_start3A_55 = arith.constant 0 : i32
      %dma_start3A_56 = tpu.memref_slice %arg4[%add3A_28, %dma_start3A_55] : memref<2560x125xi32, #tpu.memory_space<hbm>> -> memref<40x125xi32, #tpu.memory_space<hbm>>
      %dma_start3A_57 = arith.constant 0 : i32
      %dma_start3A_58 = tpu.memref_slice %arg4[%add3A_28, %dma_start3A_57] : memref<2560x125xi32, #tpu.memory_space<hbm>> -> memref<40x125xi32, #tpu.memory_space<hbm>>
      tpu.enqueue_dma source(%dma_start3A_58 : memref<40x125xi32, #tpu.memory_space<hbm>>) target(%arg8 : memref<40x125xi32, #tpu.memory_space<vmem>>) target_semaphore(%run_scoped3A : memref<!tpu.dma_semaphore, #tpu.memory_space<semaphore_mem>>)
      %dma_wait3A_59 = arith.constant 0 : i32
      %dma_wait3A_60 = tpu.memref_slice %arg4[%add3A_28, %dma_wait3A_59] : memref<2560x125xi32, #tpu.memory_space<hbm>> -> memref<40x125xi32, #tpu.memory_space<hbm>>
      %dma_wait3A_61 = arith.constant 0 : i32
      %dma_wait3A_62 = tpu.memref_slice %arg4[%add3A_28, %dma_wait3A_61] : memref<2560x125xi32, #tpu.memory_space<hbm>> -> memref<40x125xi32, #tpu.memory_space<hbm>>
      tpu.wait_dma2 semaphore(%run_scoped3A : memref<!tpu.dma_semaphore, #tpu.memory_space<semaphore_mem>>) src(%dma_wait3A_62 : memref<40x125xi32, #tpu.memory_space<hbm>>) dst(%arg8 : memref<40x125xi32, #tpu.memory_space<vmem>>)
      tpu.yield
    }) : () -> ()
    %dma_start3A_29 = arith.constant 0 : i32
    %dma_start3A_30 = arith.constant 0 : i32
    %dma_start3A_31 = tpu.memref_slice %arg7[%dma_start3A_29, %dma_start3A_30] : memref<40x125xi32, #tpu.memory_space<vmem>> -> memref<1x125xi32, #tpu.memory_space<vmem>>
    %dma_start3A_32 = tpu.memref_squeeze %dma_start3A_31 : memref<1x125xi32, #tpu.memory_space<vmem>> -> memref<125xi32, #tpu.memory_space<vmem>>
    %dma_start3A_33 = arith.constant 0 : i32
    %dma_start3A_34 = arith.constant 0 : i32
    %dma_start3A_35 = tpu.memref_slice %arg2[%dma_start3A_33, %dma_start3A_34] : memref<10000x128xf32, #tpu.memory_space<hbm>> -> memref<10000x128xf32, #tpu.memory_space<hbm>>
    tpu.enqueue_indirect_dma source(%dma_start3A_35 : memref<10000x128xf32, #tpu.memory_space<hbm>>) target(%arg9 : memref<125x128xf32, #tpu.memory_space<vmem>>) offsets(%dma_start3A_32 : memref<125xi32, #tpu.memory_space<vmem>>) semaphore(%arg12 : memref<!tpu.dma_semaphore, #tpu.memory_space<semaphore_mem>>)
    %scan3A_36 = arith.constant 0 : i32
    %scan3A_37 = arith.constant 0 : i32
    %scan3A_38 = arith.constant 20 : i32
    %scan3A_39 = arith.addi %scan3A_37, %scan3A_38 : i32
    %scan3A_40 = arith.constant 1 : i32
    %scan3A_41 = scf.for %scan3A_55 = %scan3A_37 to %scan3A_39 step %scan3A_40 iter_args(%scan3A_56 = %scan3A_36) -> (i32)  : i32 {
      %mul3A_57 = arith.constant 2 : i32
      %mul3A_58 = arith.muli %mul3A_57, %scan3A_55 : i32
      %add3A_59 = arith.constant 1 : i32
      %add3A_60 = arith.addi %mul3A_58, %add3A_59 : i32
      %dma_start3A_61 = arith.constant 0 : i32
      %dma_start3A_62 = tpu.memref_slice %arg7[%add3A_60, %dma_start3A_61] : memref<40x125xi32, #tpu.memory_space<vmem>> -> memref<1x125xi32, #tpu.memory_space<vmem>>
      %dma_start3A_63 = tpu.memref_squeeze %dma_start3A_62 : memref<1x125xi32, #tpu.memory_space<vmem>> -> memref<125xi32, #tpu.memory_space<vmem>>
      %dma_start3A_64 = arith.constant 0 : i32
      %dma_start3A_65 = arith.constant 0 : i32
      %dma_start3A_66 = tpu.memref_slice %arg2[%dma_start3A_64, %dma_start3A_65] : memref<10000x128xf32, #tpu.memory_space<hbm>> -> memref<10000x128xf32, #tpu.memory_space<hbm>>
      tpu.enqueue_indirect_dma source(%dma_start3A_66 : memref<10000x128xf32, #tpu.memory_space<hbm>>) target(%arg10 : memref<125x128xf32, #tpu.memory_space<vmem>>) offsets(%dma_start3A_63 : memref<125xi32, #tpu.memory_space<vmem>>) semaphore(%arg13 : memref<!tpu.dma_semaphore, #tpu.memory_space<semaphore_mem>>)
      %dma_wait3A_67 = arith.constant 0 : i32
      %dma_wait3A_68 = tpu.memref_slice %arg7[%mul3A_58, %dma_wait3A_67] : memref<40x125xi32, #tpu.memory_space<vmem>> -> memref<1x125xi32, #tpu.memory_space<vmem>>
      %dma_wait3A_69 = tpu.memref_squeeze %dma_wait3A_68 : memref<1x125xi32, #tpu.memory_space<vmem>> -> memref<125xi32, #tpu.memory_space<vmem>>
      %dma_wait3A_70 = arith.constant 0 : i32
      %dma_wait3A_71 = arith.constant 0 : i32
      %dma_wait3A_72 = tpu.memref_slice %arg2[%dma_wait3A_70, %dma_wait3A_71] : memref<10000x128xf32, #tpu.memory_space<hbm>> -> memref<10000x128xf32, #tpu.memory_space<hbm>>
      tpu.wait_indirect_dma semaphore(%arg12 : memref<!tpu.dma_semaphore, #tpu.memory_space<semaphore_mem>>) src(%dma_wait3A_72 : memref<10000x128xf32, #tpu.memory_space<hbm>>) dst(%arg9 : memref<125x128xf32, #tpu.memory_space<vmem>>)
      "tpu.region"() ({
        %run_scoped3A = tpu.sem_alloc : memref<!tpu.dma_semaphore, #tpu.memory_space<semaphore_mem>>
        %dma_start3A_93 = arith.constant 0 : i32
        %dma_start3A_94 = tpu.memref_slice %arg8[%mul3A_58, %dma_start3A_93] : memref<40x125xi32, #tpu.memory_space<vmem>> -> memref<1x125xi32, #tpu.memory_space<vmem>>
        %dma_start3A_95 = tpu.memref_squeeze %dma_start3A_94 : memref<1x125xi32, #tpu.memory_space<vmem>> -> memref<125xi32, #tpu.memory_space<vmem>>
        %dma_start3A_96 = arith.constant 0 : i32
        %dma_start3A_97 = arith.constant 0 : i32
        %dma_start3A_98 = tpu.memref_slice %arg11[%dma_start3A_96, %dma_start3A_97] : memref<10240x128xf32, #tpu.memory_space<vmem_shared>> -> memref<10240x128xf32, #tpu.memory_space<vmem_shared>>
        tpu.enqueue_indirect_dma source(%arg9 : memref<125x128xf32, #tpu.memory_space<vmem>>) target(%dma_start3A_98 : memref<10240x128xf32, #tpu.memory_space<vmem_shared>>) offsets(%dma_start3A_95 : memref<125xi32, #tpu.memory_space<vmem>>) semaphore(%run_scoped3A : memref<!tpu.dma_semaphore, #tpu.memory_space<semaphore_mem>>) {add = true}
        %dma_wait3A_99 = arith.constant 0 : i32
        %dma_wait3A_100 = tpu.memref_slice %arg8[%mul3A_58, %dma_wait3A_99] : memref<40x125xi32, #tpu.memory_space<vmem>> -> memref<1x125xi32, #tpu.memory_space<vmem>>
        %dma_wait3A_101 = tpu.memref_squeeze %dma_wait3A_100 : memref<1x125xi32, #tpu.memory_space<vmem>> -> memref<125xi32, #tpu.memory_space<vmem>>
        %dma_wait3A_102 = arith.constant 0 : i32
        %dma_wait3A_103 = arith.constant 0 : i32
        %dma_wait3A_104 = tpu.memref_slice %arg11[%dma_wait3A_102, %dma_wait3A_103] : memref<10240x128xf32, #tpu.memory_space<vmem_shared>> -> memref<10240x128xf32, #tpu.memory_space<vmem_shared>>
        tpu.wait_indirect_dma semaphore(%run_scoped3A : memref<!tpu.dma_semaphore, #tpu.memory_space<semaphore_mem>>) src(%arg9 : memref<125x128xf32, #tpu.memory_space<vmem>>) dst(%dma_wait3A_104 : memref<10240x128xf32, #tpu.memory_space<vmem_shared>>)
        tpu.yield
      }) : () -> ()
      %add3A_73 = arith.constant 2 : i32
      %add3A_74 = arith.addi %mul3A_58, %add3A_73 : i32
      %min3A = arith.constant 39 : i32
      %min3A_75 = arith.minsi %add3A_74, %min3A : i32
      %dma_start3A_76 = arith.constant 0 : i32
      %dma_start3A_77 = tpu.memref_slice %arg7[%min3A_75, %dma_start3A_76] : memref<40x125xi32, #tpu.memory_space<vmem>> -> memref<1x125xi32, #tpu.memory_space<vmem>>
      %dma_start3A_78 = tpu.memref_squeeze %dma_start3A_77 : memref<1x125xi32, #tpu.memory_space<vmem>> -> memref<125xi32, #tpu.memory_space<vmem>>
      %dma_start3A_79 = arith.constant 0 : i32
      %dma_start3A_80 = arith.constant 0 : i32
      %dma_start3A_81 = tpu.memref_slice %arg2[%dma_start3A_79, %dma_start3A_80] : memref<10000x128xf32, #tpu.memory_space<hbm>> -> memref<10000x128xf32, #tpu.memory_space<hbm>>
      tpu.enqueue_indirect_dma source(%dma_start3A_81 : memref<10000x128xf32, #tpu.memory_space<hbm>>) target(%arg9 : memref<125x128xf32, #tpu.memory_space<vmem>>) offsets(%dma_start3A_78 : memref<125xi32, #tpu.memory_space<vmem>>) semaphore(%arg12 : memref<!tpu.dma_semaphore, #tpu.memory_space<semaphore_mem>>)
      %add3A_82 = arith.constant 1 : i32
      %add3A_83 = arith.addi %mul3A_58, %add3A_82 : i32
      %dma_wait3A_84 = arith.constant 0 : i32
      %dma_wait3A_85 = tpu.memref_slice %arg7[%add3A_83, %dma_wait3A_84] : memref<40x125xi32, #tpu.memory_space<vmem>> -> memref<1x125xi32, #tpu.memory_space<vmem>>
      %dma_wait3A_86 = tpu.memref_squeeze %dma_wait3A_85 : memref<1x125xi32, #tpu.memory_space<vmem>> -> memref<125xi32, #tpu.memory_space<vmem>>
      %dma_wait3A_87 = arith.constant 0 : i32
      %dma_wait3A_88 = arith.constant 0 : i32
      %dma_wait3A_89 = tpu.memref_slice %arg2[%dma_wait3A_87, %dma_wait3A_88] : memref<10000x128xf32, #tpu.memory_space<hbm>> -> memref<10000x128xf32, #tpu.memory_space<hbm>>
      tpu.wait_indirect_dma semaphore(%arg13 : memref<!tpu.dma_semaphore, #tpu.memory_space<semaphore_mem>>) src(%dma_wait3A_89 : memref<10000x128xf32, #tpu.memory_space<hbm>>) dst(%arg10 : memref<125x128xf32, #tpu.memory_space<vmem>>)
      %add3A_90 = arith.constant 1 : i32
      %add3A_91 = arith.addi %mul3A_58, %add3A_90 : i32
      "tpu.region"() ({
        %run_scoped3A = tpu.sem_alloc : memref<!tpu.dma_semaphore, #tpu.memory_space<semaphore_mem>>
        %dma_start3A_93 = arith.constant 0 : i32
        %dma_start3A_94 = tpu.memref_slice %arg8[%add3A_91, %dma_start3A_93] : memref<40x125xi32, #tpu.memory_space<vmem>> -> memref<1x125xi32, #tpu.memory_space<vmem>>
        %dma_start3A_95 = tpu.memref_squeeze %dma_start3A_94 : memref<1x125xi32, #tpu.memory_space<vmem>> -> memref<125xi32, #tpu.memory_space<vmem>>
        %dma_start3A_96 = arith.constant 0 : i32
        %dma_start3A_97 = arith.constant 0 : i32
        %dma_start3A_98 = tpu.memref_slice %arg11[%dma_start3A_96, %dma_start3A_97] : memref<10240x128xf32, #tpu.memory_space<vmem_shared>> -> memref<10240x128xf32, #tpu.memory_space<vmem_shared>>
        tpu.enqueue_indirect_dma source(%arg10 : memref<125x128xf32, #tpu.memory_space<vmem>>) target(%dma_start3A_98 : memref<10240x128xf32, #tpu.memory_space<vmem_shared>>) offsets(%dma_start3A_95 : memref<125xi32, #tpu.memory_space<vmem>>) semaphore(%run_scoped3A : memref<!tpu.dma_semaphore, #tpu.memory_space<semaphore_mem>>) {add = true}
        %dma_wait3A_99 = arith.constant 0 : i32
        %dma_wait3A_100 = tpu.memref_slice %arg8[%add3A_91, %dma_wait3A_99] : memref<40x125xi32, #tpu.memory_space<vmem>> -> memref<1x125xi32, #tpu.memory_space<vmem>>
        %dma_wait3A_101 = tpu.memref_squeeze %dma_wait3A_100 : memref<1x125xi32, #tpu.memory_space<vmem>> -> memref<125xi32, #tpu.memory_space<vmem>>
        %dma_wait3A_102 = arith.constant 0 : i32
        %dma_wait3A_103 = arith.constant 0 : i32
        %dma_wait3A_104 = tpu.memref_slice %arg11[%dma_wait3A_102, %dma_wait3A_103] : memref<10240x128xf32, #tpu.memory_space<vmem_shared>> -> memref<10240x128xf32, #tpu.memory_space<vmem_shared>>
        tpu.wait_indirect_dma semaphore(%run_scoped3A : memref<!tpu.dma_semaphore, #tpu.memory_space<semaphore_mem>>) src(%arg10 : memref<125x128xf32, #tpu.memory_space<vmem>>) dst(%dma_wait3A_104 : memref<10240x128xf32, #tpu.memory_space<vmem_shared>>)
        tpu.yield
      }) : () -> ()
      %scan3A_92 = arith.constant 0 : i32
      scf.yield %scan3A_92 : i32
    }
    %scan3A_42 = arith.constant 20 : i32
    %dma_wait3A_43 = arith.constant 39 : i32
    %dma_wait3A_44 = arith.constant 0 : i32
    %dma_wait3A_45 = tpu.memref_slice %arg7[%dma_wait3A_43, %dma_wait3A_44] : memref<40x125xi32, #tpu.memory_space<vmem>> -> memref<1x125xi32, #tpu.memory_space<vmem>>
    %dma_wait3A_46 = tpu.memref_squeeze %dma_wait3A_45 : memref<1x125xi32, #tpu.memory_space<vmem>> -> memref<125xi32, #tpu.memory_space<vmem>>
    %dma_wait3A_47 = arith.constant 0 : i32
    %dma_wait3A_48 = arith.constant 0 : i32
    %dma_wait3A_49 = tpu.memref_slice %arg2[%dma_wait3A_47, %dma_wait3A_48] : memref<10000x128xf32, #tpu.memory_space<hbm>> -> memref<10000x128xf32, #tpu.memory_space<hbm>>
    tpu.wait_indirect_dma semaphore(%arg12 : memref<!tpu.dma_semaphore, #tpu.memory_space<semaphore_mem>>) src(%dma_wait3A_49 : memref<10000x128xf32, #tpu.memory_space<hbm>>) dst(%arg9 : memref<125x128xf32, #tpu.memory_space<vmem>>)
    %barrier3A_50 = arith.constant 0 : index
    tpu.barrier barrier_id(%barrier3A_50)
    %mul3A_51 = arith.constant 640 : i32
    %mul3A_52 = arith.muli %arg1, %mul3A_51 : i32
    %mul3A_53 = arith.constant 640 : i32
    %mul3A_54 = arith.muli %arg1, %mul3A_53 : i32
    "tpu.region"() ({
      %run_scoped3A = tpu.sem_alloc : memref<!tpu.dma_semaphore, #tpu.memory_space<semaphore_mem>>
      %dma_start3A_55 = arith.constant 0 : i32
      %dma_start3A_56 = tpu.memref_slice %arg6[%arg0, %mul3A_54, %dma_start3A_55] : memref<2x10240x128xf32, #tpu.memory_space<hbm>> -> memref<1x640x128xf32, #tpu.memory_space<hbm>>
      %dma_start3A_57 = tpu.memref_squeeze %dma_start3A_56 : memref<1x640x128xf32, #tpu.memory_space<hbm>> -> memref<640x128xf32, #tpu.memory_space<hbm>>
      %dma_start3A_58 = arith.constant 0 : i32
      %dma_start3A_59 = tpu.memref_slice %arg11[%mul3A_52, %dma_start3A_58] : memref<10240x128xf32, #tpu.memory_space<vmem_shared>> -> memref<640x128xf32, #tpu.memory_space<vmem_shared>>
      tpu.enqueue_dma source(%dma_start3A_59 : memref<640x128xf32, #tpu.memory_space<vmem_shared>>) target(%dma_start3A_57 : memref<640x128xf32, #tpu.memory_space<hbm>>) target_semaphore(%run_scoped3A : memref<!tpu.dma_semaphore, #tpu.memory_space<semaphore_mem>>)
      %dma_wait3A_60 = arith.constant 0 : i32
      %dma_wait3A_61 = tpu.memref_slice %arg6[%arg0, %mul3A_54, %dma_wait3A_60] : memref<2x10240x128xf32, #tpu.memory_space<hbm>> -> memref<1x640x128xf32, #tpu.memory_space<hbm>>
      %dma_wait3A_62 = tpu.memref_squeeze %dma_wait3A_61 : memref<1x640x128xf32, #tpu.memory_space<hbm>> -> memref<640x128xf32, #tpu.memory_space<hbm>>
      %dma_wait3A_63 = arith.constant 0 : i32
      %dma_wait3A_64 = tpu.memref_slice %arg11[%mul3A_52, %dma_wait3A_63] : memref<10240x128xf32, #tpu.memory_space<vmem_shared>> -> memref<640x128xf32, #tpu.memory_space<vmem_shared>>
      tpu.wait_dma2 semaphore(%run_scoped3A : memref<!tpu.dma_semaphore, #tpu.memory_space<semaphore_mem>>) src(%dma_wait3A_64 : memref<640x128xf32, #tpu.memory_space<vmem_shared>>) dst(%dma_wait3A_62 : memref<640x128xf32, #tpu.memory_space<hbm>>)
      tpu.yield
    }) : () -> ()
    return
  }
}

module attributes {stable_mosaic.version = 14 : i64} {
  func.func @_prep_body(%arg0: i32, %arg1: memref<1x5000x1xf32, #tpu.memory_space<vmem>>, %arg2: memref<1x5000x1xf32, #tpu.memory_space<vmem>>, %arg3: memref<5000x128xf32, #tpu.memory_space<vmem>>, %arg4: memref<5000x128xf32, #tpu.memory_space<vmem>>) attributes {dimension_semantics = [#tpu.dimension_semantics<arbitrary>], iteration_bounds = array<i64: 2>, scalar_prefetch = 0 : i64, scratch_operands = 0 : i64, tpu.core_type = #tpu.core_type<tc>, window_params = [{transform_indices = @transform_0, window_bounds = array<i64: 1, 5000, 1>}, {transform_indices = @transform_1, window_bounds = array<i64: 1, 5000, 1>}, {transform_indices = @transform_2, window_bounds = array<i64: 5000, 128>}, {transform_indices = @transform_3, window_bounds = array<i64: 5000, 128>}]} {
    %get3A = arith.constant 0 : index
    %get3A_0 = arith.constant 0 : index
    %get3A_1 = arith.constant 0 : index
    %get3A_2 = vector.load %arg1[%get3A, %get3A_0, %get3A_1] : memref<1x5000x1xf32, #tpu.memory_space<vmem>>, vector<1x5000x1xf32>
    %get3A_3 = vector.shape_cast %get3A_2 : vector<1x5000x1xf32> to vector<5000x1xf32>
    %get3A_4 = arith.constant 0 : index
    %get3A_5 = arith.constant 0 : index
    %get3A_6 = arith.constant 0 : index
    %get3A_7 = vector.load %arg2[%get3A_4, %get3A_5, %get3A_6] : memref<1x5000x1xf32, #tpu.memory_space<vmem>>, vector<1x5000x1xf32>
    %get3A_8 = vector.shape_cast %get3A_7 : vector<1x5000x1xf32> to vector<5000x1xf32>
    %add3A = arith.addf %get3A_3, %get3A_8 : vector<5000x1xf32>
    %max3A = arith.constant 1.000000e+00 : f32
    %max3A_9 = vector.broadcast %max3A : f32 to vector<5000x1xf32>
    %max3A_10 = arith.maximumf %add3A, %max3A_9 : vector<5000x1xf32>
    %rsqrt3A = math.rsqrt %max3A_10 : vector<5000x1xf32>
    %get3A_11 = arith.constant 0 : index
    %get3A_12 = arith.constant 0 : index
    %get3A_13 = vector.load %arg3[%get3A_11, %get3A_12] : memref<5000x128xf32, #tpu.memory_space<vmem>>, vector<5000x128xf32>
    %mul3A = vector.broadcast %rsqrt3A : vector<5000x1xf32> to vector<5000x128xf32>
    %mul3A_14 = arith.mulf %get3A_13, %mul3A : vector<5000x128xf32>
    %swap3A = arith.constant 0 : index
    %swap3A_15 = arith.constant 0 : index
    %swap3A_16 = vector.load %arg4[%swap3A, %swap3A_15] : memref<5000x128xf32, #tpu.memory_space<vmem>>, vector<5000x128xf32>
    tpu.vector_store %arg4[%swap3A, %swap3A_15], %mul3A_14 {strides = array<i32>} : memref<5000x128xf32, #tpu.memory_space<vmem>>, vector<5000x128xf32>,
    return
  }
  func.func @transform_0(%arg0: i32) -> (i32, i32, i32) {
    %c0_i32 = arith.constant 0 : i32
    %c0_i32_0 = arith.constant 0 : i32
    %c0_i32_1 = arith.constant 0 : i32
    return %c0_i32, %arg0, %c0_i32_0 : i32, i32, i32
  }
  func.func @transform_1(%arg0: i32) -> (i32, i32, i32) {
    %c1_i32 = arith.constant 1 : i32
    %c0_i32 = arith.constant 0 : i32
    %c0_i32_0 = arith.constant 0 : i32
    return %c1_i32, %arg0, %c0_i32 : i32, i32, i32
  }
  func.func @transform_2(%arg0: i32) -> (i32, i32) {
    %c0_i32 = arith.constant 0 : i32
    %c0_i32_0 = arith.constant 0 : i32
    return %arg0, %c0_i32 : i32, i32
  }
  func.func @transform_3(%arg0: i32) -> (i32, i32) {
    %c0_i32 = arith.constant 0 : i32
    %c0_i32_0 = arith.constant 0 : i32
    return %arg0, %c0_i32 : i32, i32
  }
}

module attributes {stable_mosaic.version = 14 : i64} {
  func.func @_dense_mid_body(%arg0: i32, %arg1: memref<1x5000x128xf32, #tpu.memory_space<vmem>>, %arg2: memref<1x5000x128xf32, #tpu.memory_space<vmem>>, %arg3: memref<1x5000x1xf32, #tpu.memory_space<vmem>>, %arg4: memref<1x5000x1xf32, #tpu.memory_space<vmem>>, %arg5: memref<5000x128xf32, #tpu.memory_space<vmem>>, %arg6: memref<128x128xf32, #tpu.memory_space<vmem>>, %arg7: memref<1x128xf32, #tpu.memory_space<vmem>>, %arg8: memref<5000x128xf32, #tpu.memory_space<vmem>>) attributes {dimension_semantics = [#tpu.dimension_semantics<arbitrary>], iteration_bounds = array<i64: 2>, scalar_prefetch = 0 : i64, scratch_operands = 0 : i64, tpu.core_type = #tpu.core_type<tc>, window_params = [{transform_indices = @transform_0, window_bounds = array<i64: 1, 5000, 128>}, {transform_indices = @transform_1, window_bounds = array<i64: 1, 5000, 128>}, {transform_indices = @transform_2, window_bounds = array<i64: 1, 5000, 1>}, {transform_indices = @transform_3, window_bounds = array<i64: 1, 5000, 1>}, {transform_indices = @transform_4, window_bounds = array<i64: 5000, 128>}, {pipeline_mode = #tpu.pipeline_mode<synchronous>, transform_indices = @transform_5, window_bounds = array<i64: 128, 128>}, {pipeline_mode = #tpu.pipeline_mode<synchronous>, transform_indices = @transform_6, window_bounds = array<i64: 1, 128>}, {transform_indices = @transform_7, window_bounds = array<i64: 5000, 128>}]} {
    %get3A = arith.constant 0 : index
    %get3A_0 = arith.constant 0 : index
    %get3A_1 = arith.constant 0 : index
    %get3A_2 = vector.load %arg3[%get3A, %get3A_0, %get3A_1] : memref<1x5000x1xf32, #tpu.memory_space<vmem>>, vector<1x5000x1xf32>
    %get3A_3 = vector.shape_cast %get3A_2 : vector<1x5000x1xf32> to vector<5000x1xf32>
    %get3A_4 = arith.constant 0 : index
    %get3A_5 = arith.constant 0 : index
    %get3A_6 = arith.constant 0 : index
    %get3A_7 = vector.load %arg4[%get3A_4, %get3A_5, %get3A_6] : memref<1x5000x1xf32, #tpu.memory_space<vmem>>, vector<1x5000x1xf32>
    %get3A_8 = vector.shape_cast %get3A_7 : vector<1x5000x1xf32> to vector<5000x1xf32>
    %add3A = arith.addf %get3A_3, %get3A_8 : vector<5000x1xf32>
    %max3A = arith.constant 1.000000e+00 : f32
    %max3A_9 = vector.broadcast %max3A : f32 to vector<5000x1xf32>
    %max3A_10 = arith.maximumf %add3A, %max3A_9 : vector<5000x1xf32>
    %rsqrt3A = math.rsqrt %max3A_10 : vector<5000x1xf32>
    %get3A_11 = arith.constant 0 : index
    %get3A_12 = arith.constant 0 : index
    %get3A_13 = arith.constant 0 : index
    %get3A_14 = vector.load %arg1[%get3A_11, %get3A_12, %get3A_13] : memref<1x5000x128xf32, #tpu.memory_space<vmem>>, vector<1x5000x128xf32>
    %get3A_15 = vector.shape_cast %get3A_14 : vector<1x5000x128xf32> to vector<5000x128xf32>
    %get3A_16 = arith.constant 0 : index
    %get3A_17 = arith.constant 0 : index
    %get3A_18 = arith.constant 0 : index
    %get3A_19 = vector.load %arg2[%get3A_16, %get3A_17, %get3A_18] : memref<1x5000x128xf32, #tpu.memory_space<vmem>>, vector<1x5000x128xf32>
    %get3A_20 = vector.shape_cast %get3A_19 : vector<1x5000x128xf32> to vector<5000x128xf32>
    %add3A_21 = arith.addf %get3A_15, %get3A_20 : vector<5000x128xf32>
    %mul3A = vector.broadcast %rsqrt3A : vector<5000x1xf32> to vector<5000x128xf32>
    %mul3A_22 = arith.mulf %add3A_21, %mul3A : vector<5000x128xf32>
    %mul3A_23 = arith.constant 0.899999976 : f32
    %mul3A_24 = vector.broadcast %mul3A_23 : f32 to vector<5000x128xf32>
    %mul3A_25 = arith.mulf %mul3A_24, %mul3A_22 : vector<5000x128xf32>
    %get3A_26 = arith.constant 0 : index
    %get3A_27 = arith.constant 0 : index
    %get3A_28 = vector.load %arg5[%get3A_26, %get3A_27] : memref<5000x128xf32, #tpu.memory_space<vmem>>, vector<5000x128xf32>
    %mul3A_29 = arith.constant 1.000000e-01 : f32
    %mul3A_30 = vector.broadcast %mul3A_29 : f32 to vector<5000x128xf32>
    %mul3A_31 = arith.mulf %mul3A_30, %get3A_28 : vector<5000x128xf32>
    %add3A_32 = arith.addf %mul3A_25, %mul3A_31 : vector<5000x128xf32>
    %get3A_33 = arith.constant 0 : index
    %get3A_34 = arith.constant 0 : index
    %get3A_35 = vector.load %arg6[%get3A_33, %get3A_34] : memref<128x128xf32, #tpu.memory_space<vmem>>, vector<128x128xf32>
    %dot_general3A = arith.constant dense<0.000000e+00> : vector<5000x128xf32>
    %dot_general3A_36 = tpu.matmul %add3A_32, %get3A_35, %dot_general3A {dimension_numbers = #tpu.dot_dimension_numbers<[1], [0], [0], [1], [0, 0, 1, 1], [], []>, transpose_lhs_hint = false} : vector<5000x128xf32>, vector<128x128xf32>, vector<5000x128xf32> -> vector<5000x128xf32>
    %get3A_37 = arith.constant 0 : index
    %get3A_38 = arith.constant 0 : index
    %get3A_39 = vector.load %arg7[%get3A_37, %get3A_38] : memref<1x128xf32, #tpu.memory_space<vmem>>, vector<1x128xf32>
    %add3A_40 = vector.broadcast %get3A_39 : vector<1x128xf32> to vector<5000x128xf32>
    %add3A_41 = arith.addf %dot_general3A_36, %add3A_40 : vector<5000x128xf32>
    %max3A_42 = arith.constant 0.000000e+00 : f32
    %max3A_43 = vector.broadcast %max3A_42 : f32 to vector<5000x128xf32>
    %max3A_44 = arith.maximumf %add3A_41, %max3A_43 : vector<5000x128xf32>
    %mul3A_45 = vector.broadcast %rsqrt3A : vector<5000x1xf32> to vector<5000x128xf32>
    %mul3A_46 = arith.mulf %max3A_44, %mul3A_45 : vector<5000x128xf32>
    %swap3A = arith.constant 0 : index
    %swap3A_47 = arith.constant 0 : index
    %swap3A_48 = vector.load %arg8[%swap3A, %swap3A_47] : memref<5000x128xf32, #tpu.memory_space<vmem>>, vector<5000x128xf32>
    tpu.vector_store %arg8[%swap3A, %swap3A_47], %mul3A_46 {strides = array<i32>} : memref<5000x128xf32, #tpu.memory_space<vmem>>, vector<5000x128xf32>,
    return
  }
  func.func @transform_0(%arg0: i32) -> (i32, i32, i32) {
    %c0_i32 = arith.constant 0 : i32
    %c0_i32_0 = arith.constant 0 : i32
    %c0_i32_1 = arith.constant 0 : i32
    return %c0_i32, %arg0, %c0_i32_0 : i32, i32, i32
  }
  func.func @transform_1(%arg0: i32) -> (i32, i32, i32) {
    %c1_i32 = arith.constant 1 : i32
    %c0_i32 = arith.constant 0 : i32
    %c0_i32_0 = arith.constant 0 : i32
    return %c1_i32, %arg0, %c0_i32 : i32, i32, i32
  }
  func.func @transform_2(%arg0: i32) -> (i32, i32, i32) {
    %c0_i32 = arith.constant 0 : i32
    %c0_i32_0 = arith.constant 0 : i32
    %c0_i32_1 = arith.constant 0 : i32
    return %c0_i32, %arg0, %c0_i32_0 : i32, i32, i32
  }
  func.func @transform_3(%arg0: i32) -> (i32, i32, i32) {
    %c1_i32 = arith.constant 1 : i32
    %c0_i32 = arith.constant 0 : i32
    %c0_i32_0 = arith.constant 0 : i32
    return %c1_i32, %arg0, %c0_i32 : i32, i32, i32
  }
  func.func @transform_4(%arg0: i32) -> (i32, i32) {
    %c0_i32 = arith.constant 0 : i32
    %c0_i32_0 = arith.constant 0 : i32
    return %arg0, %c0_i32 : i32, i32
  }
  func.func @transform_5(%arg0: i32) -> (i32, i32) {
    %c0_i32 = arith.constant 0 : i32
    %c0_i32_0 = arith.constant 0 : i32
    %c0_i32_1 = arith.constant 0 : i32
    return %c0_i32, %c0_i32_0 : i32, i32
  }
  func.func @transform_6(%arg0: i32) -> (i32, i32) {
    %c0_i32 = arith.constant 0 : i32
    %c0_i32_0 = arith.constant 0 : i32
    %c0_i32_1 = arith.constant 0 : i32
    return %c0_i32, %c0_i32_0 : i32, i32
  }
  func.func @transform_7(%arg0: i32) -> (i32, i32) {
    %c0_i32 = arith.constant 0 : i32
    %c0_i32_0 = arith.constant 0 : i32
    return %arg0, %c0_i32 : i32, i32
  }
}

module attributes {stable_mosaic.version = 14 : i64} {
  func.func @_dense_fin_body(%arg0: i32, %arg1: memref<1x5000x128xf32, #tpu.memory_space<vmem>>, %arg2: memref<1x5000x128xf32, #tpu.memory_space<vmem>>, %arg3: memref<1x5000x1xf32, #tpu.memory_space<vmem>>, %arg4: memref<1x5000x1xf32, #tpu.memory_space<vmem>>, %arg5: memref<5000x128xf32, #tpu.memory_space<vmem>>, %arg6: memref<128x128xf32, #tpu.memory_space<vmem>>, %arg7: memref<1x128xf32, #tpu.memory_space<vmem>>, %arg8: memref<5000x128xf32, #tpu.memory_space<vmem>>) attributes {dimension_semantics = [#tpu.dimension_semantics<arbitrary>], iteration_bounds = array<i64: 2>, scalar_prefetch = 0 : i64, scratch_operands = 0 : i64, tpu.core_type = #tpu.core_type<tc>, window_params = [{transform_indices = @transform_0, window_bounds = array<i64: 1, 5000, 128>}, {transform_indices = @transform_1, window_bounds = array<i64: 1, 5000, 128>}, {transform_indices = @transform_2, window_bounds = array<i64: 1, 5000, 1>}, {transform_indices = @transform_3, window_bounds = array<i64: 1, 5000, 1>}, {transform_indices = @transform_4, window_bounds = array<i64: 5000, 128>}, {pipeline_mode = #tpu.pipeline_mode<synchronous>, transform_indices = @transform_5, window_bounds = array<i64: 128, 128>}, {pipeline_mode = #tpu.pipeline_mode<synchronous>, transform_indices = @transform_6, window_bounds = array<i64: 1, 128>}, {transform_indices = @transform_7, window_bounds = array<i64: 5000, 128>}]} {
    %get3A = arith.constant 0 : index
    %get3A_0 = arith.constant 0 : index
    %get3A_1 = arith.constant 0 : index
    %get3A_2 = vector.load %arg3[%get3A, %get3A_0, %get3A_1] : memref<1x5000x1xf32, #tpu.memory_space<vmem>>, vector<1x5000x1xf32>
    %get3A_3 = vector.shape_cast %get3A_2 : vector<1x5000x1xf32> to vector<5000x1xf32>
    %get3A_4 = arith.constant 0 : index
    %get3A_5 = arith.constant 0 : index
    %get3A_6 = arith.constant 0 : index
    %get3A_7 = vector.load %arg4[%get3A_4, %get3A_5, %get3A_6] : memref<1x5000x1xf32, #tpu.memory_space<vmem>>, vector<1x5000x1xf32>
    %get3A_8 = vector.shape_cast %get3A_7 : vector<1x5000x1xf32> to vector<5000x1xf32>
    %add3A = arith.addf %get3A_3, %get3A_8 : vector<5000x1xf32>
    %max3A = arith.constant 1.000000e+00 : f32
    %max3A_9 = vector.broadcast %max3A : f32 to vector<5000x1xf32>
    %max3A_10 = arith.maximumf %add3A, %max3A_9 : vector<5000x1xf32>
    %rsqrt3A = math.rsqrt %max3A_10 : vector<5000x1xf32>
    %get3A_11 = arith.constant 0 : index
    %get3A_12 = arith.constant 0 : index
    %get3A_13 = arith.constant 0 : index
    %get3A_14 = vector.load %arg1[%get3A_11, %get3A_12, %get3A_13] : memref<1x5000x128xf32, #tpu.memory_space<vmem>>, vector<1x5000x128xf32>
    %get3A_15 = vector.shape_cast %get3A_14 : vector<1x5000x128xf32> to vector<5000x128xf32>
    %get3A_16 = arith.constant 0 : index
    %get3A_17 = arith.constant 0 : index
    %get3A_18 = arith.constant 0 : index
    %get3A_19 = vector.load %arg2[%get3A_16, %get3A_17, %get3A_18] : memref<1x5000x128xf32, #tpu.memory_space<vmem>>, vector<1x5000x128xf32>
    %get3A_20 = vector.shape_cast %get3A_19 : vector<1x5000x128xf32> to vector<5000x128xf32>
    %add3A_21 = arith.addf %get3A_15, %get3A_20 : vector<5000x128xf32>
    %mul3A = vector.broadcast %rsqrt3A : vector<5000x1xf32> to vector<5000x128xf32>
    %mul3A_22 = arith.mulf %add3A_21, %mul3A : vector<5000x128xf32>
    %mul3A_23 = arith.constant 0.899999976 : f32
    %mul3A_24 = vector.broadcast %mul3A_23 : f32 to vector<5000x128xf32>
    %mul3A_25 = arith.mulf %mul3A_24, %mul3A_22 : vector<5000x128xf32>
    %get3A_26 = arith.constant 0 : index
    %get3A_27 = arith.constant 0 : index
    %get3A_28 = vector.load %arg5[%get3A_26, %get3A_27] : memref<5000x128xf32, #tpu.memory_space<vmem>>, vector<5000x128xf32>
    %mul3A_29 = arith.constant 1.000000e-01 : f32
    %mul3A_30 = vector.broadcast %mul3A_29 : f32 to vector<5000x128xf32>
    %mul3A_31 = arith.mulf %mul3A_30, %get3A_28 : vector<5000x128xf32>
    %add3A_32 = arith.addf %mul3A_25, %mul3A_31 : vector<5000x128xf32>
    %get3A_33 = arith.constant 0 : index
    %get3A_34 = arith.constant 0 : index
    %get3A_35 = vector.load %arg6[%get3A_33, %get3A_34] : memref<128x128xf32, #tpu.memory_space<vmem>>, vector<128x128xf32>
    %dot_general3A = arith.constant dense<0.000000e+00> : vector<5000x128xf32>
    %dot_general3A_36 = tpu.matmul %add3A_32, %get3A_35, %dot_general3A {dimension_numbers = #tpu.dot_dimension_numbers<[1], [0], [0], [1], [0, 0, 1, 1], [], []>, transpose_lhs_hint = false} : vector<5000x128xf32>, vector<128x128xf32>, vector<5000x128xf32> -> vector<5000x128xf32>
    %get3A_37 = arith.constant 0 : index
    %get3A_38 = arith.constant 0 : index
    %get3A_39 = vector.load %arg7[%get3A_37, %get3A_38] : memref<1x128xf32, #tpu.memory_space<vmem>>, vector<1x128xf32>
    %add3A_40 = vector.broadcast %get3A_39 : vector<1x128xf32> to vector<5000x128xf32>
    %add3A_41 = arith.addf %dot_general3A_36, %add3A_40 : vector<5000x128xf32>
    %max3A_42 = arith.constant 0.000000e+00 : f32
    %max3A_43 = vector.broadcast %max3A_42 : f32 to vector<5000x128xf32>
    %max3A_44 = arith.maximumf %add3A_41, %max3A_43 : vector<5000x128xf32>
    %swap3A = arith.constant 0 : index
    %swap3A_45 = arith.constant 0 : index
    %swap3A_46 = vector.load %arg8[%swap3A, %swap3A_45] : memref<5000x128xf32, #tpu.memory_space<vmem>>, vector<5000x128xf32>
    tpu.vector_store %arg8[%swap3A, %swap3A_45], %max3A_44 {strides = array<i32>} : memref<5000x128xf32, #tpu.memory_space<vmem>>, vector<5000x128xf32>,
    return
  }
  func.func @transform_0(%arg0: i32) -> (i32, i32, i32) {
    %c0_i32 = arith.constant 0 : i32
    %c0_i32_0 = arith.constant 0 : i32
    %c0_i32_1 = arith.constant 0 : i32
    return %c0_i32, %arg0, %c0_i32_0 : i32, i32, i32
  }
  func.func @transform_1(%arg0: i32) -> (i32, i32, i32) {
    %c1_i32 = arith.constant 1 : i32
    %c0_i32 = arith.constant 0 : i32
    %c0_i32_0 = arith.constant 0 : i32
    return %c1_i32, %arg0, %c0_i32 : i32, i32, i32
  }
  func.func @transform_2(%arg0: i32) -> (i32, i32, i32) {
    %c0_i32 = arith.constant 0 : i32
    %c0_i32_0 = arith.constant 0 : i32
    %c0_i32_1 = arith.constant 0 : i32
    return %c0_i32, %arg0, %c0_i32_0 : i32, i32, i32
  }
  func.func @transform_3(%arg0: i32) -> (i32, i32, i32) {
    %c1_i32 = arith.constant 1 : i32
    %c0_i32 = arith.constant 0 : i32
    %c0_i32_0 = arith.constant 0 : i32
    return %c1_i32, %arg0, %c0_i32 : i32, i32, i32
  }
  func.func @transform_4(%arg0: i32) -> (i32, i32) {
    %c0_i32 = arith.constant 0 : i32
    %c0_i32_0 = arith.constant 0 : i32
    return %arg0, %c0_i32 : i32, i32
  }
  func.func @transform_5(%arg0: i32) -> (i32, i32) {
    %c0_i32 = arith.constant 0 : i32
    %c0_i32_0 = arith.constant 0 : i32
    %c0_i32_1 = arith.constant 0 : i32
    return %c0_i32, %c0_i32_0 : i32, i32
  }
  func.func @transform_6(%arg0: i32) -> (i32, i32) {
    %c0_i32 = arith.constant 0 : i32
    %c0_i32_0 = arith.constant 0 : i32
    %c0_i32_1 = arith.constant 0 : i32
    return %c0_i32, %c0_i32_0 : i32, i32
  }
  func.func @transform_7(%arg0: i32) -> (i32, i32) {
    %c0_i32 = arith.constant 0 : i32
    %c0_i32_0 = arith.constant 0 : i32
    return %arg0, %c0_i32 : i32, i32
  }
}

</mosaic_0001>

<sc_bundles>
// kernel: kernel.14.cloned.1.call-start
scs
__scs_entry_jumppad:
0x0: {  	(pc) =	sbr.rel $0x88, $3  }
0x1: {  	(tag) =	ssettag $0x0;
	lr =	simm.s32 $0x1  }
0x2: {  	[smem:$0x3F9D] =	sst lr;
	_ =	strace $0xD0000000  }
0x3: {  	_ = 	snop  }
0x4: {  	_ = 	snop  }
0x5: {  	_ = 	snop  }
0x6: {  	_ = 	snop  }
0x7: {  	_ = 	snop  }
__scs_overlays_trampoline_lowered:
0x8: {  	[smem:$0x3FAC] =	sst s0  }
0x9: {  	[smem:$0x3FAD] =	sst s1  }
0xa: {  	[smem:$0x3FAE] =	sst s2  }
0xb: {  	[smem:$0x3FAF] =	sst s3  }
0xc: {  	[smem:$0x3FB0] =	sst s4  }
0xd: {  	[smem:$0x3FB1] =	sst s5  }
0xe: {  	[smem:$0x3FB2] =	sst s6  }
0xf: {  	[smem:$0x3FB3] =	sst s7  }
0x10: {  	[smem:$0x3FB4] =	sst s8  }
0x11: {  	[smem:$0x3FB5] =	sst s9;
	s0 =	simm.s32 @!p0 $0x0  }
0x12: {  	s1 =	sld [smem:$0x3F9B];
	s0 =	simm.s32 @p0 $0x1  }
0x13: {  	[smem:$0x3FB6] =	sst s0;
	s0 =	simm.s32 @!p1 $0x0  }
0x14: {  	s2 =	sld [smem:$0x3F9A];
	s0 =	simm.s32 @p1 $0x1  }
0x15: {  	[smem:$0x3FB7] =	sst s0;
	s0 =	simm.s32 @!p2 $0x0  }
0x16: {  	s3 =	sld [smem:$0x3FDB];
	s0 =	simm.s32 @p2 $0x1  }
0x17: {  	s4 =	simm.s32 $0x1BF5;
	[smem:$0x3FB9] =	sst s0  }
0x18: {  	s0 =	sld [smem:$0x3F9C];
	_ =	swait.ge [sflag:s4], $0x0  }
0x19: {  	s7 =	sld [smem:$0x3F9D]  }
0x1a: {  	s8 =	sadd.s32 $0xFFFFE003, lr  }
0x1b: {  	s9 =	sadd.s32 $0xFFFFFEF7, lr;
	s5 =	simm.s32 $0xFFFFFFFF;
	p2 =	slt.u32 s8, $0xFFFFF086  }
0x1c: {  	p1 =	slt.u32 s9, $0xF7A;
	s5 =	simm.s32 @!p2 $0x0  }
0x1d: {  	s5 =	simm.s32 @p1 $0x1;
	p0 =	seq.s32 s7, s2  }
0x1e: {  	s7 =	smul.u32 @!p0 $0xF7A, s2;
	p2 =	seq.s32 @!p0 s5, $0x0  }
0x1f: {  	s9 =	smul.u32 $0xF7A, s1;
	s8 =	simm.s32 @!p0 $0x1BF5;
	p2 =	por !p2, p0  }
0x20: {  	[sflag:s8] =	ssyncset.s32 @!p0 $0xFFFFF086;
	s6 =	sadd.s32 @!p0 s3, s7;
	s7 =	simm.s32 @!p0 $0x108  }
0x21: {  	s3 =	sadd.s32 s3, s9;
	s6 =	sadd.s32 @!p0 $0x88, s6;
	s7 =	simm.s32 @p2 $0x1082  }
0x22: {  	[simem:s7], [sflag:s8] =	dma.local @!p0 [hbm:s6], $0xF7A  }
0x23: {  	s9 =	sor.u32 $0xD0000000, s2;
	s6 =	simm.s32 $0x108;
	_ =	swait.ge @!p0 [sflag:s8], $0x0  }
0x24: {  	s3 =	sadd.s32 $0x88, s3;
	s6 =	simm.s32 @!p1 $0x1082;
	[sflag:s4] =	ssyncset.s32 $0xFFFFF086  }
0x25: {  	[simem:s6], [sflag:s4] =	dma.local [hbm:s3], $0xF7A  }
0x26: {  	[smem:$0x3F9D] =	sst s1;
	(tag) =	ssettag s2;
	_ =	strace s9  }
0x27: {  	s1 =	sld [smem:$0x3FAD]  }
0x28: {  	s2 =	sld [smem:$0x3FAE]  }
0x29: {  	s4 =	sld [smem:$0x3FB0]  }
0x2a: {  	p0 =	seq.s32 s5, $0x0;
	s5 =	sld [smem:$0x3FB1]  }
0x2b: {  	s6 =	sld [smem:$0x3FB2]  }
0x2c: {  	s7 =	sld [smem:$0x3FB3]  }
0x2d: {  	s3 =	simm.s32 $0x108;
	s8 =	sld [smem:$0x3FB4]  }
0x2e: {  	s3 =	simm.s32 @!p0 $0x1082;
	s9 =	sld [smem:$0x3FB5]  }
0x2f: {  	lr =	sadd.s32 s0, s3;
	s0 =	sld [smem:$0x3FAC]  }
0x30: {  	s3 =	sld [smem:$0x3FAF]  }
0x31: {  	[smem:$0x3FB8] =	sst s10  }
0x32: {  	s10 =	sld [smem:$0x3FB6];
	_ =	sdelay $0x3  }
0x33: {  	p0 =	seq.s32 s10, $0x1;
	s10 =	sld [smem:$0x3FB8];
	_ =	sdelay $0x3  }
0x34: {  	[smem:$0x3FB8] =	sst s10  }
0x35: {  	s10 =	sld [smem:$0x3FB7];
	_ =	sdelay $0x3  }
0x36: {  	p1 =	seq.s32 s10, $0x1;
	s10 =	sld [smem:$0x3FB8];
	_ =	sdelay $0x3  }
0x37: {  	[smem:$0x3FB8] =	sst s10  }
0x38: {  	s10 =	sld [smem:$0x3FB9]  }
0x39: {  	_ = 	snop;
	(pc) =	sbr.ind lr, $3  }
0x3a: {  	_ = 	snop  }
0x3b: {  	_ = 	snop  }
0x3c: {  	p2 =	seq.s32 s10, $0x1;
	s10 =	sld [smem:$0x3FB8]  }
0x3d: {  	_ =	shalt  }
0x3e: {  	_ =	shalt  }
0x3f: {  	_ =	shalt  }
0x40: {  	_ =	shalt  }
0x41: {  	_ =	shalt  }
0x42: {  	_ =	shalt  }
0x43: {  	_ =	shalt  }
0x44: {  	_ =	shalt  }
0x45: {  	_ =	shalt  }
0x46: {  	_ =	shalt  }
0x47: {  	_ =	shalt  }
0x48: {  	_ =	shalt  }
0x49: {  	_ =	shalt  }
0x4a: {  	_ =	shalt  }
0x4b: {  	_ =	shalt  }
0x4c: {  	_ =	shalt  }
0x4d: {  	_ =	shalt  }
0x4e: {  	_ =	shalt  }
0x4f: {  	_ =	shalt  }
0x50: {  	_ =	shalt  }
0x51: {  	_ =	shalt  }
0x52: {  	_ =	shalt  }
0x53: {  	_ =	shalt  }
0x54: {  	_ =	shalt  }
0x55: {  	_ =	shalt  }
0x56: {  	_ =	shalt  }
0x57: {  	_ =	shalt  }
0x58: {  	_ =	shalt  }
0x59: {  	_ =	shalt  }
0x5a: {  	_ =	shalt  }
0x5b: {  	_ =	shalt  }
0x5c: {  	_ =	shalt  }
0x5d: {  	_ =	shalt  }
0x5e: {  	_ =	shalt  }
0x5f: {  	_ =	shalt  }
0x60: {  	_ =	shalt  }
0x61: {  	_ =	shalt  }
0x62: {  	_ =	shalt  }
0x63: {  	_ =	shalt  }
0x64: {  	_ =	shalt  }
0x65: {  	_ =	shalt  }
0x66: {  	_ =	shalt  }
0x67: {  	_ =	shalt  }
0x68: {  	_ =	shalt  }
0x69: {  	_ =	shalt  }
0x6a: {  	_ =	shalt  }
0x6b: {  	_ =	shalt  }
0x6c: {  	_ =	shalt  }
0x6d: {  	_ =	shalt  }
0x6e: {  	_ =	shalt  }
0x6f: {  	_ =	shalt  }
0x70: {  	_ =	shalt  }
0x71: {  	_ =	shalt  }
0x72: {  	_ =	shalt  }
0x73: {  	_ =	shalt  }
0x74: {  	_ =	shalt  }
0x75: {  	_ =	shalt  }
0x76: {  	_ =	shalt  }
0x77: {  	_ =	shalt  }
0x78: {  	_ =	shalt  }
0x79: {  	_ =	shalt  }
0x7a: {  	_ =	shalt  }
0x7b: {  	_ =	shalt  }
0x7c: {  	_ =	shalt  }
0x7d: {  	_ =	shalt  }
0x7e: {  	_ =	shalt  }
0x7f: {  	_ =	shalt  }
0x80: {  	_ =	shalt  }
0x81: {  	_ =	shalt  }
0x82: {  	_ =	shalt  }
0x83: {  	_ =	shalt  }
0x84: {  	_ =	shalt  }
0x85: {  	_ =	shalt  }
0x86: {  	_ =	shalt  }
0x87: {  	_ =	shalt  }
.Lfunc_end0:
.L_simem_size_0:
called_computation_lowered:
.L_overlay_start_0:
0x88: {  	s2 =	sld [smem:$0x3FD9]  }
0x89: {  	s3 =	sld [smem:$0x3FFE];
	_ =	sdelay $0x1  }
0x8a: {  	s1 =	srdreg.scid  }
0x8b: {  	s0 =	sand.u32 $0x1, s1  }
0x8c: {  	s17 =	sshll.u32 s0, $0xA;
	s2 =	sadd.s32 s3, s2  }
0x8d: {  	s2 =	sadd.s32 s2, s17  }
0x8e: {  	[smem:$0x3FC4] =	sst s2  }
0x8f: {  	_ = 	snop  }
0x90: {  	s2 =	sld [smem:$0x3FD0];
	(tm) =	ssettm $0x1  }
0x91: {  	s18 =	sld [smem:$0x3FFB];
	_ =	sdelay $0x3  }
0x92: {  	_ =	strace s18  }
0x93: {  	s3 =	sld [smem:$0x3FFC];
	_ =	sdelay $0x3  }
0x94: {  	_ =	strace s3  }
0x95: {  	s3 =	sld [smem:$0x3FFD];
	_ =	sdelay $0x3  }
0x96: {  	_ =	strace s3  }
0x97: {  	_ =	strace $0x8FFFFFFF  }
0x98: {  	s19 =	sld [smem:$0x3FDB];
	_ =	sdelay $0x1  }
0x99: {  	s4 =	simm.s32 $_scs_section_size  }
0x9a: {  	s5 =	simm.s32 $_size__tile_overlayer_lowered;
	s6 =	simm.s32 $_tile_overlayer_lowered  }
0x9b: {  	s22 =	simm.s32 $0x1BFF;
	s21 =	sshll.u32 s6, $0x1;
	s3 =	sadd.s32 s4, s19  }
0x9c: {  	s7 =	simm.s32 $0x0;
	s20 =	sshll.u32 s5, $0x1;
	s5 =	sadd.s32 s21, s3  }
0x9d: {  	[timem:s7], [sflag:s22] =	dma.local [hbm:s5], s20  }
0x9e: {  	_ =	swait.ge [sflag:s22], s20  }
0x9f: {  	s4 =	ssub.s32 $0x0, s20;
	[sflag:s22] =	ssyncset.done $0x0  }
0xa0: {  	[sflag:s22] =	ssyncadd.s32 s4;
	_ =	sdelay $0x1  }
0xa1: {  	s23 =	simm.s32 $0x1B8B  }
0xa2: {  	_ =	swait.ge [sflag:s23], $0x1  }
0xa3: {  	[sflag:s23] =	ssyncset.done $0x0  }
0xa4: {  	s25 =	simm.s32 $0x1B8E;
	s24 =	sld [smem:$0x3FFE];
	[sflag:s23] =	ssyncadd.s32 $0xFFFFFFFF  }
0xa5: {  	s26 =	simm.s32 $execute0_lowered;
	[smem:$0x3FD2] =	sst s25  }
0xa6: {  	s5 =	sshll.u32 s26, $0x1;
	_ =	strace $0x80000046;
	[dreg:$0x1] =	wrdreg $0xFFFFFFFF  }
0xa7: {  	s28 =	simm.s32 $_size_execute0_lowered;
	s3 =	sadd.s32 s3, s5;
	[dreg:$0x0] =	wrdreg $0x0  }
0xa8: {  	s5 =	sshll.u32 s28, $0x1;
	[dreg:$0x2] =	wrdreg s3  }
0xa9: {  	[dreg:$0x3] =	wrdreg s5  }
0xaa: {  	[dreg:$0x4] =	wrdreg $0xC0  }
0xab: {  	_ =	task [dreg:s7], $0x5FFFF  }
0xac: {  	[dreg:$0x1] =	wrdreg $0xFFFFFFFF  }
0xad: {  	[dreg:$0x0] =	wrdreg $0x60  }
0xae: {  	[dreg:$0x2] =	wrdreg s24  }
0xaf: {  	[dreg:$0x3] =	wrdreg s2  }
0xb0: {  	[dreg:$0x4] =	wrdreg $0x2B000  }
0xb1: {  	[dreg:$0x5] =	wrdreg $0x9  }
0xb2: {  	_ =	task.clear_ibuf [dreg:s7], $0x6FFFF;
	_ =	strace $0x90000046  }
0xb3: {  	s29 =	simm.s32 $0x9;
	_ =	strace $0x80000048  }
0xb4: {  	_ =	swait.ge [sflag:s29], $0x1  }
0xb5: {  	[sflag:s29] =	ssyncadd.s32 $0xFFFFFFFF  }
0xb6: {  	_ =	strace $0x90000048  }
0xb7: {  	_ =	sfence  }
0xb8: {  	s30 =	sld [smem:$0x0];
	_ =	sdelay $0x2  }
0xb9: {  	s31 =	sshll.u32 s1, $0xD;
	s1 =	sshrl.u32 s1, $0x2  }
0xba: {  	s3 =	sand.u32 $0x4000, s31;
	s1 =	sadd.s32 s1, s30  }
0xbb: {  	s0 =	sor.u32 s3, s0;
	s1 =	sshll.u32 s1, $0x11  }
0xbc: {  	s0 =	sor.u32 s1, s0  }
0xbd: {  	s0 =	sadd.s32 $0x8F2B, s0  }
0xbe: {  	[sflag:s0] =	ssyncadd.remote.s32 $0x1  }
0xbf: {  	_ =	sfence.sel $0xFFFF  }
0xc0: {  	[dreg:$0x0] =	wrdreg $0xFFFFFFFF;
	(pc) =	sbr.abs _section_cstart, $3  }
0xc1: {  	[dreg:$0x1] =	wrdreg $0xFFFFFFFF  }
0xc2: {  	_ =	task.clear_ibuf [dreg:s7], $0x2FFFF;
	_ =	strace $0x9FFFFFFF  }
0xc3: {  	(tm) =	ssettm $0x7FFFFFFF  }
tec
execute0_lowered:
.L_overlay_start_1:
0x0: {  	(tag) =	ssettag $0x1  }
0x1: {  	s4 =	rddreg [dreg:$0x0]  }
0x2: {  	s0 =	srdreg.scid;
	s6 =	rddreg [dreg:$0x1]  }
0x3: {  	s2 =	rddreg [dreg:$0x2];
	s3 =	simm.s32 $0x0;
	s11 =	simm.s32 $0x2800  }
0x4: {  	s12 =	simm.s32 $0x1;
	s13 =	simm.s32 $0x2;
	s16 =	simm.s32 $0x20  }
0x5: {  	s17 =	simm.s32 $0x10;
	s5 =	sand.u32 $0x1, s0;
	s0 =	stileid.u32  }
0x6: {  	s18 =	simm.s32 $0x0;
	[smem:$0x7FF] =	sst s3;
	s8 =	smul.u32 $0xA00, s0  }
0x7: {  	s1 =	sshll.u32 s5, $0x4;
	s9 =	smul.u32 $0x500, s0;
	s29 =	ssub.s32 $0x2, s5  }
0x8: {  	s5 =	sshll.u32 s5, $0x7;
	s14 =	sshll.u32 s0, $0x6;
	s7 =	sor.u32 s0, s1  }
0x9: {  	s1 =	rddreg [dreg:$0x3];
	_ =	strace $0x80000047;
	s10 =	sshrl.u32 s29, $0x1  }
0xa: {  	s14 =	sor.u32 $0x1C03, s14;
	s7 =	smul.u32 $0x500, s7;
	s8 =	sshrl.u32 s8, $0x2  }
0xb: {  	s5 =	sor.u32 s5, s9;
	s30 =	ssub.s32 s29, s10;
	s9 =	simm.s32 $0x3  }
0xc: {  	s10 =	simm.s32 $0x7D;
	s31 =	sshrl.u32 s5, $0x3;
	s7 =	sadd.s32 s7, s4  }
0xd: {  	s4 =	sadd.s32 s8, s2;
	s6 =	sadd.s32 s6, s31;
	s8 =	simm.s32 $0x2880  }
0xe: {  	v0 =	vimm.f32 $0.0e+00;
	v1 =	vimm.f32 $1.000000000e+00;
	s5 =	sadd.s32 $0x3A00, s7;
	s7 =	smax.u32 s30, $0x1;
	s15 =	sshrl.u32 s4, $0x3  }
.LBB2_1:
0xf: {  	[tilespmem:$0x2880] =	vst v0  }
0x10: {  	[tilespmem:$0x2890] =	vst v0  }
0x11: {  	[tilespmem:$0x28A0] =	vst v0  }
0x12: {  	[tilespmem:$0x28B0] =	vst v0  }
0x13: {  	[tilespmem:$0x28C0] =	vst v0  }
0x14: {  	[tilespmem:$0x28D0] =	vst v0  }
0x15: {  	[tilespmem:$0x28E0] =	vst v0  }
0x16: {  	[tilespmem:$0x28F0] =	vst v0  }
0x17: {  	[tilespmem:$0x2900] =	vst v0  }
0x18: {  	[tilespmem:$0x2910] =	vst v0  }
0x19: {  	[tilespmem:$0x2920] =	vst v0  }
0x1a: {  	[tilespmem:$0x2930] =	vst v0  }
0x1b: {  	[tilespmem:$0x2940] =	vst v0  }
0x1c: {  	[tilespmem:$0x2950] =	vst v0  }
0x1d: {  	[tilespmem:$0x2960] =	vst v0  }
0x1e: {  	[tilespmem:$0x2970] =	vst v0  }
0x1f: {  	[tilespmem:$0x2980] =	vst v0  }
0x20: {  	[tilespmem:$0x2990] =	vst v0  }
0x21: {  	[tilespmem:$0x29A0] =	vst v0  }
0x22: {  	[tilespmem:$0x29B0] =	vst v0  }
0x23: {  	[tilespmem:$0x29C0] =	vst v0  }
0x24: {  	[tilespmem:$0x29D0] =	vst v0  }
0x25: {  	[tilespmem:$0x29E0] =	vst v0  }
0x26: {  	[tilespmem:$0x29F0] =	vst v0  }
0x27: {  	[tilespmem:$0x2A00] =	vst v0  }
0x28: {  	[tilespmem:$0x2A10] =	vst v0  }
0x29: {  	[tilespmem:$0x2A20] =	vst v0  }
0x2a: {  	[tilespmem:$0x2A30] =	vst v0  }
0x2b: {  	[tilespmem:$0x2A40] =	vst v0  }
0x2c: {  	[tilespmem:$0x2A50] =	vst v0  }
0x2d: {  	[tilespmem:$0x2A60] =	vst v0  }
0x2e: {  	[tilespmem:$0x2A70] =	vst v0  }
0x2f: {  	[tilespmem:$0x2A80] =	vst v0  }
0x30: {  	[tilespmem:$0x2A90] =	vst v0  }
0x31: {  	[tilespmem:$0x2AA0] =	vst v0  }
0x32: {  	[tilespmem:$0x2AB0] =	vst v0  }
0x33: {  	[tilespmem:$0x2AC0] =	vst v0  }
0x34: {  	[tilespmem:$0x2AD0] =	vst v0  }
0x35: {  	[tilespmem:$0x2AE0] =	vst v0  }
0x36: {  	[tilespmem:$0x2AF0] =	vst v0  }
0x37: {  	[tilespmem:$0x2800] =	vst v1  }
0x38: {  	[tilespmem:$0x2810] =	vst v1  }
0x39: {  	[tilespmem:$0x2820] =	vst v1  }
0x3a: {  	[tilespmem:$0x2830] =	vst v1  }
0x3b: {  	[tilespmem:$0x2840] =	vst v1  }
0x3c: {  	[tilespmem:$0x2850] =	vst v1  }
0x3d: {  	[tilespmem:$0x2860] =	vst v1  }
0x3e: {  	[tilespmem:$0x2870] =	vst v1  }
0x3f: {  	[spmem:s4] =	stream.linear.scatter [tilespmem:s8], [sflag:$0x3], $0x280, $0x38;
	[tilespmem:$0x2D80] =	vst v63  }
0x40: {  	_ =	swait.ge [sflag:s9], $0x280  }
0x41: {  	[sflag:s9] =	ssyncset.done $0x0  }
0x42: {  	[sflag:s9] =	ssyncadd.s32 $0xFFFFFD80  }
0x43: {  	[tilespmem:s3], [sflag:$0x3] =	stream.linear.gather [hbm4b:s5+s3], $0x2800, $0x38;
	[tilespmem:$0x2D80] =	vst v63  }
0x44: {  	_ =	swait.ge [sflag:s9], $0x2800  }
0x45: {  	[sflag:s9] =	ssyncset.done $0x0  }
0x46: {  	[sflag:s9] =	ssyncadd.s32 $0xFFFFD800  }
0x47: {  	s19 =	simm.s32 $0x0;
	[bflag:$0x0] =	sbarrier.arrive $0xFFFF  }
0x48: {  	[spmem:s2] =	stream.indirect.scatter.add.f32 [tilespmem:s11], [sflag:$0x1], $0x1, s19, s10, $0xb8;
	[tilespmem:$0x2D80] =	vst v63  }
0x49: {  	s31 =	simm.s32 $0x80  }
0x4a: {  	[spmem:s2] =	stream.indirect.scatter.add.f32 [tilespmem:s11], [sflag:$0x2], $0x1, s31, s10, $0xb8;
	[tilespmem:$0x2D80] =	vst v63  }
0x4b: {  	_ =	swait.ge [sflag:s12], $0x7D  }
0x4c: {  	[sflag:s12] =	ssyncset.done $0x0  }
0x4d: {  	[sflag:s12] =	ssyncadd.s32 $0xFFFFFF83  }
0x4e: {  	_ =	swait.ge [sflag:s13], $0x7D  }
0x4f: {  	s20 =	simm.s32 $0x800;
	s19 =	simm.s32 $0x400;
	[sflag:s13] =	ssyncset.done $0x0  }
.LBB2_2:
0x50: {  	s21 =	sshra.s32 s19, $0x2  }
0x51: {  	[sflag:s13] =	ssyncadd.s32 $0xFFFFFF83;
	s19 =	smov.u32 s20;
	s22 =	sadd.s32 $0x400, s20  }
0x52: {  	[spmem:s2] =	stream.indirect.scatter.add.f32 [tilespmem:s11], [sflag:$0x1], $0x1, s21, s10, $0xb8;
	[tilespmem:$0x2D80] =	vst v63  }
0x53: {  	p0 =	sne.s32 s20, $0x9C00;
	s20 =	sadd.s32 $0x80, s21  }
0x54: {  	[spmem:s2] =	stream.indirect.scatter.add.f32 [tilespmem:s11], [sflag:$0x2], $0x1, s20, s10, $0xb8;
	[tilespmem:$0x2D80] =	vst v63  }
.Ltmp0:
0x55: {  	_ =	swait.ge [sflag:s12], $0x7D;
	(pc) =	sbr.rel @p0 .LBB2_2-.Ltmp0, $4  }
0x56: {  	[sflag:s12] =	ssyncset.done $0x0  }
0x57: {  	[sflag:s12] =	ssyncadd.s32 $0xFFFFFF83  }
0x58: {  	_ =	swait.ge [sflag:s13], $0x7D  }
0x59: {  	s20 =	smov.u32 s22;
	[sflag:s13] =	ssyncset.done $0x0  }
0x5a: {  	s19 =	sshra.s32 s19, $0x2;
	[sflag:s13] =	ssyncadd.s32 $0xFFFFFF83  }
0x5b: {  	[spmem:s2] =	stream.indirect.scatter.add.f32 [tilespmem:s11], [sflag:$0x1], $0x1, s19, s10, $0xb8;
	[tilespmem:$0x2D80] =	vst v63  }
0x5c: {  	s19 =	sadd.s32 $0x80, s19  }
0x5d: {  	[spmem:s2] =	stream.indirect.scatter.add.f32 [tilespmem:s11], [sflag:$0x2], $0x1, s19, s10, $0xb8;
	[tilespmem:$0x2D80] =	vst v63  }
0x5e: {  	_ =	swait.ge [sflag:s12], $0x7D  }
0x5f: {  	[sflag:s12] =	ssyncset.done $0x0  }
0x60: {  	[sflag:s12] =	ssyncadd.s32 $0xFFFFFF83  }
0x61: {  	_ =	swait.ge [sflag:s13], $0x7D  }
0x62: {  	s18 =	sadd.s32 $0x1, s18;
	[sflag:s13] =	ssyncset.done $0x0  }
0x63: {  	p0 =	sne.s32 s18, s7;
	[sflag:s13] =	ssyncadd.s32 $0xFFFFFF83  }
.Ltmp1:
0x64: {  	[bflag:$0x0] =	sbarrier.arrive $0xFFFF;
	(pc) =	sbr.rel @p0 .LBB2_1-.Ltmp1, $4  }
0x65: {  	[hbm:s6@s16], [sflag:s14] =	dma.strided [spmem:s15@s17], $0x50, s12, $0x10   }
0x66: {  	_ =	swait.ge [sflag:s9], $0x50  }
0x67: {  	[sflag:s9] =	ssyncset.done $0x0  }
0x68: {  	[sflag:s9] =	ssyncadd.s32 $0xFFFFFFB0  }
0x69: {  	_ =	sfence.sel $0x180000  }
0x6a: {  	[bflag:$0x0] =	sbarrier.arrive $0xFFFF  }
0x6b: {  	p0 =	sne.s32 s0, $0x0;
	_ =	strace $0x90000047  }
0x6c: {  	s0 =	sadd.s32 @!p0 $0x100000, s1;
	[bflag:$0x2] =	sbarrier.arrive $0xFFFF  }
0x6d: {  	[sflag:s0] =	ssyncadd.tile.s32 @!p0 $0x1;
	_ =	shalt  }
.Lfunc_end2:
_tile_overlayer_lowered:
.L_overlay_start_2:
0x6e: {  	(tag) =	ssettag $0x2  }
0x6f: {  	s0 =	rddreg [dreg:$0x0];
	s2 =	stileid.u32  }
0x70: {  	s1 =	rddreg [dreg:$0x1];
	p0 =	sne.s32 s2, $0x0  }
0x71: {  	s3 =	rddreg [dreg:$0x2];
	[bflag:$0x3] =	sbarrier.arrive $0xFFFF;
	s2 =	simm.s32 @!p0 $0x1C03  }
0x72: {  	[timem:s3], [sflag:s2] =	dma.local @!p0 [hbm:s0], s1  }
0x73: {  	s0 =	simm.s32 @!p0 $0x3  }
0x74: {  	_ =	swait.ge @!p0 [sflag:s0], s1  }
0x75: {  	s1 =	ssub.s32 @!p0 $0x0, s1;
	[sflag:s0] =	ssyncset.done @!p0 $0x0  }
0x76: {  	[sflag:s0] =	ssyncadd.s32 @!p0 s1  }
0x77: {  	[bflag:$0x3] =	sbarrier.arrive $0xFFFF  }
0x78: {  	_ =	shalt  }

// kernel: kernel.17.cloned.1.call-start
scs
__scs_entry_jumppad:
0x0: {  	(pc) =	sbr.rel $0x88, $3  }
0x1: {  	(tag) =	ssettag $0x0;
	lr =	simm.s32 $0x1  }
0x2: {  	[smem:$0x3F9D] =	sst lr;
	_ =	strace $0xD0000000  }
0x3: {  	_ = 	snop  }
0x4: {  	_ = 	snop  }
0x5: {  	_ = 	snop  }
0x6: {  	_ = 	snop  }
0x7: {  	_ = 	snop  }
__scs_overlays_trampoline_lowered:
0x8: {  	[smem:$0x3FAC] =	sst s0  }
0x9: {  	[smem:$0x3FAD] =	sst s1  }
0xa: {  	[smem:$0x3FAE] =	sst s2  }
0xb: {  	[smem:$0x3FAF] =	sst s3  }
0xc: {  	[smem:$0x3FB0] =	sst s4  }
0xd: {  	[smem:$0x3FB1] =	sst s5  }
0xe: {  	[smem:$0x3FB2] =	sst s6  }
0xf: {  	[smem:$0x3FB3] =	sst s7  }
0x10: {  	[smem:$0x3FB4] =	sst s8  }
0x11: {  	[smem:$0x3FB5] =	sst s9;
	s0 =	simm.s32 @!p0 $0x0  }
0x12: {  	s1 =	sld [smem:$0x3F9B];
	s0 =	simm.s32 @p0 $0x1  }
0x13: {  	[smem:$0x3FB6] =	sst s0;
	s0 =	simm.s32 @!p1 $0x0  }
0x14: {  	s2 =	sld [smem:$0x3F9A];
	s0 =	simm.s32 @p1 $0x1  }
0x15: {  	[smem:$0x3FB7] =	sst s0;
	s0 =	simm.s32 @!p2 $0x0  }
0x16: {  	s3 =	sld [smem:$0x3FDB];
	s0 =	simm.s32 @p2 $0x1  }
0x17: {  	s4 =	simm.s32 $0x1BF5;
	[smem:$0x3FB9] =	sst s0  }
0x18: {  	s0 =	sld [smem:$0x3F9C];
	_ =	swait.ge [sflag:s4], $0x0  }
0x19: {  	s7 =	sld [smem:$0x3F9D]  }
0x1a: {  	s8 =	sadd.s32 $0xFFFFE003, lr  }
0x1b: {  	s9 =	sadd.s32 $0xFFFFFEF7, lr;
	s5 =	simm.s32 $0xFFFFFFFF;
	p2 =	slt.u32 s8, $0xFFFFF086  }
0x1c: {  	p1 =	slt.u32 s9, $0xF7A;
	s5 =	simm.s32 @!p2 $0x0  }
0x1d: {  	s5 =	simm.s32 @p1 $0x1;
	p0 =	seq.s32 s7, s2  }
0x1e: {  	s7 =	smul.u32 @!p0 $0xF7A, s2;
	p2 =	seq.s32 @!p0 s5, $0x0  }
0x1f: {  	s9 =	smul.u32 $0xF7A, s1;
	s8 =	simm.s32 @!p0 $0x1BF5;
	p2 =	por !p2, p0  }
0x20: {  	[sflag:s8] =	ssyncset.s32 @!p0 $0xFFFFF086;
	s6 =	sadd.s32 @!p0 s3, s7;
	s7 =	simm.s32 @!p0 $0x108  }
0x21: {  	s3 =	sadd.s32 s3, s9;
	s6 =	sadd.s32 @!p0 $0x88, s6;
	s7 =	simm.s32 @p2 $0x1082  }
0x22: {  	[simem:s7], [sflag:s8] =	dma.local @!p0 [hbm:s6], $0xF7A  }
0x23: {  	s9 =	sor.u32 $0xD0000000, s2;
	s6 =	simm.s32 $0x108;
	_ =	swait.ge @!p0 [sflag:s8], $0x0  }
0x24: {  	s3 =	sadd.s32 $0x88, s3;
	s6 =	simm.s32 @!p1 $0x1082;
	[sflag:s4] =	ssyncset.s32 $0xFFFFF086  }
0x25: {  	[simem:s6], [sflag:s4] =	dma.local [hbm:s3], $0xF7A  }
0x26: {  	[smem:$0x3F9D] =	sst s1;
	(tag) =	ssettag s2;
	_ =	strace s9  }
0x27: {  	s1 =	sld [smem:$0x3FAD]  }
0x28: {  	s2 =	sld [smem:$0x3FAE]  }
0x29: {  	s4 =	sld [smem:$0x3FB0]  }
0x2a: {  	p0 =	seq.s32 s5, $0x0;
	s5 =	sld [smem:$0x3FB1]  }
0x2b: {  	s6 =	sld [smem:$0x3FB2]  }
0x2c: {  	s7 =	sld [smem:$0x3FB3]  }
0x2d: {  	s3 =	simm.s32 $0x108;
	s8 =	sld [smem:$0x3FB4]  }
0x2e: {  	s3 =	simm.s32 @!p0 $0x1082;
	s9 =	sld [smem:$0x3FB5]  }
0x2f: {  	lr =	sadd.s32 s0, s3;
	s0 =	sld [smem:$0x3FAC]  }
0x30: {  	s3 =	sld [smem:$0x3FAF]  }
0x31: {  	[smem:$0x3FB8] =	sst s10  }
0x32: {  	s10 =	sld [smem:$0x3FB6];
	_ =	sdelay $0x3  }
0x33: {  	p0 =	seq.s32 s10, $0x1;
	s10 =	sld [smem:$0x3FB8];
	_ =	sdelay $0x3  }
0x34: {  	[smem:$0x3FB8] =	sst s10  }
0x35: {  	s10 =	sld [smem:$0x3FB7];
	_ =	sdelay $0x3  }
0x36: {  	p1 =	seq.s32 s10, $0x1;
	s10 =	sld [smem:$0x3FB8];
	_ =	sdelay $0x3  }
0x37: {  	[smem:$0x3FB8] =	sst s10  }
0x38: {  	s10 =	sld [smem:$0x3FB9]  }
0x39: {  	_ = 	snop;
	(pc) =	sbr.ind lr, $3  }
0x3a: {  	_ = 	snop  }
0x3b: {  	_ = 	snop  }
0x3c: {  	p2 =	seq.s32 s10, $0x1;
	s10 =	sld [smem:$0x3FB8]  }
0x3d: {  	_ =	shalt  }
0x3e: {  	_ =	shalt  }
0x3f: {  	_ =	shalt  }
0x40: {  	_ =	shalt  }
0x41: {  	_ =	shalt  }
0x42: {  	_ =	shalt  }
0x43: {  	_ =	shalt  }
0x44: {  	_ =	shalt  }
0x45: {  	_ =	shalt  }
0x46: {  	_ =	shalt  }
0x47: {  	_ =	shalt  }
0x48: {  	_ =	shalt  }
0x49: {  	_ =	shalt  }
0x4a: {  	_ =	shalt  }
0x4b: {  	_ =	shalt  }
0x4c: {  	_ =	shalt  }
0x4d: {  	_ =	shalt  }
0x4e: {  	_ =	shalt  }
0x4f: {  	_ =	shalt  }
0x50: {  	_ =	shalt  }
0x51: {  	_ =	shalt  }
0x52: {  	_ =	shalt  }
0x53: {  	_ =	shalt  }
0x54: {  	_ =	shalt  }
0x55: {  	_ =	shalt  }
0x56: {  	_ =	shalt  }
0x57: {  	_ =	shalt  }
0x58: {  	_ =	shalt  }
0x59: {  	_ =	shalt  }
0x5a: {  	_ =	shalt  }
0x5b: {  	_ =	shalt  }
0x5c: {  	_ =	shalt  }
0x5d: {  	_ =	shalt  }
0x5e: {  	_ =	shalt  }
0x5f: {  	_ =	shalt  }
0x60: {  	_ =	shalt  }
0x61: {  	_ =	shalt  }
0x62: {  	_ =	shalt  }
0x63: {  	_ =	shalt  }
0x64: {  	_ =	shalt  }
0x65: {  	_ =	shalt  }
0x66: {  	_ =	shalt  }
0x67: {  	_ =	shalt  }
0x68: {  	_ =	shalt  }
0x69: {  	_ =	shalt  }
0x6a: {  	_ =	shalt  }
0x6b: {  	_ =	shalt  }
0x6c: {  	_ =	shalt  }
0x6d: {  	_ =	shalt  }
0x6e: {  	_ =	shalt  }
0x6f: {  	_ =	shalt  }
0x70: {  	_ =	shalt  }
0x71: {  	_ =	shalt  }
0x72: {  	_ =	shalt  }
0x73: {  	_ =	shalt  }
0x74: {  	_ =	shalt  }
0x75: {  	_ =	shalt  }
0x76: {  	_ =	shalt  }
0x77: {  	_ =	shalt  }
0x78: {  	_ =	shalt  }
0x79: {  	_ =	shalt  }
0x7a: {  	_ =	shalt  }
0x7b: {  	_ =	shalt  }
0x7c: {  	_ =	shalt  }
0x7d: {  	_ =	shalt  }
0x7e: {  	_ =	shalt  }
0x7f: {  	_ =	shalt  }
0x80: {  	_ =	shalt  }
0x81: {  	_ =	shalt  }
0x82: {  	_ =	shalt  }
0x83: {  	_ =	shalt  }
0x84: {  	_ =	shalt  }
0x85: {  	_ =	shalt  }
0x86: {  	_ =	shalt  }
0x87: {  	_ =	shalt  }
.Lfunc_end0:
.L_simem_size_0:
called_computation.1_lowered:
.L_overlay_start_0:
0x88: {  	s2 =	sld [smem:$0x3FD9]  }
0x89: {  	s3 =	sld [smem:$0x3FFE];
	_ =	sdelay $0x1  }
0x8a: {  	s1 =	srdreg.scid  }
0x8b: {  	s0 =	sand.u32 $0x1, s1  }
0x8c: {  	s17 =	sshll.u32 s0, $0xA;
	s2 =	sadd.s32 s3, s2  }
0x8d: {  	s2 =	sadd.s32 s2, s17  }
0x8e: {  	[smem:$0x3FC4] =	sst s2  }
0x8f: {  	_ = 	snop  }
0x90: {  	s2 =	sld [smem:$0x3FD0];
	(tm) =	ssettm $0x1  }
0x91: {  	s18 =	sld [smem:$0x3FFB];
	_ =	sdelay $0x3  }
0x92: {  	_ =	strace s18  }
0x93: {  	s3 =	sld [smem:$0x3FFC];
	_ =	sdelay $0x3  }
0x94: {  	_ =	strace s3  }
0x95: {  	s3 =	sld [smem:$0x3FFD];
	_ =	sdelay $0x3  }
0x96: {  	_ =	strace s3  }
0x97: {  	_ =	strace $0x8FFFFFFF  }
0x98: {  	s19 =	sld [smem:$0x3FDB];
	_ =	sdelay $0x1  }
0x99: {  	s4 =	simm.s32 $_scs_section_size  }
0x9a: {  	s5 =	simm.s32 $_size__tile_overlayer_lowered;
	s6 =	simm.s32 $_tile_overlayer_lowered  }
0x9b: {  	s22 =	simm.s32 $0x1BFF;
	s21 =	sshll.u32 s6, $0x1;
	s3 =	sadd.s32 s4, s19  }
0x9c: {  	s7 =	simm.s32 $0x0;
	s20 =	sshll.u32 s5, $0x1;
	s5 =	sadd.s32 s21, s3  }
0x9d: {  	[timem:s7], [sflag:s22] =	dma.local [hbm:s5], s20  }
0x9e: {  	_ =	swait.ge [sflag:s22], s20  }
0x9f: {  	s4 =	ssub.s32 $0x0, s20;
	[sflag:s22] =	ssyncset.done $0x0  }
0xa0: {  	[sflag:s22] =	ssyncadd.s32 s4;
	_ =	sdelay $0x1  }
0xa1: {  	s23 =	simm.s32 $0x1B8B  }
0xa2: {  	_ =	swait.ge [sflag:s23], $0x1  }
0xa3: {  	[sflag:s23] =	ssyncset.done $0x0  }
0xa4: {  	s25 =	simm.s32 $0x1B8E;
	s24 =	sld [smem:$0x3FFE];
	[sflag:s23] =	ssyncadd.s32 $0xFFFFFFFF  }
0xa5: {  	s26 =	simm.s32 $execute0_lowered;
	[smem:$0x3FD2] =	sst s25  }
0xa6: {  	s5 =	sshll.u32 s26, $0x1;
	_ =	strace $0x80000049;
	[dreg:$0x1] =	wrdreg $0xFFFFFFFF  }
0xa7: {  	s28 =	simm.s32 $_size_execute0_lowered;
	s3 =	sadd.s32 s3, s5;
	[dreg:$0x0] =	wrdreg $0x0  }
0xa8: {  	s5 =	sshll.u32 s28, $0x1;
	[dreg:$0x2] =	wrdreg s3  }
0xa9: {  	[dreg:$0x3] =	wrdreg s5  }
0xaa: {  	[dreg:$0x4] =	wrdreg $0xC0  }
0xab: {  	_ =	task [dreg:s7], $0x5FFFF  }
0xac: {  	[dreg:$0x1] =	wrdreg $0xFFFFFFFF  }
0xad: {  	[dreg:$0x0] =	wrdreg $0x60  }
0xae: {  	[dreg:$0x2] =	wrdreg s2  }
0xaf: {  	[dreg:$0x3] =	wrdreg s24  }
0xb0: {  	[dreg:$0x4] =	wrdreg $0xA8000  }
0xb1: {  	[dreg:$0x5] =	wrdreg $0x9  }
0xb2: {  	_ =	task.clear_ibuf [dreg:s7], $0x6FFFF;
	_ =	strace $0x90000049  }
0xb3: {  	s29 =	simm.s32 $0x9;
	_ =	strace $0x8000004B  }
0xb4: {  	_ =	swait.ge [sflag:s29], $0x1  }
0xb5: {  	[sflag:s29] =	ssyncadd.s32 $0xFFFFFFFF  }
0xb6: {  	_ =	strace $0x9000004B  }
0xb7: {  	_ =	sfence  }
0xb8: {  	s30 =	sld [smem:$0x0];
	_ =	sdelay $0x2  }
0xb9: {  	s31 =	sshll.u32 s1, $0xD;
	s1 =	sshrl.u32 s1, $0x2  }
0xba: {  	s3 =	sand.u32 $0x4000, s31;
	s1 =	sadd.s32 s1, s30  }
0xbb: {  	s0 =	sor.u32 s3, s0;
	s1 =	sshll.u32 s1, $0x11  }
0xbc: {  	s0 =	sor.u32 s1, s0  }
0xbd: {  	s0 =	sadd.s32 $0x8F2B, s0  }
0xbe: {  	[sflag:s0] =	ssyncadd.remote.s32 $0x1  }
0xbf: {  	_ =	sfence.sel $0xFFFF  }
0xc0: {  	[dreg:$0x0] =	wrdreg $0xFFFFFFFF;
	(pc) =	sbr.abs _section_cstart, $3  }
0xc1: {  	[dreg:$0x1] =	wrdreg $0xFFFFFFFF  }
0xc2: {  	_ =	task.clear_ibuf [dreg:s7], $0x2FFFF;
	_ =	strace $0x9FFFFFFF  }
0xc3: {  	(tm) =	ssettm $0x7FFFFFFF  }
tec
execute0_lowered:
.L_overlay_start_1:
0x0: {  	(tag) =	ssettag $0x1  }
0x1: {  	s2 =	rddreg [dreg:$0x0]  }
0x2: {  	s5 =	rddreg [dreg:$0x1]  }
0x3: {  	s3 =	rddreg [dreg:$0x2]  }
0x4: {  	s0 =	rddreg [dreg:$0x3]  }
0x5: {  	s1 =	stileid.u32;
	s4 =	simm.s32 $0x0;
	s7 =	srdreg.scid  }
0x6: {  	s17 =	simm.s32 $0x2800;
	s18 =	simm.s32 $0x6800;
	s19 =	simm.s32 $0x1  }
0x7: {  	s20 =	simm.s32 $0x2;
	s21 =	simm.s32 $0x1380;
	s22 =	simm.s32 $0x2700  }
0x8: {  	s23 =	simm.s32 $0x2780;
	s24 =	simm.s32 $0x0;
	s6 =	smul.u32 $0x14000, s1  }
0x9: {  	[smem:$0x7FF] =	sst s4;
	s7 =	sand.u32 $0x1, s7;
	s10 =	sadd.s32 $0xDA00, s5  }
0xa: {  	s11 =	sadd.s32 $0x3A00, s5;
	s26 =	smul.u32 $0x50000, s1;
	s28 =	sshll.u32 s1, $0x6  }
0xb: {  	_ =	strace $0x8000004A;
	s9 =	smul.u32 $0x140000, s7;
	s12 =	sshll.u32 s7, $0x4  }
0xc: {  	s7 =	ssub.s32 $0x2, s7;
	s8 =	sshrl.u32 s6, $0x3;
	s12 =	sor.u32 s1, s12  }
0xd: {  	s13 =	sshrl.u32 s7, $0x1;
	s8 =	sadd.s32 s8, s5;
	s6 =	sadd.s32 s6, s9  }
0xe: {  	s9 =	sshrl.u32 s26, $0x2;
	s14 =	smul.u32 $0x2800, s12;
	s13 =	ssub.s32 s7, s13  }
0xf: {  	s29 =	smul.u32 $0x500, s12;
	s6 =	sshrl.u32 s6, $0x3;
	s16 =	sadd.s32 s9, s3  }
0x10: {  	s12 =	smax.u32 s13, $0x1;
	s15 =	sadd.s32 s6, s5;
	s30 =	sshrl.u32 s14, $0x3  }
0x11: {  	s5 =	sadd.s32 $0x67A00, s8;
	s6 =	sor.u32 $0x1C03, s28;
	s7 =	sadd.s32 s10, s29  }
0x12: {  	s8 =	sadd.s32 s11, s29;
	s13 =	sshrl.u32 s16, $0x3;
	s31 =	sadd.s32 $0x280, s30  }
0x13: {  	s14 =	simm.s32 $0x3;
	s16 =	simm.s32 $0x7D;
	s9 =	sadd.s32 s10, s31  }
0x14: {  	s10 =	sadd.s32 s11, s31;
	s11 =	sadd.s32 $0x8FA00, s15;
	s15 =	simm.s32 $0x1400  }
.LBB2_1:
0x15: {  	[spmem:s13], [sflag:s6] =	dma.local [hbm:s5], $0x2800  }
0x16: {  	_ =	swait.ge [sflag:s14], $0x2800  }
0x17: {  	[sflag:s14] =	ssyncset.done $0x0  }
0x18: {  	[sflag:s14] =	ssyncadd.s32 $0xFFFFD800  }
0x19: {  	[tilespmem:s4], [sflag:$0x3] =	stream.linear.gather [hbm4b:s7+s4], $0x1400, $0x38;
	[tilespmem:$0x1E800] =	vst v63  }
0x1a: {  	_ =	swait.ge [sflag:s14], $0x1400  }
0x1b: {  	[sflag:s14] =	ssyncset.done $0x0  }
0x1c: {  	[sflag:s14] =	ssyncadd.s32 $0xFFFFEC00  }
0x1d: {  	[tilespmem:s15], [sflag:$0x3] =	stream.linear.gather [hbm4b:s8+s4], $0x1400, $0x38;
	[tilespmem:$0x1E800] =	vst v63  }
0x1e: {  	_ =	swait.ge [sflag:s14], $0x1400  }
0x1f: {  	[sflag:s14] =	ssyncset.done $0x0  }
0x20: {  	[sflag:s14] =	ssyncadd.s32 $0xFFFFEC00  }
0x21: {  	[bflag:$0x0] =	sbarrier.arrive $0xFFFF  }
0x22: {  	[tilespmem:s17], [sflag:$0x1] =	stream.indirect.gather [hbm4b:s2+s16], $0x80, s4, s16, $0xb8;
	[tilespmem:$0x1E800] =	vst v63  }
0x23: {  	s25 =	simm.s32 $0x80  }
0x24: {  	[tilespmem:s18], [sflag:$0x2] =	stream.indirect.gather [hbm4b:s2+s16], $0x80, s25, s16, $0xb8;
	[tilespmem:$0x1E800] =	vst v63  }
0x25: {  	_ =	swait.ge [sflag:s19], $0x3E80  }
0x26: {  	[sflag:s19] =	ssyncset.done $0x0  }
0x27: {  	s29 =	simm.s32 $0x1400;
	[sflag:s19] =	ssyncadd.s32 $0xFFFFC180  }
0x28: {  	[spmem:s3] =	stream.indirect.scatter.add.f32 [tilespmem:s17], [sflag:$0x3], $0x80, s29, s16, $0xb8;
	[tilespmem:$0x1E800] =	vst v63  }
0x29: {  	_ =	swait.ge [sflag:s14], $0x3E80  }
0x2a: {  	[sflag:s14] =	ssyncset.done $0x0  }
0x2b: {  	s30 =	simm.s32 $0x100;
	[sflag:s14] =	ssyncadd.s32 $0xFFFFC180  }
0x2c: {  	[tilespmem:s17], [sflag:$0x1] =	stream.indirect.gather [hbm4b:s2+s16], $0x80, s30, s16, $0xb8;
	[tilespmem:$0x1E800] =	vst v63  }
0x2d: {  	_ =	swait.ge [sflag:s20], $0x3E80  }
0x2e: {  	[sflag:s20] =	ssyncset.done $0x0  }
0x2f: {  	s31 =	simm.s32 $0x1480;
	[sflag:s20] =	ssyncadd.s32 $0xFFFFC180  }
0x30: {  	[spmem:s3] =	stream.indirect.scatter.add.f32 [tilespmem:s18], [sflag:$0x3], $0x80, s31, s16, $0xb8;
	[tilespmem:$0x1E800] =	vst v63  }
0x31: {  	_ =	swait.ge [sflag:s14], $0x3E80  }
0x32: {  	s26 =	simm.s32 $0x800;
	s25 =	simm.s32 $0x100;
	[sflag:s14] =	ssyncset.done $0x0  }
.LBB2_2:
0x33: {  	s28 =	sadd.s32 $0x80, s25  }
0x34: {  	[sflag:s14] =	ssyncadd.s32 $0xFFFFC180;
	s29 =	smov.u32 s26;
	s30 =	sadd.s32 $0x400, s26  }
0x35: {  	[tilespmem:s18], [sflag:$0x2] =	stream.indirect.gather [hbm4b:s2+s16], $0x80, s28, s16, $0xb8;
	[tilespmem:$0x1E800] =	vst v63  }
0x36: {  	p0 =	sne.s32 s26, $0x4800;
	_ =	swait.ge [sflag:s19], $0x3E80  }
0x37: {  	[sflag:s19] =	ssyncset.done $0x0  }
0x38: {  	s26 =	sadd.s32 $0x1400, s25;
	[sflag:s19] =	ssyncadd.s32 $0xFFFFC180  }
0x39: {  	[spmem:s3] =	stream.indirect.scatter.add.f32 [tilespmem:s17], [sflag:$0x3], $0x80, s26, s16, $0xb8;
	[tilespmem:$0x1E800] =	vst v63  }
0x3a: {  	_ =	swait.ge [sflag:s14], $0x3E80  }
0x3b: {  	[sflag:s14] =	ssyncset.done $0x0  }
0x3c: {  	s26 =	sadd.s32 $0x100, s25;
	[sflag:s14] =	ssyncadd.s32 $0xFFFFC180  }
0x3d: {  	[tilespmem:s17], [sflag:$0x1] =	stream.indirect.gather [hbm4b:s2+s16], $0x80, s26, s16, $0xb8;
	[tilespmem:$0x1E800] =	vst v63  }
0x3e: {  	_ =	swait.ge [sflag:s20], $0x3E80  }
.Ltmp0:
0x3f: {  	[sflag:s20] =	ssyncset.done $0x0;
	(pc) =	sbr.rel @p0 .LBB2_2-.Ltmp0, $4  }
0x40: {  	s25 =	sadd.s32 $0x1480, s25;
	[sflag:s20] =	ssyncadd.s32 $0xFFFFC180  }
0x41: {  	[spmem:s3] =	stream.indirect.scatter.add.f32 [tilespmem:s18], [sflag:$0x3], $0x80, s25, s16, $0xb8;
	[tilespmem:$0x1E800] =	vst v63  }
0x42: {  	_ =	swait.ge [sflag:s14], $0x3E80  }
0x43: {  	s26 =	smov.u32 s30;
	s25 =	sshra.s32 s29, $0x2;
	[sflag:s14] =	ssyncset.done $0x0  }
0x44: {  	s26 =	sadd.s32 $0x80, s25;
	[sflag:s14] =	ssyncadd.s32 $0xFFFFC180  }
0x45: {  	[tilespmem:s18], [sflag:$0x2] =	stream.indirect.gather [hbm4b:s2+s16], $0x80, s26, s16, $0xb8;
	[tilespmem:$0x1E800] =	vst v63  }
0x46: {  	_ =	swait.ge [sflag:s19], $0x3E80  }
0x47: {  	[sflag:s19] =	ssyncset.done $0x0  }
0x48: {  	s29 =	sadd.s32 $0x1400, s25;
	[sflag:s19] =	ssyncadd.s32 $0xFFFFC180  }
0x49: {  	[spmem:s3] =	stream.indirect.scatter.add.f32 [tilespmem:s17], [sflag:$0x3], $0x80, s29, s16, $0xb8;
	[tilespmem:$0x1E800] =	vst v63  }
0x4a: {  	_ =	swait.ge [sflag:s14], $0x3E80  }
0x4b: {  	[sflag:s14] =	ssyncset.done $0x0  }
0x4c: {  	s30 =	sadd.s32 $0x100, s25;
	[sflag:s14] =	ssyncadd.s32 $0xFFFFC180  }
0x4d: {  	[tilespmem:s17], [sflag:$0x1] =	stream.indirect.gather [hbm4b:s2+s16], $0x80, s30, s16, $0xb8;
	[tilespmem:$0x1E800] =	vst v63  }
0x4e: {  	_ =	swait.ge [sflag:s20], $0x3E80  }
0x4f: {  	[sflag:s20] =	ssyncset.done $0x0  }
0x50: {  	s31 =	sadd.s32 $0x1480, s25;
	[sflag:s20] =	ssyncadd.s32 $0xFFFFC180  }
0x51: {  	[spmem:s3] =	stream.indirect.scatter.add.f32 [tilespmem:s18], [sflag:$0x3], $0x80, s31, s16, $0xb8;
	[tilespmem:$0x1E800] =	vst v63  }
0x52: {  	_ =	swait.ge [sflag:s14], $0x3E80  }
0x53: {  	[sflag:s14] =	ssyncset.done $0x0  }
0x54: {  	[sflag:s14] =	ssyncadd.s32 $0xFFFFC180  }
0x55: {  	[tilespmem:s18], [sflag:$0x2] =	stream.indirect.gather [hbm4b:s2+s16], $0x80, s21, s16, $0xb8;
	[tilespmem:$0x1E800] =	vst v63  }
0x56: {  	_ =	swait.ge [sflag:s19], $0x3E80  }
0x57: {  	[sflag:s19] =	ssyncset.done $0x0  }
0x58: {  	[sflag:s19] =	ssyncadd.s32 $0xFFFFC180  }
0x59: {  	[spmem:s3] =	stream.indirect.scatter.add.f32 [tilespmem:s17], [sflag:$0x3], $0x80, s22, s16, $0xb8;
	[tilespmem:$0x1E800] =	vst v63  }
0x5a: {  	_ =	swait.ge [sflag:s14], $0x3E80  }
0x5b: {  	[sflag:s14] =	ssyncset.done $0x0  }
0x5c: {  	[sflag:s14] =	ssyncadd.s32 $0xFFFFC180  }
0x5d: {  	[tilespmem:s17], [sflag:$0x1] =	stream.indirect.gather [hbm4b:s2+s16], $0x80, s21, s16, $0xb8;
	[tilespmem:$0x1E800] =	vst v63  }
0x5e: {  	_ =	swait.ge [sflag:s20], $0x3E80  }
0x5f: {  	[sflag:s20] =	ssyncset.done $0x0  }
0x60: {  	[sflag:s20] =	ssyncadd.s32 $0xFFFFC180  }
0x61: {  	[spmem:s3] =	stream.indirect.scatter.add.f32 [tilespmem:s18], [sflag:$0x3], $0x80, s23, s16, $0xb8;
	[tilespmem:$0x1E800] =	vst v63  }
0x62: {  	_ =	swait.ge [sflag:s14], $0x3E80  }
0x63: {  	[sflag:s14] =	ssyncset.done $0x0  }
0x64: {  	[sflag:s14] =	ssyncadd.s32 $0xFFFFC180  }
0x65: {  	_ =	swait.ge [sflag:s19], $0x3E80  }
0x66: {  	[sflag:s19] =	ssyncset.done $0x0  }
0x67: {  	s26 =	simm.s32 $0x0;
	[sflag:s19] =	ssyncadd.s32 $0xFFFFC180  }
0x68: {  	[tilespmem:s26], [sflag:$0x3] =	stream.linear.gather [hbm4b:s9+s26], $0x1400, $0x38;
	[tilespmem:$0x1E800] =	vst v63  }
0x69: {  	_ =	swait.ge [sflag:s14], $0x1400  }
0x6a: {  	[sflag:s14] =	ssyncset.done $0x0  }
0x6b: {  	[sflag:s14] =	ssyncadd.s32 $0xFFFFEC00  }
0x6c: {  	[tilespmem:s15], [sflag:$0x3] =	stream.linear.gather [hbm4b:s10+s26], $0x1400, $0x38;
	[tilespmem:$0x1E800] =	vst v63  }
0x6d: {  	_ =	swait.ge [sflag:s14], $0x1400  }
0x6e: {  	[sflag:s14] =	ssyncset.done $0x0  }
0x6f: {  	[sflag:s14] =	ssyncadd.s32 $0xFFFFEC00  }
0x70: {  	[tilespmem:s17], [sflag:$0x1] =	stream.indirect.gather [hbm4b:s2+s16], $0x80, s26, s16, $0xb8;
	[tilespmem:$0x1E800] =	vst v63  }
0x71: {  	s28 =	simm.s32 $0x80  }
0x72: {  	[tilespmem:s18], [sflag:$0x2] =	stream.indirect.gather [hbm4b:s2+s16], $0x80, s28, s16, $0xb8;
	[tilespmem:$0x1E800] =	vst v63  }
0x73: {  	_ =	swait.ge [sflag:s19], $0x3E80  }
0x74: {  	[sflag:s19] =	ssyncset.done $0x0  }
0x75: {  	s29 =	simm.s32 $0x1400;
	[sflag:s19] =	ssyncadd.s32 $0xFFFFC180  }
0x76: {  	[spmem:s3] =	stream.indirect.scatter.add.f32 [tilespmem:s17], [sflag:$0x3], $0x80, s29, s16, $0xb8;
	[tilespmem:$0x1E800] =	vst v63  }
0x77: {  	_ =	swait.ge [sflag:s14], $0x3E80  }
0x78: {  	[sflag:s14] =	ssyncset.done $0x0  }
0x79: {  	s30 =	simm.s32 $0x100;
	[sflag:s14] =	ssyncadd.s32 $0xFFFFC180  }
0x7a: {  	[tilespmem:s17], [sflag:$0x1] =	stream.indirect.gather [hbm4b:s2+s16], $0x80, s30, s16, $0xb8;
	[tilespmem:$0x1E800] =	vst v63  }
0x7b: {  	_ =	swait.ge [sflag:s20], $0x3E80  }
0x7c: {  	[sflag:s20] =	ssyncset.done $0x0  }
0x7d: {  	s31 =	simm.s32 $0x1480;
	[sflag:s20] =	ssyncadd.s32 $0xFFFFC180  }
0x7e: {  	[spmem:s3] =	stream.indirect.scatter.add.f32 [tilespmem:s18], [sflag:$0x3], $0x80, s31, s16, $0xb8;
	[tilespmem:$0x1E800] =	vst v63  }
0x7f: {  	_ =	swait.ge [sflag:s14], $0x3E80  }
0x80: {  	s25 =	simm.s32 $0x100;
	s26 =	simm.s32 $0x800;
	[sflag:s14] =	ssyncset.done $0x0  }
.LBB2_4:
0x81: {  	s28 =	sadd.s32 $0x80, s25  }
0x82: {  	[sflag:s14] =	ssyncadd.s32 $0xFFFFC180;
	s29 =	smov.u32 s26;
	s30 =	sadd.s32 $0x400, s26  }
0x83: {  	[tilespmem:s18], [sflag:$0x2] =	stream.indirect.gather [hbm4b:s2+s16], $0x80, s28, s16, $0xb8;
	[tilespmem:$0x1E800] =	vst v63  }
0x84: {  	p0 =	sne.s32 s26, $0x4800;
	_ =	swait.ge [sflag:s19], $0x3E80  }
0x85: {  	[sflag:s19] =	ssyncset.done $0x0  }
0x86: {  	s26 =	sadd.s32 $0x1400, s25;
	[sflag:s19] =	ssyncadd.s32 $0xFFFFC180  }
0x87: {  	[spmem:s3] =	stream.indirect.scatter.add.f32 [tilespmem:s17], [sflag:$0x3], $0x80, s26, s16, $0xb8;
	[tilespmem:$0x1E800] =	vst v63  }
0x88: {  	_ =	swait.ge [sflag:s14], $0x3E80  }
0x89: {  	[sflag:s14] =	ssyncset.done $0x0  }
0x8a: {  	s26 =	sadd.s32 $0x100, s25;
	[sflag:s14] =	ssyncadd.s32 $0xFFFFC180  }
0x8b: {  	[tilespmem:s17], [sflag:$0x1] =	stream.indirect.gather [hbm4b:s2+s16], $0x80, s26, s16, $0xb8;
	[tilespmem:$0x1E800] =	vst v63  }
0x8c: {  	_ =	swait.ge [sflag:s20], $0x3E80  }
.Ltmp1:
0x8d: {  	[sflag:s20] =	ssyncset.done $0x0;
	(pc) =	sbr.rel @p0 .LBB2_4-.Ltmp1, $4  }
0x8e: {  	s25 =	sadd.s32 $0x1480, s25;
	[sflag:s20] =	ssyncadd.s32 $0xFFFFC180  }
0x8f: {  	[spmem:s3] =	stream.indirect.scatter.add.f32 [tilespmem:s18], [sflag:$0x3], $0x80, s25, s16, $0xb8;
	[tilespmem:$0x1E800] =	vst v63  }
0x90: {  	_ =	swait.ge [sflag:s14], $0x3E80  }
0x91: {  	s26 =	smov.u32 s30;
	s25 =	sshra.s32 s29, $0x2;
	[sflag:s14] =	ssyncset.done $0x0  }
0x92: {  	s26 =	sadd.s32 $0x80, s25;
	[sflag:s14] =	ssyncadd.s32 $0xFFFFC180  }
0x93: {  	[tilespmem:s18], [sflag:$0x2] =	stream.indirect.gather [hbm4b:s2+s16], $0x80, s26, s16, $0xb8;
	[tilespmem:$0x1E800] =	vst v63  }
0x94: {  	_ =	swait.ge [sflag:s19], $0x3E80  }
0x95: {  	[sflag:s19] =	ssyncset.done $0x0  }
0x96: {  	s29 =	sadd.s32 $0x1400, s25;
	[sflag:s19] =	ssyncadd.s32 $0xFFFFC180  }
0x97: {  	[spmem:s3] =	stream.indirect.scatter.add.f32 [tilespmem:s17], [sflag:$0x3], $0x80, s29, s16, $0xb8;
	[tilespmem:$0x1E800] =	vst v63  }
0x98: {  	_ =	swait.ge [sflag:s14], $0x3E80  }
0x99: {  	[sflag:s14] =	ssyncset.done $0x0  }
0x9a: {  	s30 =	sadd.s32 $0x100, s25;
	[sflag:s14] =	ssyncadd.s32 $0xFFFFC180  }
0x9b: {  	[tilespmem:s17], [sflag:$0x1] =	stream.indirect.gather [hbm4b:s2+s16], $0x80, s30, s16, $0xb8;
	[tilespmem:$0x1E800] =	vst v63  }
0x9c: {  	_ =	swait.ge [sflag:s20], $0x3E80  }
0x9d: {  	[sflag:s20] =	ssyncset.done $0x0  }
0x9e: {  	s31 =	sadd.s32 $0x1480, s25;
	[sflag:s20] =	ssyncadd.s32 $0xFFFFC180  }
0x9f: {  	[spmem:s3] =	stream.indirect.scatter.add.f32 [tilespmem:s18], [sflag:$0x3], $0x80, s31, s16, $0xb8;
	[tilespmem:$0x1E800] =	vst v63  }
0xa0: {  	_ =	swait.ge [sflag:s14], $0x3E80  }
0xa1: {  	[sflag:s14] =	ssyncset.done $0x0  }
0xa2: {  	[sflag:s14] =	ssyncadd.s32 $0xFFFFC180  }
0xa3: {  	[tilespmem:s18], [sflag:$0x2] =	stream.indirect.gather [hbm4b:s2+s16], $0x80, s21, s16, $0xb8;
	[tilespmem:$0x1E800] =	vst v63  }
0xa4: {  	_ =	swait.ge [sflag:s19], $0x3E80  }
0xa5: {  	[sflag:s19] =	ssyncset.done $0x0  }
0xa6: {  	[sflag:s19] =	ssyncadd.s32 $0xFFFFC180  }
0xa7: {  	[spmem:s3] =	stream.indirect.scatter.add.f32 [tilespmem:s17], [sflag:$0x3], $0x80, s22, s16, $0xb8;
	[tilespmem:$0x1E800] =	vst v63  }
0xa8: {  	_ =	swait.ge [sflag:s14], $0x3E80  }
0xa9: {  	[sflag:s14] =	ssyncset.done $0x0  }
0xaa: {  	[sflag:s14] =	ssyncadd.s32 $0xFFFFC180  }
0xab: {  	[tilespmem:s17], [sflag:$0x1] =	stream.indirect.gather [hbm4b:s2+s16], $0x80, s21, s16, $0xb8;
	[tilespmem:$0x1E800] =	vst v63  }
0xac: {  	_ =	swait.ge [sflag:s20], $0x3E80  }
0xad: {  	[sflag:s20] =	ssyncset.done $0x0  }
0xae: {  	[sflag:s20] =	ssyncadd.s32 $0xFFFFC180  }
0xaf: {  	[spmem:s3] =	stream.indirect.scatter.add.f32 [tilespmem:s18], [sflag:$0x3], $0x80, s23, s16, $0xb8;
	[tilespmem:$0x1E800] =	vst v63  }
0xb0: {  	_ =	swait.ge [sflag:s14], $0x3E80  }
0xb1: {  	[sflag:s14] =	ssyncset.done $0x0  }
0xb2: {  	[sflag:s14] =	ssyncadd.s32 $0xFFFFC180  }
0xb3: {  	_ =	swait.ge [sflag:s19], $0x3E80  }
0xb4: {  	s24 =	sadd.s32 $0x1, s24;
	[sflag:s19] =	ssyncset.done $0x0  }
0xb5: {  	p0 =	sne.s32 s24, s12;
	[sflag:s19] =	ssyncadd.s32 $0xFFFFC180  }
.Ltmp2:
0xb6: {  	[bflag:$0x0] =	sbarrier.arrive $0xFFFF;
	(pc) =	sbr.rel @p0 .LBB2_1-.Ltmp2, $4  }
0xb7: {  	[hbm:s11], [sflag:s6] =	dma.local [spmem:s13], $0x2800  }
0xb8: {  	_ =	swait.ge [sflag:s14], $0x2800  }
0xb9: {  	[sflag:s14] =	ssyncset.done $0x0  }
0xba: {  	[sflag:s14] =	ssyncadd.s32 $0xFFFFD800  }
0xbb: {  	_ =	sfence.sel $0x180000  }
0xbc: {  	[bflag:$0x0] =	sbarrier.arrive $0xFFFF  }
0xbd: {  	p0 =	sne.s32 s1, $0x0;
	_ =	strace $0x9000004A  }
0xbe: {  	s0 =	sadd.s32 @!p0 $0x100000, s0;
	[bflag:$0x2] =	sbarrier.arrive $0xFFFF  }
0xbf: {  	[sflag:s0] =	ssyncadd.tile.s32 @!p0 $0x1;
	_ =	shalt  }
.Lfunc_end2:
_tile_overlayer_lowered:
.L_overlay_start_2:
0xc0: {  	(tag) =	ssettag $0x2  }
0xc1: {  	s0 =	rddreg [dreg:$0x0];
	s2 =	stileid.u32  }
0xc2: {  	s1 =	rddreg [dreg:$0x1];
	p0 =	sne.s32 s2, $0x0  }
0xc3: {  	s3 =	rddreg [dreg:$0x2];
	[bflag:$0x3] =	sbarrier.arrive $0xFFFF;
	s2 =	simm.s32 @!p0 $0x1C03  }
0xc4: {  	[timem:s3], [sflag:s2] =	dma.local @!p0 [hbm:s0], s1  }
0xc5: {  	s0 =	simm.s32 @!p0 $0x3  }
0xc6: {  	_ =	swait.ge @!p0 [sflag:s0], s1  }
0xc7: {  	s1 =	ssub.s32 @!p0 $0x0, s1;
	[sflag:s0] =	ssyncset.done @!p0 $0x0  }
0xc8: {  	[sflag:s0] =	ssyncadd.s32 @!p0 s1  }
0xc9: {  	[bflag:$0x3] =	sbarrier.arrive $0xFFFF  }
0xca: {  	_ =	shalt  }

// kernel: kernel.20.cloned.1.call-start
scs
__scs_entry_jumppad:
0x0: {  	(pc) =	sbr.rel $0x88, $3  }
0x1: {  	(tag) =	ssettag $0x0;
	lr =	simm.s32 $0x1  }
0x2: {  	[smem:$0x3F9D] =	sst lr;
	_ =	strace $0xD0000000  }
0x3: {  	_ = 	snop  }
0x4: {  	_ = 	snop  }
0x5: {  	_ = 	snop  }
0x6: {  	_ = 	snop  }
0x7: {  	_ = 	snop  }
__scs_overlays_trampoline_lowered:
0x8: {  	[smem:$0x3FAC] =	sst s0  }
0x9: {  	[smem:$0x3FAD] =	sst s1  }
0xa: {  	[smem:$0x3FAE] =	sst s2  }
0xb: {  	[smem:$0x3FAF] =	sst s3  }
0xc: {  	[smem:$0x3FB0] =	sst s4  }
0xd: {  	[smem:$0x3FB1] =	sst s5  }
0xe: {  	[smem:$0x3FB2] =	sst s6  }
0xf: {  	[smem:$0x3FB3] =	sst s7  }
0x10: {  	[smem:$0x3FB4] =	sst s8  }
0x11: {  	[smem:$0x3FB5] =	sst s9;
	s0 =	simm.s32 @!p0 $0x0  }
0x12: {  	s1 =	sld [smem:$0x3F9B];
	s0 =	simm.s32 @p0 $0x1  }
0x13: {  	[smem:$0x3FB6] =	sst s0;
	s0 =	simm.s32 @!p1 $0x0  }
0x14: {  	s2 =	sld [smem:$0x3F9A];
	s0 =	simm.s32 @p1 $0x1  }
0x15: {  	[smem:$0x3FB7] =	sst s0;
	s0 =	simm.s32 @!p2 $0x0  }
0x16: {  	s3 =	sld [smem:$0x3FDB];
	s0 =	simm.s32 @p2 $0x1  }
0x17: {  	s4 =	simm.s32 $0x1BF5;
	[smem:$0x3FB9] =	sst s0  }
0x18: {  	s0 =	sld [smem:$0x3F9C];
	_ =	swait.ge [sflag:s4], $0x0  }
0x19: {  	s7 =	sld [smem:$0x3F9D]  }
0x1a: {  	s8 =	sadd.s32 $0xFFFFE003, lr  }
0x1b: {  	s9 =	sadd.s32 $0xFFFFFEF7, lr;
	s5 =	simm.s32 $0xFFFFFFFF;
	p2 =	slt.u32 s8, $0xFFFFF086  }
0x1c: {  	p1 =	slt.u32 s9, $0xF7A;
	s5 =	simm.s32 @!p2 $0x0  }
0x1d: {  	s5 =	simm.s32 @p1 $0x1;
	p0 =	seq.s32 s7, s2  }
0x1e: {  	s7 =	smul.u32 @!p0 $0xF7A, s2;
	p2 =	seq.s32 @!p0 s5, $0x0  }
0x1f: {  	s9 =	smul.u32 $0xF7A, s1;
	s8 =	simm.s32 @!p0 $0x1BF5;
	p2 =	por !p2, p0  }
0x20: {  	[sflag:s8] =	ssyncset.s32 @!p0 $0xFFFFF086;
	s6 =	sadd.s32 @!p0 s3, s7;
	s7 =	simm.s32 @!p0 $0x108  }
0x21: {  	s3 =	sadd.s32 s3, s9;
	s6 =	sadd.s32 @!p0 $0x88, s6;
	s7 =	simm.s32 @p2 $0x1082  }
0x22: {  	[simem:s7], [sflag:s8] =	dma.local @!p0 [hbm:s6], $0xF7A  }
0x23: {  	s9 =	sor.u32 $0xD0000000, s2;
	s6 =	simm.s32 $0x108;
	_ =	swait.ge @!p0 [sflag:s8], $0x0  }
0x24: {  	s3 =	sadd.s32 $0x88, s3;
	s6 =	simm.s32 @!p1 $0x1082;
	[sflag:s4] =	ssyncset.s32 $0xFFFFF086  }
0x25: {  	[simem:s6], [sflag:s4] =	dma.local [hbm:s3], $0xF7A  }
0x26: {  	[smem:$0x3F9D] =	sst s1;
	(tag) =	ssettag s2;
	_ =	strace s9  }
0x27: {  	s1 =	sld [smem:$0x3FAD]  }
0x28: {  	s2 =	sld [smem:$0x3FAE]  }
0x29: {  	s4 =	sld [smem:$0x3FB0]  }
0x2a: {  	p0 =	seq.s32 s5, $0x0;
	s5 =	sld [smem:$0x3FB1]  }
0x2b: {  	s6 =	sld [smem:$0x3FB2]  }
0x2c: {  	s7 =	sld [smem:$0x3FB3]  }
0x2d: {  	s3 =	simm.s32 $0x108;
	s8 =	sld [smem:$0x3FB4]  }
0x2e: {  	s3 =	simm.s32 @!p0 $0x1082;
	s9 =	sld [smem:$0x3FB5]  }
0x2f: {  	lr =	sadd.s32 s0, s3;
	s0 =	sld [smem:$0x3FAC]  }
0x30: {  	s3 =	sld [smem:$0x3FAF]  }
0x31: {  	[smem:$0x3FB8] =	sst s10  }
0x32: {  	s10 =	sld [smem:$0x3FB6];
	_ =	sdelay $0x3  }
0x33: {  	p0 =	seq.s32 s10, $0x1;
	s10 =	sld [smem:$0x3FB8];
	_ =	sdelay $0x3  }
0x34: {  	[smem:$0x3FB8] =	sst s10  }
0x35: {  	s10 =	sld [smem:$0x3FB7];
	_ =	sdelay $0x3  }
0x36: {  	p1 =	seq.s32 s10, $0x1;
	s10 =	sld [smem:$0x3FB8];
	_ =	sdelay $0x3  }
0x37: {  	[smem:$0x3FB8] =	sst s10  }
0x38: {  	s10 =	sld [smem:$0x3FB9]  }
0x39: {  	_ = 	snop;
	(pc) =	sbr.ind lr, $3  }
0x3a: {  	_ = 	snop  }
0x3b: {  	_ = 	snop  }
0x3c: {  	p2 =	seq.s32 s10, $0x1;
	s10 =	sld [smem:$0x3FB8]  }
0x3d: {  	_ =	shalt  }
0x3e: {  	_ =	shalt  }
0x3f: {  	_ =	shalt  }
0x40: {  	_ =	shalt  }
0x41: {  	_ =	shalt  }
0x42: {  	_ =	shalt  }
0x43: {  	_ =	shalt  }
0x44: {  	_ =	shalt  }
0x45: {  	_ =	shalt  }
0x46: {  	_ =	shalt  }
0x47: {  	_ =	shalt  }
0x48: {  	_ =	shalt  }
0x49: {  	_ =	shalt  }
0x4a: {  	_ =	shalt  }
0x4b: {  	_ =	shalt  }
0x4c: {  	_ =	shalt  }
0x4d: {  	_ =	shalt  }
0x4e: {  	_ =	shalt  }
0x4f: {  	_ =	shalt  }
0x50: {  	_ =	shalt  }
0x51: {  	_ =	shalt  }
0x52: {  	_ =	shalt  }
0x53: {  	_ =	shalt  }
0x54: {  	_ =	shalt  }
0x55: {  	_ =	shalt  }
0x56: {  	_ =	shalt  }
0x57: {  	_ =	shalt  }
0x58: {  	_ =	shalt  }
0x59: {  	_ =	shalt  }
0x5a: {  	_ =	shalt  }
0x5b: {  	_ =	shalt  }
0x5c: {  	_ =	shalt  }
0x5d: {  	_ =	shalt  }
0x5e: {  	_ =	shalt  }
0x5f: {  	_ =	shalt  }
0x60: {  	_ =	shalt  }
0x61: {  	_ =	shalt  }
0x62: {  	_ =	shalt  }
0x63: {  	_ =	shalt  }
0x64: {  	_ =	shalt  }
0x65: {  	_ =	shalt  }
0x66: {  	_ =	shalt  }
0x67: {  	_ =	shalt  }
0x68: {  	_ =	shalt  }
0x69: {  	_ =	shalt  }
0x6a: {  	_ =	shalt  }
0x6b: {  	_ =	shalt  }
0x6c: {  	_ =	shalt  }
0x6d: {  	_ =	shalt  }
0x6e: {  	_ =	shalt  }
0x6f: {  	_ =	shalt  }
0x70: {  	_ =	shalt  }
0x71: {  	_ =	shalt  }
0x72: {  	_ =	shalt  }
0x73: {  	_ =	shalt  }
0x74: {  	_ =	shalt  }
0x75: {  	_ =	shalt  }
0x76: {  	_ =	shalt  }
0x77: {  	_ =	shalt  }
0x78: {  	_ =	shalt  }
0x79: {  	_ =	shalt  }
0x7a: {  	_ =	shalt  }
0x7b: {  	_ =	shalt  }
0x7c: {  	_ =	shalt  }
0x7d: {  	_ =	shalt  }
0x7e: {  	_ =	shalt  }
0x7f: {  	_ =	shalt  }
0x80: {  	_ =	shalt  }
0x81: {  	_ =	shalt  }
0x82: {  	_ =	shalt  }
0x83: {  	_ =	shalt  }
0x84: {  	_ =	shalt  }
0x85: {  	_ =	shalt  }
0x86: {  	_ =	shalt  }
0x87: {  	_ =	shalt  }
.Lfunc_end0:
.L_simem_size_0:
called_computation.2_lowered:
.L_overlay_start_0:
0x88: {  	s2 =	sld [smem:$0x3FD9]  }
0x89: {  	s3 =	sld [smem:$0x3FFE];
	_ =	sdelay $0x1  }
0x8a: {  	s1 =	srdreg.scid  }
0x8b: {  	s0 =	sand.u32 $0x1, s1  }
0x8c: {  	s17 =	sshll.u32 s0, $0xA;
	s2 =	sadd.s32 s3, s2  }
0x8d: {  	s2 =	sadd.s32 s2, s17  }
0x8e: {  	[smem:$0x3FC4] =	sst s2  }
0x8f: {  	_ = 	snop  }
0x90: {  	s2 =	sld [smem:$0x3FD0];
	(tm) =	ssettm $0x1  }
0x91: {  	s18 =	sld [smem:$0x3FFB];
	_ =	sdelay $0x3  }
0x92: {  	_ =	strace s18  }
0x93: {  	s3 =	sld [smem:$0x3FFC];
	_ =	sdelay $0x3  }
0x94: {  	_ =	strace s3  }
0x95: {  	s3 =	sld [smem:$0x3FFD];
	_ =	sdelay $0x3  }
0x96: {  	_ =	strace s3  }
0x97: {  	_ =	strace $0x8FFFFFFF  }
0x98: {  	s19 =	sld [smem:$0x3FDB];
	_ =	sdelay $0x1  }
0x99: {  	s4 =	simm.s32 $_scs_section_size  }
0x9a: {  	s5 =	simm.s32 $_size__tile_overlayer_lowered;
	s6 =	simm.s32 $_tile_overlayer_lowered  }
0x9b: {  	s22 =	simm.s32 $0x1BFF;
	s21 =	sshll.u32 s6, $0x1;
	s3 =	sadd.s32 s4, s19  }
0x9c: {  	s7 =	simm.s32 $0x0;
	s20 =	sshll.u32 s5, $0x1;
	s5 =	sadd.s32 s21, s3  }
0x9d: {  	[timem:s7], [sflag:s22] =	dma.local [hbm:s5], s20  }
0x9e: {  	_ =	swait.ge [sflag:s22], s20  }
0x9f: {  	s4 =	ssub.s32 $0x0, s20;
	[sflag:s22] =	ssyncset.done $0x0  }
0xa0: {  	[sflag:s22] =	ssyncadd.s32 s4;
	_ =	sdelay $0x1  }
0xa1: {  	s23 =	simm.s32 $0x1B8B  }
0xa2: {  	_ =	swait.ge [sflag:s23], $0x1  }
0xa3: {  	[sflag:s23] =	ssyncset.done $0x0  }
0xa4: {  	s25 =	simm.s32 $0x1B8E;
	s24 =	sld [smem:$0x3FFE];
	[sflag:s23] =	ssyncadd.s32 $0xFFFFFFFF  }
0xa5: {  	s26 =	simm.s32 $execute0_lowered;
	[smem:$0x3FD2] =	sst s25  }
0xa6: {  	s5 =	sshll.u32 s26, $0x1;
	_ =	strace $0x8000004C;
	[dreg:$0x1] =	wrdreg $0xFFFFFFFF  }
0xa7: {  	s28 =	simm.s32 $_size_execute0_lowered;
	s3 =	sadd.s32 s3, s5;
	[dreg:$0x0] =	wrdreg $0x0  }
0xa8: {  	s5 =	sshll.u32 s28, $0x1;
	[dreg:$0x2] =	wrdreg s3  }
0xa9: {  	[dreg:$0x3] =	wrdreg s5  }
0xaa: {  	[dreg:$0x4] =	wrdreg $0xC0  }
0xab: {  	_ =	task [dreg:s7], $0x5FFFF  }
0xac: {  	[dreg:$0x1] =	wrdreg $0xFFFFFFFF  }
0xad: {  	[dreg:$0x0] =	wrdreg $0x60  }
0xae: {  	[dreg:$0x2] =	wrdreg s2  }
0xaf: {  	[dreg:$0x3] =	wrdreg s24  }
0xb0: {  	[dreg:$0x4] =	wrdreg $0xA8000  }
0xb1: {  	[dreg:$0x5] =	wrdreg $0x9  }
0xb2: {  	_ =	task.clear_ibuf [dreg:s7], $0x6FFFF;
	_ =	strace $0x9000004C  }
0xb3: {  	s29 =	simm.s32 $0x9;
	_ =	strace $0x8000004E  }
0xb4: {  	_ =	swait.ge [sflag:s29], $0x1  }
0xb5: {  	[sflag:s29] =	ssyncadd.s32 $0xFFFFFFFF  }
0xb6: {  	_ =	strace $0x9000004E  }
0xb7: {  	_ =	sfence  }
0xb8: {  	s30 =	sld [smem:$0x0];
	_ =	sdelay $0x2  }
0xb9: {  	s31 =	sshll.u32 s1, $0xD;
	s1 =	sshrl.u32 s1, $0x2  }
0xba: {  	s3 =	sand.u32 $0x4000, s31;
	s1 =	sadd.s32 s1, s30  }
0xbb: {  	s0 =	sor.u32 s3, s0;
	s1 =	sshll.u32 s1, $0x11  }
0xbc: {  	s0 =	sor.u32 s1, s0  }
0xbd: {  	s0 =	sadd.s32 $0x8F2B, s0  }
0xbe: {  	[sflag:s0] =	ssyncadd.remote.s32 $0x1  }
0xbf: {  	_ =	sfence.sel $0xFFFF  }
0xc0: {  	[dreg:$0x0] =	wrdreg $0xFFFFFFFF;
	(pc) =	sbr.abs _section_cstart, $3  }
0xc1: {  	[dreg:$0x1] =	wrdreg $0xFFFFFFFF  }
0xc2: {  	_ =	task.clear_ibuf [dreg:s7], $0x2FFFF;
	_ =	strace $0x9FFFFFFF  }
0xc3: {  	(tm) =	ssettm $0x7FFFFFFF  }
tec
execute0_lowered:
.L_overlay_start_1:
0x0: {  	(tag) =	ssettag $0x1  }
0x1: {  	s2 =	rddreg [dreg:$0x0]  }
0x2: {  	s5 =	rddreg [dreg:$0x1]  }
0x3: {  	s3 =	rddreg [dreg:$0x2]  }
0x4: {  	s0 =	rddreg [dreg:$0x3]  }
0x5: {  	s1 =	stileid.u32;
	s4 =	simm.s32 $0x0;
	s7 =	srdreg.scid  }
0x6: {  	s17 =	simm.s32 $0x2800;
	s18 =	simm.s32 $0x6800;
	s19 =	simm.s32 $0x1  }
0x7: {  	s20 =	simm.s32 $0x2;
	s21 =	simm.s32 $0x1380;
	s22 =	simm.s32 $0x2700  }
0x8: {  	s23 =	simm.s32 $0x2780;
	s24 =	simm.s32 $0x0;
	s6 =	smul.u32 $0x14000, s1  }
0x9: {  	[smem:$0x7FF] =	sst s4;
	s7 =	sand.u32 $0x1, s7;
	s10 =	sadd.s32 $0xDA00, s5  }
0xa: {  	s11 =	sadd.s32 $0x3A00, s5;
	s26 =	smul.u32 $0x50000, s1;
	s28 =	sshll.u32 s1, $0x6  }
0xb: {  	_ =	strace $0x8000004D;
	s9 =	smul.u32 $0x140000, s7;
	s12 =	sshll.u32 s7, $0x4  }
0xc: {  	s7 =	ssub.s32 $0x2, s7;
	s8 =	sshrl.u32 s6, $0x3;
	s12 =	sor.u32 s1, s12  }
0xd: {  	s13 =	sshrl.u32 s7, $0x1;
	s8 =	sadd.s32 s8, s5;
	s6 =	sadd.s32 s6, s9  }
0xe: {  	s9 =	sshrl.u32 s26, $0x2;
	s14 =	smul.u32 $0x2800, s12;
	s13 =	ssub.s32 s7, s13  }
0xf: {  	s29 =	smul.u32 $0x500, s12;
	s6 =	sshrl.u32 s6, $0x3;
	s16 =	sadd.s32 s9, s3  }
0x10: {  	s12 =	smax.u32 s13, $0x1;
	s15 =	sadd.s32 s6, s5;
	s30 =	sshrl.u32 s14, $0x3  }
0x11: {  	s5 =	sadd.s32 $0x67A00, s8;
	s6 =	sor.u32 $0x1C03, s28;
	s7 =	sadd.s32 s10, s29  }
0x12: {  	s8 =	sadd.s32 s11, s29;
	s13 =	sshrl.u32 s16, $0x3;
	s31 =	sadd.s32 $0x280, s30  }
0x13: {  	s14 =	simm.s32 $0x3;
	s16 =	simm.s32 $0x7D;
	s9 =	sadd.s32 s10, s31  }
0x14: {  	s10 =	sadd.s32 s11, s31;
	s11 =	sadd.s32 $0x8FA00, s15;
	s15 =	simm.s32 $0x1400  }
.LBB2_1:
0x15: {  	[spmem:s13], [sflag:s6] =	dma.local [hbm:s5], $0x2800  }
0x16: {  	_ =	swait.ge [sflag:s14], $0x2800  }
0x17: {  	[sflag:s14] =	ssyncset.done $0x0  }
0x18: {  	[sflag:s14] =	ssyncadd.s32 $0xFFFFD800  }
0x19: {  	[tilespmem:s4], [sflag:$0x3] =	stream.linear.gather [hbm4b:s7+s4], $0x1400, $0x38;
	[tilespmem:$0x1E800] =	vst v63  }
0x1a: {  	_ =	swait.ge [sflag:s14], $0x1400  }
0x1b: {  	[sflag:s14] =	ssyncset.done $0x0  }
0x1c: {  	[sflag:s14] =	ssyncadd.s32 $0xFFFFEC00  }
0x1d: {  	[tilespmem:s15], [sflag:$0x3] =	stream.linear.gather [hbm4b:s8+s4], $0x1400, $0x38;
	[tilespmem:$0x1E800] =	vst v63  }
0x1e: {  	_ =	swait.ge [sflag:s14], $0x1400  }
0x1f: {  	[sflag:s14] =	ssyncset.done $0x0  }
0x20: {  	[sflag:s14] =	ssyncadd.s32 $0xFFFFEC00  }
0x21: {  	[bflag:$0x0] =	sbarrier.arrive $0xFFFF  }
0x22: {  	[tilespmem:s17], [sflag:$0x1] =	stream.indirect.gather [hbm4b:s2+s16], $0x80, s4, s16, $0xb8;
	[tilespmem:$0x1E800] =	vst v63  }
0x23: {  	s25 =	simm.s32 $0x80  }
0x24: {  	[tilespmem:s18], [sflag:$0x2] =	stream.indirect.gather [hbm4b:s2+s16], $0x80, s25, s16, $0xb8;
	[tilespmem:$0x1E800] =	vst v63  }
0x25: {  	_ =	swait.ge [sflag:s19], $0x3E80  }
0x26: {  	[sflag:s19] =	ssyncset.done $0x0  }
0x27: {  	s29 =	simm.s32 $0x1400;
	[sflag:s19] =	ssyncadd.s32 $0xFFFFC180  }
0x28: {  	[spmem:s3] =	stream.indirect.scatter.add.f32 [tilespmem:s17], [sflag:$0x3], $0x80, s29, s16, $0xb8;
	[tilespmem:$0x1E800] =	vst v63  }
0x29: {  	_ =	swait.ge [sflag:s14], $0x3E80  }
0x2a: {  	[sflag:s14] =	ssyncset.done $0x0  }
0x2b: {  	s30 =	simm.s32 $0x100;
	[sflag:s14] =	ssyncadd.s32 $0xFFFFC180  }
0x2c: {  	[tilespmem:s17], [sflag:$0x1] =	stream.indirect.gather [hbm4b:s2+s16], $0x80, s30, s16, $0xb8;
	[tilespmem:$0x1E800] =	vst v63  }
0x2d: {  	_ =	swait.ge [sflag:s20], $0x3E80  }
0x2e: {  	[sflag:s20] =	ssyncset.done $0x0  }
0x2f: {  	s31 =	simm.s32 $0x1480;
	[sflag:s20] =	ssyncadd.s32 $0xFFFFC180  }
0x30: {  	[spmem:s3] =	stream.indirect.scatter.add.f32 [tilespmem:s18], [sflag:$0x3], $0x80, s31, s16, $0xb8;
	[tilespmem:$0x1E800] =	vst v63  }
0x31: {  	_ =	swait.ge [sflag:s14], $0x3E80  }
0x32: {  	s26 =	simm.s32 $0x800;
	s25 =	simm.s32 $0x100;
	[sflag:s14] =	ssyncset.done $0x0  }
.LBB2_2:
0x33: {  	s28 =	sadd.s32 $0x80, s25  }
0x34: {  	[sflag:s14] =	ssyncadd.s32 $0xFFFFC180;
	s29 =	smov.u32 s26;
	s30 =	sadd.s32 $0x400, s26  }
0x35: {  	[tilespmem:s18], [sflag:$0x2] =	stream.indirect.gather [hbm4b:s2+s16], $0x80, s28, s16, $0xb8;
	[tilespmem:$0x1E800] =	vst v63  }
0x36: {  	p0 =	sne.s32 s26, $0x4800;
	_ =	swait.ge [sflag:s19], $0x3E80  }
0x37: {  	[sflag:s19] =	ssyncset.done $0x0  }
0x38: {  	s26 =	sadd.s32 $0x1400, s25;
	[sflag:s19] =	ssyncadd.s32 $0xFFFFC180  }
0x39: {  	[spmem:s3] =	stream.indirect.scatter.add.f32 [tilespmem:s17], [sflag:$0x3], $0x80, s26, s16, $0xb8;
	[tilespmem:$0x1E800] =	vst v63  }
0x3a: {  	_ =	swait.ge [sflag:s14], $0x3E80  }
0x3b: {  	[sflag:s14] =	ssyncset.done $0x0  }
0x3c: {  	s26 =	sadd.s32 $0x100, s25;
	[sflag:s14] =	ssyncadd.s32 $0xFFFFC180  }
0x3d: {  	[tilespmem:s17], [sflag:$0x1] =	stream.indirect.gather [hbm4b:s2+s16], $0x80, s26, s16, $0xb8;
	[tilespmem:$0x1E800] =	vst v63  }
0x3e: {  	_ =	swait.ge [sflag:s20], $0x3E80  }
.Ltmp0:
0x3f: {  	[sflag:s20] =	ssyncset.done $0x0;
	(pc) =	sbr.rel @p0 .LBB2_2-.Ltmp0, $4  }
0x40: {  	s25 =	sadd.s32 $0x1480, s25;
	[sflag:s20] =	ssyncadd.s32 $0xFFFFC180  }
0x41: {  	[spmem:s3] =	stream.indirect.scatter.add.f32 [tilespmem:s18], [sflag:$0x3], $0x80, s25, s16, $0xb8;
	[tilespmem:$0x1E800] =	vst v63  }
0x42: {  	_ =	swait.ge [sflag:s14], $0x3E80  }
0x43: {  	s26 =	smov.u32 s30;
	s25 =	sshra.s32 s29, $0x2;
	[sflag:s14] =	ssyncset.done $0x0  }
0x44: {  	s26 =	sadd.s32 $0x80, s25;
	[sflag:s14] =	ssyncadd.s32 $0xFFFFC180  }
0x45: {  	[tilespmem:s18], [sflag:$0x2] =	stream.indirect.gather [hbm4b:s2+s16], $0x80, s26, s16, $0xb8;
	[tilespmem:$0x1E800] =	vst v63  }
0x46: {  	_ =	swait.ge [sflag:s19], $0x3E80  }
0x47: {  	[sflag:s19] =	ssyncset.done $0x0  }
0x48: {  	s29 =	sadd.s32 $0x1400, s25;
	[sflag:s19] =	ssyncadd.s32 $0xFFFFC180  }
0x49: {  	[spmem:s3] =	stream.indirect.scatter.add.f32 [tilespmem:s17], [sflag:$0x3], $0x80, s29, s16, $0xb8;
	[tilespmem:$0x1E800] =	vst v63  }
0x4a: {  	_ =	swait.ge [sflag:s14], $0x3E80  }
0x4b: {  	[sflag:s14] =	ssyncset.done $0x0  }
0x4c: {  	s30 =	sadd.s32 $0x100, s25;
	[sflag:s14] =	ssyncadd.s32 $0xFFFFC180  }
0x4d: {  	[tilespmem:s17], [sflag:$0x1] =	stream.indirect.gather [hbm4b:s2+s16], $0x80, s30, s16, $0xb8;
	[tilespmem:$0x1E800] =	vst v63  }
0x4e: {  	_ =	swait.ge [sflag:s20], $0x3E80  }
0x4f: {  	[sflag:s20] =	ssyncset.done $0x0  }
0x50: {  	s31 =	sadd.s32 $0x1480, s25;
	[sflag:s20] =	ssyncadd.s32 $0xFFFFC180  }
0x51: {  	[spmem:s3] =	stream.indirect.scatter.add.f32 [tilespmem:s18], [sflag:$0x3], $0x80, s31, s16, $0xb8;
	[tilespmem:$0x1E800] =	vst v63  }
0x52: {  	_ =	swait.ge [sflag:s14], $0x3E80  }
0x53: {  	[sflag:s14] =	ssyncset.done $0x0  }
0x54: {  	[sflag:s14] =	ssyncadd.s32 $0xFFFFC180  }
0x55: {  	[tilespmem:s18], [sflag:$0x2] =	stream.indirect.gather [hbm4b:s2+s16], $0x80, s21, s16, $0xb8;
	[tilespmem:$0x1E800] =	vst v63  }
0x56: {  	_ =	swait.ge [sflag:s19], $0x3E80  }
0x57: {  	[sflag:s19] =	ssyncset.done $0x0  }
0x58: {  	[sflag:s19] =	ssyncadd.s32 $0xFFFFC180  }
0x59: {  	[spmem:s3] =	stream.indirect.scatter.add.f32 [tilespmem:s17], [sflag:$0x3], $0x80, s22, s16, $0xb8;
	[tilespmem:$0x1E800] =	vst v63  }
0x5a: {  	_ =	swait.ge [sflag:s14], $0x3E80  }
0x5b: {  	[sflag:s14] =	ssyncset.done $0x0  }
0x5c: {  	[sflag:s14] =	ssyncadd.s32 $0xFFFFC180  }
0x5d: {  	[tilespmem:s17], [sflag:$0x1] =	stream.indirect.gather [hbm4b:s2+s16], $0x80, s21, s16, $0xb8;
	[tilespmem:$0x1E800] =	vst v63  }
0x5e: {  	_ =	swait.ge [sflag:s20], $0x3E80  }
0x5f: {  	[sflag:s20] =	ssyncset.done $0x0  }
0x60: {  	[sflag:s20] =	ssyncadd.s32 $0xFFFFC180  }
0x61: {  	[spmem:s3] =	stream.indirect.scatter.add.f32 [tilespmem:s18], [sflag:$0x3], $0x80, s23, s16, $0xb8;
	[tilespmem:$0x1E800] =	vst v63  }
0x62: {  	_ =	swait.ge [sflag:s14], $0x3E80  }
0x63: {  	[sflag:s14] =	ssyncset.done $0x0  }
0x64: {  	[sflag:s14] =	ssyncadd.s32 $0xFFFFC180  }
0x65: {  	_ =	swait.ge [sflag:s19], $0x3E80  }
0x66: {  	[sflag:s19] =	ssyncset.done $0x0  }
0x67: {  	s26 =	simm.s32 $0x0;
	[sflag:s19] =	ssyncadd.s32 $0xFFFFC180  }
0x68: {  	[tilespmem:s26], [sflag:$0x3] =	stream.linear.gather [hbm4b:s9+s26], $0x1400, $0x38;
	[tilespmem:$0x1E800] =	vst v63  }
0x69: {  	_ =	swait.ge [sflag:s14], $0x1400  }
0x6a: {  	[sflag:s14] =	ssyncset.done $0x0  }
0x6b: {  	[sflag:s14] =	ssyncadd.s32 $0xFFFFEC00  }
0x6c: {  	[tilespmem:s15], [sflag:$0x3] =	stream.linear.gather [hbm4b:s10+s26], $0x1400, $0x38;
	[tilespmem:$0x1E800] =	vst v63  }
0x6d: {  	_ =	swait.ge [sflag:s14], $0x1400  }
0x6e: {  	[sflag:s14] =	ssyncset.done $0x0  }
0x6f: {  	[sflag:s14] =	ssyncadd.s32 $0xFFFFEC00  }
0x70: {  	[tilespmem:s17], [sflag:$0x1] =	stream.indirect.gather [hbm4b:s2+s16], $0x80, s26, s16, $0xb8;
	[tilespmem:$0x1E800] =	vst v63  }
0x71: {  	s28 =	simm.s32 $0x80  }
0x72: {  	[tilespmem:s18], [sflag:$0x2] =	stream.indirect.gather [hbm4b:s2+s16], $0x80, s28, s16, $0xb8;
	[tilespmem:$0x1E800] =	vst v63  }
0x73: {  	_ =	swait.ge [sflag:s19], $0x3E80  }
0x74: {  	[sflag:s19] =	ssyncset.done $0x0  }
0x75: {  	s29 =	simm.s32 $0x1400;
	[sflag:s19] =	ssyncadd.s32 $0xFFFFC180  }
0x76: {  	[spmem:s3] =	stream.indirect.scatter.add.f32 [tilespmem:s17], [sflag:$0x3], $0x80, s29, s16, $0xb8;
	[tilespmem:$0x1E800] =	vst v63  }
0x77: {  	_ =	swait.ge [sflag:s14], $0x3E80  }
0x78: {  	[sflag:s14] =	ssyncset.done $0x0  }
0x79: {  	s30 =	simm.s32 $0x100;
	[sflag:s14] =	ssyncadd.s32 $0xFFFFC180  }
0x7a: {  	[tilespmem:s17], [sflag:$0x1] =	stream.indirect.gather [hbm4b:s2+s16], $0x80, s30, s16, $0xb8;
	[tilespmem:$0x1E800] =	vst v63  }
0x7b: {  	_ =	swait.ge [sflag:s20], $0x3E80  }
0x7c: {  	[sflag:s20] =	ssyncset.done $0x0  }
0x7d: {  	s31 =	simm.s32 $0x1480;
	[sflag:s20] =	ssyncadd.s32 $0xFFFFC180  }
0x7e: {  	[spmem:s3] =	stream.indirect.scatter.add.f32 [tilespmem:s18], [sflag:$0x3], $0x80, s31, s16, $0xb8;
	[tilespmem:$0x1E800] =	vst v63  }
0x7f: {  	_ =	swait.ge [sflag:s14], $0x3E80  }
0x80: {  	s25 =	simm.s32 $0x100;
	s26 =	simm.s32 $0x800;
	[sflag:s14] =	ssyncset.done $0x0  }
.LBB2_4:
0x81: {  	s28 =	sadd.s32 $0x80, s25  }
0x82: {  	[sflag:s14] =	ssyncadd.s32 $0xFFFFC180;
	s29 =	smov.u32 s26;
	s30 =	sadd.s32 $0x400, s26  }
0x83: {  	[tilespmem:s18], [sflag:$0x2] =	stream.indirect.gather [hbm4b:s2+s16], $0x80, s28, s16, $0xb8;
	[tilespmem:$0x1E800] =	vst v63  }
0x84: {  	p0 =	sne.s32 s26, $0x4800;
	_ =	swait.ge [sflag:s19], $0x3E80  }
0x85: {  	[sflag:s19] =	ssyncset.done $0x0  }
0x86: {  	s26 =	sadd.s32 $0x1400, s25;
	[sflag:s19] =	ssyncadd.s32 $0xFFFFC180  }
0x87: {  	[spmem:s3] =	stream.indirect.scatter.add.f32 [tilespmem:s17], [sflag:$0x3], $0x80, s26, s16, $0xb8;
	[tilespmem:$0x1E800] =	vst v63  }
0x88: {  	_ =	swait.ge [sflag:s14], $0x3E80  }
0x89: {  	[sflag:s14] =	ssyncset.done $0x0  }
0x8a: {  	s26 =	sadd.s32 $0x100, s25;
	[sflag:s14] =	ssyncadd.s32 $0xFFFFC180  }
0x8b: {  	[tilespmem:s17], [sflag:$0x1] =	stream.indirect.gather [hbm4b:s2+s16], $0x80, s26, s16, $0xb8;
	[tilespmem:$0x1E800] =	vst v63  }
0x8c: {  	_ =	swait.ge [sflag:s20], $0x3E80  }
.Ltmp1:
0x8d: {  	[sflag:s20] =	ssyncset.done $0x0;
	(pc) =	sbr.rel @p0 .LBB2_4-.Ltmp1, $4  }
0x8e: {  	s25 =	sadd.s32 $0x1480, s25;
	[sflag:s20] =	ssyncadd.s32 $0xFFFFC180  }
0x8f: {  	[spmem:s3] =	stream.indirect.scatter.add.f32 [tilespmem:s18], [sflag:$0x3], $0x80, s25, s16, $0xb8;
	[tilespmem:$0x1E800] =	vst v63  }
0x90: {  	_ =	swait.ge [sflag:s14], $0x3E80  }
0x91: {  	s26 =	smov.u32 s30;
	s25 =	sshra.s32 s29, $0x2;
	[sflag:s14] =	ssyncset.done $0x0  }
0x92: {  	s26 =	sadd.s32 $0x80, s25;
	[sflag:s14] =	ssyncadd.s32 $0xFFFFC180  }
0x93: {  	[tilespmem:s18], [sflag:$0x2] =	stream.indirect.gather [hbm4b:s2+s16], $0x80, s26, s16, $0xb8;
	[tilespmem:$0x1E800] =	vst v63  }
0x94: {  	_ =	swait.ge [sflag:s19], $0x3E80  }
0x95: {  	[sflag:s19] =	ssyncset.done $0x0  }
0x96: {  	s29 =	sadd.s32 $0x1400, s25;
	[sflag:s19] =	ssyncadd.s32 $0xFFFFC180  }
0x97: {  	[spmem:s3] =	stream.indirect.scatter.add.f32 [tilespmem:s17], [sflag:$0x3], $0x80, s29, s16, $0xb8;
	[tilespmem:$0x1E800] =	vst v63  }
0x98: {  	_ =	swait.ge [sflag:s14], $0x3E80  }
0x99: {  	[sflag:s14] =	ssyncset.done $0x0  }
0x9a: {  	s30 =	sadd.s32 $0x100, s25;
	[sflag:s14] =	ssyncadd.s32 $0xFFFFC180  }
0x9b: {  	[tilespmem:s17], [sflag:$0x1] =	stream.indirect.gather [hbm4b:s2+s16], $0x80, s30, s16, $0xb8;
	[tilespmem:$0x1E800] =	vst v63  }
0x9c: {  	_ =	swait.ge [sflag:s20], $0x3E80  }
0x9d: {  	[sflag:s20] =	ssyncset.done $0x0  }
0x9e: {  	s31 =	sadd.s32 $0x1480, s25;
	[sflag:s20] =	ssyncadd.s32 $0xFFFFC180  }
0x9f: {  	[spmem:s3] =	stream.indirect.scatter.add.f32 [tilespmem:s18], [sflag:$0x3], $0x80, s31, s16, $0xb8;
	[tilespmem:$0x1E800] =	vst v63  }
0xa0: {  	_ =	swait.ge [sflag:s14], $0x3E80  }
0xa1: {  	[sflag:s14] =	ssyncset.done $0x0  }
0xa2: {  	[sflag:s14] =	ssyncadd.s32 $0xFFFFC180  }
0xa3: {  	[tilespmem:s18], [sflag:$0x2] =	stream.indirect.gather [hbm4b:s2+s16], $0x80, s21, s16, $0xb8;
	[tilespmem:$0x1E800] =	vst v63  }
0xa4: {  	_ =	swait.ge [sflag:s19], $0x3E80  }
0xa5: {  	[sflag:s19] =	ssyncset.done $0x0  }
0xa6: {  	[sflag:s19] =	ssyncadd.s32 $0xFFFFC180  }
0xa7: {  	[spmem:s3] =	stream.indirect.scatter.add.f32 [tilespmem:s17], [sflag:$0x3], $0x80, s22, s16, $0xb8;
	[tilespmem:$0x1E800] =	vst v63  }
0xa8: {  	_ =	swait.ge [sflag:s14], $0x3E80  }
0xa9: {  	[sflag:s14] =	ssyncset.done $0x0  }
0xaa: {  	[sflag:s14] =	ssyncadd.s32 $0xFFFFC180  }
0xab: {  	[tilespmem:s17], [sflag:$0x1] =	stream.indirect.gather [hbm4b:s2+s16], $0x80, s21, s16, $0xb8;
	[tilespmem:$0x1E800] =	vst v63  }
0xac: {  	_ =	swait.ge [sflag:s20], $0x3E80  }
0xad: {  	[sflag:s20] =	ssyncset.done $0x0  }
0xae: {  	[sflag:s20] =	ssyncadd.s32 $0xFFFFC180  }
0xaf: {  	[spmem:s3] =	stream.indirect.scatter.add.f32 [tilespmem:s18], [sflag:$0x3], $0x80, s23, s16, $0xb8;
	[tilespmem:$0x1E800] =	vst v63  }
0xb0: {  	_ =	swait.ge [sflag:s14], $0x3E80  }
0xb1: {  	[sflag:s14] =	ssyncset.done $0x0  }
0xb2: {  	[sflag:s14] =	ssyncadd.s32 $0xFFFFC180  }
0xb3: {  	_ =	swait.ge [sflag:s19], $0x3E80  }
0xb4: {  	s24 =	sadd.s32 $0x1, s24;
	[sflag:s19] =	ssyncset.done $0x0  }
0xb5: {  	p0 =	sne.s32 s24, s12;
	[sflag:s19] =	ssyncadd.s32 $0xFFFFC180  }
.Ltmp2:
0xb6: {  	[bflag:$0x0] =	sbarrier.arrive $0xFFFF;
	(pc) =	sbr.rel @p0 .LBB2_1-.Ltmp2, $4  }
0xb7: {  	[hbm:s11], [sflag:s6] =	dma.local [spmem:s13], $0x2800  }
0xb8: {  	_ =	swait.ge [sflag:s14], $0x2800  }
0xb9: {  	[sflag:s14] =	ssyncset.done $0x0  }
0xba: {  	[sflag:s14] =	ssyncadd.s32 $0xFFFFD800  }
0xbb: {  	_ =	sfence.sel $0x180000  }
0xbc: {  	[bflag:$0x0] =	sbarrier.arrive $0xFFFF  }
0xbd: {  	p0 =	sne.s32 s1, $0x0;
	_ =	strace $0x9000004D  }
0xbe: {  	s0 =	sadd.s32 @!p0 $0x100000, s0;
	[bflag:$0x2] =	sbarrier.arrive $0xFFFF  }
0xbf: {  	[sflag:s0] =	ssyncadd.tile.s32 @!p0 $0x1;
	_ =	shalt  }
.Lfunc_end2:
_tile_overlayer_lowered:
.L_overlay_start_2:
0xc0: {  	(tag) =	ssettag $0x2  }
0xc1: {  	s0 =	rddreg [dreg:$0x0];
	s2 =	stileid.u32  }
0xc2: {  	s1 =	rddreg [dreg:$0x1];
	p0 =	sne.s32 s2, $0x0  }
0xc3: {  	s3 =	rddreg [dreg:$0x2];
	[bflag:$0x3] =	sbarrier.arrive $0xFFFF;
	s2 =	simm.s32 @!p0 $0x1C03  }
0xc4: {  	[timem:s3], [sflag:s2] =	dma.local @!p0 [hbm:s0], s1  }
0xc5: {  	s0 =	simm.s32 @!p0 $0x3  }
0xc6: {  	_ =	swait.ge @!p0 [sflag:s0], s1  }
0xc7: {  	s1 =	ssub.s32 @!p0 $0x0, s1;
	[sflag:s0] =	ssyncset.done @!p0 $0x0  }
0xc8: {  	[sflag:s0] =	ssyncadd.s32 @!p0 s1  }
0xc9: {  	[bflag:$0x3] =	sbarrier.arrive $0xFFFF  }
0xca: {  	_ =	shalt  }

// kernel: kernel.23.cloned.1.call-start
scs
__scs_entry_jumppad:
0x0: {  	(pc) =	sbr.rel $0x88, $3  }
0x1: {  	(tag) =	ssettag $0x0;
	lr =	simm.s32 $0x1  }
0x2: {  	[smem:$0x3F9D] =	sst lr;
	_ =	strace $0xD0000000  }
0x3: {  	_ = 	snop  }
0x4: {  	_ = 	snop  }
0x5: {  	_ = 	snop  }
0x6: {  	_ = 	snop  }
0x7: {  	_ = 	snop  }
__scs_overlays_trampoline_lowered:
0x8: {  	[smem:$0x3FAC] =	sst s0  }
0x9: {  	[smem:$0x3FAD] =	sst s1  }
0xa: {  	[smem:$0x3FAE] =	sst s2  }
0xb: {  	[smem:$0x3FAF] =	sst s3  }
0xc: {  	[smem:$0x3FB0] =	sst s4  }
0xd: {  	[smem:$0x3FB1] =	sst s5  }
0xe: {  	[smem:$0x3FB2] =	sst s6  }
0xf: {  	[smem:$0x3FB3] =	sst s7  }
0x10: {  	[smem:$0x3FB4] =	sst s8  }
0x11: {  	[smem:$0x3FB5] =	sst s9;
	s0 =	simm.s32 @!p0 $0x0  }
0x12: {  	s1 =	sld [smem:$0x3F9B];
	s0 =	simm.s32 @p0 $0x1  }
0x13: {  	[smem:$0x3FB6] =	sst s0;
	s0 =	simm.s32 @!p1 $0x0  }
0x14: {  	s2 =	sld [smem:$0x3F9A];
	s0 =	simm.s32 @p1 $0x1  }
0x15: {  	[smem:$0x3FB7] =	sst s0;
	s0 =	simm.s32 @!p2 $0x0  }
0x16: {  	s3 =	sld [smem:$0x3FDB];
	s0 =	simm.s32 @p2 $0x1  }
0x17: {  	s4 =	simm.s32 $0x1BF5;
	[smem:$0x3FB9] =	sst s0  }
0x18: {  	s0 =	sld [smem:$0x3F9C];
	_ =	swait.ge [sflag:s4], $0x0  }
0x19: {  	s7 =	sld [smem:$0x3F9D]  }
0x1a: {  	s8 =	sadd.s32 $0xFFFFE003, lr  }
0x1b: {  	s9 =	sadd.s32 $0xFFFFFEF7, lr;
	s5 =	simm.s32 $0xFFFFFFFF;
	p2 =	slt.u32 s8, $0xFFFFF086  }
0x1c: {  	p1 =	slt.u32 s9, $0xF7A;
	s5 =	simm.s32 @!p2 $0x0  }
0x1d: {  	s5 =	simm.s32 @p1 $0x1;
	p0 =	seq.s32 s7, s2  }
0x1e: {  	s7 =	smul.u32 @!p0 $0xF7A, s2;
	p2 =	seq.s32 @!p0 s5, $0x0  }
0x1f: {  	s9 =	smul.u32 $0xF7A, s1;
	s8 =	simm.s32 @!p0 $0x1BF5;
	p2 =	por !p2, p0  }
0x20: {  	[sflag:s8] =	ssyncset.s32 @!p0 $0xFFFFF086;
	s6 =	sadd.s32 @!p0 s3, s7;
	s7 =	simm.s32 @!p0 $0x108  }
0x21: {  	s3 =	sadd.s32 s3, s9;
	s6 =	sadd.s32 @!p0 $0x88, s6;
	s7 =	simm.s32 @p2 $0x1082  }
0x22: {  	[simem:s7], [sflag:s8] =	dma.local @!p0 [hbm:s6], $0xF7A  }
0x23: {  	s9 =	sor.u32 $0xD0000000, s2;
	s6 =	simm.s32 $0x108;
	_ =	swait.ge @!p0 [sflag:s8], $0x0  }
0x24: {  	s3 =	sadd.s32 $0x88, s3;
	s6 =	simm.s32 @!p1 $0x1082;
	[sflag:s4] =	ssyncset.s32 $0xFFFFF086  }
0x25: {  	[simem:s6], [sflag:s4] =	dma.local [hbm:s3], $0xF7A  }
0x26: {  	[smem:$0x3F9D] =	sst s1;
	(tag) =	ssettag s2;
	_ =	strace s9  }
0x27: {  	s1 =	sld [smem:$0x3FAD]  }
0x28: {  	s2 =	sld [smem:$0x3FAE]  }
0x29: {  	s4 =	sld [smem:$0x3FB0]  }
0x2a: {  	p0 =	seq.s32 s5, $0x0;
	s5 =	sld [smem:$0x3FB1]  }
0x2b: {  	s6 =	sld [smem:$0x3FB2]  }
0x2c: {  	s7 =	sld [smem:$0x3FB3]  }
0x2d: {  	s3 =	simm.s32 $0x108;
	s8 =	sld [smem:$0x3FB4]  }
0x2e: {  	s3 =	simm.s32 @!p0 $0x1082;
	s9 =	sld [smem:$0x3FB5]  }
0x2f: {  	lr =	sadd.s32 s0, s3;
	s0 =	sld [smem:$0x3FAC]  }
0x30: {  	s3 =	sld [smem:$0x3FAF]  }
0x31: {  	[smem:$0x3FB8] =	sst s10  }
0x32: {  	s10 =	sld [smem:$0x3FB6];
	_ =	sdelay $0x3  }
0x33: {  	p0 =	seq.s32 s10, $0x1;
	s10 =	sld [smem:$0x3FB8];
	_ =	sdelay $0x3  }
0x34: {  	[smem:$0x3FB8] =	sst s10  }
0x35: {  	s10 =	sld [smem:$0x3FB7];
	_ =	sdelay $0x3  }
0x36: {  	p1 =	seq.s32 s10, $0x1;
	s10 =	sld [smem:$0x3FB8];
	_ =	sdelay $0x3  }
0x37: {  	[smem:$0x3FB8] =	sst s10  }
0x38: {  	s10 =	sld [smem:$0x3FB9]  }
0x39: {  	_ = 	snop;
	(pc) =	sbr.ind lr, $3  }
0x3a: {  	_ = 	snop  }
0x3b: {  	_ = 	snop  }
0x3c: {  	p2 =	seq.s32 s10, $0x1;
	s10 =	sld [smem:$0x3FB8]  }
0x3d: {  	_ =	shalt  }
0x3e: {  	_ =	shalt  }
0x3f: {  	_ =	shalt  }
0x40: {  	_ =	shalt  }
0x41: {  	_ =	shalt  }
0x42: {  	_ =	shalt  }
0x43: {  	_ =	shalt  }
0x44: {  	_ =	shalt  }
0x45: {  	_ =	shalt  }
0x46: {  	_ =	shalt  }
0x47: {  	_ =	shalt  }
0x48: {  	_ =	shalt  }
0x49: {  	_ =	shalt  }
0x4a: {  	_ =	shalt  }
0x4b: {  	_ =	shalt  }
0x4c: {  	_ =	shalt  }
0x4d: {  	_ =	shalt  }
0x4e: {  	_ =	shalt  }
0x4f: {  	_ =	shalt  }
0x50: {  	_ =	shalt  }
0x51: {  	_ =	shalt  }
0x52: {  	_ =	shalt  }
0x53: {  	_ =	shalt  }
0x54: {  	_ =	shalt  }
0x55: {  	_ =	shalt  }
0x56: {  	_ =	shalt  }
0x57: {  	_ =	shalt  }
0x58: {  	_ =	shalt  }
0x59: {  	_ =	shalt  }
0x5a: {  	_ =	shalt  }
0x5b: {  	_ =	shalt  }
0x5c: {  	_ =	shalt  }
0x5d: {  	_ =	shalt  }
0x5e: {  	_ =	shalt  }
0x5f: {  	_ =	shalt  }
0x60: {  	_ =	shalt  }
0x61: {  	_ =	shalt  }
0x62: {  	_ =	shalt  }
0x63: {  	_ =	shalt  }
0x64: {  	_ =	shalt  }
0x65: {  	_ =	shalt  }
0x66: {  	_ =	shalt  }
0x67: {  	_ =	shalt  }
0x68: {  	_ =	shalt  }
0x69: {  	_ =	shalt  }
0x6a: {  	_ =	shalt  }
0x6b: {  	_ =	shalt  }
0x6c: {  	_ =	shalt  }
0x6d: {  	_ =	shalt  }
0x6e: {  	_ =	shalt  }
0x6f: {  	_ =	shalt  }
0x70: {  	_ =	shalt  }
0x71: {  	_ =	shalt  }
0x72: {  	_ =	shalt  }
0x73: {  	_ =	shalt  }
0x74: {  	_ =	shalt  }
0x75: {  	_ =	shalt  }
0x76: {  	_ =	shalt  }
0x77: {  	_ =	shalt  }
0x78: {  	_ =	shalt  }
0x79: {  	_ =	shalt  }
0x7a: {  	_ =	shalt  }
0x7b: {  	_ =	shalt  }
0x7c: {  	_ =	shalt  }
0x7d: {  	_ =	shalt  }
0x7e: {  	_ =	shalt  }
0x7f: {  	_ =	shalt  }
0x80: {  	_ =	shalt  }
0x81: {  	_ =	shalt  }
0x82: {  	_ =	shalt  }
0x83: {  	_ =	shalt  }
0x84: {  	_ =	shalt  }
0x85: {  	_ =	shalt  }
0x86: {  	_ =	shalt  }
0x87: {  	_ =	shalt  }
.Lfunc_end0:
.L_simem_size_0:
called_computation.3_lowered:
.L_overlay_start_0:
0x88: {  	s2 =	sld [smem:$0x3FD9]  }
0x89: {  	s3 =	sld [smem:$0x3FFE];
	_ =	sdelay $0x1  }
0x8a: {  	s1 =	srdreg.scid  }
0x8b: {  	s0 =	sand.u32 $0x1, s1  }
0x8c: {  	s17 =	sshll.u32 s0, $0xA;
	s2 =	sadd.s32 s3, s2  }
0x8d: {  	s2 =	sadd.s32 s2, s17  }
0x8e: {  	[smem:$0x3FC4] =	sst s2  }
0x8f: {  	_ = 	snop  }
0x90: {  	s2 =	sld [smem:$0x3FD0];
	(tm) =	ssettm $0x1  }
0x91: {  	s18 =	sld [smem:$0x3FFB];
	_ =	sdelay $0x3  }
0x92: {  	_ =	strace s18  }
0x93: {  	s3 =	sld [smem:$0x3FFC];
	_ =	sdelay $0x3  }
0x94: {  	_ =	strace s3  }
0x95: {  	s3 =	sld [smem:$0x3FFD];
	_ =	sdelay $0x3  }
0x96: {  	_ =	strace s3  }
0x97: {  	_ =	strace $0x8FFFFFFF  }
0x98: {  	s19 =	sld [smem:$0x3FDB];
	_ =	sdelay $0x1  }
0x99: {  	s4 =	simm.s32 $_scs_section_size  }
0x9a: {  	s5 =	simm.s32 $_size__tile_overlayer_lowered;
	s6 =	simm.s32 $_tile_overlayer_lowered  }
0x9b: {  	s22 =	simm.s32 $0x1BFF;
	s21 =	sshll.u32 s6, $0x1;
	s3 =	sadd.s32 s4, s19  }
0x9c: {  	s7 =	simm.s32 $0x0;
	s20 =	sshll.u32 s5, $0x1;
	s5 =	sadd.s32 s21, s3  }
0x9d: {  	[timem:s7], [sflag:s22] =	dma.local [hbm:s5], s20  }
0x9e: {  	_ =	swait.ge [sflag:s22], s20  }
0x9f: {  	s4 =	ssub.s32 $0x0, s20;
	[sflag:s22] =	ssyncset.done $0x0  }
0xa0: {  	[sflag:s22] =	ssyncadd.s32 s4;
	_ =	sdelay $0x1  }
0xa1: {  	s23 =	simm.s32 $0x1B8B  }
0xa2: {  	_ =	swait.ge [sflag:s23], $0x1  }
0xa3: {  	[sflag:s23] =	ssyncset.done $0x0  }
0xa4: {  	s25 =	simm.s32 $0x1B8E;
	s24 =	sld [smem:$0x3FFE];
	[sflag:s23] =	ssyncadd.s32 $0xFFFFFFFF  }
0xa5: {  	s26 =	simm.s32 $execute0_lowered;
	[smem:$0x3FD2] =	sst s25  }
0xa6: {  	s5 =	sshll.u32 s26, $0x1;
	_ =	strace $0x8000004F;
	[dreg:$0x1] =	wrdreg $0xFFFFFFFF  }
0xa7: {  	s28 =	simm.s32 $_size_execute0_lowered;
	s3 =	sadd.s32 s3, s5;
	[dreg:$0x0] =	wrdreg $0x0  }
0xa8: {  	s5 =	sshll.u32 s28, $0x1;
	[dreg:$0x2] =	wrdreg s3  }
0xa9: {  	[dreg:$0x3] =	wrdreg s5  }
0xaa: {  	[dreg:$0x4] =	wrdreg $0xC0  }
0xab: {  	_ =	task [dreg:s7], $0x5FFFF  }
0xac: {  	[dreg:$0x1] =	wrdreg $0xFFFFFFFF  }
0xad: {  	[dreg:$0x0] =	wrdreg $0x60  }
0xae: {  	[dreg:$0x2] =	wrdreg s2  }
0xaf: {  	[dreg:$0x3] =	wrdreg s24  }
0xb0: {  	[dreg:$0x4] =	wrdreg $0xA8000  }
0xb1: {  	[dreg:$0x5] =	wrdreg $0x9  }
0xb2: {  	_ =	task.clear_ibuf [dreg:s7], $0x6FFFF;
	_ =	strace $0x9000004F  }
0xb3: {  	s29 =	simm.s32 $0x9;
	_ =	strace $0x80000051  }
0xb4: {  	_ =	swait.ge [sflag:s29], $0x1  }
0xb5: {  	[sflag:s29] =	ssyncadd.s32 $0xFFFFFFFF  }
0xb6: {  	_ =	strace $0x90000051  }
0xb7: {  	_ =	sfence  }
0xb8: {  	s30 =	sld [smem:$0x0];
	_ =	sdelay $0x2  }
0xb9: {  	s31 =	sshll.u32 s1, $0xD;
	s1 =	sshrl.u32 s1, $0x2  }
0xba: {  	s3 =	sand.u32 $0x4000, s31;
	s1 =	sadd.s32 s1, s30  }
0xbb: {  	s0 =	sor.u32 s3, s0;
	s1 =	sshll.u32 s1, $0x11  }
0xbc: {  	s0 =	sor.u32 s1, s0  }
0xbd: {  	s0 =	sadd.s32 $0x8F2B, s0  }
0xbe: {  	[sflag:s0] =	ssyncadd.remote.s32 $0x1  }
0xbf: {  	_ =	sfence.sel $0xFFFF  }
0xc0: {  	[dreg:$0x0] =	wrdreg $0xFFFFFFFF;
	(pc) =	sbr.abs _section_cstart, $3  }
0xc1: {  	[dreg:$0x1] =	wrdreg $0xFFFFFFFF  }
0xc2: {  	_ =	task.clear_ibuf [dreg:s7], $0x2FFFF;
	_ =	strace $0x9FFFFFFF  }
0xc3: {  	(tm) =	ssettm $0x7FFFFFFF  }
tec
execute0_lowered:
.L_overlay_start_1:
0x0: {  	(tag) =	ssettag $0x1  }
0x1: {  	s2 =	rddreg [dreg:$0x0]  }
0x2: {  	s5 =	rddreg [dreg:$0x1]  }
0x3: {  	s3 =	rddreg [dreg:$0x2]  }
0x4: {  	s0 =	rddreg [dreg:$0x3]  }
0x5: {  	s1 =	stileid.u32;
	s4 =	simm.s32 $0x0;
	s7 =	srdreg.scid  }
0x6: {  	s17 =	simm.s32 $0x2800;
	s18 =	simm.s32 $0x6800;
	s19 =	simm.s32 $0x1  }
0x7: {  	s20 =	simm.s32 $0x2;
	s21 =	simm.s32 $0x1380;
	s22 =	simm.s32 $0x2700  }
0x8: {  	s23 =	simm.s32 $0x2780;
	s24 =	simm.s32 $0x0;
	s6 =	smul.u32 $0x14000, s1  }
0x9: {  	[smem:$0x7FF] =	sst s4;
	s7 =	sand.u32 $0x1, s7;
	s10 =	sadd.s32 $0xDA00, s5  }
0xa: {  	s11 =	sadd.s32 $0x3A00, s5;
	s26 =	smul.u32 $0x50000, s1;
	s28 =	sshll.u32 s1, $0x6  }
0xb: {  	_ =	strace $0x80000050;
	s9 =	smul.u32 $0x140000, s7;
	s12 =	sshll.u32 s7, $0x4  }
0xc: {  	s7 =	ssub.s32 $0x2, s7;
	s8 =	sshrl.u32 s6, $0x3;
	s12 =	sor.u32 s1, s12  }
0xd: {  	s13 =	sshrl.u32 s7, $0x1;
	s8 =	sadd.s32 s8, s5;
	s6 =	sadd.s32 s6, s9  }
0xe: {  	s9 =	sshrl.u32 s26, $0x2;
	s14 =	smul.u32 $0x2800, s12;
	s13 =	ssub.s32 s7, s13  }
0xf: {  	s29 =	smul.u32 $0x500, s12;
	s6 =	sshrl.u32 s6, $0x3;
	s16 =	sadd.s32 s9, s3  }
0x10: {  	s12 =	smax.u32 s13, $0x1;
	s15 =	sadd.s32 s6, s5;
	s30 =	sshrl.u32 s14, $0x3  }
0x11: {  	s5 =	sadd.s32 $0x67A00, s8;
	s6 =	sor.u32 $0x1C03, s28;
	s7 =	sadd.s32 s10, s29  }
0x12: {  	s8 =	sadd.s32 s11, s29;
	s13 =	sshrl.u32 s16, $0x3;
	s31 =	sadd.s32 $0x280, s30  }
0x13: {  	s14 =	simm.s32 $0x3;
	s16 =	simm.s32 $0x7D;
	s9 =	sadd.s32 s10, s31  }
0x14: {  	s10 =	sadd.s32 s11, s31;
	s11 =	sadd.s32 $0x8FA00, s15;
	s15 =	simm.s32 $0x1400  }
.LBB2_1:
0x15: {  	[spmem:s13], [sflag:s6] =	dma.local [hbm:s5], $0x2800  }
0x16: {  	_ =	swait.ge [sflag:s14], $0x2800  }
0x17: {  	[sflag:s14] =	ssyncset.done $0x0  }
0x18: {  	[sflag:s14] =	ssyncadd.s32 $0xFFFFD800  }
0x19: {  	[tilespmem:s4], [sflag:$0x3] =	stream.linear.gather [hbm4b:s7+s4], $0x1400, $0x38;
	[tilespmem:$0x1E800] =	vst v63  }
0x1a: {  	_ =	swait.ge [sflag:s14], $0x1400  }
0x1b: {  	[sflag:s14] =	ssyncset.done $0x0  }
0x1c: {  	[sflag:s14] =	ssyncadd.s32 $0xFFFFEC00  }
0x1d: {  	[tilespmem:s15], [sflag:$0x3] =	stream.linear.gather [hbm4b:s8+s4], $0x1400, $0x38;
	[tilespmem:$0x1E800] =	vst v63  }
0x1e: {  	_ =	swait.ge [sflag:s14], $0x1400  }
0x1f: {  	[sflag:s14] =	ssyncset.done $0x0  }
0x20: {  	[sflag:s14] =	ssyncadd.s32 $0xFFFFEC00  }
0x21: {  	[bflag:$0x0] =	sbarrier.arrive $0xFFFF  }
0x22: {  	[tilespmem:s17], [sflag:$0x1] =	stream.indirect.gather [hbm4b:s2+s16], $0x80, s4, s16, $0xb8;
	[tilespmem:$0x1E800] =	vst v63  }
0x23: {  	s25 =	simm.s32 $0x80  }
0x24: {  	[tilespmem:s18], [sflag:$0x2] =	stream.indirect.gather [hbm4b:s2+s16], $0x80, s25, s16, $0xb8;
	[tilespmem:$0x1E800] =	vst v63  }
0x25: {  	_ =	swait.ge [sflag:s19], $0x3E80  }
0x26: {  	[sflag:s19] =	ssyncset.done $0x0  }
0x27: {  	s29 =	simm.s32 $0x1400;
	[sflag:s19] =	ssyncadd.s32 $0xFFFFC180  }
0x28: {  	[spmem:s3] =	stream.indirect.scatter.add.f32 [tilespmem:s17], [sflag:$0x3], $0x80, s29, s16, $0xb8;
	[tilespmem:$0x1E800] =	vst v63  }
0x29: {  	_ =	swait.ge [sflag:s14], $0x3E80  }
0x2a: {  	[sflag:s14] =	ssyncset.done $0x0  }
0x2b: {  	s30 =	simm.s32 $0x100;
	[sflag:s14] =	ssyncadd.s32 $0xFFFFC180  }
0x2c: {  	[tilespmem:s17], [sflag:$0x1] =	stream.indirect.gather [hbm4b:s2+s16], $0x80, s30, s16, $0xb8;
	[tilespmem:$0x1E800] =	vst v63  }
0x2d: {  	_ =	swait.ge [sflag:s20], $0x3E80  }
0x2e: {  	[sflag:s20] =	ssyncset.done $0x0  }
0x2f: {  	s31 =	simm.s32 $0x1480;
	[sflag:s20] =	ssyncadd.s32 $0xFFFFC180  }
0x30: {  	[spmem:s3] =	stream.indirect.scatter.add.f32 [tilespmem:s18], [sflag:$0x3], $0x80, s31, s16, $0xb8;
	[tilespmem:$0x1E800] =	vst v63  }
0x31: {  	_ =	swait.ge [sflag:s14], $0x3E80  }
0x32: {  	s26 =	simm.s32 $0x800;
	s25 =	simm.s32 $0x100;
	[sflag:s14] =	ssyncset.done $0x0  }
.LBB2_2:
0x33: {  	s28 =	sadd.s32 $0x80, s25  }
0x34: {  	[sflag:s14] =	ssyncadd.s32 $0xFFFFC180;
	s29 =	smov.u32 s26;
	s30 =	sadd.s32 $0x400, s26  }
0x35: {  	[tilespmem:s18], [sflag:$0x2] =	stream.indirect.gather [hbm4b:s2+s16], $0x80, s28, s16, $0xb8;
	[tilespmem:$0x1E800] =	vst v63  }
0x36: {  	p0 =	sne.s32 s26, $0x4800;
	_ =	swait.ge [sflag:s19], $0x3E80  }
0x37: {  	[sflag:s19] =	ssyncset.done $0x0  }
0x38: {  	s26 =	sadd.s32 $0x1400, s25;
	[sflag:s19] =	ssyncadd.s32 $0xFFFFC180  }
0x39: {  	[spmem:s3] =	stream.indirect.scatter.add.f32 [tilespmem:s17], [sflag:$0x3], $0x80, s26, s16, $0xb8;
	[tilespmem:$0x1E800] =	vst v63  }
0x3a: {  	_ =	swait.ge [sflag:s14], $0x3E80  }
0x3b: {  	[sflag:s14] =	ssyncset.done $0x0  }
0x3c: {  	s26 =	sadd.s32 $0x100, s25;
	[sflag:s14] =	ssyncadd.s32 $0xFFFFC180  }
0x3d: {  	[tilespmem:s17], [sflag:$0x1] =	stream.indirect.gather [hbm4b:s2+s16], $0x80, s26, s16, $0xb8;
	[tilespmem:$0x1E800] =	vst v63  }
0x3e: {  	_ =	swait.ge [sflag:s20], $0x3E80  }
.Ltmp0:
0x3f: {  	[sflag:s20] =	ssyncset.done $0x0;
	(pc) =	sbr.rel @p0 .LBB2_2-.Ltmp0, $4  }
0x40: {  	s25 =	sadd.s32 $0x1480, s25;
	[sflag:s20] =	ssyncadd.s32 $0xFFFFC180  }
0x41: {  	[spmem:s3] =	stream.indirect.scatter.add.f32 [tilespmem:s18], [sflag:$0x3], $0x80, s25, s16, $0xb8;
	[tilespmem:$0x1E800] =	vst v63  }
0x42: {  	_ =	swait.ge [sflag:s14], $0x3E80  }
0x43: {  	s26 =	smov.u32 s30;
	s25 =	sshra.s32 s29, $0x2;
	[sflag:s14] =	ssyncset.done $0x0  }
0x44: {  	s26 =	sadd.s32 $0x80, s25;
	[sflag:s14] =	ssyncadd.s32 $0xFFFFC180  }
0x45: {  	[tilespmem:s18], [sflag:$0x2] =	stream.indirect.gather [hbm4b:s2+s16], $0x80, s26, s16, $0xb8;
	[tilespmem:$0x1E800] =	vst v63  }
0x46: {  	_ =	swait.ge [sflag:s19], $0x3E80  }
0x47: {  	[sflag:s19] =	ssyncset.done $0x0  }
0x48: {  	s29 =	sadd.s32 $0x1400, s25;
	[sflag:s19] =	ssyncadd.s32 $0xFFFFC180  }
0x49: {  	[spmem:s3] =	stream.indirect.scatter.add.f32 [tilespmem:s17], [sflag:$0x3], $0x80, s29, s16, $0xb8;
	[tilespmem:$0x1E800] =	vst v63  }
0x4a: {  	_ =	swait.ge [sflag:s14], $0x3E80  }
0x4b: {  	[sflag:s14] =	ssyncset.done $0x0  }
0x4c: {  	s30 =	sadd.s32 $0x100, s25;
	[sflag:s14] =	ssyncadd.s32 $0xFFFFC180  }
0x4d: {  	[tilespmem:s17], [sflag:$0x1] =	stream.indirect.gather [hbm4b:s2+s16], $0x80, s30, s16, $0xb8;
	[tilespmem:$0x1E800] =	vst v63  }
0x4e: {  	_ =	swait.ge [sflag:s20], $0x3E80  }
0x4f: {  	[sflag:s20] =	ssyncset.done $0x0  }
0x50: {  	s31 =	sadd.s32 $0x1480, s25;
	[sflag:s20] =	ssyncadd.s32 $0xFFFFC180  }
0x51: {  	[spmem:s3] =	stream.indirect.scatter.add.f32 [tilespmem:s18], [sflag:$0x3], $0x80, s31, s16, $0xb8;
	[tilespmem:$0x1E800] =	vst v63  }
0x52: {  	_ =	swait.ge [sflag:s14], $0x3E80  }
0x53: {  	[sflag:s14] =	ssyncset.done $0x0  }
0x54: {  	[sflag:s14] =	ssyncadd.s32 $0xFFFFC180  }
0x55: {  	[tilespmem:s18], [sflag:$0x2] =	stream.indirect.gather [hbm4b:s2+s16], $0x80, s21, s16, $0xb8;
	[tilespmem:$0x1E800] =	vst v63  }
0x56: {  	_ =	swait.ge [sflag:s19], $0x3E80  }
0x57: {  	[sflag:s19] =	ssyncset.done $0x0  }
0x58: {  	[sflag:s19] =	ssyncadd.s32 $0xFFFFC180  }
0x59: {  	[spmem:s3] =	stream.indirect.scatter.add.f32 [tilespmem:s17], [sflag:$0x3], $0x80, s22, s16, $0xb8;
	[tilespmem:$0x1E800] =	vst v63  }
0x5a: {  	_ =	swait.ge [sflag:s14], $0x3E80  }
0x5b: {  	[sflag:s14] =	ssyncset.done $0x0  }
0x5c: {  	[sflag:s14] =	ssyncadd.s32 $0xFFFFC180  }
0x5d: {  	[tilespmem:s17], [sflag:$0x1] =	stream.indirect.gather [hbm4b:s2+s16], $0x80, s21, s16, $0xb8;
	[tilespmem:$0x1E800] =	vst v63  }
0x5e: {  	_ =	swait.ge [sflag:s20], $0x3E80  }
0x5f: {  	[sflag:s20] =	ssyncset.done $0x0  }
0x60: {  	[sflag:s20] =	ssyncadd.s32 $0xFFFFC180  }
0x61: {  	[spmem:s3] =	stream.indirect.scatter.add.f32 [tilespmem:s18], [sflag:$0x3], $0x80, s23, s16, $0xb8;
	[tilespmem:$0x1E800] =	vst v63  }
0x62: {  	_ =	swait.ge [sflag:s14], $0x3E80  }
0x63: {  	[sflag:s14] =	ssyncset.done $0x0  }
0x64: {  	[sflag:s14] =	ssyncadd.s32 $0xFFFFC180  }
0x65: {  	_ =	swait.ge [sflag:s19], $0x3E80  }
0x66: {  	[sflag:s19] =	ssyncset.done $0x0  }
0x67: {  	s26 =	simm.s32 $0x0;
	[sflag:s19] =	ssyncadd.s32 $0xFFFFC180  }
0x68: {  	[tilespmem:s26], [sflag:$0x3] =	stream.linear.gather [hbm4b:s9+s26], $0x1400, $0x38;
	[tilespmem:$0x1E800] =	vst v63  }
0x69: {  	_ =	swait.ge [sflag:s14], $0x1400  }
0x6a: {  	[sflag:s14] =	ssyncset.done $0x0  }
0x6b: {  	[sflag:s14] =	ssyncadd.s32 $0xFFFFEC00  }
0x6c: {  	[tilespmem:s15], [sflag:$0x3] =	stream.linear.gather [hbm4b:s10+s26], $0x1400, $0x38;
	[tilespmem:$0x1E800] =	vst v63  }
0x6d: {  	_ =	swait.ge [sflag:s14], $0x1400  }
0x6e: {  	[sflag:s14] =	ssyncset.done $0x0  }
0x6f: {  	[sflag:s14] =	ssyncadd.s32 $0xFFFFEC00  }
0x70: {  	[tilespmem:s17], [sflag:$0x1] =	stream.indirect.gather [hbm4b:s2+s16], $0x80, s26, s16, $0xb8;
	[tilespmem:$0x1E800] =	vst v63  }
0x71: {  	s28 =	simm.s32 $0x80  }
0x72: {  	[tilespmem:s18], [sflag:$0x2] =	stream.indirect.gather [hbm4b:s2+s16], $0x80, s28, s16, $0xb8;
	[tilespmem:$0x1E800] =	vst v63  }
0x73: {  	_ =	swait.ge [sflag:s19], $0x3E80  }
0x74: {  	[sflag:s19] =	ssyncset.done $0x0  }
0x75: {  	s29 =	simm.s32 $0x1400;
	[sflag:s19] =	ssyncadd.s32 $0xFFFFC180  }
0x76: {  	[spmem:s3] =	stream.indirect.scatter.add.f32 [tilespmem:s17], [sflag:$0x3], $0x80, s29, s16, $0xb8;
	[tilespmem:$0x1E800] =	vst v63  }
0x77: {  	_ =	swait.ge [sflag:s14], $0x3E80  }
0x78: {  	[sflag:s14] =	ssyncset.done $0x0  }
0x79: {  	s30 =	simm.s32 $0x100;
	[sflag:s14] =	ssyncadd.s32 $0xFFFFC180  }
0x7a: {  	[tilespmem:s17], [sflag:$0x1] =	stream.indirect.gather [hbm4b:s2+s16], $0x80, s30, s16, $0xb8;
	[tilespmem:$0x1E800] =	vst v63  }
0x7b: {  	_ =	swait.ge [sflag:s20], $0x3E80  }
0x7c: {  	[sflag:s20] =	ssyncset.done $0x0  }
0x7d: {  	s31 =	simm.s32 $0x1480;
	[sflag:s20] =	ssyncadd.s32 $0xFFFFC180  }
0x7e: {  	[spmem:s3] =	stream.indirect.scatter.add.f32 [tilespmem:s18], [sflag:$0x3], $0x80, s31, s16, $0xb8;
	[tilespmem:$0x1E800] =	vst v63  }
0x7f: {  	_ =	swait.ge [sflag:s14], $0x3E80  }
0x80: {  	s25 =	simm.s32 $0x100;
	s26 =	simm.s32 $0x800;
	[sflag:s14] =	ssyncset.done $0x0  }
.LBB2_4:
0x81: {  	s28 =	sadd.s32 $0x80, s25  }
0x82: {  	[sflag:s14] =	ssyncadd.s32 $0xFFFFC180;
	s29 =	smov.u32 s26;
	s30 =	sadd.s32 $0x400, s26  }
0x83: {  	[tilespmem:s18], [sflag:$0x2] =	stream.indirect.gather [hbm4b:s2+s16], $0x80, s28, s16, $0xb8;
	[tilespmem:$0x1E800] =	vst v63  }
0x84: {  	p0 =	sne.s32 s26, $0x4800;
	_ =	swait.ge [sflag:s19], $0x3E80  }
0x85: {  	[sflag:s19] =	ssyncset.done $0x0  }
0x86: {  	s26 =	sadd.s32 $0x1400, s25;
	[sflag:s19] =	ssyncadd.s32 $0xFFFFC180  }
0x87: {  	[spmem:s3] =	stream.indirect.scatter.add.f32 [tilespmem:s17], [sflag:$0x3], $0x80, s26, s16, $0xb8;
	[tilespmem:$0x1E800] =	vst v63  }
0x88: {  	_ =	swait.ge [sflag:s14], $0x3E80  }
0x89: {  	[sflag:s14] =	ssyncset.done $0x0  }
0x8a: {  	s26 =	sadd.s32 $0x100, s25;
	[sflag:s14] =	ssyncadd.s32 $0xFFFFC180  }
0x8b: {  	[tilespmem:s17], [sflag:$0x1] =	stream.indirect.gather [hbm4b:s2+s16], $0x80, s26, s16, $0xb8;
	[tilespmem:$0x1E800] =	vst v63  }
0x8c: {  	_ =	swait.ge [sflag:s20], $0x3E80  }
.Ltmp1:
0x8d: {  	[sflag:s20] =	ssyncset.done $0x0;
	(pc) =	sbr.rel @p0 .LBB2_4-.Ltmp1, $4  }
0x8e: {  	s25 =	sadd.s32 $0x1480, s25;
	[sflag:s20] =	ssyncadd.s32 $0xFFFFC180  }
0x8f: {  	[spmem:s3] =	stream.indirect.scatter.add.f32 [tilespmem:s18], [sflag:$0x3], $0x80, s25, s16, $0xb8;
	[tilespmem:$0x1E800] =	vst v63  }
0x90: {  	_ =	swait.ge [sflag:s14], $0x3E80  }
0x91: {  	s26 =	smov.u32 s30;
	s25 =	sshra.s32 s29, $0x2;
	[sflag:s14] =	ssyncset.done $0x0  }
0x92: {  	s26 =	sadd.s32 $0x80, s25;
	[sflag:s14] =	ssyncadd.s32 $0xFFFFC180  }
0x93: {  	[tilespmem:s18], [sflag:$0x2] =	stream.indirect.gather [hbm4b:s2+s16], $0x80, s26, s16, $0xb8;
	[tilespmem:$0x1E800] =	vst v63  }
0x94: {  	_ =	swait.ge [sflag:s19], $0x3E80  }
0x95: {  	[sflag:s19] =	ssyncset.done $0x0  }
0x96: {  	s29 =	sadd.s32 $0x1400, s25;
	[sflag:s19] =	ssyncadd.s32 $0xFFFFC180  }
0x97: {  	[spmem:s3] =	stream.indirect.scatter.add.f32 [tilespmem:s17], [sflag:$0x3], $0x80, s29, s16, $0xb8;
	[tilespmem:$0x1E800] =	vst v63  }
0x98: {  	_ =	swait.ge [sflag:s14], $0x3E80  }
0x99: {  	[sflag:s14] =	ssyncset.done $0x0  }
0x9a: {  	s30 =	sadd.s32 $0x100, s25;
	[sflag:s14] =	ssyncadd.s32 $0xFFFFC180  }
0x9b: {  	[tilespmem:s17], [sflag:$0x1] =	stream.indirect.gather [hbm4b:s2+s16], $0x80, s30, s16, $0xb8;
	[tilespmem:$0x1E800] =	vst v63  }
0x9c: {  	_ =	swait.ge [sflag:s20], $0x3E80  }
0x9d: {  	[sflag:s20] =	ssyncset.done $0x0  }
0x9e: {  	s31 =	sadd.s32 $0x1480, s25;
	[sflag:s20] =	ssyncadd.s32 $0xFFFFC180  }
0x9f: {  	[spmem:s3] =	stream.indirect.scatter.add.f32 [tilespmem:s18], [sflag:$0x3], $0x80, s31, s16, $0xb8;
	[tilespmem:$0x1E800] =	vst v63  }
0xa0: {  	_ =	swait.ge [sflag:s14], $0x3E80  }
0xa1: {  	[sflag:s14] =	ssyncset.done $0x0  }
0xa2: {  	[sflag:s14] =	ssyncadd.s32 $0xFFFFC180  }
0xa3: {  	[tilespmem:s18], [sflag:$0x2] =	stream.indirect.gather [hbm4b:s2+s16], $0x80, s21, s16, $0xb8;
	[tilespmem:$0x1E800] =	vst v63  }
0xa4: {  	_ =	swait.ge [sflag:s19], $0x3E80  }
0xa5: {  	[sflag:s19] =	ssyncset.done $0x0  }
0xa6: {  	[sflag:s19] =	ssyncadd.s32 $0xFFFFC180  }
0xa7: {  	[spmem:s3] =	stream.indirect.scatter.add.f32 [tilespmem:s17], [sflag:$0x3], $0x80, s22, s16, $0xb8;
	[tilespmem:$0x1E800] =	vst v63  }
0xa8: {  	_ =	swait.ge [sflag:s14], $0x3E80  }
0xa9: {  	[sflag:s14] =	ssyncset.done $0x0  }
0xaa: {  	[sflag:s14] =	ssyncadd.s32 $0xFFFFC180  }
0xab: {  	[tilespmem:s17], [sflag:$0x1] =	stream.indirect.gather [hbm4b:s2+s16], $0x80, s21, s16, $0xb8;
	[tilespmem:$0x1E800] =	vst v63  }
0xac: {  	_ =	swait.ge [sflag:s20], $0x3E80  }
0xad: {  	[sflag:s20] =	ssyncset.done $0x0  }
0xae: {  	[sflag:s20] =	ssyncadd.s32 $0xFFFFC180  }
0xaf: {  	[spmem:s3] =	stream.indirect.scatter.add.f32 [tilespmem:s18], [sflag:$0x3], $0x80, s23, s16, $0xb8;
	[tilespmem:$0x1E800] =	vst v63  }
0xb0: {  	_ =	swait.ge [sflag:s14], $0x3E80  }
0xb1: {  	[sflag:s14] =	ssyncset.done $0x0  }
0xb2: {  	[sflag:s14] =	ssyncadd.s32 $0xFFFFC180  }
0xb3: {  	_ =	swait.ge [sflag:s19], $0x3E80  }
0xb4: {  	s24 =	sadd.s32 $0x1, s24;
	[sflag:s19] =	ssyncset.done $0x0  }
0xb5: {  	p0 =	sne.s32 s24, s12;
	[sflag:s19] =	ssyncadd.s32 $0xFFFFC180  }
.Ltmp2:
0xb6: {  	[bflag:$0x0] =	sbarrier.arrive $0xFFFF;
	(pc) =	sbr.rel @p0 .LBB2_1-.Ltmp2, $4  }
0xb7: {  	[hbm:s11], [sflag:s6] =	dma.local [spmem:s13], $0x2800  }
0xb8: {  	_ =	swait.ge [sflag:s14], $0x2800  }
0xb9: {  	[sflag:s14] =	ssyncset.done $0x0  }
0xba: {  	[sflag:s14] =	ssyncadd.s32 $0xFFFFD800  }
0xbb: {  	_ =	sfence.sel $0x180000  }
0xbc: {  	[bflag:$0x0] =	sbarrier.arrive $0xFFFF  }
0xbd: {  	p0 =	sne.s32 s1, $0x0;
	_ =	strace $0x90000050  }
0xbe: {  	s0 =	sadd.s32 @!p0 $0x100000, s0;
	[bflag:$0x2] =	sbarrier.arrive $0xFFFF  }
0xbf: {  	[sflag:s0] =	ssyncadd.tile.s32 @!p0 $0x1;
	_ =	shalt  }
.Lfunc_end2:
_tile_overlayer_lowered:
.L_overlay_start_2:
0xc0: {  	(tag) =	ssettag $0x2  }
0xc1: {  	s0 =	rddreg [dreg:$0x0];
	s2 =	stileid.u32  }
0xc2: {  	s1 =	rddreg [dreg:$0x1];
	p0 =	sne.s32 s2, $0x0  }
0xc3: {  	s3 =	rddreg [dreg:$0x2];
	[bflag:$0x3] =	sbarrier.arrive $0xFFFF;
	s2 =	simm.s32 @!p0 $0x1C03  }
0xc4: {  	[timem:s3], [sflag:s2] =	dma.local @!p0 [hbm:s0], s1  }
0xc5: {  	s0 =	simm.s32 @!p0 $0x3  }
0xc6: {  	_ =	swait.ge @!p0 [sflag:s0], s1  }
0xc7: {  	s1 =	ssub.s32 @!p0 $0x0, s1;
	[sflag:s0] =	ssyncset.done @!p0 $0x0  }
0xc8: {  	[sflag:s0] =	ssyncadd.s32 @!p0 s1  }
0xc9: {  	[bflag:$0x3] =	sbarrier.arrive $0xFFFF  }
0xca: {  	_ =	shalt  }

// kernel: kernel.26.cloned.1.call-start
scs
__scs_entry_jumppad:
0x0: {  	(pc) =	sbr.rel $0x88, $3  }
0x1: {  	(tag) =	ssettag $0x0;
	lr =	simm.s32 $0x1  }
0x2: {  	[smem:$0x3F9D] =	sst lr;
	_ =	strace $0xD0000000  }
0x3: {  	_ = 	snop  }
0x4: {  	_ = 	snop  }
0x5: {  	_ = 	snop  }
0x6: {  	_ = 	snop  }
0x7: {  	_ = 	snop  }
__scs_overlays_trampoline_lowered:
0x8: {  	[smem:$0x3FAC] =	sst s0  }
0x9: {  	[smem:$0x3FAD] =	sst s1  }
0xa: {  	[smem:$0x3FAE] =	sst s2  }
0xb: {  	[smem:$0x3FAF] =	sst s3  }
0xc: {  	[smem:$0x3FB0] =	sst s4  }
0xd: {  	[smem:$0x3FB1] =	sst s5  }
0xe: {  	[smem:$0x3FB2] =	sst s6  }
0xf: {  	[smem:$0x3FB3] =	sst s7  }
0x10: {  	[smem:$0x3FB4] =	sst s8  }
0x11: {  	[smem:$0x3FB5] =	sst s9;
	s0 =	simm.s32 @!p0 $0x0  }
0x12: {  	s1 =	sld [smem:$0x3F9B];
	s0 =	simm.s32 @p0 $0x1  }
0x13: {  	[smem:$0x3FB6] =	sst s0;
	s0 =	simm.s32 @!p1 $0x0  }
0x14: {  	s2 =	sld [smem:$0x3F9A];
	s0 =	simm.s32 @p1 $0x1  }
0x15: {  	[smem:$0x3FB7] =	sst s0;
	s0 =	simm.s32 @!p2 $0x0  }
0x16: {  	s3 =	sld [smem:$0x3FDB];
	s0 =	simm.s32 @p2 $0x1  }
0x17: {  	s4 =	simm.s32 $0x1BF5;
	[smem:$0x3FB9] =	sst s0  }
0x18: {  	s0 =	sld [smem:$0x3F9C];
	_ =	swait.ge [sflag:s4], $0x0  }
0x19: {  	s7 =	sld [smem:$0x3F9D]  }
0x1a: {  	s8 =	sadd.s32 $0xFFFFE003, lr  }
0x1b: {  	s9 =	sadd.s32 $0xFFFFFEF7, lr;
	s5 =	simm.s32 $0xFFFFFFFF;
	p2 =	slt.u32 s8, $0xFFFFF086  }
0x1c: {  	p1 =	slt.u32 s9, $0xF7A;
	s5 =	simm.s32 @!p2 $0x0  }
0x1d: {  	s5 =	simm.s32 @p1 $0x1;
	p0 =	seq.s32 s7, s2  }
0x1e: {  	s7 =	smul.u32 @!p0 $0xF7A, s2;
	p2 =	seq.s32 @!p0 s5, $0x0  }
0x1f: {  	s9 =	smul.u32 $0xF7A, s1;
	s8 =	simm.s32 @!p0 $0x1BF5;
	p2 =	por !p2, p0  }
0x20: {  	[sflag:s8] =	ssyncset.s32 @!p0 $0xFFFFF086;
	s6 =	sadd.s32 @!p0 s3, s7;
	s7 =	simm.s32 @!p0 $0x108  }
0x21: {  	s3 =	sadd.s32 s3, s9;
	s6 =	sadd.s32 @!p0 $0x88, s6;
	s7 =	simm.s32 @p2 $0x1082  }
0x22: {  	[simem:s7], [sflag:s8] =	dma.local @!p0 [hbm:s6], $0xF7A  }
0x23: {  	s9 =	sor.u32 $0xD0000000, s2;
	s6 =	simm.s32 $0x108;
	_ =	swait.ge @!p0 [sflag:s8], $0x0  }
0x24: {  	s3 =	sadd.s32 $0x88, s3;
	s6 =	simm.s32 @!p1 $0x1082;
	[sflag:s4] =	ssyncset.s32 $0xFFFFF086  }
0x25: {  	[simem:s6], [sflag:s4] =	dma.local [hbm:s3], $0xF7A  }
0x26: {  	[smem:$0x3F9D] =	sst s1;
	(tag) =	ssettag s2;
	_ =	strace s9  }
0x27: {  	s1 =	sld [smem:$0x3FAD]  }
0x28: {  	s2 =	sld [smem:$0x3FAE]  }
0x29: {  	s4 =	sld [smem:$0x3FB0]  }
0x2a: {  	p0 =	seq.s32 s5, $0x0;
	s5 =	sld [smem:$0x3FB1]  }
0x2b: {  	s6 =	sld [smem:$0x3FB2]  }
0x2c: {  	s7 =	sld [smem:$0x3FB3]  }
0x2d: {  	s3 =	simm.s32 $0x108;
	s8 =	sld [smem:$0x3FB4]  }
0x2e: {  	s3 =	simm.s32 @!p0 $0x1082;
	s9 =	sld [smem:$0x3FB5]  }
0x2f: {  	lr =	sadd.s32 s0, s3;
	s0 =	sld [smem:$0x3FAC]  }
0x30: {  	s3 =	sld [smem:$0x3FAF]  }
0x31: {  	[smem:$0x3FB8] =	sst s10  }
0x32: {  	s10 =	sld [smem:$0x3FB6];
	_ =	sdelay $0x3  }
0x33: {  	p0 =	seq.s32 s10, $0x1;
	s10 =	sld [smem:$0x3FB8];
	_ =	sdelay $0x3  }
0x34: {  	[smem:$0x3FB8] =	sst s10  }
0x35: {  	s10 =	sld [smem:$0x3FB7];
	_ =	sdelay $0x3  }
0x36: {  	p1 =	seq.s32 s10, $0x1;
	s10 =	sld [smem:$0x3FB8];
	_ =	sdelay $0x3  }
0x37: {  	[smem:$0x3FB8] =	sst s10  }
0x38: {  	s10 =	sld [smem:$0x3FB9]  }
0x39: {  	_ = 	snop;
	(pc) =	sbr.ind lr, $3  }
0x3a: {  	_ = 	snop  }
0x3b: {  	_ = 	snop  }
0x3c: {  	p2 =	seq.s32 s10, $0x1;
	s10 =	sld [smem:$0x3FB8]  }
0x3d: {  	_ =	shalt  }
0x3e: {  	_ =	shalt  }
0x3f: {  	_ =	shalt  }
0x40: {  	_ =	shalt  }
0x41: {  	_ =	shalt  }
0x42: {  	_ =	shalt  }
0x43: {  	_ =	shalt  }
0x44: {  	_ =	shalt  }
0x45: {  	_ =	shalt  }
0x46: {  	_ =	shalt  }
0x47: {  	_ =	shalt  }
0x48: {  	_ =	shalt  }
0x49: {  	_ =	shalt  }
0x4a: {  	_ =	shalt  }
0x4b: {  	_ =	shalt  }
0x4c: {  	_ =	shalt  }
0x4d: {  	_ =	shalt  }
0x4e: {  	_ =	shalt  }
0x4f: {  	_ =	shalt  }
0x50: {  	_ =	shalt  }
0x51: {  	_ =	shalt  }
0x52: {  	_ =	shalt  }
0x53: {  	_ =	shalt  }
0x54: {  	_ =	shalt  }
0x55: {  	_ =	shalt  }
0x56: {  	_ =	shalt  }
0x57: {  	_ =	shalt  }
0x58: {  	_ =	shalt  }
0x59: {  	_ =	shalt  }
0x5a: {  	_ =	shalt  }
0x5b: {  	_ =	shalt  }
0x5c: {  	_ =	shalt  }
0x5d: {  	_ =	shalt  }
0x5e: {  	_ =	shalt  }
0x5f: {  	_ =	shalt  }
0x60: {  	_ =	shalt  }
0x61: {  	_ =	shalt  }
0x62: {  	_ =	shalt  }
0x63: {  	_ =	shalt  }
0x64: {  	_ =	shalt  }
0x65: {  	_ =	shalt  }
0x66: {  	_ =	shalt  }
0x67: {  	_ =	shalt  }
0x68: {  	_ =	shalt  }
0x69: {  	_ =	shalt  }
0x6a: {  	_ =	shalt  }
0x6b: {  	_ =	shalt  }
0x6c: {  	_ =	shalt  }
0x6d: {  	_ =	shalt  }
0x6e: {  	_ =	shalt  }
0x6f: {  	_ =	shalt  }
0x70: {  	_ =	shalt  }
0x71: {  	_ =	shalt  }
0x72: {  	_ =	shalt  }
0x73: {  	_ =	shalt  }
0x74: {  	_ =	shalt  }
0x75: {  	_ =	shalt  }
0x76: {  	_ =	shalt  }
0x77: {  	_ =	shalt  }
0x78: {  	_ =	shalt  }
0x79: {  	_ =	shalt  }
0x7a: {  	_ =	shalt  }
0x7b: {  	_ =	shalt  }
0x7c: {  	_ =	shalt  }
0x7d: {  	_ =	shalt  }
0x7e: {  	_ =	shalt  }
0x7f: {  	_ =	shalt  }
0x80: {  	_ =	shalt  }
0x81: {  	_ =	shalt  }
0x82: {  	_ =	shalt  }
0x83: {  	_ =	shalt  }
0x84: {  	_ =	shalt  }
0x85: {  	_ =	shalt  }
0x86: {  	_ =	shalt  }
0x87: {  	_ =	shalt  }
.Lfunc_end0:
.L_simem_size_0:
called_computation.4_lowered:
.L_overlay_start_0:
0x88: {  	s2 =	sld [smem:$0x3FD9]  }
0x89: {  	s3 =	sld [smem:$0x3FFE];
	_ =	sdelay $0x1  }
0x8a: {  	s1 =	srdreg.scid  }
0x8b: {  	s0 =	sand.u32 $0x1, s1  }
0x8c: {  	s17 =	sshll.u32 s0, $0xA;
	s2 =	sadd.s32 s3, s2  }
0x8d: {  	s2 =	sadd.s32 s2, s17  }
0x8e: {  	[smem:$0x3FC4] =	sst s2  }
0x8f: {  	_ = 	snop  }
0x90: {  	s2 =	sld [smem:$0x3FD0];
	(tm) =	ssettm $0x1  }
0x91: {  	s18 =	sld [smem:$0x3FFB];
	_ =	sdelay $0x3  }
0x92: {  	_ =	strace s18  }
0x93: {  	s3 =	sld [smem:$0x3FFC];
	_ =	sdelay $0x3  }
0x94: {  	_ =	strace s3  }
0x95: {  	s3 =	sld [smem:$0x3FFD];
	_ =	sdelay $0x3  }
0x96: {  	_ =	strace s3  }
0x97: {  	_ =	strace $0x8FFFFFFF  }
0x98: {  	s19 =	sld [smem:$0x3FDB];
	_ =	sdelay $0x1  }
0x99: {  	s4 =	simm.s32 $_scs_section_size  }
0x9a: {  	s5 =	simm.s32 $_size__tile_overlayer_lowered;
	s6 =	simm.s32 $_tile_overlayer_lowered  }
0x9b: {  	s22 =	simm.s32 $0x1BFF;
	s21 =	sshll.u32 s6, $0x1;
	s3 =	sadd.s32 s4, s19  }
0x9c: {  	s7 =	simm.s32 $0x0;
	s20 =	sshll.u32 s5, $0x1;
	s5 =	sadd.s32 s21, s3  }
0x9d: {  	[timem:s7], [sflag:s22] =	dma.local [hbm:s5], s20  }
0x9e: {  	_ =	swait.ge [sflag:s22], s20  }
0x9f: {  	s4 =	ssub.s32 $0x0, s20;
	[sflag:s22] =	ssyncset.done $0x0  }
0xa0: {  	[sflag:s22] =	ssyncadd.s32 s4;
	_ =	sdelay $0x1  }
0xa1: {  	s23 =	simm.s32 $0x1B8B  }
0xa2: {  	_ =	swait.ge [sflag:s23], $0x1  }
0xa3: {  	[sflag:s23] =	ssyncset.done $0x0  }
0xa4: {  	s25 =	simm.s32 $0x1B8E;
	s24 =	sld [smem:$0x3FFE];
	[sflag:s23] =	ssyncadd.s32 $0xFFFFFFFF  }
0xa5: {  	s26 =	simm.s32 $execute0_lowered;
	[smem:$0x3FD2] =	sst s25  }
0xa6: {  	s5 =	sshll.u32 s26, $0x1;
	_ =	strace $0x80000052;
	[dreg:$0x1] =	wrdreg $0xFFFFFFFF  }
0xa7: {  	s28 =	simm.s32 $_size_execute0_lowered;
	s3 =	sadd.s32 s3, s5;
	[dreg:$0x0] =	wrdreg $0x0  }
0xa8: {  	s5 =	sshll.u32 s28, $0x1;
	[dreg:$0x2] =	wrdreg s3  }
0xa9: {  	[dreg:$0x3] =	wrdreg s5  }
0xaa: {  	[dreg:$0x4] =	wrdreg $0xC0  }
0xab: {  	_ =	task [dreg:s7], $0x5FFFF  }
0xac: {  	[dreg:$0x1] =	wrdreg $0xFFFFFFFF  }
0xad: {  	[dreg:$0x0] =	wrdreg $0x60  }
0xae: {  	[dreg:$0x2] =	wrdreg s2  }
0xaf: {  	[dreg:$0x3] =	wrdreg s24  }
0xb0: {  	[dreg:$0x4] =	wrdreg $0xA8000  }
0xb1: {  	[dreg:$0x5] =	wrdreg $0x9  }
0xb2: {  	_ =	task.clear_ibuf [dreg:s7], $0x6FFFF;
	_ =	strace $0x90000052  }
0xb3: {  	s29 =	simm.s32 $0x9;
	_ =	strace $0x80000054  }
0xb4: {  	_ =	swait.ge [sflag:s29], $0x1  }
0xb5: {  	[sflag:s29] =	ssyncadd.s32 $0xFFFFFFFF  }
0xb6: {  	_ =	strace $0x90000054  }
0xb7: {  	_ =	sfence  }
0xb8: {  	s30 =	sld [smem:$0x0];
	_ =	sdelay $0x2  }
0xb9: {  	s31 =	sshll.u32 s1, $0xD;
	s1 =	sshrl.u32 s1, $0x2  }
0xba: {  	s3 =	sand.u32 $0x4000, s31;
	s1 =	sadd.s32 s1, s30  }
0xbb: {  	s0 =	sor.u32 s3, s0;
	s1 =	sshll.u32 s1, $0x11  }
0xbc: {  	s0 =	sor.u32 s1, s0  }
0xbd: {  	s0 =	sadd.s32 $0x8F2B, s0  }
0xbe: {  	[sflag:s0] =	ssyncadd.remote.s32 $0x1  }
0xbf: {  	_ =	sfence.sel $0xFFFF  }
0xc0: {  	[dreg:$0x0] =	wrdreg $0xFFFFFFFF;
	(pc) =	sbr.abs _section_cstart, $3  }
0xc1: {  	[dreg:$0x1] =	wrdreg $0xFFFFFFFF  }
0xc2: {  	_ =	task.clear_ibuf [dreg:s7], $0x2FFFF;
	_ =	strace $0x9FFFFFFF  }
0xc3: {  	(tm) =	ssettm $0x7FFFFFFF  }
tec
execute0_lowered:
.L_overlay_start_1:
0x0: {  	(tag) =	ssettag $0x1  }
0x1: {  	s2 =	rddreg [dreg:$0x0]  }
0x2: {  	s5 =	rddreg [dreg:$0x1]  }
0x3: {  	s3 =	rddreg [dreg:$0x2]  }
0x4: {  	s0 =	rddreg [dreg:$0x3]  }
0x5: {  	s1 =	stileid.u32;
	s4 =	simm.s32 $0x0;
	s7 =	srdreg.scid  }
0x6: {  	s17 =	simm.s32 $0x2800;
	s18 =	simm.s32 $0x6800;
	s19 =	simm.s32 $0x1  }
0x7: {  	s20 =	simm.s32 $0x2;
	s21 =	simm.s32 $0x1380;
	s22 =	simm.s32 $0x2700  }
0x8: {  	s23 =	simm.s32 $0x2780;
	s24 =	simm.s32 $0x0;
	s6 =	smul.u32 $0x14000, s1  }
0x9: {  	[smem:$0x7FF] =	sst s4;
	s7 =	sand.u32 $0x1, s7;
	s10 =	sadd.s32 $0xDA00, s5  }
0xa: {  	s11 =	sadd.s32 $0x3A00, s5;
	s26 =	smul.u32 $0x50000, s1;
	s28 =	sshll.u32 s1, $0x6  }
0xb: {  	_ =	strace $0x80000053;
	s9 =	smul.u32 $0x140000, s7;
	s12 =	sshll.u32 s7, $0x4  }
0xc: {  	s7 =	ssub.s32 $0x2, s7;
	s8 =	sshrl.u32 s6, $0x3;
	s12 =	sor.u32 s1, s12  }
0xd: {  	s13 =	sshrl.u32 s7, $0x1;
	s8 =	sadd.s32 s8, s5;
	s6 =	sadd.s32 s6, s9  }
0xe: {  	s9 =	sshrl.u32 s26, $0x2;
	s14 =	smul.u32 $0x2800, s12;
	s13 =	ssub.s32 s7, s13  }
0xf: {  	s29 =	smul.u32 $0x500, s12;
	s6 =	sshrl.u32 s6, $0x3;
	s16 =	sadd.s32 s9, s3  }
0x10: {  	s12 =	smax.u32 s13, $0x1;
	s15 =	sadd.s32 s6, s5;
	s30 =	sshrl.u32 s14, $0x3  }
0x11: {  	s5 =	sadd.s32 $0x67A00, s8;
	s6 =	sor.u32 $0x1C03, s28;
	s7 =	sadd.s32 s10, s29  }
0x12: {  	s8 =	sadd.s32 s11, s29;
	s13 =	sshrl.u32 s16, $0x3;
	s31 =	sadd.s32 $0x280, s30  }
0x13: {  	s14 =	simm.s32 $0x3;
	s16 =	simm.s32 $0x7D;
	s9 =	sadd.s32 s10, s31  }
0x14: {  	s10 =	sadd.s32 s11, s31;
	s11 =	sadd.s32 $0x8FA00, s15;
	s15 =	simm.s32 $0x1400  }
.LBB2_1:
0x15: {  	[spmem:s13], [sflag:s6] =	dma.local [hbm:s5], $0x2800  }
0x16: {  	_ =	swait.ge [sflag:s14], $0x2800  }
0x17: {  	[sflag:s14] =	ssyncset.done $0x0  }
0x18: {  	[sflag:s14] =	ssyncadd.s32 $0xFFFFD800  }
0x19: {  	[tilespmem:s4], [sflag:$0x3] =	stream.linear.gather [hbm4b:s7+s4], $0x1400, $0x38;
	[tilespmem:$0x1E800] =	vst v63  }
0x1a: {  	_ =	swait.ge [sflag:s14], $0x1400  }
0x1b: {  	[sflag:s14] =	ssyncset.done $0x0  }
0x1c: {  	[sflag:s14] =	ssyncadd.s32 $0xFFFFEC00  }
0x1d: {  	[tilespmem:s15], [sflag:$0x3] =	stream.linear.gather [hbm4b:s8+s4], $0x1400, $0x38;
	[tilespmem:$0x1E800] =	vst v63  }
0x1e: {  	_ =	swait.ge [sflag:s14], $0x1400  }
0x1f: {  	[sflag:s14] =	ssyncset.done $0x0  }
0x20: {  	[sflag:s14] =	ssyncadd.s32 $0xFFFFEC00  }
0x21: {  	[bflag:$0x0] =	sbarrier.arrive $0xFFFF  }
0x22: {  	[tilespmem:s17], [sflag:$0x1] =	stream.indirect.gather [hbm4b:s2+s16], $0x80, s4, s16, $0xb8;
	[tilespmem:$0x1E800] =	vst v63  }
0x23: {  	s25 =	simm.s32 $0x80  }
0x24: {  	[tilespmem:s18], [sflag:$0x2] =	stream.indirect.gather [hbm4b:s2+s16], $0x80, s25, s16, $0xb8;
	[tilespmem:$0x1E800] =	vst v63  }
0x25: {  	_ =	swait.ge [sflag:s19], $0x3E80  }
0x26: {  	[sflag:s19] =	ssyncset.done $0x0  }
0x27: {  	s29 =	simm.s32 $0x1400;
	[sflag:s19] =	ssyncadd.s32 $0xFFFFC180  }
0x28: {  	[spmem:s3] =	stream.indirect.scatter.add.f32 [tilespmem:s17], [sflag:$0x3], $0x80, s29, s16, $0xb8;
	[tilespmem:$0x1E800] =	vst v63  }
0x29: {  	_ =	swait.ge [sflag:s14], $0x3E80  }
0x2a: {  	[sflag:s14] =	ssyncset.done $0x0  }
0x2b: {  	s30 =	simm.s32 $0x100;
	[sflag:s14] =	ssyncadd.s32 $0xFFFFC180  }
0x2c: {  	[tilespmem:s17], [sflag:$0x1] =	stream.indirect.gather [hbm4b:s2+s16], $0x80, s30, s16, $0xb8;
	[tilespmem:$0x1E800] =	vst v63  }
0x2d: {  	_ =	swait.ge [sflag:s20], $0x3E80  }
0x2e: {  	[sflag:s20] =	ssyncset.done $0x0  }
0x2f: {  	s31 =	simm.s32 $0x1480;
	[sflag:s20] =	ssyncadd.s32 $0xFFFFC180  }
0x30: {  	[spmem:s3] =	stream.indirect.scatter.add.f32 [tilespmem:s18], [sflag:$0x3], $0x80, s31, s16, $0xb8;
	[tilespmem:$0x1E800] =	vst v63  }
0x31: {  	_ =	swait.ge [sflag:s14], $0x3E80  }
0x32: {  	s26 =	simm.s32 $0x800;
	s25 =	simm.s32 $0x100;
	[sflag:s14] =	ssyncset.done $0x0  }
.LBB2_2:
0x33: {  	s28 =	sadd.s32 $0x80, s25  }
0x34: {  	[sflag:s14] =	ssyncadd.s32 $0xFFFFC180;
	s29 =	smov.u32 s26;
	s30 =	sadd.s32 $0x400, s26  }
0x35: {  	[tilespmem:s18], [sflag:$0x2] =	stream.indirect.gather [hbm4b:s2+s16], $0x80, s28, s16, $0xb8;
	[tilespmem:$0x1E800] =	vst v63  }
0x36: {  	p0 =	sne.s32 s26, $0x4800;
	_ =	swait.ge [sflag:s19], $0x3E80  }
0x37: {  	[sflag:s19] =	ssyncset.done $0x0  }
0x38: {  	s26 =	sadd.s32 $0x1400, s25;
	[sflag:s19] =	ssyncadd.s32 $0xFFFFC180  }
0x39: {  	[spmem:s3] =	stream.indirect.scatter.add.f32 [tilespmem:s17], [sflag:$0x3], $0x80, s26, s16, $0xb8;
	[tilespmem:$0x1E800] =	vst v63  }
0x3a: {  	_ =	swait.ge [sflag:s14], $0x3E80  }
0x3b: {  	[sflag:s14] =	ssyncset.done $0x0  }
0x3c: {  	s26 =	sadd.s32 $0x100, s25;
	[sflag:s14] =	ssyncadd.s32 $0xFFFFC180  }
0x3d: {  	[tilespmem:s17], [sflag:$0x1] =	stream.indirect.gather [hbm4b:s2+s16], $0x80, s26, s16, $0xb8;
	[tilespmem:$0x1E800] =	vst v63  }
0x3e: {  	_ =	swait.ge [sflag:s20], $0x3E80  }
.Ltmp0:
0x3f: {  	[sflag:s20] =	ssyncset.done $0x0;
	(pc) =	sbr.rel @p0 .LBB2_2-.Ltmp0, $4  }
0x40: {  	s25 =	sadd.s32 $0x1480, s25;
	[sflag:s20] =	ssyncadd.s32 $0xFFFFC180  }
0x41: {  	[spmem:s3] =	stream.indirect.scatter.add.f32 [tilespmem:s18], [sflag:$0x3], $0x80, s25, s16, $0xb8;
	[tilespmem:$0x1E800] =	vst v63  }
0x42: {  	_ =	swait.ge [sflag:s14], $0x3E80  }
0x43: {  	s26 =	smov.u32 s30;
	s25 =	sshra.s32 s29, $0x2;
	[sflag:s14] =	ssyncset.done $0x0  }
0x44: {  	s26 =	sadd.s32 $0x80, s25;
	[sflag:s14] =	ssyncadd.s32 $0xFFFFC180  }
0x45: {  	[tilespmem:s18], [sflag:$0x2] =	stream.indirect.gather [hbm4b:s2+s16], $0x80, s26, s16, $0xb8;
	[tilespmem:$0x1E800] =	vst v63  }
0x46: {  	_ =	swait.ge [sflag:s19], $0x3E80  }
0x47: {  	[sflag:s19] =	ssyncset.done $0x0  }
0x48: {  	s29 =	sadd.s32 $0x1400, s25;
	[sflag:s19] =	ssyncadd.s32 $0xFFFFC180  }
0x49: {  	[spmem:s3] =	stream.indirect.scatter.add.f32 [tilespmem:s17], [sflag:$0x3], $0x80, s29, s16, $0xb8;
	[tilespmem:$0x1E800] =	vst v63  }
0x4a: {  	_ =	swait.ge [sflag:s14], $0x3E80  }
0x4b: {  	[sflag:s14] =	ssyncset.done $0x0  }
0x4c: {  	s30 =	sadd.s32 $0x100, s25;
	[sflag:s14] =	ssyncadd.s32 $0xFFFFC180  }
0x4d: {  	[tilespmem:s17], [sflag:$0x1] =	stream.indirect.gather [hbm4b:s2+s16], $0x80, s30, s16, $0xb8;
	[tilespmem:$0x1E800] =	vst v63  }
0x4e: {  	_ =	swait.ge [sflag:s20], $0x3E80  }
0x4f: {  	[sflag:s20] =	ssyncset.done $0x0  }
0x50: {  	s31 =	sadd.s32 $0x1480, s25;
	[sflag:s20] =	ssyncadd.s32 $0xFFFFC180  }
0x51: {  	[spmem:s3] =	stream.indirect.scatter.add.f32 [tilespmem:s18], [sflag:$0x3], $0x80, s31, s16, $0xb8;
	[tilespmem:$0x1E800] =	vst v63  }
0x52: {  	_ =	swait.ge [sflag:s14], $0x3E80  }
0x53: {  	[sflag:s14] =	ssyncset.done $0x0  }
0x54: {  	[sflag:s14] =	ssyncadd.s32 $0xFFFFC180  }
0x55: {  	[tilespmem:s18], [sflag:$0x2] =	stream.indirect.gather [hbm4b:s2+s16], $0x80, s21, s16, $0xb8;
	[tilespmem:$0x1E800] =	vst v63  }
0x56: {  	_ =	swait.ge [sflag:s19], $0x3E80  }
0x57: {  	[sflag:s19] =	ssyncset.done $0x0  }
0x58: {  	[sflag:s19] =	ssyncadd.s32 $0xFFFFC180  }
0x59: {  	[spmem:s3] =	stream.indirect.scatter.add.f32 [tilespmem:s17], [sflag:$0x3], $0x80, s22, s16, $0xb8;
	[tilespmem:$0x1E800] =	vst v63  }
0x5a: {  	_ =	swait.ge [sflag:s14], $0x3E80  }
0x5b: {  	[sflag:s14] =	ssyncset.done $0x0  }
0x5c: {  	[sflag:s14] =	ssyncadd.s32 $0xFFFFC180  }
0x5d: {  	[tilespmem:s17], [sflag:$0x1] =	stream.indirect.gather [hbm4b:s2+s16], $0x80, s21, s16, $0xb8;
	[tilespmem:$0x1E800] =	vst v63  }
0x5e: {  	_ =	swait.ge [sflag:s20], $0x3E80  }
0x5f: {  	[sflag:s20] =	ssyncset.done $0x0  }
0x60: {  	[sflag:s20] =	ssyncadd.s32 $0xFFFFC180  }
0x61: {  	[spmem:s3] =	stream.indirect.scatter.add.f32 [tilespmem:s18], [sflag:$0x3], $0x80, s23, s16, $0xb8;
	[tilespmem:$0x1E800] =	vst v63  }
0x62: {  	_ =	swait.ge [sflag:s14], $0x3E80  }
0x63: {  	[sflag:s14] =	ssyncset.done $0x0  }
0x64: {  	[sflag:s14] =	ssyncadd.s32 $0xFFFFC180  }
0x65: {  	_ =	swait.ge [sflag:s19], $0x3E80  }
0x66: {  	[sflag:s19] =	ssyncset.done $0x0  }
0x67: {  	s26 =	simm.s32 $0x0;
	[sflag:s19] =	ssyncadd.s32 $0xFFFFC180  }
0x68: {  	[tilespmem:s26], [sflag:$0x3] =	stream.linear.gather [hbm4b:s9+s26], $0x1400, $0x38;
	[tilespmem:$0x1E800] =	vst v63  }
0x69: {  	_ =	swait.ge [sflag:s14], $0x1400  }
0x6a: {  	[sflag:s14] =	ssyncset.done $0x0  }
0x6b: {  	[sflag:s14] =	ssyncadd.s32 $0xFFFFEC00  }
0x6c: {  	[tilespmem:s15], [sflag:$0x3] =	stream.linear.gather [hbm4b:s10+s26], $0x1400, $0x38;
	[tilespmem:$0x1E800] =	vst v63  }
0x6d: {  	_ =	swait.ge [sflag:s14], $0x1400  }
0x6e: {  	[sflag:s14] =	ssyncset.done $0x0  }
0x6f: {  	[sflag:s14] =	ssyncadd.s32 $0xFFFFEC00  }
0x70: {  	[tilespmem:s17], [sflag:$0x1] =	stream.indirect.gather [hbm4b:s2+s16], $0x80, s26, s16, $0xb8;
	[tilespmem:$0x1E800] =	vst v63  }
0x71: {  	s28 =	simm.s32 $0x80  }
0x72: {  	[tilespmem:s18], [sflag:$0x2] =	stream.indirect.gather [hbm4b:s2+s16], $0x80, s28, s16, $0xb8;
	[tilespmem:$0x1E800] =	vst v63  }
0x73: {  	_ =	swait.ge [sflag:s19], $0x3E80  }
0x74: {  	[sflag:s19] =	ssyncset.done $0x0  }
0x75: {  	s29 =	simm.s32 $0x1400;
	[sflag:s19] =	ssyncadd.s32 $0xFFFFC180  }
0x76: {  	[spmem:s3] =	stream.indirect.scatter.add.f32 [tilespmem:s17], [sflag:$0x3], $0x80, s29, s16, $0xb8;
	[tilespmem:$0x1E800] =	vst v63  }
0x77: {  	_ =	swait.ge [sflag:s14], $0x3E80  }
0x78: {  	[sflag:s14] =	ssyncset.done $0x0  }
0x79: {  	s30 =	simm.s32 $0x100;
	[sflag:s14] =	ssyncadd.s32 $0xFFFFC180  }
0x7a: {  	[tilespmem:s17], [sflag:$0x1] =	stream.indirect.gather [hbm4b:s2+s16], $0x80, s30, s16, $0xb8;
	[tilespmem:$0x1E800] =	vst v63  }
0x7b: {  	_ =	swait.ge [sflag:s20], $0x3E80  }
0x7c: {  	[sflag:s20] =	ssyncset.done $0x0  }
0x7d: {  	s31 =	simm.s32 $0x1480;
	[sflag:s20] =	ssyncadd.s32 $0xFFFFC180  }
0x7e: {  	[spmem:s3] =	stream.indirect.scatter.add.f32 [tilespmem:s18], [sflag:$0x3], $0x80, s31, s16, $0xb8;
	[tilespmem:$0x1E800] =	vst v63  }
0x7f: {  	_ =	swait.ge [sflag:s14], $0x3E80  }
0x80: {  	s25 =	simm.s32 $0x100;
	s26 =	simm.s32 $0x800;
	[sflag:s14] =	ssyncset.done $0x0  }
.LBB2_4:
0x81: {  	s28 =	sadd.s32 $0x80, s25  }
0x82: {  	[sflag:s14] =	ssyncadd.s32 $0xFFFFC180;
	s29 =	smov.u32 s26;
	s30 =	sadd.s32 $0x400, s26  }
0x83: {  	[tilespmem:s18], [sflag:$0x2] =	stream.indirect.gather [hbm4b:s2+s16], $0x80, s28, s16, $0xb8;
	[tilespmem:$0x1E800] =	vst v63  }
0x84: {  	p0 =	sne.s32 s26, $0x4800;
	_ =	swait.ge [sflag:s19], $0x3E80  }
0x85: {  	[sflag:s19] =	ssyncset.done $0x0  }
0x86: {  	s26 =	sadd.s32 $0x1400, s25;
	[sflag:s19] =	ssyncadd.s32 $0xFFFFC180  }
0x87: {  	[spmem:s3] =	stream.indirect.scatter.add.f32 [tilespmem:s17], [sflag:$0x3], $0x80, s26, s16, $0xb8;
	[tilespmem:$0x1E800] =	vst v63  }
0x88: {  	_ =	swait.ge [sflag:s14], $0x3E80  }
0x89: {  	[sflag:s14] =	ssyncset.done $0x0  }
0x8a: {  	s26 =	sadd.s32 $0x100, s25;
	[sflag:s14] =	ssyncadd.s32 $0xFFFFC180  }
0x8b: {  	[tilespmem:s17], [sflag:$0x1] =	stream.indirect.gather [hbm4b:s2+s16], $0x80, s26, s16, $0xb8;
	[tilespmem:$0x1E800] =	vst v63  }
0x8c: {  	_ =	swait.ge [sflag:s20], $0x3E80  }
.Ltmp1:
0x8d: {  	[sflag:s20] =	ssyncset.done $0x0;
	(pc) =	sbr.rel @p0 .LBB2_4-.Ltmp1, $4  }
0x8e: {  	s25 =	sadd.s32 $0x1480, s25;
	[sflag:s20] =	ssyncadd.s32 $0xFFFFC180  }
0x8f: {  	[spmem:s3] =	stream.indirect.scatter.add.f32 [tilespmem:s18], [sflag:$0x3], $0x80, s25, s16, $0xb8;
	[tilespmem:$0x1E800] =	vst v63  }
0x90: {  	_ =	swait.ge [sflag:s14], $0x3E80  }
0x91: {  	s26 =	smov.u32 s30;
	s25 =	sshra.s32 s29, $0x2;
	[sflag:s14] =	ssyncset.done $0x0  }
0x92: {  	s26 =	sadd.s32 $0x80, s25;
	[sflag:s14] =	ssyncadd.s32 $0xFFFFC180  }
0x93: {  	[tilespmem:s18], [sflag:$0x2] =	stream.indirect.gather [hbm4b:s2+s16], $0x80, s26, s16, $0xb8;
	[tilespmem:$0x1E800] =	vst v63  }
0x94: {  	_ =	swait.ge [sflag:s19], $0x3E80  }
0x95: {  	[sflag:s19] =	ssyncset.done $0x0  }
0x96: {  	s29 =	sadd.s32 $0x1400, s25;
	[sflag:s19] =	ssyncadd.s32 $0xFFFFC180  }
0x97: {  	[spmem:s3] =	stream.indirect.scatter.add.f32 [tilespmem:s17], [sflag:$0x3], $0x80, s29, s16, $0xb8;
	[tilespmem:$0x1E800] =	vst v63  }
0x98: {  	_ =	swait.ge [sflag:s14], $0x3E80  }
0x99: {  	[sflag:s14] =	ssyncset.done $0x0  }
0x9a: {  	s30 =	sadd.s32 $0x100, s25;
	[sflag:s14] =	ssyncadd.s32 $0xFFFFC180  }
0x9b: {  	[tilespmem:s17], [sflag:$0x1] =	stream.indirect.gather [hbm4b:s2+s16], $0x80, s30, s16, $0xb8;
	[tilespmem:$0x1E800] =	vst v63  }
0x9c: {  	_ =	swait.ge [sflag:s20], $0x3E80  }
0x9d: {  	[sflag:s20] =	ssyncset.done $0x0  }
0x9e: {  	s31 =	sadd.s32 $0x1480, s25;
	[sflag:s20] =	ssyncadd.s32 $0xFFFFC180  }
0x9f: {  	[spmem:s3] =	stream.indirect.scatter.add.f32 [tilespmem:s18], [sflag:$0x3], $0x80, s31, s16, $0xb8;
	[tilespmem:$0x1E800] =	vst v63  }
0xa0: {  	_ =	swait.ge [sflag:s14], $0x3E80  }
0xa1: {  	[sflag:s14] =	ssyncset.done $0x0  }
0xa2: {  	[sflag:s14] =	ssyncadd.s32 $0xFFFFC180  }
0xa3: {  	[tilespmem:s18], [sflag:$0x2] =	stream.indirect.gather [hbm4b:s2+s16], $0x80, s21, s16, $0xb8;
	[tilespmem:$0x1E800] =	vst v63  }
0xa4: {  	_ =	swait.ge [sflag:s19], $0x3E80  }
0xa5: {  	[sflag:s19] =	ssyncset.done $0x0  }
0xa6: {  	[sflag:s19] =	ssyncadd.s32 $0xFFFFC180  }
0xa7: {  	[spmem:s3] =	stream.indirect.scatter.add.f32 [tilespmem:s17], [sflag:$0x3], $0x80, s22, s16, $0xb8;
	[tilespmem:$0x1E800] =	vst v63  }
0xa8: {  	_ =	swait.ge [sflag:s14], $0x3E80  }
0xa9: {  	[sflag:s14] =	ssyncset.done $0x0  }
0xaa: {  	[sflag:s14] =	ssyncadd.s32 $0xFFFFC180  }
0xab: {  	[tilespmem:s17], [sflag:$0x1] =	stream.indirect.gather [hbm4b:s2+s16], $0x80, s21, s16, $0xb8;
	[tilespmem:$0x1E800] =	vst v63  }
0xac: {  	_ =	swait.ge [sflag:s20], $0x3E80  }
0xad: {  	[sflag:s20] =	ssyncset.done $0x0  }
0xae: {  	[sflag:s20] =	ssyncadd.s32 $0xFFFFC180  }
0xaf: {  	[spmem:s3] =	stream.indirect.scatter.add.f32 [tilespmem:s18], [sflag:$0x3], $0x80, s23, s16, $0xb8;
	[tilespmem:$0x1E800] =	vst v63  }
0xb0: {  	_ =	swait.ge [sflag:s14], $0x3E80  }
0xb1: {  	[sflag:s14] =	ssyncset.done $0x0  }
0xb2: {  	[sflag:s14] =	ssyncadd.s32 $0xFFFFC180  }
0xb3: {  	_ =	swait.ge [sflag:s19], $0x3E80  }
0xb4: {  	s24 =	sadd.s32 $0x1, s24;
	[sflag:s19] =	ssyncset.done $0x0  }
0xb5: {  	p0 =	sne.s32 s24, s12;
	[sflag:s19] =	ssyncadd.s32 $0xFFFFC180  }
.Ltmp2:
0xb6: {  	[bflag:$0x0] =	sbarrier.arrive $0xFFFF;
	(pc) =	sbr.rel @p0 .LBB2_1-.Ltmp2, $4  }
0xb7: {  	[hbm:s11], [sflag:s6] =	dma.local [spmem:s13], $0x2800  }
0xb8: {  	_ =	swait.ge [sflag:s14], $0x2800  }
0xb9: {  	[sflag:s14] =	ssyncset.done $0x0  }
0xba: {  	[sflag:s14] =	ssyncadd.s32 $0xFFFFD800  }
0xbb: {  	_ =	sfence.sel $0x180000  }
0xbc: {  	[bflag:$0x0] =	sbarrier.arrive $0xFFFF  }
0xbd: {  	p0 =	sne.s32 s1, $0x0;
	_ =	strace $0x90000053  }
0xbe: {  	s0 =	sadd.s32 @!p0 $0x100000, s0;
	[bflag:$0x2] =	sbarrier.arrive $0xFFFF  }
0xbf: {  	[sflag:s0] =	ssyncadd.tile.s32 @!p0 $0x1;
	_ =	shalt  }
.Lfunc_end2:
_tile_overlayer_lowered:
.L_overlay_start_2:
0xc0: {  	(tag) =	ssettag $0x2  }
0xc1: {  	s0 =	rddreg [dreg:$0x0];
	s2 =	stileid.u32  }
0xc2: {  	s1 =	rddreg [dreg:$0x1];
	p0 =	sne.s32 s2, $0x0  }
0xc3: {  	s3 =	rddreg [dreg:$0x2];
	[bflag:$0x3] =	sbarrier.arrive $0xFFFF;
	s2 =	simm.s32 @!p0 $0x1C03  }
0xc4: {  	[timem:s3], [sflag:s2] =	dma.local @!p0 [hbm:s0], s1  }
0xc5: {  	s0 =	simm.s32 @!p0 $0x3  }
0xc6: {  	_ =	swait.ge @!p0 [sflag:s0], s1  }
0xc7: {  	s1 =	ssub.s32 @!p0 $0x0, s1;
	[sflag:s0] =	ssyncset.done @!p0 $0x0  }
0xc8: {  	[sflag:s0] =	ssyncadd.s32 @!p0 s1  }
0xc9: {  	[bflag:$0x3] =	sbarrier.arrive $0xFFFF  }
0xca: {  	_ =	shalt  }

// kernel: kernel.29.cloned.1.call-start
scs
__scs_entry_jumppad:
0x0: {  	(pc) =	sbr.rel $0x88, $3  }
0x1: {  	(tag) =	ssettag $0x0;
	lr =	simm.s32 $0x1  }
0x2: {  	[smem:$0x3F9D] =	sst lr;
	_ =	strace $0xD0000000  }
0x3: {  	_ = 	snop  }
0x4: {  	_ = 	snop  }
0x5: {  	_ = 	snop  }
0x6: {  	_ = 	snop  }
0x7: {  	_ = 	snop  }
__scs_overlays_trampoline_lowered:
0x8: {  	[smem:$0x3FAC] =	sst s0  }
0x9: {  	[smem:$0x3FAD] =	sst s1  }
0xa: {  	[smem:$0x3FAE] =	sst s2  }
0xb: {  	[smem:$0x3FAF] =	sst s3  }
0xc: {  	[smem:$0x3FB0] =	sst s4  }
0xd: {  	[smem:$0x3FB1] =	sst s5  }
0xe: {  	[smem:$0x3FB2] =	sst s6  }
0xf: {  	[smem:$0x3FB3] =	sst s7  }
0x10: {  	[smem:$0x3FB4] =	sst s8  }
0x11: {  	[smem:$0x3FB5] =	sst s9;
	s0 =	simm.s32 @!p0 $0x0  }
0x12: {  	s1 =	sld [smem:$0x3F9B];
	s0 =	simm.s32 @p0 $0x1  }
0x13: {  	[smem:$0x3FB6] =	sst s0;
	s0 =	simm.s32 @!p1 $0x0  }
0x14: {  	s2 =	sld [smem:$0x3F9A];
	s0 =	simm.s32 @p1 $0x1  }
0x15: {  	[smem:$0x3FB7] =	sst s0;
	s0 =	simm.s32 @!p2 $0x0  }
0x16: {  	s3 =	sld [smem:$0x3FDB];
	s0 =	simm.s32 @p2 $0x1  }
0x17: {  	s4 =	simm.s32 $0x1BF5;
	[smem:$0x3FB9] =	sst s0  }
0x18: {  	s0 =	sld [smem:$0x3F9C];
	_ =	swait.ge [sflag:s4], $0x0  }
0x19: {  	s7 =	sld [smem:$0x3F9D]  }
0x1a: {  	s8 =	sadd.s32 $0xFFFFE003, lr  }
0x1b: {  	s9 =	sadd.s32 $0xFFFFFEF7, lr;
	s5 =	simm.s32 $0xFFFFFFFF;
	p2 =	slt.u32 s8, $0xFFFFF086  }
0x1c: {  	p1 =	slt.u32 s9, $0xF7A;
	s5 =	simm.s32 @!p2 $0x0  }
0x1d: {  	s5 =	simm.s32 @p1 $0x1;
	p0 =	seq.s32 s7, s2  }
0x1e: {  	s7 =	smul.u32 @!p0 $0xF7A, s2;
	p2 =	seq.s32 @!p0 s5, $0x0  }
0x1f: {  	s9 =	smul.u32 $0xF7A, s1;
	s8 =	simm.s32 @!p0 $0x1BF5;
	p2 =	por !p2, p0  }
0x20: {  	[sflag:s8] =	ssyncset.s32 @!p0 $0xFFFFF086;
	s6 =	sadd.s32 @!p0 s3, s7;
	s7 =	simm.s32 @!p0 $0x108  }
0x21: {  	s3 =	sadd.s32 s3, s9;
	s6 =	sadd.s32 @!p0 $0x88, s6;
	s7 =	simm.s32 @p2 $0x1082  }
0x22: {  	[simem:s7], [sflag:s8] =	dma.local @!p0 [hbm:s6], $0xF7A  }
0x23: {  	s9 =	sor.u32 $0xD0000000, s2;
	s6 =	simm.s32 $0x108;
	_ =	swait.ge @!p0 [sflag:s8], $0x0  }
0x24: {  	s3 =	sadd.s32 $0x88, s3;
	s6 =	simm.s32 @!p1 $0x1082;
	[sflag:s4] =	ssyncset.s32 $0xFFFFF086  }
0x25: {  	[simem:s6], [sflag:s4] =	dma.local [hbm:s3], $0xF7A  }
0x26: {  	[smem:$0x3F9D] =	sst s1;
	(tag) =	ssettag s2;
	_ =	strace s9  }
0x27: {  	s1 =	sld [smem:$0x3FAD]  }
0x28: {  	s2 =	sld [smem:$0x3FAE]  }
0x29: {  	s4 =	sld [smem:$0x3FB0]  }
0x2a: {  	p0 =	seq.s32 s5, $0x0;
	s5 =	sld [smem:$0x3FB1]  }
0x2b: {  	s6 =	sld [smem:$0x3FB2]  }
0x2c: {  	s7 =	sld [smem:$0x3FB3]  }
0x2d: {  	s3 =	simm.s32 $0x108;
	s8 =	sld [smem:$0x3FB4]  }
0x2e: {  	s3 =	simm.s32 @!p0 $0x1082;
	s9 =	sld [smem:$0x3FB5]  }
0x2f: {  	lr =	sadd.s32 s0, s3;
	s0 =	sld [smem:$0x3FAC]  }
0x30: {  	s3 =	sld [smem:$0x3FAF]  }
0x31: {  	[smem:$0x3FB8] =	sst s10  }
0x32: {  	s10 =	sld [smem:$0x3FB6];
	_ =	sdelay $0x3  }
0x33: {  	p0 =	seq.s32 s10, $0x1;
	s10 =	sld [smem:$0x3FB8];
	_ =	sdelay $0x3  }
0x34: {  	[smem:$0x3FB8] =	sst s10  }
0x35: {  	s10 =	sld [smem:$0x3FB7];
	_ =	sdelay $0x3  }
0x36: {  	p1 =	seq.s32 s10, $0x1;
	s10 =	sld [smem:$0x3FB8];
	_ =	sdelay $0x3  }
0x37: {  	[smem:$0x3FB8] =	sst s10  }
0x38: {  	s10 =	sld [smem:$0x3FB9]  }
0x39: {  	_ = 	snop;
	(pc) =	sbr.ind lr, $3  }
0x3a: {  	_ = 	snop  }
0x3b: {  	_ = 	snop  }
0x3c: {  	p2 =	seq.s32 s10, $0x1;
	s10 =	sld [smem:$0x3FB8]  }
0x3d: {  	_ =	shalt  }
0x3e: {  	_ =	shalt  }
0x3f: {  	_ =	shalt  }
0x40: {  	_ =	shalt  }
0x41: {  	_ =	shalt  }
0x42: {  	_ =	shalt  }
0x43: {  	_ =	shalt  }
0x44: {  	_ =	shalt  }
0x45: {  	_ =	shalt  }
0x46: {  	_ =	shalt  }
0x47: {  	_ =	shalt  }
0x48: {  	_ =	shalt  }
0x49: {  	_ =	shalt  }
0x4a: {  	_ =	shalt  }
0x4b: {  	_ =	shalt  }
0x4c: {  	_ =	shalt  }
0x4d: {  	_ =	shalt  }
0x4e: {  	_ =	shalt  }
0x4f: {  	_ =	shalt  }
0x50: {  	_ =	shalt  }
0x51: {  	_ =	shalt  }
0x52: {  	_ =	shalt  }
0x53: {  	_ =	shalt  }
0x54: {  	_ =	shalt  }
0x55: {  	_ =	shalt  }
0x56: {  	_ =	shalt  }
0x57: {  	_ =	shalt  }
0x58: {  	_ =	shalt  }
0x59: {  	_ =	shalt  }
0x5a: {  	_ =	shalt  }
0x5b: {  	_ =	shalt  }
0x5c: {  	_ =	shalt  }
0x5d: {  	_ =	shalt  }
0x5e: {  	_ =	shalt  }
0x5f: {  	_ =	shalt  }
0x60: {  	_ =	shalt  }
0x61: {  	_ =	shalt  }
0x62: {  	_ =	shalt  }
0x63: {  	_ =	shalt  }
0x64: {  	_ =	shalt  }
0x65: {  	_ =	shalt  }
0x66: {  	_ =	shalt  }
0x67: {  	_ =	shalt  }
0x68: {  	_ =	shalt  }
0x69: {  	_ =	shalt  }
0x6a: {  	_ =	shalt  }
0x6b: {  	_ =	shalt  }
0x6c: {  	_ =	shalt  }
0x6d: {  	_ =	shalt  }
0x6e: {  	_ =	shalt  }
0x6f: {  	_ =	shalt  }
0x70: {  	_ =	shalt  }
0x71: {  	_ =	shalt  }
0x72: {  	_ =	shalt  }
0x73: {  	_ =	shalt  }
0x74: {  	_ =	shalt  }
0x75: {  	_ =	shalt  }
0x76: {  	_ =	shalt  }
0x77: {  	_ =	shalt  }
0x78: {  	_ =	shalt  }
0x79: {  	_ =	shalt  }
0x7a: {  	_ =	shalt  }
0x7b: {  	_ =	shalt  }
0x7c: {  	_ =	shalt  }
0x7d: {  	_ =	shalt  }
0x7e: {  	_ =	shalt  }
0x7f: {  	_ =	shalt  }
0x80: {  	_ =	shalt  }
0x81: {  	_ =	shalt  }
0x82: {  	_ =	shalt  }
0x83: {  	_ =	shalt  }
0x84: {  	_ =	shalt  }
0x85: {  	_ =	shalt  }
0x86: {  	_ =	shalt  }
0x87: {  	_ =	shalt  }
.Lfunc_end0:
.L_simem_size_0:
called_computation.5_lowered:
.L_overlay_start_0:
0x88: {  	s2 =	sld [smem:$0x3FD9]  }
0x89: {  	s3 =	sld [smem:$0x3FFE];
	_ =	sdelay $0x1  }
0x8a: {  	s1 =	srdreg.scid  }
0x8b: {  	s0 =	sand.u32 $0x1, s1  }
0x8c: {  	s17 =	sshll.u32 s0, $0xA;
	s2 =	sadd.s32 s3, s2  }
0x8d: {  	s2 =	sadd.s32 s2, s17  }
0x8e: {  	[smem:$0x3FC4] =	sst s2  }
0x8f: {  	_ = 	snop  }
0x90: {  	s2 =	sld [smem:$0x3FD0];
	(tm) =	ssettm $0x1  }
0x91: {  	s18 =	sld [smem:$0x3FFB];
	_ =	sdelay $0x3  }
0x92: {  	_ =	strace s18  }
0x93: {  	s3 =	sld [smem:$0x3FFC];
	_ =	sdelay $0x3  }
0x94: {  	_ =	strace s3  }
0x95: {  	s3 =	sld [smem:$0x3FFD];
	_ =	sdelay $0x3  }
0x96: {  	_ =	strace s3  }
0x97: {  	_ =	strace $0x8FFFFFFF  }
0x98: {  	s19 =	sld [smem:$0x3FDB];
	_ =	sdelay $0x1  }
0x99: {  	s4 =	simm.s32 $_scs_section_size  }
0x9a: {  	s5 =	simm.s32 $_size__tile_overlayer_lowered;
	s6 =	simm.s32 $_tile_overlayer_lowered  }
0x9b: {  	s22 =	simm.s32 $0x1BFF;
	s21 =	sshll.u32 s6, $0x1;
	s3 =	sadd.s32 s4, s19  }
0x9c: {  	s7 =	simm.s32 $0x0;
	s20 =	sshll.u32 s5, $0x1;
	s5 =	sadd.s32 s21, s3  }
0x9d: {  	[timem:s7], [sflag:s22] =	dma.local [hbm:s5], s20  }
0x9e: {  	_ =	swait.ge [sflag:s22], s20  }
0x9f: {  	s4 =	ssub.s32 $0x0, s20;
	[sflag:s22] =	ssyncset.done $0x0  }
0xa0: {  	[sflag:s22] =	ssyncadd.s32 s4;
	_ =	sdelay $0x1  }
0xa1: {  	s23 =	simm.s32 $0x1B8B  }
0xa2: {  	_ =	swait.ge [sflag:s23], $0x1  }
0xa3: {  	[sflag:s23] =	ssyncset.done $0x0  }
0xa4: {  	s25 =	simm.s32 $0x1B8E;
	s24 =	sld [smem:$0x3FFE];
	[sflag:s23] =	ssyncadd.s32 $0xFFFFFFFF  }
0xa5: {  	s26 =	simm.s32 $execute0_lowered;
	[smem:$0x3FD2] =	sst s25  }
0xa6: {  	s5 =	sshll.u32 s26, $0x1;
	_ =	strace $0x80000055;
	[dreg:$0x1] =	wrdreg $0xFFFFFFFF  }
0xa7: {  	s28 =	simm.s32 $_size_execute0_lowered;
	s3 =	sadd.s32 s3, s5;
	[dreg:$0x0] =	wrdreg $0x0  }
0xa8: {  	s5 =	sshll.u32 s28, $0x1;
	[dreg:$0x2] =	wrdreg s3  }
0xa9: {  	[dreg:$0x3] =	wrdreg s5  }
0xaa: {  	[dreg:$0x4] =	wrdreg $0xC0  }
0xab: {  	_ =	task [dreg:s7], $0x5FFFF  }
0xac: {  	[dreg:$0x1] =	wrdreg $0xFFFFFFFF  }
0xad: {  	[dreg:$0x0] =	wrdreg $0x60  }
0xae: {  	[dreg:$0x2] =	wrdreg s2  }
0xaf: {  	[dreg:$0x3] =	wrdreg s24  }
0xb0: {  	[dreg:$0x4] =	wrdreg $0xA8000  }
0xb1: {  	[dreg:$0x5] =	wrdreg $0x9  }
0xb2: {  	_ =	task.clear_ibuf [dreg:s7], $0x6FFFF;
	_ =	strace $0x90000055  }
0xb3: {  	s29 =	simm.s32 $0x9;
	_ =	strace $0x80000057  }
0xb4: {  	_ =	swait.ge [sflag:s29], $0x1  }
0xb5: {  	[sflag:s29] =	ssyncadd.s32 $0xFFFFFFFF  }
0xb6: {  	_ =	strace $0x90000057  }
0xb7: {  	_ =	sfence  }
0xb8: {  	s30 =	sld [smem:$0x0];
	_ =	sdelay $0x2  }
0xb9: {  	s31 =	sshll.u32 s1, $0xD;
	s1 =	sshrl.u32 s1, $0x2  }
0xba: {  	s3 =	sand.u32 $0x4000, s31;
	s1 =	sadd.s32 s1, s30  }
0xbb: {  	s0 =	sor.u32 s3, s0;
	s1 =	sshll.u32 s1, $0x11  }
0xbc: {  	s0 =	sor.u32 s1, s0  }
0xbd: {  	s0 =	sadd.s32 $0x8F2B, s0  }
0xbe: {  	[sflag:s0] =	ssyncadd.remote.s32 $0x1  }
0xbf: {  	_ =	sfence.sel $0xFFFF  }
0xc0: {  	[dreg:$0x0] =	wrdreg $0xFFFFFFFF;
	(pc) =	sbr.abs _section_cstart, $3  }
0xc1: {  	[dreg:$0x1] =	wrdreg $0xFFFFFFFF  }
0xc2: {  	_ =	task.clear_ibuf [dreg:s7], $0x2FFFF;
	_ =	strace $0x9FFFFFFF  }
0xc3: {  	(tm) =	ssettm $0x7FFFFFFF  }
tec
execute0_lowered:
.L_overlay_start_1:
0x0: {  	(tag) =	ssettag $0x1  }
0x1: {  	s2 =	rddreg [dreg:$0x0]  }
0x2: {  	s5 =	rddreg [dreg:$0x1]  }
0x3: {  	s3 =	rddreg [dreg:$0x2]  }
0x4: {  	s0 =	rddreg [dreg:$0x3]  }
0x5: {  	s1 =	stileid.u32;
	s4 =	simm.s32 $0x0;
	s7 =	srdreg.scid  }
0x6: {  	s17 =	simm.s32 $0x2800;
	s18 =	simm.s32 $0x6800;
	s19 =	simm.s32 $0x1  }
0x7: {  	s20 =	simm.s32 $0x2;
	s21 =	simm.s32 $0x1380;
	s22 =	simm.s32 $0x2700  }
0x8: {  	s23 =	simm.s32 $0x2780;
	s24 =	simm.s32 $0x0;
	s6 =	smul.u32 $0x14000, s1  }
0x9: {  	[smem:$0x7FF] =	sst s4;
	s7 =	sand.u32 $0x1, s7;
	s10 =	sadd.s32 $0xDA00, s5  }
0xa: {  	s11 =	sadd.s32 $0x3A00, s5;
	s26 =	smul.u32 $0x50000, s1;
	s28 =	sshll.u32 s1, $0x6  }
0xb: {  	_ =	strace $0x80000056;
	s9 =	smul.u32 $0x140000, s7;
	s12 =	sshll.u32 s7, $0x4  }
0xc: {  	s7 =	ssub.s32 $0x2, s7;
	s8 =	sshrl.u32 s6, $0x3;
	s12 =	sor.u32 s1, s12  }
0xd: {  	s13 =	sshrl.u32 s7, $0x1;
	s8 =	sadd.s32 s8, s5;
	s6 =	sadd.s32 s6, s9  }
0xe: {  	s9 =	sshrl.u32 s26, $0x2;
	s14 =	smul.u32 $0x2800, s12;
	s13 =	ssub.s32 s7, s13  }
0xf: {  	s29 =	smul.u32 $0x500, s12;
	s6 =	sshrl.u32 s6, $0x3;
	s16 =	sadd.s32 s9, s3  }
0x10: {  	s12 =	smax.u32 s13, $0x1;
	s15 =	sadd.s32 s6, s5;
	s30 =	sshrl.u32 s14, $0x3  }
0x11: {  	s5 =	sadd.s32 $0x67A00, s8;
	s6 =	sor.u32 $0x1C03, s28;
	s7 =	sadd.s32 s10, s29  }
0x12: {  	s8 =	sadd.s32 s11, s29;
	s13 =	sshrl.u32 s16, $0x3;
	s31 =	sadd.s32 $0x280, s30  }
0x13: {  	s14 =	simm.s32 $0x3;
	s16 =	simm.s32 $0x7D;
	s9 =	sadd.s32 s10, s31  }
0x14: {  	s10 =	sadd.s32 s11, s31;
	s11 =	sadd.s32 $0x8FA00, s15;
	s15 =	simm.s32 $0x1400  }
.LBB2_1:
0x15: {  	[spmem:s13], [sflag:s6] =	dma.local [hbm:s5], $0x2800  }
0x16: {  	_ =	swait.ge [sflag:s14], $0x2800  }
0x17: {  	[sflag:s14] =	ssyncset.done $0x0  }
0x18: {  	[sflag:s14] =	ssyncadd.s32 $0xFFFFD800  }
0x19: {  	[tilespmem:s4], [sflag:$0x3] =	stream.linear.gather [hbm4b:s7+s4], $0x1400, $0x38;
	[tilespmem:$0x1E800] =	vst v63  }
0x1a: {  	_ =	swait.ge [sflag:s14], $0x1400  }
0x1b: {  	[sflag:s14] =	ssyncset.done $0x0  }
0x1c: {  	[sflag:s14] =	ssyncadd.s32 $0xFFFFEC00  }
0x1d: {  	[tilespmem:s15], [sflag:$0x3] =	stream.linear.gather [hbm4b:s8+s4], $0x1400, $0x38;
	[tilespmem:$0x1E800] =	vst v63  }
0x1e: {  	_ =	swait.ge [sflag:s14], $0x1400  }
0x1f: {  	[sflag:s14] =	ssyncset.done $0x0  }
0x20: {  	[sflag:s14] =	ssyncadd.s32 $0xFFFFEC00  }
0x21: {  	[bflag:$0x0] =	sbarrier.arrive $0xFFFF  }
0x22: {  	[tilespmem:s17], [sflag:$0x1] =	stream.indirect.gather [hbm4b:s2+s16], $0x80, s4, s16, $0xb8;
	[tilespmem:$0x1E800] =	vst v63  }
0x23: {  	s25 =	simm.s32 $0x80  }
0x24: {  	[tilespmem:s18], [sflag:$0x2] =	stream.indirect.gather [hbm4b:s2+s16], $0x80, s25, s16, $0xb8;
	[tilespmem:$0x1E800] =	vst v63  }
0x25: {  	_ =	swait.ge [sflag:s19], $0x3E80  }
0x26: {  	[sflag:s19] =	ssyncset.done $0x0  }
0x27: {  	s29 =	simm.s32 $0x1400;
	[sflag:s19] =	ssyncadd.s32 $0xFFFFC180  }
0x28: {  	[spmem:s3] =	stream.indirect.scatter.add.f32 [tilespmem:s17], [sflag:$0x3], $0x80, s29, s16, $0xb8;
	[tilespmem:$0x1E800] =	vst v63  }
0x29: {  	_ =	swait.ge [sflag:s14], $0x3E80  }
0x2a: {  	[sflag:s14] =	ssyncset.done $0x0  }
0x2b: {  	s30 =	simm.s32 $0x100;
	[sflag:s14] =	ssyncadd.s32 $0xFFFFC180  }
0x2c: {  	[tilespmem:s17], [sflag:$0x1] =	stream.indirect.gather [hbm4b:s2+s16], $0x80, s30, s16, $0xb8;
	[tilespmem:$0x1E800] =	vst v63  }
0x2d: {  	_ =	swait.ge [sflag:s20], $0x3E80  }
0x2e: {  	[sflag:s20] =	ssyncset.done $0x0  }
0x2f: {  	s31 =	simm.s32 $0x1480;
	[sflag:s20] =	ssyncadd.s32 $0xFFFFC180  }
0x30: {  	[spmem:s3] =	stream.indirect.scatter.add.f32 [tilespmem:s18], [sflag:$0x3], $0x80, s31, s16, $0xb8;
	[tilespmem:$0x1E800] =	vst v63  }
0x31: {  	_ =	swait.ge [sflag:s14], $0x3E80  }
0x32: {  	s26 =	simm.s32 $0x800;
	s25 =	simm.s32 $0x100;
	[sflag:s14] =	ssyncset.done $0x0  }
.LBB2_2:
0x33: {  	s28 =	sadd.s32 $0x80, s25  }
0x34: {  	[sflag:s14] =	ssyncadd.s32 $0xFFFFC180;
	s29 =	smov.u32 s26;
	s30 =	sadd.s32 $0x400, s26  }
0x35: {  	[tilespmem:s18], [sflag:$0x2] =	stream.indirect.gather [hbm4b:s2+s16], $0x80, s28, s16, $0xb8;
	[tilespmem:$0x1E800] =	vst v63  }
0x36: {  	p0 =	sne.s32 s26, $0x4800;
	_ =	swait.ge [sflag:s19], $0x3E80  }
0x37: {  	[sflag:s19] =	ssyncset.done $0x0  }
0x38: {  	s26 =	sadd.s32 $0x1400, s25;
	[sflag:s19] =	ssyncadd.s32 $0xFFFFC180  }
0x39: {  	[spmem:s3] =	stream.indirect.scatter.add.f32 [tilespmem:s17], [sflag:$0x3], $0x80, s26, s16, $0xb8;
	[tilespmem:$0x1E800] =	vst v63  }
0x3a: {  	_ =	swait.ge [sflag:s14], $0x3E80  }
0x3b: {  	[sflag:s14] =	ssyncset.done $0x0  }
0x3c: {  	s26 =	sadd.s32 $0x100, s25;
	[sflag:s14] =	ssyncadd.s32 $0xFFFFC180  }
0x3d: {  	[tilespmem:s17], [sflag:$0x1] =	stream.indirect.gather [hbm4b:s2+s16], $0x80, s26, s16, $0xb8;
	[tilespmem:$0x1E800] =	vst v63  }
0x3e: {  	_ =	swait.ge [sflag:s20], $0x3E80  }
.Ltmp0:
0x3f: {  	[sflag:s20] =	ssyncset.done $0x0;
	(pc) =	sbr.rel @p0 .LBB2_2-.Ltmp0, $4  }
0x40: {  	s25 =	sadd.s32 $0x1480, s25;
	[sflag:s20] =	ssyncadd.s32 $0xFFFFC180  }
0x41: {  	[spmem:s3] =	stream.indirect.scatter.add.f32 [tilespmem:s18], [sflag:$0x3], $0x80, s25, s16, $0xb8;
	[tilespmem:$0x1E800] =	vst v63  }
0x42: {  	_ =	swait.ge [sflag:s14], $0x3E80  }
0x43: {  	s26 =	smov.u32 s30;
	s25 =	sshra.s32 s29, $0x2;
	[sflag:s14] =	ssyncset.done $0x0  }
0x44: {  	s26 =	sadd.s32 $0x80, s25;
	[sflag:s14] =	ssyncadd.s32 $0xFFFFC180  }
0x45: {  	[tilespmem:s18], [sflag:$0x2] =	stream.indirect.gather [hbm4b:s2+s16], $0x80, s26, s16, $0xb8;
	[tilespmem:$0x1E800] =	vst v63  }
0x46: {  	_ =	swait.ge [sflag:s19], $0x3E80  }
0x47: {  	[sflag:s19] =	ssyncset.done $0x0  }
0x48: {  	s29 =	sadd.s32 $0x1400, s25;
	[sflag:s19] =	ssyncadd.s32 $0xFFFFC180  }
0x49: {  	[spmem:s3] =	stream.indirect.scatter.add.f32 [tilespmem:s17], [sflag:$0x3], $0x80, s29, s16, $0xb8;
	[tilespmem:$0x1E800] =	vst v63  }
0x4a: {  	_ =	swait.ge [sflag:s14], $0x3E80  }
0x4b: {  	[sflag:s14] =	ssyncset.done $0x0  }
0x4c: {  	s30 =	sadd.s32 $0x100, s25;
	[sflag:s14] =	ssyncadd.s32 $0xFFFFC180  }
0x4d: {  	[tilespmem:s17], [sflag:$0x1] =	stream.indirect.gather [hbm4b:s2+s16], $0x80, s30, s16, $0xb8;
	[tilespmem:$0x1E800] =	vst v63  }
0x4e: {  	_ =	swait.ge [sflag:s20], $0x3E80  }
0x4f: {  	[sflag:s20] =	ssyncset.done $0x0  }
0x50: {  	s31 =	sadd.s32 $0x1480, s25;
	[sflag:s20] =	ssyncadd.s32 $0xFFFFC180  }
0x51: {  	[spmem:s3] =	stream.indirect.scatter.add.f32 [tilespmem:s18], [sflag:$0x3], $0x80, s31, s16, $0xb8;
	[tilespmem:$0x1E800] =	vst v63  }
0x52: {  	_ =	swait.ge [sflag:s14], $0x3E80  }
0x53: {  	[sflag:s14] =	ssyncset.done $0x0  }
0x54: {  	[sflag:s14] =	ssyncadd.s32 $0xFFFFC180  }
0x55: {  	[tilespmem:s18], [sflag:$0x2] =	stream.indirect.gather [hbm4b:s2+s16], $0x80, s21, s16, $0xb8;
	[tilespmem:$0x1E800] =	vst v63  }
0x56: {  	_ =	swait.ge [sflag:s19], $0x3E80  }
0x57: {  	[sflag:s19] =	ssyncset.done $0x0  }
0x58: {  	[sflag:s19] =	ssyncadd.s32 $0xFFFFC180  }
0x59: {  	[spmem:s3] =	stream.indirect.scatter.add.f32 [tilespmem:s17], [sflag:$0x3], $0x80, s22, s16, $0xb8;
	[tilespmem:$0x1E800] =	vst v63  }
0x5a: {  	_ =	swait.ge [sflag:s14], $0x3E80  }
0x5b: {  	[sflag:s14] =	ssyncset.done $0x0  }
0x5c: {  	[sflag:s14] =	ssyncadd.s32 $0xFFFFC180  }
0x5d: {  	[tilespmem:s17], [sflag:$0x1] =	stream.indirect.gather [hbm4b:s2+s16], $0x80, s21, s16, $0xb8;
	[tilespmem:$0x1E800] =	vst v63  }
0x5e: {  	_ =	swait.ge [sflag:s20], $0x3E80  }
0x5f: {  	[sflag:s20] =	ssyncset.done $0x0  }
0x60: {  	[sflag:s20] =	ssyncadd.s32 $0xFFFFC180  }
0x61: {  	[spmem:s3] =	stream.indirect.scatter.add.f32 [tilespmem:s18], [sflag:$0x3], $0x80, s23, s16, $0xb8;
	[tilespmem:$0x1E800] =	vst v63  }
0x62: {  	_ =	swait.ge [sflag:s14], $0x3E80  }
0x63: {  	[sflag:s14] =	ssyncset.done $0x0  }
0x64: {  	[sflag:s14] =	ssyncadd.s32 $0xFFFFC180  }
0x65: {  	_ =	swait.ge [sflag:s19], $0x3E80  }
0x66: {  	[sflag:s19] =	ssyncset.done $0x0  }
0x67: {  	s26 =	simm.s32 $0x0;
	[sflag:s19] =	ssyncadd.s32 $0xFFFFC180  }
0x68: {  	[tilespmem:s26], [sflag:$0x3] =	stream.linear.gather [hbm4b:s9+s26], $0x1400, $0x38;
	[tilespmem:$0x1E800] =	vst v63  }
0x69: {  	_ =	swait.ge [sflag:s14], $0x1400  }
0x6a: {  	[sflag:s14] =	ssyncset.done $0x0  }
0x6b: {  	[sflag:s14] =	ssyncadd.s32 $0xFFFFEC00  }
0x6c: {  	[tilespmem:s15], [sflag:$0x3] =	stream.linear.gather [hbm4b:s10+s26], $0x1400, $0x38;
	[tilespmem:$0x1E800] =	vst v63  }
0x6d: {  	_ =	swait.ge [sflag:s14], $0x1400  }
0x6e: {  	[sflag:s14] =	ssyncset.done $0x0  }
0x6f: {  	[sflag:s14] =	ssyncadd.s32 $0xFFFFEC00  }
0x70: {  	[tilespmem:s17], [sflag:$0x1] =	stream.indirect.gather [hbm4b:s2+s16], $0x80, s26, s16, $0xb8;
	[tilespmem:$0x1E800] =	vst v63  }
0x71: {  	s28 =	simm.s32 $0x80  }
0x72: {  	[tilespmem:s18], [sflag:$0x2] =	stream.indirect.gather [hbm4b:s2+s16], $0x80, s28, s16, $0xb8;
	[tilespmem:$0x1E800] =	vst v63  }
0x73: {  	_ =	swait.ge [sflag:s19], $0x3E80  }
0x74: {  	[sflag:s19] =	ssyncset.done $0x0  }
0x75: {  	s29 =	simm.s32 $0x1400;
	[sflag:s19] =	ssyncadd.s32 $0xFFFFC180  }
0x76: {  	[spmem:s3] =	stream.indirect.scatter.add.f32 [tilespmem:s17], [sflag:$0x3], $0x80, s29, s16, $0xb8;
	[tilespmem:$0x1E800] =	vst v63  }
0x77: {  	_ =	swait.ge [sflag:s14], $0x3E80  }
0x78: {  	[sflag:s14] =	ssyncset.done $0x0  }
0x79: {  	s30 =	simm.s32 $0x100;
	[sflag:s14] =	ssyncadd.s32 $0xFFFFC180  }
0x7a: {  	[tilespmem:s17], [sflag:$0x1] =	stream.indirect.gather [hbm4b:s2+s16], $0x80, s30, s16, $0xb8;
	[tilespmem:$0x1E800] =	vst v63  }
0x7b: {  	_ =	swait.ge [sflag:s20], $0x3E80  }
0x7c: {  	[sflag:s20] =	ssyncset.done $0x0  }
0x7d: {  	s31 =	simm.s32 $0x1480;
	[sflag:s20] =	ssyncadd.s32 $0xFFFFC180  }
0x7e: {  	[spmem:s3] =	stream.indirect.scatter.add.f32 [tilespmem:s18], [sflag:$0x3], $0x80, s31, s16, $0xb8;
	[tilespmem:$0x1E800] =	vst v63  }
0x7f: {  	_ =	swait.ge [sflag:s14], $0x3E80  }
0x80: {  	s25 =	simm.s32 $0x100;
	s26 =	simm.s32 $0x800;
	[sflag:s14] =	ssyncset.done $0x0  }
.LBB2_4:
0x81: {  	s28 =	sadd.s32 $0x80, s25  }
0x82: {  	[sflag:s14] =	ssyncadd.s32 $0xFFFFC180;
	s29 =	smov.u32 s26;
	s30 =	sadd.s32 $0x400, s26  }
0x83: {  	[tilespmem:s18], [sflag:$0x2] =	stream.indirect.gather [hbm4b:s2+s16], $0x80, s28, s16, $0xb8;
	[tilespmem:$0x1E800] =	vst v63  }
0x84: {  	p0 =	sne.s32 s26, $0x4800;
	_ =	swait.ge [sflag:s19], $0x3E80  }
0x85: {  	[sflag:s19] =	ssyncset.done $0x0  }
0x86: {  	s26 =	sadd.s32 $0x1400, s25;
	[sflag:s19] =	ssyncadd.s32 $0xFFFFC180  }
0x87: {  	[spmem:s3] =	stream.indirect.scatter.add.f32 [tilespmem:s17], [sflag:$0x3], $0x80, s26, s16, $0xb8;
	[tilespmem:$0x1E800] =	vst v63  }
0x88: {  	_ =	swait.ge [sflag:s14], $0x3E80  }
0x89: {  	[sflag:s14] =	ssyncset.done $0x0  }
0x8a: {  	s26 =	sadd.s32 $0x100, s25;
	[sflag:s14] =	ssyncadd.s32 $0xFFFFC180  }
0x8b: {  	[tilespmem:s17], [sflag:$0x1] =	stream.indirect.gather [hbm4b:s2+s16], $0x80, s26, s16, $0xb8;
	[tilespmem:$0x1E800] =	vst v63  }
0x8c: {  	_ =	swait.ge [sflag:s20], $0x3E80  }
.Ltmp1:
0x8d: {  	[sflag:s20] =	ssyncset.done $0x0;
	(pc) =	sbr.rel @p0 .LBB2_4-.Ltmp1, $4  }
0x8e: {  	s25 =	sadd.s32 $0x1480, s25;
	[sflag:s20] =	ssyncadd.s32 $0xFFFFC180  }
0x8f: {  	[spmem:s3] =	stream.indirect.scatter.add.f32 [tilespmem:s18], [sflag:$0x3], $0x80, s25, s16, $0xb8;
	[tilespmem:$0x1E800] =	vst v63  }
0x90: {  	_ =	swait.ge [sflag:s14], $0x3E80  }
0x91: {  	s26 =	smov.u32 s30;
	s25 =	sshra.s32 s29, $0x2;
	[sflag:s14] =	ssyncset.done $0x0  }
0x92: {  	s26 =	sadd.s32 $0x80, s25;
	[sflag:s14] =	ssyncadd.s32 $0xFFFFC180  }
0x93: {  	[tilespmem:s18], [sflag:$0x2] =	stream.indirect.gather [hbm4b:s2+s16], $0x80, s26, s16, $0xb8;
	[tilespmem:$0x1E800] =	vst v63  }
0x94: {  	_ =	swait.ge [sflag:s19], $0x3E80  }
0x95: {  	[sflag:s19] =	ssyncset.done $0x0  }
0x96: {  	s29 =	sadd.s32 $0x1400, s25;
	[sflag:s19] =	ssyncadd.s32 $0xFFFFC180  }
0x97: {  	[spmem:s3] =	stream.indirect.scatter.add.f32 [tilespmem:s17], [sflag:$0x3], $0x80, s29, s16, $0xb8;
	[tilespmem:$0x1E800] =	vst v63  }
0x98: {  	_ =	swait.ge [sflag:s14], $0x3E80  }
0x99: {  	[sflag:s14] =	ssyncset.done $0x0  }
0x9a: {  	s30 =	sadd.s32 $0x100, s25;
	[sflag:s14] =	ssyncadd.s32 $0xFFFFC180  }
0x9b: {  	[tilespmem:s17], [sflag:$0x1] =	stream.indirect.gather [hbm4b:s2+s16], $0x80, s30, s16, $0xb8;
	[tilespmem:$0x1E800] =	vst v63  }
0x9c: {  	_ =	swait.ge [sflag:s20], $0x3E80  }
0x9d: {  	[sflag:s20] =	ssyncset.done $0x0  }
0x9e: {  	s31 =	sadd.s32 $0x1480, s25;
	[sflag:s20] =	ssyncadd.s32 $0xFFFFC180  }
0x9f: {  	[spmem:s3] =	stream.indirect.scatter.add.f32 [tilespmem:s18], [sflag:$0x3], $0x80, s31, s16, $0xb8;
	[tilespmem:$0x1E800] =	vst v63  }
0xa0: {  	_ =	swait.ge [sflag:s14], $0x3E80  }
0xa1: {  	[sflag:s14] =	ssyncset.done $0x0  }
0xa2: {  	[sflag:s14] =	ssyncadd.s32 $0xFFFFC180  }
0xa3: {  	[tilespmem:s18], [sflag:$0x2] =	stream.indirect.gather [hbm4b:s2+s16], $0x80, s21, s16, $0xb8;
	[tilespmem:$0x1E800] =	vst v63  }
0xa4: {  	_ =	swait.ge [sflag:s19], $0x3E80  }
0xa5: {  	[sflag:s19] =	ssyncset.done $0x0  }
0xa6: {  	[sflag:s19] =	ssyncadd.s32 $0xFFFFC180  }
0xa7: {  	[spmem:s3] =	stream.indirect.scatter.add.f32 [tilespmem:s17], [sflag:$0x3], $0x80, s22, s16, $0xb8;
	[tilespmem:$0x1E800] =	vst v63  }
0xa8: {  	_ =	swait.ge [sflag:s14], $0x3E80  }
0xa9: {  	[sflag:s14] =	ssyncset.done $0x0  }
0xaa: {  	[sflag:s14] =	ssyncadd.s32 $0xFFFFC180  }
0xab: {  	[tilespmem:s17], [sflag:$0x1] =	stream.indirect.gather [hbm4b:s2+s16], $0x80, s21, s16, $0xb8;
	[tilespmem:$0x1E800] =	vst v63  }
0xac: {  	_ =	swait.ge [sflag:s20], $0x3E80  }
0xad: {  	[sflag:s20] =	ssyncset.done $0x0  }
0xae: {  	[sflag:s20] =	ssyncadd.s32 $0xFFFFC180  }
0xaf: {  	[spmem:s3] =	stream.indirect.scatter.add.f32 [tilespmem:s18], [sflag:$0x3], $0x80, s23, s16, $0xb8;
	[tilespmem:$0x1E800] =	vst v63  }
0xb0: {  	_ =	swait.ge [sflag:s14], $0x3E80  }
0xb1: {  	[sflag:s14] =	ssyncset.done $0x0  }
0xb2: {  	[sflag:s14] =	ssyncadd.s32 $0xFFFFC180  }
0xb3: {  	_ =	swait.ge [sflag:s19], $0x3E80  }
0xb4: {  	s24 =	sadd.s32 $0x1, s24;
	[sflag:s19] =	ssyncset.done $0x0  }
0xb5: {  	p0 =	sne.s32 s24, s12;
	[sflag:s19] =	ssyncadd.s32 $0xFFFFC180  }
.Ltmp2:
0xb6: {  	[bflag:$0x0] =	sbarrier.arrive $0xFFFF;
	(pc) =	sbr.rel @p0 .LBB2_1-.Ltmp2, $4  }
0xb7: {  	[hbm:s11], [sflag:s6] =	dma.local [spmem:s13], $0x2800  }
0xb8: {  	_ =	swait.ge [sflag:s14], $0x2800  }
0xb9: {  	[sflag:s14] =	ssyncset.done $0x0  }
0xba: {  	[sflag:s14] =	ssyncadd.s32 $0xFFFFD800  }
0xbb: {  	_ =	sfence.sel $0x180000  }
0xbc: {  	[bflag:$0x0] =	sbarrier.arrive $0xFFFF  }
0xbd: {  	p0 =	sne.s32 s1, $0x0;
	_ =	strace $0x90000056  }
0xbe: {  	s0 =	sadd.s32 @!p0 $0x100000, s0;
	[bflag:$0x2] =	sbarrier.arrive $0xFFFF  }
0xbf: {  	[sflag:s0] =	ssyncadd.tile.s32 @!p0 $0x1;
	_ =	shalt  }
.Lfunc_end2:
_tile_overlayer_lowered:
.L_overlay_start_2:
0xc0: {  	(tag) =	ssettag $0x2  }
0xc1: {  	s0 =	rddreg [dreg:$0x0];
	s2 =	stileid.u32  }
0xc2: {  	s1 =	rddreg [dreg:$0x1];
	p0 =	sne.s32 s2, $0x0  }
0xc3: {  	s3 =	rddreg [dreg:$0x2];
	[bflag:$0x3] =	sbarrier.arrive $0xFFFF;
	s2 =	simm.s32 @!p0 $0x1C03  }
0xc4: {  	[timem:s3], [sflag:s2] =	dma.local @!p0 [hbm:s0], s1  }
0xc5: {  	s0 =	simm.s32 @!p0 $0x3  }
0xc6: {  	_ =	swait.ge @!p0 [sflag:s0], s1  }
0xc7: {  	s1 =	ssub.s32 @!p0 $0x0, s1;
	[sflag:s0] =	ssyncset.done @!p0 $0x0  }
0xc8: {  	[sflag:s0] =	ssyncadd.s32 @!p0 s1  }
0xc9: {  	[bflag:$0x3] =	sbarrier.arrive $0xFFFF  }
0xca: {  	_ =	shalt  }

</sc_bundles>
